<compile_context>
chip_gen: v7x
topology: tpu7x:2x2x1
jax: 0.10.2.dev20260603
libtpu: 0.0.44.dev20260713+nightly
codegen_flags: <defaults>
</compile_context>

<pallas_src>
import functools

import jax
import jax.numpy as jnp
from jax import lax
from jax.experimental import pallas as pl
from jax.experimental.pallas import tpu as pltpu
from jax.experimental.pallas import tpu_sc as plsc

NB = 255
NC, NS, L = 2, 16, 16
NW = NC * NS
ROWS, COLS = 128, 2048
RPW = ROWS // NW
CHUNK = 128
GROUPS = CHUNK // L
NCHUNK = RPW * COLS // CHUNK
CPR = COLS // CHUNK

_mesh = plsc.VectorSubcoreMesh(core_axis_name="c", subcore_axis_name="s")


@functools.partial(
    pl.kernel,
    out_type=jax.ShapeDtypeStruct((ROWS, COLS, NB), jnp.float32),
    mesh=_mesh,
    compiler_params=pltpu.CompilerParams(needs_layout_passes=False),
    scratch_types=[
        pltpu.VMEM((RPW * COLS,), jnp.float32),
        pltpu.VMEM((256,), jnp.float32),
        pltpu.VMEM((2, CHUNK, NB), jnp.float32),
        pltpu.VMEM((2 * GROUPS * 2 * L,), jnp.int32),
        pltpu.SemaphoreType.DMA,
        pltpu.SemaphoreType.DMA,
    ],
)
def _twohot_sc(values_hbm, bins_hbm, zeros_hbm, out_hbm,
               vals_v, bins_v, stage_v, idx_v, sem0, sem1):
    wid = lax.axis_index("s") * NC + lax.axis_index("c")
    row0 = wid * RPW
    pltpu.sync_copy(bins_hbm, bins_v)
    for k in range(RPW):
        pltpu.sync_copy(values_hbm.at[row0 + k, :],
                        vals_v.at[pl.ds(k * COLS, COLS)])
    for b in range(2):
        pltpu.sync_copy(zeros_hbm, stage_v.at[b])

    lane = lax.iota(jnp.int32, L)
    zeros_i = jnp.zeros((L,), jnp.int32)
    zeros_f = jnp.zeros((L,), jnp.float32)
    blo = plsc.load_gather(bins_v, [zeros_i])
    bhi = plsc.load_gather(bins_v, [zeros_i + (NB - 1)])
    sems = (sem0, sem1)

    def chunk_body(it, _):
        for b in range(2):
            i = it * 2 + b
            row = row0 + i // CPR
            col0 = (i % CPR) * CHUNK
            dst = out_hbm.at[row, pl.ds(col0, CHUNK), :]

            @pl.when(it > 0)
            def _():
                pltpu.make_async_copy(stage_v.at[b], dst, sems[b]).wait()
                for g in range(GROUPS):
                    off = (b * GROUPS + g) * 2 * L
                    oli = idx_v[pl.ds(off, L)]
                    ori = idx_v[pl.ds(off + L, L)]
                    rows = lane + (g * L)
                    plsc.store_scatter(stage_v.at[b], [rows, oli], zeros_f)
                    plsc.store_scatter(stage_v.at[b], [rows, ori], zeros_f)

            for g in range(GROUPS):
                v = vals_v[pl.ds(i * CHUNK + g * L, L)]
                vc = jnp.minimum(jnp.maximum(v, blo), bhi)
                pos = zeros_i
                for s in (128, 64, 32, 16, 8, 4, 2, 1):
                    cand = pos + s
                    bj = plsc.load_gather(bins_v, [jnp.minimum(cand, NB) - 1])
                    take = (cand <= NB) & (bj < vc)
                    pos = jnp.where(take, cand, pos)
                li = jnp.clip(pos - 1, 0, NB - 2)
                ri = li + 1
                lv = plsc.load_gather(bins_v, [li])
                rv = plsc.load_gather(bins_v, [ri])
                rw = (vc - lv) / (rv - lv + 1e-08)
                lw = 1.0 - rw
                rows = lane + (g * L)
                plsc.store_scatter(stage_v.at[b], [rows, li], lw)
                plsc.store_scatter(stage_v.at[b], [rows, ri], rw)
                off = (b * GROUPS + g) * 2 * L
                idx_v[pl.ds(off, L)] = li
                idx_v[pl.ds(off + L, L)] = ri
            pltpu.async_copy(stage_v.at[b], dst, sems[b])
        return ()

    lax.fori_loop(0, NCHUNK // 2, chunk_body, ())

    for b in range(2):
        i = NCHUNK - 2 + b
        row = row0 + i // CPR
        col0 = (i % CPR) * CHUNK
        dst = out_hbm.at[row, pl.ds(col0, CHUNK), :]
        pltpu.make_async_copy(stage_v.at[b], dst, sems[b]).wait()


@jax.jit
def _twohot(values, bins):
    zstage = jnp.zeros((CHUNK, NB), jnp.float32)
    bins_pad = jnp.concatenate([bins, bins[-1:]])
    return _twohot_sc(values, bins_pad, zstage)


def kernel(values, bins):
    return _twohot(values, bins)

# --- scband reference (transcript-rebuilt; emitter-appended) ---
"""Pipeline reference for scband-two-hot-encoder-43224550867009 (READ-ONLY COPY).

The authoritative reference and input builder live on the scoring server;
editing this copy changes nothing except your own understanding.
"""

import jax, jax.numpy as jnp
import numpy as np

NUM_BINS = 255
LOW = -20.0
HIGH = 20.0


def symexp(x):
    xc = jnp.clip(x, -80.0, 80.0)
    return jnp.sign(xc) * (jnp.exp(jnp.abs(xc)) - 1.0)


def setup_inputs(seed: int = 0) -> dict:
    key = jax.random.key(seed)
    values = jax.random.normal(key, (128, 2048), dtype=jnp.float32)
    bins = symexp(jnp.linspace(LOW, HIGH, NUM_BINS, dtype=jnp.float32))
    return {"values": values, "bins": bins}


def reference(values, bins):
    num_bins = bins.shape[0]
    values_flat = values.reshape(-1)
    bin_min = bins[0]
    bin_max = bins[-1]
    values_clamped = jnp.clip(values_flat, bin_min, bin_max)
    left_idx = jnp.searchsorted(bins, values_clamped) - 1
    left_idx = jnp.clip(left_idx, 0, num_bins - 2)
    right_idx = left_idx + 1
    left_val = bins[left_idx]
    right_val = bins[right_idx]
    right_weight = (values_clamped - left_val) / (right_val - left_val + 1e-08)
    left_weight = 1.0 - right_weight
    n = values_flat.shape[0]
    rows = jnp.arange(n)
    twohot = jnp.zeros((n, num_bins), dtype=values.dtype)
    # torch scatter_ semantics: overwrite (set), left then right; indices never collide since right_idx = left_idx + 1
    twohot = twohot.at[rows, left_idx].set(left_weight)
    twohot = twohot.at[rows, right_idx].set(right_weight)
    return twohot.reshape(values.shape + (num_bins,))

if __name__ == "__main__":
    import jax
    _d = setup_inputs()
    print(jax.jit(kernel)(*tuple(_d.values())))

</pallas_src>

<mosaic_0001>
#map = affine_map<(d0, d1) -> (0, 0)>
#map1 = affine_map<(d0, d1) -> (0)>
#map2 = affine_map<(d0, d1) -> (0, 0, 0)>
module attributes {stable_mosaic.version = 14 : i64} {
  func.func @_twohot_sc(%arg0: i32, %arg1: i32, %arg2: memref<128x2048xf32, #tpu.memory_space<hbm>>, %arg3: memref<256xf32, #tpu.memory_space<hbm>>, %arg4: memref<128x255xf32, #tpu.memory_space<hbm>>, %arg5: memref<128x2048x255xf32, #tpu.memory_space<hbm>>, %arg6: memref<8192xf32, #tpu.memory_space<vmem>>, %arg7: memref<256xf32, #tpu.memory_space<vmem>>, %arg8: memref<2x128x255xf32, #tpu.memory_space<vmem>>, %arg9: memref<512xi32, #tpu.memory_space<vmem>>, %arg10: memref<!tpu.dma_semaphore, #tpu.memory_space<semaphore_mem>>, %arg11: memref<!tpu.dma_semaphore, #tpu.memory_space<semaphore_mem>>) attributes {dimension_semantics = [#tpu.dimension_semantics<core_parallel>, #tpu.dimension_semantics<subcore_parallel>], iteration_bounds = array<i64: 2, 16>, scalar_prefetch = 0 : i64, scratch_operands = 6 : i64, tpu.core_type = #tpu.core_type<sc_vector_subcore>, window_params = [{transform_indices = #map}, {transform_indices = #map1}, {transform_indices = #map}, {transform_indices = #map2}]} {
    %mul3A = arith.constant 2 : i32
    %mul3A_0 = arith.muli %arg1, %mul3A : i32
    %add3A = arith.addi %mul3A_0, %arg0 : i32
    %mul3A_1 = arith.constant 4 : i32
    %mul3A_2 = arith.muli %add3A, %mul3A_1 : i32
    "tpu.region"() ({
      %run_scoped3A_60 = tpu.sem_alloc : memref<!tpu.dma_semaphore, #tpu.memory_space<semaphore_mem>>
      tpu.enqueue_dma source(%arg3 : memref<256xf32, #tpu.memory_space<hbm>>) target(%arg7 : memref<256xf32, #tpu.memory_space<vmem>>) target_semaphore(%run_scoped3A_60 : memref<!tpu.dma_semaphore, #tpu.memory_space<semaphore_mem>>)
      tpu.wait_dma2 semaphore(%run_scoped3A_60 : memref<!tpu.dma_semaphore, #tpu.memory_space<semaphore_mem>>) src(%arg3 : memref<256xf32, #tpu.memory_space<hbm>>) dst(%arg7 : memref<256xf32, #tpu.memory_space<vmem>>)
      tpu.yield
    }) : () -> ()
    %add3A_3 = arith.constant 0 : i32
    %add3A_4 = arith.addi %mul3A_2, %add3A_3 : i32
    "tpu.region"() ({
      %run_scoped3A_60 = tpu.sem_alloc : memref<!tpu.dma_semaphore, #tpu.memory_space<semaphore_mem>>
      %dma_start3A = arith.constant 0 : i32
      %dma_start3A_61 = tpu.memref_slice %arg6[%dma_start3A] : memref<8192xf32, #tpu.memory_space<vmem>> -> memref<2048xf32, #tpu.memory_space<vmem>>
      %dma_start3A_62 = arith.constant 0 : i32
      %dma_start3A_63 = tpu.memref_slice %arg2[%add3A_4, %dma_start3A_62] : memref<128x2048xf32, #tpu.memory_space<hbm>> -> memref<1x2048xf32, #tpu.memory_space<hbm>>
      %dma_start3A_64 = tpu.memref_squeeze %dma_start3A_63 : memref<1x2048xf32, #tpu.memory_space<hbm>> -> memref<2048xf32, #tpu.memory_space<hbm>>
      %dma_start3A_65 = arith.constant 0 : i32
      %dma_start3A_66 = tpu.memref_slice %arg6[%dma_start3A_65] : memref<8192xf32, #tpu.memory_space<vmem>> -> memref<2048xf32, #tpu.memory_space<vmem>>
      %dma_start3A_67 = arith.constant 0 : i32
      %dma_start3A_68 = tpu.memref_slice %arg2[%add3A_4, %dma_start3A_67] : memref<128x2048xf32, #tpu.memory_space<hbm>> -> memref<1x2048xf32, #tpu.memory_space<hbm>>
      %dma_start3A_69 = tpu.memref_squeeze %dma_start3A_68 : memref<1x2048xf32, #tpu.memory_space<hbm>> -> memref<2048xf32, #tpu.memory_space<hbm>>
      tpu.enqueue_dma source(%dma_start3A_69 : memref<2048xf32, #tpu.memory_space<hbm>>) target(%dma_start3A_66 : memref<2048xf32, #tpu.memory_space<vmem>>) target_semaphore(%run_scoped3A_60 : memref<!tpu.dma_semaphore, #tpu.memory_space<semaphore_mem>>)
      %dma_wait3A_70 = arith.constant 0 : i32
      %dma_wait3A_71 = tpu.memref_slice %arg6[%dma_wait3A_70] : memref<8192xf32, #tpu.memory_space<vmem>> -> memref<2048xf32, #tpu.memory_space<vmem>>
      %dma_wait3A_72 = arith.constant 0 : i32
      %dma_wait3A_73 = tpu.memref_slice %arg2[%add3A_4, %dma_wait3A_72] : memref<128x2048xf32, #tpu.memory_space<hbm>> -> memref<1x2048xf32, #tpu.memory_space<hbm>>
      %dma_wait3A_74 = tpu.memref_squeeze %dma_wait3A_73 : memref<1x2048xf32, #tpu.memory_space<hbm>> -> memref<2048xf32, #tpu.memory_space<hbm>>
      %dma_wait3A_75 = arith.constant 0 : i32
      %dma_wait3A_76 = tpu.memref_slice %arg6[%dma_wait3A_75] : memref<8192xf32, #tpu.memory_space<vmem>> -> memref<2048xf32, #tpu.memory_space<vmem>>
      %dma_wait3A_77 = arith.constant 0 : i32
      %dma_wait3A_78 = tpu.memref_slice %arg2[%add3A_4, %dma_wait3A_77] : memref<128x2048xf32, #tpu.memory_space<hbm>> -> memref<1x2048xf32, #tpu.memory_space<hbm>>
      %dma_wait3A_79 = tpu.memref_squeeze %dma_wait3A_78 : memref<1x2048xf32, #tpu.memory_space<hbm>> -> memref<2048xf32, #tpu.memory_space<hbm>>
      tpu.wait_dma2 semaphore(%run_scoped3A_60 : memref<!tpu.dma_semaphore, #tpu.memory_space<semaphore_mem>>) src(%dma_wait3A_79 : memref<2048xf32, #tpu.memory_space<hbm>>) dst(%dma_wait3A_76 : memref<2048xf32, #tpu.memory_space<vmem>>)
      tpu.yield
    }) : () -> ()
    %add3A_5 = arith.constant 1 : i32
    %add3A_6 = arith.addi %mul3A_2, %add3A_5 : i32
    "tpu.region"() ({
      %run_scoped3A_60 = tpu.sem_alloc : memref<!tpu.dma_semaphore, #tpu.memory_space<semaphore_mem>>
      %dma_start3A = arith.constant 2048 : i32
      %dma_start3A_61 = tpu.memref_slice %arg6[%dma_start3A] : memref<8192xf32, #tpu.memory_space<vmem>> -> memref<2048xf32, #tpu.memory_space<vmem>>
      %dma_start3A_62 = arith.constant 0 : i32
      %dma_start3A_63 = tpu.memref_slice %arg2[%add3A_6, %dma_start3A_62] : memref<128x2048xf32, #tpu.memory_space<hbm>> -> memref<1x2048xf32, #tpu.memory_space<hbm>>
      %dma_start3A_64 = tpu.memref_squeeze %dma_start3A_63 : memref<1x2048xf32, #tpu.memory_space<hbm>> -> memref<2048xf32, #tpu.memory_space<hbm>>
      %dma_start3A_65 = arith.constant 2048 : i32
      %dma_start3A_66 = tpu.memref_slice %arg6[%dma_start3A_65] : memref<8192xf32, #tpu.memory_space<vmem>> -> memref<2048xf32, #tpu.memory_space<vmem>>
      %dma_start3A_67 = arith.constant 0 : i32
      %dma_start3A_68 = tpu.memref_slice %arg2[%add3A_6, %dma_start3A_67] : memref<128x2048xf32, #tpu.memory_space<hbm>> -> memref<1x2048xf32, #tpu.memory_space<hbm>>
      %dma_start3A_69 = tpu.memref_squeeze %dma_start3A_68 : memref<1x2048xf32, #tpu.memory_space<hbm>> -> memref<2048xf32, #tpu.memory_space<hbm>>
      tpu.enqueue_dma source(%dma_start3A_69 : memref<2048xf32, #tpu.memory_space<hbm>>) target(%dma_start3A_66 : memref<2048xf32, #tpu.memory_space<vmem>>) target_semaphore(%run_scoped3A_60 : memref<!tpu.dma_semaphore, #tpu.memory_space<semaphore_mem>>)
      %dma_wait3A_70 = arith.constant 2048 : i32
      %dma_wait3A_71 = tpu.memref_slice %arg6[%dma_wait3A_70] : memref<8192xf32, #tpu.memory_space<vmem>> -> memref<2048xf32, #tpu.memory_space<vmem>>
      %dma_wait3A_72 = arith.constant 0 : i32
      %dma_wait3A_73 = tpu.memref_slice %arg2[%add3A_6, %dma_wait3A_72] : memref<128x2048xf32, #tpu.memory_space<hbm>> -> memref<1x2048xf32, #tpu.memory_space<hbm>>
      %dma_wait3A_74 = tpu.memref_squeeze %dma_wait3A_73 : memref<1x2048xf32, #tpu.memory_space<hbm>> -> memref<2048xf32, #tpu.memory_space<hbm>>
      %dma_wait3A_75 = arith.constant 2048 : i32
      %dma_wait3A_76 = tpu.memref_slice %arg6[%dma_wait3A_75] : memref<8192xf32, #tpu.memory_space<vmem>> -> memref<2048xf32, #tpu.memory_space<vmem>>
      %dma_wait3A_77 = arith.constant 0 : i32
      %dma_wait3A_78 = tpu.memref_slice %arg2[%add3A_6, %dma_wait3A_77] : memref<128x2048xf32, #tpu.memory_space<hbm>> -> memref<1x2048xf32, #tpu.memory_space<hbm>>
      %dma_wait3A_79 = tpu.memref_squeeze %dma_wait3A_78 : memref<1x2048xf32, #tpu.memory_space<hbm>> -> memref<2048xf32, #tpu.memory_space<hbm>>
      tpu.wait_dma2 semaphore(%run_scoped3A_60 : memref<!tpu.dma_semaphore, #tpu.memory_space<semaphore_mem>>) src(%dma_wait3A_79 : memref<2048xf32, #tpu.memory_space<hbm>>) dst(%dma_wait3A_76 : memref<2048xf32, #tpu.memory_space<vmem>>)
      tpu.yield
    }) : () -> ()
    %add3A_7 = arith.constant 2 : i32
    %add3A_8 = arith.addi %mul3A_2, %add3A_7 : i32
    "tpu.region"() ({
      %run_scoped3A_60 = tpu.sem_alloc : memref<!tpu.dma_semaphore, #tpu.memory_space<semaphore_mem>>
      %dma_start3A = arith.constant 4096 : i32
      %dma_start3A_61 = tpu.memref_slice %arg6[%dma_start3A] : memref<8192xf32, #tpu.memory_space<vmem>> -> memref<2048xf32, #tpu.memory_space<vmem>>
      %dma_start3A_62 = arith.constant 0 : i32
      %dma_start3A_63 = tpu.memref_slice %arg2[%add3A_8, %dma_start3A_62] : memref<128x2048xf32, #tpu.memory_space<hbm>> -> memref<1x2048xf32, #tpu.memory_space<hbm>>
      %dma_start3A_64 = tpu.memref_squeeze %dma_start3A_63 : memref<1x2048xf32, #tpu.memory_space<hbm>> -> memref<2048xf32, #tpu.memory_space<hbm>>
      %dma_start3A_65 = arith.constant 4096 : i32
      %dma_start3A_66 = tpu.memref_slice %arg6[%dma_start3A_65] : memref<8192xf32, #tpu.memory_space<vmem>> -> memref<2048xf32, #tpu.memory_space<vmem>>
      %dma_start3A_67 = arith.constant 0 : i32
      %dma_start3A_68 = tpu.memref_slice %arg2[%add3A_8, %dma_start3A_67] : memref<128x2048xf32, #tpu.memory_space<hbm>> -> memref<1x2048xf32, #tpu.memory_space<hbm>>
      %dma_start3A_69 = tpu.memref_squeeze %dma_start3A_68 : memref<1x2048xf32, #tpu.memory_space<hbm>> -> memref<2048xf32, #tpu.memory_space<hbm>>
      tpu.enqueue_dma source(%dma_start3A_69 : memref<2048xf32, #tpu.memory_space<hbm>>) target(%dma_start3A_66 : memref<2048xf32, #tpu.memory_space<vmem>>) target_semaphore(%run_scoped3A_60 : memref<!tpu.dma_semaphore, #tpu.memory_space<semaphore_mem>>)
      %dma_wait3A_70 = arith.constant 4096 : i32
      %dma_wait3A_71 = tpu.memref_slice %arg6[%dma_wait3A_70] : memref<8192xf32, #tpu.memory_space<vmem>> -> memref<2048xf32, #tpu.memory_space<vmem>>
      %dma_wait3A_72 = arith.constant 0 : i32
      %dma_wait3A_73 = tpu.memref_slice %arg2[%add3A_8, %dma_wait3A_72] : memref<128x2048xf32, #tpu.memory_space<hbm>> -> memref<1x2048xf32, #tpu.memory_space<hbm>>
      %dma_wait3A_74 = tpu.memref_squeeze %dma_wait3A_73 : memref<1x2048xf32, #tpu.memory_space<hbm>> -> memref<2048xf32, #tpu.memory_space<hbm>>
      %dma_wait3A_75 = arith.constant 4096 : i32
      %dma_wait3A_76 = tpu.memref_slice %arg6[%dma_wait3A_75] : memref<8192xf32, #tpu.memory_space<vmem>> -> memref<2048xf32, #tpu.memory_space<vmem>>
      %dma_wait3A_77 = arith.constant 0 : i32
      %dma_wait3A_78 = tpu.memref_slice %arg2[%add3A_8, %dma_wait3A_77] : memref<128x2048xf32, #tpu.memory_space<hbm>> -> memref<1x2048xf32, #tpu.memory_space<hbm>>
      %dma_wait3A_79 = tpu.memref_squeeze %dma_wait3A_78 : memref<1x2048xf32, #tpu.memory_space<hbm>> -> memref<2048xf32, #tpu.memory_space<hbm>>
      tpu.wait_dma2 semaphore(%run_scoped3A_60 : memref<!tpu.dma_semaphore, #tpu.memory_space<semaphore_mem>>) src(%dma_wait3A_79 : memref<2048xf32, #tpu.memory_space<hbm>>) dst(%dma_wait3A_76 : memref<2048xf32, #tpu.memory_space<vmem>>)
      tpu.yield
    }) : () -> ()
    %add3A_9 = arith.constant 3 : i32
    %add3A_10 = arith.addi %mul3A_2, %add3A_9 : i32
    "tpu.region"() ({
      %run_scoped3A_60 = tpu.sem_alloc : memref<!tpu.dma_semaphore, #tpu.memory_space<semaphore_mem>>
      %dma_start3A = arith.constant 6144 : i32
      %dma_start3A_61 = tpu.memref_slice %arg6[%dma_start3A] : memref<8192xf32, #tpu.memory_space<vmem>> -> memref<2048xf32, #tpu.memory_space<vmem>>
      %dma_start3A_62 = arith.constant 0 : i32
      %dma_start3A_63 = tpu.memref_slice %arg2[%add3A_10, %dma_start3A_62] : memref<128x2048xf32, #tpu.memory_space<hbm>> -> memref<1x2048xf32, #tpu.memory_space<hbm>>
      %dma_start3A_64 = tpu.memref_squeeze %dma_start3A_63 : memref<1x2048xf32, #tpu.memory_space<hbm>> -> memref<2048xf32, #tpu.memory_space<hbm>>
      %dma_start3A_65 = arith.constant 6144 : i32
      %dma_start3A_66 = tpu.memref_slice %arg6[%dma_start3A_65] : memref<8192xf32, #tpu.memory_space<vmem>> -> memref<2048xf32, #tpu.memory_space<vmem>>
      %dma_start3A_67 = arith.constant 0 : i32
      %dma_start3A_68 = tpu.memref_slice %arg2[%add3A_10, %dma_start3A_67] : memref<128x2048xf32, #tpu.memory_space<hbm>> -> memref<1x2048xf32, #tpu.memory_space<hbm>>
      %dma_start3A_69 = tpu.memref_squeeze %dma_start3A_68 : memref<1x2048xf32, #tpu.memory_space<hbm>> -> memref<2048xf32, #tpu.memory_space<hbm>>
      tpu.enqueue_dma source(%dma_start3A_69 : memref<2048xf32, #tpu.memory_space<hbm>>) target(%dma_start3A_66 : memref<2048xf32, #tpu.memory_space<vmem>>) target_semaphore(%run_scoped3A_60 : memref<!tpu.dma_semaphore, #tpu.memory_space<semaphore_mem>>)
      %dma_wait3A_70 = arith.constant 6144 : i32
      %dma_wait3A_71 = tpu.memref_slice %arg6[%dma_wait3A_70] : memref<8192xf32, #tpu.memory_space<vmem>> -> memref<2048xf32, #tpu.memory_space<vmem>>
      %dma_wait3A_72 = arith.constant 0 : i32
      %dma_wait3A_73 = tpu.memref_slice %arg2[%add3A_10, %dma_wait3A_72] : memref<128x2048xf32, #tpu.memory_space<hbm>> -> memref<1x2048xf32, #tpu.memory_space<hbm>>
      %dma_wait3A_74 = tpu.memref_squeeze %dma_wait3A_73 : memref<1x2048xf32, #tpu.memory_space<hbm>> -> memref<2048xf32, #tpu.memory_space<hbm>>
      %dma_wait3A_75 = arith.constant 6144 : i32
      %dma_wait3A_76 = tpu.memref_slice %arg6[%dma_wait3A_75] : memref<8192xf32, #tpu.memory_space<vmem>> -> memref<2048xf32, #tpu.memory_space<vmem>>
      %dma_wait3A_77 = arith.constant 0 : i32
      %dma_wait3A_78 = tpu.memref_slice %arg2[%add3A_10, %dma_wait3A_77] : memref<128x2048xf32, #tpu.memory_space<hbm>> -> memref<1x2048xf32, #tpu.memory_space<hbm>>
      %dma_wait3A_79 = tpu.memref_squeeze %dma_wait3A_78 : memref<1x2048xf32, #tpu.memory_space<hbm>> -> memref<2048xf32, #tpu.memory_space<hbm>>
      tpu.wait_dma2 semaphore(%run_scoped3A_60 : memref<!tpu.dma_semaphore, #tpu.memory_space<semaphore_mem>>) src(%dma_wait3A_79 : memref<2048xf32, #tpu.memory_space<hbm>>) dst(%dma_wait3A_76 : memref<2048xf32, #tpu.memory_space<vmem>>)
      tpu.yield
    }) : () -> ()
    %run_scoped3A = arith.constant 0 : i32
    "tpu.region"() ({
      %run_scoped3A_60 = tpu.sem_alloc : memref<!tpu.dma_semaphore, #tpu.memory_space<semaphore_mem>>
      %dma_start3A = arith.constant 0 : i32
      %dma_start3A_61 = arith.constant 0 : i32
      %dma_start3A_62 = tpu.memref_slice %arg8[%run_scoped3A, %dma_start3A, %dma_start3A_61] : memref<2x128x255xf32, #tpu.memory_space<vmem>> -> memref<1x128x255xf32, #tpu.memory_space<vmem>>
      %dma_start3A_63 = tpu.memref_squeeze %dma_start3A_62 : memref<1x128x255xf32, #tpu.memory_space<vmem>> -> memref<128x255xf32, #tpu.memory_space<vmem>>
      %dma_start3A_64 = arith.constant 0 : i32
      %dma_start3A_65 = arith.constant 0 : i32
      %dma_start3A_66 = tpu.memref_slice %arg8[%run_scoped3A, %dma_start3A_64, %dma_start3A_65] : memref<2x128x255xf32, #tpu.memory_space<vmem>> -> memref<1x128x255xf32, #tpu.memory_space<vmem>>
      %dma_start3A_67 = tpu.memref_squeeze %dma_start3A_66 : memref<1x128x255xf32, #tpu.memory_space<vmem>> -> memref<128x255xf32, #tpu.memory_space<vmem>>
      tpu.enqueue_dma source(%arg4 : memref<128x255xf32, #tpu.memory_space<hbm>>) target(%dma_start3A_67 : memref<128x255xf32, #tpu.memory_space<vmem>>) target_semaphore(%run_scoped3A_60 : memref<!tpu.dma_semaphore, #tpu.memory_space<semaphore_mem>>)
      %dma_wait3A_68 = arith.constant 0 : i32
      %dma_wait3A_69 = arith.constant 0 : i32
      %dma_wait3A_70 = tpu.memref_slice %arg8[%run_scoped3A, %dma_wait3A_68, %dma_wait3A_69] : memref<2x128x255xf32, #tpu.memory_space<vmem>> -> memref<1x128x255xf32, #tpu.memory_space<vmem>>
      %dma_wait3A_71 = tpu.memref_squeeze %dma_wait3A_70 : memref<1x128x255xf32, #tpu.memory_space<vmem>> -> memref<128x255xf32, #tpu.memory_space<vmem>>
      %dma_wait3A_72 = arith.constant 0 : i32
      %dma_wait3A_73 = arith.constant 0 : i32
      %dma_wait3A_74 = tpu.memref_slice %arg8[%run_scoped3A, %dma_wait3A_72, %dma_wait3A_73] : memref<2x128x255xf32, #tpu.memory_space<vmem>> -> memref<1x128x255xf32, #tpu.memory_space<vmem>>
      %dma_wait3A_75 = tpu.memref_squeeze %dma_wait3A_74 : memref<1x128x255xf32, #tpu.memory_space<vmem>> -> memref<128x255xf32, #tpu.memory_space<vmem>>
      tpu.wait_dma2 semaphore(%run_scoped3A_60 : memref<!tpu.dma_semaphore, #tpu.memory_space<semaphore_mem>>) src(%arg4 : memref<128x255xf32, #tpu.memory_space<hbm>>) dst(%dma_wait3A_75 : memref<128x255xf32, #tpu.memory_space<vmem>>)
      tpu.yield
    }) : () -> ()
    %run_scoped3A_11 = arith.constant 1 : i32
    "tpu.region"() ({
      %run_scoped3A_60 = tpu.sem_alloc : memref<!tpu.dma_semaphore, #tpu.memory_space<semaphore_mem>>
      %dma_start3A = arith.constant 0 : i32
      %dma_start3A_61 = arith.constant 0 : i32
      %dma_start3A_62 = tpu.memref_slice %arg8[%run_scoped3A_11, %dma_start3A, %dma_start3A_61] : memref<2x128x255xf32, #tpu.memory_space<vmem>> -> memref<1x128x255xf32, #tpu.memory_space<vmem>>
      %dma_start3A_63 = tpu.memref_squeeze %dma_start3A_62 : memref<1x128x255xf32, #tpu.memory_space<vmem>> -> memref<128x255xf32, #tpu.memory_space<vmem>>
      %dma_start3A_64 = arith.constant 0 : i32
      %dma_start3A_65 = arith.constant 0 : i32
      %dma_start3A_66 = tpu.memref_slice %arg8[%run_scoped3A_11, %dma_start3A_64, %dma_start3A_65] : memref<2x128x255xf32, #tpu.memory_space<vmem>> -> memref<1x128x255xf32, #tpu.memory_space<vmem>>
      %dma_start3A_67 = tpu.memref_squeeze %dma_start3A_66 : memref<1x128x255xf32, #tpu.memory_space<vmem>> -> memref<128x255xf32, #tpu.memory_space<vmem>>
      tpu.enqueue_dma source(%arg4 : memref<128x255xf32, #tpu.memory_space<hbm>>) target(%dma_start3A_67 : memref<128x255xf32, #tpu.memory_space<vmem>>) target_semaphore(%run_scoped3A_60 : memref<!tpu.dma_semaphore, #tpu.memory_space<semaphore_mem>>)
      %dma_wait3A_68 = arith.constant 0 : i32
      %dma_wait3A_69 = arith.constant 0 : i32
      %dma_wait3A_70 = tpu.memref_slice %arg8[%run_scoped3A_11, %dma_wait3A_68, %dma_wait3A_69] : memref<2x128x255xf32, #tpu.memory_space<vmem>> -> memref<1x128x255xf32, #tpu.memory_space<vmem>>
      %dma_wait3A_71 = tpu.memref_squeeze %dma_wait3A_70 : memref<1x128x255xf32, #tpu.memory_space<vmem>> -> memref<128x255xf32, #tpu.memory_space<vmem>>
      %dma_wait3A_72 = arith.constant 0 : i32
      %dma_wait3A_73 = arith.constant 0 : i32
      %dma_wait3A_74 = tpu.memref_slice %arg8[%run_scoped3A_11, %dma_wait3A_72, %dma_wait3A_73] : memref<2x128x255xf32, #tpu.memory_space<vmem>> -> memref<1x128x255xf32, #tpu.memory_space<vmem>>
      %dma_wait3A_75 = tpu.memref_squeeze %dma_wait3A_74 : memref<1x128x255xf32, #tpu.memory_space<vmem>> -> memref<128x255xf32, #tpu.memory_space<vmem>>
      tpu.wait_dma2 semaphore(%run_scoped3A_60 : memref<!tpu.dma_semaphore, #tpu.memory_space<semaphore_mem>>) src(%arg4 : memref<128x255xf32, #tpu.memory_space<hbm>>) dst(%dma_wait3A_75 : memref<128x255xf32, #tpu.memory_space<vmem>>)
      tpu.yield
    }) : () -> ()
    %iota3A = tpu.iota {dimensions = array<i32: 0>} : vector<16xi32>
    %broadcast_in_dim3A = arith.constant 0 : i32
    %broadcast_in_dim3A_12 = vector.broadcast %broadcast_in_dim3A : i32 to vector<16xi32>
    %broadcast_in_dim3A_13 = arith.constant 0.000000e+00 : f32
    %broadcast_in_dim3A_14 = vector.broadcast %broadcast_in_dim3A_13 : f32 to vector<16xf32>
    %gather3A = tpu.vector_load_idx %arg7[%broadcast_in_dim3A_12] : memref<256xf32, #tpu.memory_space<vmem>>[vector<16xi32>], vector<16xf32>,
    %add3A_15 = arith.constant 254 : i32
    %add3A_16 = vector.broadcast %add3A_15 : i32 to vector<16xi32>
    %add3A_17 = arith.addi %broadcast_in_dim3A_12, %add3A_16 : vector<16xi32>
    %gather3A_18 = tpu.vector_load_idx %arg7[%add3A_17] : memref<256xf32, #tpu.memory_space<vmem>>[vector<16xi32>], vector<16xf32>,
    %scan3A = arith.constant 0 : i32
    %scan3A_19 = arith.constant 32 : i32
    %scan3A_20 = arith.addi %scan3A, %scan3A_19 : i32
    %scan3A_21 = arith.constant 1 : i32
    scf.for %scan3A_60 = %scan3A to %scan3A_20 step %scan3A_21  : i32 {
      %mul3A_61 = arith.constant 2 : i32
      %mul3A_62 = arith.muli %scan3A_60, %mul3A_61 : i32
      %add3A_63 = arith.constant 0 : i32
      %add3A_64 = arith.addi %mul3A_62, %add3A_63 : i32
      %jit3A = arith.constant 16 : i32
      %div3A = arith.divsi %add3A_64, %jit3A : i32
      %sign3A = arith.constant 0 : i32
      %sign3A_65 = arith.cmpi sgt, %add3A_64, %sign3A : i32
      %sign3A_66 = arith.extui %sign3A_65 : i1 to i32
      %sign3A_67 = arith.constant 0 : i32
      %sign3A_68 = arith.cmpi slt, %add3A_64, %sign3A_67 : i32
      %sign3A_69 = arith.extui %sign3A_68 : i1 to i32
      %sign3A_70 = arith.subi %sign3A_66, %sign3A_69 : i32
      %sign3A_71 = arith.constant 0 : i32
      %sign3A_72 = arith.cmpi sgt, %jit3A, %sign3A_71 : i32
      %sign3A_73 = arith.extui %sign3A_72 : i1 to i32
      %sign3A_74 = arith.constant 0 : i32
      %sign3A_75 = arith.cmpi slt, %jit3A, %sign3A_74 : i32
      %sign3A_76 = arith.extui %sign3A_75 : i1 to i32
      %sign3A_77 = arith.subi %sign3A_73, %sign3A_76 : i32
      %ne3A = arith.cmpi ne, %sign3A_70, %sign3A_77 : i32
      %rem3A = arith.remsi %add3A_64, %jit3A : i32
      %ne3A_78 = arith.constant 0 : i32
      %ne3A_79 = arith.cmpi ne, %rem3A, %ne3A_78 : i32
      %and3A = arith.andi %ne3A, %ne3A_79 : i1
      %sub3A = arith.constant 1 : i32
      %sub3A_80 = arith.subi %div3A, %sub3A : i32
      %select_n3A = arith.select %and3A, %sub3A_80, %div3A : i32
      %add3A_81 = arith.addi %mul3A_2, %select_n3A : i32
      %jit3A_82 = arith.constant 16 : i32
      %eq3A = arith.constant 0 : i32
      %eq3A_83 = arith.cmpi eq, %jit3A_82, %eq3A : i32
      %jit3A_84 = arith.constant 1 : i32
      %select_n3A_85 = arith.select %eq3A_83, %jit3A_84, %jit3A_82 : i32
      %rem3A_86 = arith.remsi %add3A_64, %select_n3A_85 : i32
      %ne3A_87 = arith.constant 0 : i32
      %ne3A_88 = arith.cmpi ne, %rem3A_86, %ne3A_87 : i32
      %lt3A = arith.constant 0 : i32
      %lt3A_89 = arith.cmpi slt, %rem3A_86, %lt3A : i32
      %lt3A_90 = arith.constant 0 : i32
      %lt3A_91 = arith.cmpi slt, %select_n3A_85, %lt3A_90 : i32
      %ne3A_92 = arith.xori %lt3A_89, %lt3A_91 : i1
      %and3A_93 = arith.andi %ne3A_92, %ne3A_88 : i1
      %add3A_94 = arith.addi %rem3A_86, %select_n3A_85 : i32
      %select_n3A_95 = arith.select %and3A_93, %add3A_94, %rem3A_86 : i32
      %mul3A_96 = arith.constant 128 : i32
      %mul3A_97 = arith.muli %select_n3A_95, %mul3A_96 : i32
      %gt3A = arith.constant 0 : i32
      %gt3A_98 = arith.cmpi sgt, %scan3A_60, %gt3A : i32
      %convert_element_type3A = arith.extui %gt3A_98 : i1 to i32
      %cond3A = arith.constant 0 : i32
      %cond3A_99 = arith.cmpi ne, %convert_element_type3A, %cond3A : i32
      scf.if %cond3A_99 {
        %dma_wait3A_2991 = arith.constant 0 : i32
        %dma_wait3A_2992 = arith.constant 0 : i32
        %dma_wait3A_2993 = arith.constant 0 : i32
        %dma_wait3A_2994 = tpu.memref_slice %arg8[%dma_wait3A_2991, %dma_wait3A_2992, %dma_wait3A_2993] : memref<2x128x255xf32, #tpu.memory_space<vmem>> -> memref<1x128x255xf32, #tpu.memory_space<vmem>>
        %dma_wait3A_2995 = tpu.memref_squeeze %dma_wait3A_2994 : memref<1x128x255xf32, #tpu.memory_space<vmem>> -> memref<128x255xf32, #tpu.memory_space<vmem>>
        %dma_wait3A_2996 = arith.constant 0 : i32
        %dma_wait3A_2997 = tpu.memref_slice %arg5[%add3A_81, %mul3A_97, %dma_wait3A_2996] : memref<128x2048x255xf32, #tpu.memory_space<hbm>> -> memref<1x128x255xf32, #tpu.memory_space<hbm>>
        %dma_wait3A_2998 = tpu.memref_squeeze %dma_wait3A_2997 : memref<1x128x255xf32, #tpu.memory_space<hbm>> -> memref<128x255xf32, #tpu.memory_space<hbm>>
        %dma_wait3A_2999 = arith.constant 0 : i32
        %dma_wait3A_3000 = tpu.memref_slice %arg5[%add3A_81, %mul3A_97, %dma_wait3A_2999] : memref<128x2048x255xf32, #tpu.memory_space<hbm>> -> memref<1x128x255xf32, #tpu.memory_space<hbm>>
        %dma_wait3A_3001 = tpu.memref_squeeze %dma_wait3A_3000 : memref<1x128x255xf32, #tpu.memory_space<hbm>> -> memref<128x255xf32, #tpu.memory_space<hbm>>
        %dma_wait3A_3002 = arith.constant 0 : i32
        %dma_wait3A_3003 = arith.constant 0 : i32
        %dma_wait3A_3004 = tpu.memref_slice %arg8[%dma_wait3A_2991, %dma_wait3A_3002, %dma_wait3A_3003] : memref<2x128x255xf32, #tpu.memory_space<vmem>> -> memref<1x128x255xf32, #tpu.memory_space<vmem>>
        %dma_wait3A_3005 = tpu.memref_squeeze %dma_wait3A_3004 : memref<1x128x255xf32, #tpu.memory_space<vmem>> -> memref<128x255xf32, #tpu.memory_space<vmem>>
        tpu.wait_dma2 semaphore(%arg10 : memref<!tpu.dma_semaphore, #tpu.memory_space<semaphore_mem>>) src(%dma_wait3A_3005 : memref<128x255xf32, #tpu.memory_space<vmem>>) dst(%dma_wait3A_3001 : memref<128x255xf32, #tpu.memory_space<hbm>>)
        %get3A_3006 = arith.constant 0 : index
        %get3A_3007 = tpu.vector_load %arg9[%get3A_3006] {strides = array<i32>} : memref<512xi32, #tpu.memory_space<vmem>>, vector<16xi32>,
        %get3A_3008 = arith.constant 16 : index
        %get3A_3009 = tpu.vector_load %arg9[%get3A_3008] {strides = array<i32>} : memref<512xi32, #tpu.memory_space<vmem>>, vector<16xi32>,
        %add3A_3010 = arith.constant 0 : i32
        %add3A_3011 = vector.broadcast %add3A_3010 : i32 to vector<16xi32>
        %add3A_3012 = arith.addi %iota3A, %add3A_3011 : vector<16xi32>
        %scatter3A_3013 = arith.constant 0 : i32
        %scatter3A_3014 = arith.constant 0 : i32
        %scatter3A_3015 = arith.constant 0 : i32
        %scatter3A_3016 = tpu.memref_slice %arg8[%scatter3A_3013, %scatter3A_3014, %scatter3A_3015] : memref<2x128x255xf32, #tpu.memory_space<vmem>> -> memref<1x128x255xf32, #tpu.memory_space<vmem>>
        %scatter3A_3017 = tpu.memref_squeeze %scatter3A_3016 : memref<1x128x255xf32, #tpu.memory_space<vmem>> -> memref<128x255xf32, #tpu.memory_space<vmem>>
        tpu.vector_store_idx %scatter3A_3017[%add3A_3012, %get3A_3007], %broadcast_in_dim3A_14 : memref<128x255xf32, #tpu.memory_space<vmem>>[vector<16xi32>, vector<16xi32>], vector<16xf32>,
        %scatter3A_3018 = arith.constant 0 : i32
        %scatter3A_3019 = arith.constant 0 : i32
        %scatter3A_3020 = arith.constant 0 : i32
        %scatter3A_3021 = tpu.memref_slice %arg8[%scatter3A_3018, %scatter3A_3019, %scatter3A_3020] : memref<2x128x255xf32, #tpu.memory_space<vmem>> -> memref<1x128x255xf32, #tpu.memory_space<vmem>>
        %scatter3A_3022 = tpu.memref_squeeze %scatter3A_3021 : memref<1x128x255xf32, #tpu.memory_space<vmem>> -> memref<128x255xf32, #tpu.memory_space<vmem>>
        tpu.vector_store_idx %scatter3A_3022[%add3A_3012, %get3A_3009], %broadcast_in_dim3A_14 : memref<128x255xf32, #tpu.memory_space<vmem>>[vector<16xi32>, vector<16xi32>], vector<16xf32>,
        %get3A_3023 = arith.constant 32 : index
        %get3A_3024 = tpu.vector_load %arg9[%get3A_3023] {strides = array<i32>} : memref<512xi32, #tpu.memory_space<vmem>>, vector<16xi32>,
        %get3A_3025 = arith.constant 48 : index
        %get3A_3026 = tpu.vector_load %arg9[%get3A_3025] {strides = array<i32>} : memref<512xi32, #tpu.memory_space<vmem>>, vector<16xi32>,
        %add3A_3027 = arith.constant 16 : i32
        %add3A_3028 = vector.broadcast %add3A_3027 : i32 to vector<16xi32>
        %add3A_3029 = arith.addi %iota3A, %add3A_3028 : vector<16xi32>
        %scatter3A_3030 = arith.constant 0 : i32
        %scatter3A_3031 = arith.constant 0 : i32
        %scatter3A_3032 = arith.constant 0 : i32
        %scatter3A_3033 = tpu.memref_slice %arg8[%scatter3A_3030, %scatter3A_3031, %scatter3A_3032] : memref<2x128x255xf32, #tpu.memory_space<vmem>> -> memref<1x128x255xf32, #tpu.memory_space<vmem>>
        %scatter3A_3034 = tpu.memref_squeeze %scatter3A_3033 : memref<1x128x255xf32, #tpu.memory_space<vmem>> -> memref<128x255xf32, #tpu.memory_space<vmem>>
        tpu.vector_store_idx %scatter3A_3034[%add3A_3029, %get3A_3024], %broadcast_in_dim3A_14 : memref<128x255xf32, #tpu.memory_space<vmem>>[vector<16xi32>, vector<16xi32>], vector<16xf32>,
        %scatter3A_3035 = arith.constant 0 : i32
        %scatter3A_3036 = arith.constant 0 : i32
        %scatter3A_3037 = arith.constant 0 : i32
        %scatter3A_3038 = tpu.memref_slice %arg8[%scatter3A_3035, %scatter3A_3036, %scatter3A_3037] : memref<2x128x255xf32, #tpu.memory_space<vmem>> -> memref<1x128x255xf32, #tpu.memory_space<vmem>>
        %scatter3A_3039 = tpu.memref_squeeze %scatter3A_3038 : memref<1x128x255xf32, #tpu.memory_space<vmem>> -> memref<128x255xf32, #tpu.memory_space<vmem>>
        tpu.vector_store_idx %scatter3A_3039[%add3A_3029, %get3A_3026], %broadcast_in_dim3A_14 : memref<128x255xf32, #tpu.memory_space<vmem>>[vector<16xi32>, vector<16xi32>], vector<16xf32>,
        %get3A_3040 = arith.constant 64 : index
        %get3A_3041 = tpu.vector_load %arg9[%get3A_3040] {strides = array<i32>} : memref<512xi32, #tpu.memory_space<vmem>>, vector<16xi32>,
        %get3A_3042 = arith.constant 80 : index
        %get3A_3043 = tpu.vector_load %arg9[%get3A_3042] {strides = array<i32>} : memref<512xi32, #tpu.memory_space<vmem>>, vector<16xi32>,
        %add3A_3044 = arith.constant 32 : i32
        %add3A_3045 = vector.broadcast %add3A_3044 : i32 to vector<16xi32>
        %add3A_3046 = arith.addi %iota3A, %add3A_3045 : vector<16xi32>
        %scatter3A_3047 = arith.constant 0 : i32
        %scatter3A_3048 = arith.constant 0 : i32
        %scatter3A_3049 = arith.constant 0 : i32
        %scatter3A_3050 = tpu.memref_slice %arg8[%scatter3A_3047, %scatter3A_3048, %scatter3A_3049] : memref<2x128x255xf32, #tpu.memory_space<vmem>> -> memref<1x128x255xf32, #tpu.memory_space<vmem>>
        %scatter3A_3051 = tpu.memref_squeeze %scatter3A_3050 : memref<1x128x255xf32, #tpu.memory_space<vmem>> -> memref<128x255xf32, #tpu.memory_space<vmem>>
        tpu.vector_store_idx %scatter3A_3051[%add3A_3046, %get3A_3041], %broadcast_in_dim3A_14 : memref<128x255xf32, #tpu.memory_space<vmem>>[vector<16xi32>, vector<16xi32>], vector<16xf32>,
        %scatter3A_3052 = arith.constant 0 : i32
        %scatter3A_3053 = arith.constant 0 : i32
        %scatter3A_3054 = arith.constant 0 : i32
        %scatter3A_3055 = tpu.memref_slice %arg8[%scatter3A_3052, %scatter3A_3053, %scatter3A_3054] : memref<2x128x255xf32, #tpu.memory_space<vmem>> -> memref<1x128x255xf32, #tpu.memory_space<vmem>>
        %scatter3A_3056 = tpu.memref_squeeze %scatter3A_3055 : memref<1x128x255xf32, #tpu.memory_space<vmem>> -> memref<128x255xf32, #tpu.memory_space<vmem>>
        tpu.vector_store_idx %scatter3A_3056[%add3A_3046, %get3A_3043], %broadcast_in_dim3A_14 : memref<128x255xf32, #tpu.memory_space<vmem>>[vector<16xi32>, vector<16xi32>], vector<16xf32>,
        %get3A_3057 = arith.constant 96 : index
        %get3A_3058 = tpu.vector_load %arg9[%get3A_3057] {strides = array<i32>} : memref<512xi32, #tpu.memory_space<vmem>>, vector<16xi32>,
        %get3A_3059 = arith.constant 112 : index
        %get3A_3060 = tpu.vector_load %arg9[%get3A_3059] {strides = array<i32>} : memref<512xi32, #tpu.memory_space<vmem>>, vector<16xi32>,
        %add3A_3061 = arith.constant 48 : i32
        %add3A_3062 = vector.broadcast %add3A_3061 : i32 to vector<16xi32>
        %add3A_3063 = arith.addi %iota3A, %add3A_3062 : vector<16xi32>
        %scatter3A_3064 = arith.constant 0 : i32
        %scatter3A_3065 = arith.constant 0 : i32
        %scatter3A_3066 = arith.constant 0 : i32
        %scatter3A_3067 = tpu.memref_slice %arg8[%scatter3A_3064, %scatter3A_3065, %scatter3A_3066] : memref<2x128x255xf32, #tpu.memory_space<vmem>> -> memref<1x128x255xf32, #tpu.memory_space<vmem>>
        %scatter3A_3068 = tpu.memref_squeeze %scatter3A_3067 : memref<1x128x255xf32, #tpu.memory_space<vmem>> -> memref<128x255xf32, #tpu.memory_space<vmem>>
        tpu.vector_store_idx %scatter3A_3068[%add3A_3063, %get3A_3058], %broadcast_in_dim3A_14 : memref<128x255xf32, #tpu.memory_space<vmem>>[vector<16xi32>, vector<16xi32>], vector<16xf32>,
        %scatter3A_3069 = arith.constant 0 : i32
        %scatter3A_3070 = arith.constant 0 : i32
        %scatter3A_3071 = arith.constant 0 : i32
        %scatter3A_3072 = tpu.memref_slice %arg8[%scatter3A_3069, %scatter3A_3070, %scatter3A_3071] : memref<2x128x255xf32, #tpu.memory_space<vmem>> -> memref<1x128x255xf32, #tpu.memory_space<vmem>>
        %scatter3A_3073 = tpu.memref_squeeze %scatter3A_3072 : memref<1x128x255xf32, #tpu.memory_space<vmem>> -> memref<128x255xf32, #tpu.memory_space<vmem>>
        tpu.vector_store_idx %scatter3A_3073[%add3A_3063, %get3A_3060], %broadcast_in_dim3A_14 : memref<128x255xf32, #tpu.memory_space<vmem>>[vector<16xi32>, vector<16xi32>], vector<16xf32>,
        %get3A_3074 = arith.constant 128 : index
        %get3A_3075 = tpu.vector_load %arg9[%get3A_3074] {strides = array<i32>} : memref<512xi32, #tpu.memory_space<vmem>>, vector<16xi32>,
        %get3A_3076 = arith.constant 144 : index
        %get3A_3077 = tpu.vector_load %arg9[%get3A_3076] {strides = array<i32>} : memref<512xi32, #tpu.memory_space<vmem>>, vector<16xi32>,
        %add3A_3078 = arith.constant 64 : i32
        %add3A_3079 = vector.broadcast %add3A_3078 : i32 to vector<16xi32>
        %add3A_3080 = arith.addi %iota3A, %add3A_3079 : vector<16xi32>
        %scatter3A_3081 = arith.constant 0 : i32
        %scatter3A_3082 = arith.constant 0 : i32
        %scatter3A_3083 = arith.constant 0 : i32
        %scatter3A_3084 = tpu.memref_slice %arg8[%scatter3A_3081, %scatter3A_3082, %scatter3A_3083] : memref<2x128x255xf32, #tpu.memory_space<vmem>> -> memref<1x128x255xf32, #tpu.memory_space<vmem>>
        %scatter3A_3085 = tpu.memref_squeeze %scatter3A_3084 : memref<1x128x255xf32, #tpu.memory_space<vmem>> -> memref<128x255xf32, #tpu.memory_space<vmem>>
        tpu.vector_store_idx %scatter3A_3085[%add3A_3080, %get3A_3075], %broadcast_in_dim3A_14 : memref<128x255xf32, #tpu.memory_space<vmem>>[vector<16xi32>, vector<16xi32>], vector<16xf32>,
        %scatter3A_3086 = arith.constant 0 : i32
        %scatter3A_3087 = arith.constant 0 : i32
        %scatter3A_3088 = arith.constant 0 : i32
        %scatter3A_3089 = tpu.memref_slice %arg8[%scatter3A_3086, %scatter3A_3087, %scatter3A_3088] : memref<2x128x255xf32, #tpu.memory_space<vmem>> -> memref<1x128x255xf32, #tpu.memory_space<vmem>>
        %scatter3A_3090 = tpu.memref_squeeze %scatter3A_3089 : memref<1x128x255xf32, #tpu.memory_space<vmem>> -> memref<128x255xf32, #tpu.memory_space<vmem>>
        tpu.vector_store_idx %scatter3A_3090[%add3A_3080, %get3A_3077], %broadcast_in_dim3A_14 : memref<128x255xf32, #tpu.memory_space<vmem>>[vector<16xi32>, vector<16xi32>], vector<16xf32>,
        %get3A_3091 = arith.constant 160 : index
        %get3A_3092 = tpu.vector_load %arg9[%get3A_3091] {strides = array<i32>} : memref<512xi32, #tpu.memory_space<vmem>>, vector<16xi32>,
        %get3A_3093 = arith.constant 176 : index
        %get3A_3094 = tpu.vector_load %arg9[%get3A_3093] {strides = array<i32>} : memref<512xi32, #tpu.memory_space<vmem>>, vector<16xi32>,
        %add3A_3095 = arith.constant 80 : i32
        %add3A_3096 = vector.broadcast %add3A_3095 : i32 to vector<16xi32>
        %add3A_3097 = arith.addi %iota3A, %add3A_3096 : vector<16xi32>
        %scatter3A_3098 = arith.constant 0 : i32
        %scatter3A_3099 = arith.constant 0 : i32
        %scatter3A_3100 = arith.constant 0 : i32
        %scatter3A_3101 = tpu.memref_slice %arg8[%scatter3A_3098, %scatter3A_3099, %scatter3A_3100] : memref<2x128x255xf32, #tpu.memory_space<vmem>> -> memref<1x128x255xf32, #tpu.memory_space<vmem>>
        %scatter3A_3102 = tpu.memref_squeeze %scatter3A_3101 : memref<1x128x255xf32, #tpu.memory_space<vmem>> -> memref<128x255xf32, #tpu.memory_space<vmem>>
        tpu.vector_store_idx %scatter3A_3102[%add3A_3097, %get3A_3092], %broadcast_in_dim3A_14 : memref<128x255xf32, #tpu.memory_space<vmem>>[vector<16xi32>, vector<16xi32>], vector<16xf32>,
        %scatter3A_3103 = arith.constant 0 : i32
        %scatter3A_3104 = arith.constant 0 : i32
        %scatter3A_3105 = arith.constant 0 : i32
        %scatter3A_3106 = tpu.memref_slice %arg8[%scatter3A_3103, %scatter3A_3104, %scatter3A_3105] : memref<2x128x255xf32, #tpu.memory_space<vmem>> -> memref<1x128x255xf32, #tpu.memory_space<vmem>>
        %scatter3A_3107 = tpu.memref_squeeze %scatter3A_3106 : memref<1x128x255xf32, #tpu.memory_space<vmem>> -> memref<128x255xf32, #tpu.memory_space<vmem>>
        tpu.vector_store_idx %scatter3A_3107[%add3A_3097, %get3A_3094], %broadcast_in_dim3A_14 : memref<128x255xf32, #tpu.memory_space<vmem>>[vector<16xi32>, vector<16xi32>], vector<16xf32>,
        %get3A_3108 = arith.constant 192 : index
        %get3A_3109 = tpu.vector_load %arg9[%get3A_3108] {strides = array<i32>} : memref<512xi32, #tpu.memory_space<vmem>>, vector<16xi32>,
        %get3A_3110 = arith.constant 208 : index
        %get3A_3111 = tpu.vector_load %arg9[%get3A_3110] {strides = array<i32>} : memref<512xi32, #tpu.memory_space<vmem>>, vector<16xi32>,
        %add3A_3112 = arith.constant 96 : i32
        %add3A_3113 = vector.broadcast %add3A_3112 : i32 to vector<16xi32>
        %add3A_3114 = arith.addi %iota3A, %add3A_3113 : vector<16xi32>
        %scatter3A_3115 = arith.constant 0 : i32
        %scatter3A_3116 = arith.constant 0 : i32
        %scatter3A_3117 = arith.constant 0 : i32
        %scatter3A_3118 = tpu.memref_slice %arg8[%scatter3A_3115, %scatter3A_3116, %scatter3A_3117] : memref<2x128x255xf32, #tpu.memory_space<vmem>> -> memref<1x128x255xf32, #tpu.memory_space<vmem>>
        %scatter3A_3119 = tpu.memref_squeeze %scatter3A_3118 : memref<1x128x255xf32, #tpu.memory_space<vmem>> -> memref<128x255xf32, #tpu.memory_space<vmem>>
        tpu.vector_store_idx %scatter3A_3119[%add3A_3114, %get3A_3109], %broadcast_in_dim3A_14 : memref<128x255xf32, #tpu.memory_space<vmem>>[vector<16xi32>, vector<16xi32>], vector<16xf32>,
        %scatter3A_3120 = arith.constant 0 : i32
        %scatter3A_3121 = arith.constant 0 : i32
        %scatter3A_3122 = arith.constant 0 : i32
        %scatter3A_3123 = tpu.memref_slice %arg8[%scatter3A_3120, %scatter3A_3121, %scatter3A_3122] : memref<2x128x255xf32, #tpu.memory_space<vmem>> -> memref<1x128x255xf32, #tpu.memory_space<vmem>>
        %scatter3A_3124 = tpu.memref_squeeze %scatter3A_3123 : memref<1x128x255xf32, #tpu.memory_space<vmem>> -> memref<128x255xf32, #tpu.memory_space<vmem>>
        tpu.vector_store_idx %scatter3A_3124[%add3A_3114, %get3A_3111], %broadcast_in_dim3A_14 : memref<128x255xf32, #tpu.memory_space<vmem>>[vector<16xi32>, vector<16xi32>], vector<16xf32>,
        %get3A_3125 = arith.constant 224 : index
        %get3A_3126 = tpu.vector_load %arg9[%get3A_3125] {strides = array<i32>} : memref<512xi32, #tpu.memory_space<vmem>>, vector<16xi32>,
        %get3A_3127 = arith.constant 240 : index
        %get3A_3128 = tpu.vector_load %arg9[%get3A_3127] {strides = array<i32>} : memref<512xi32, #tpu.memory_space<vmem>>, vector<16xi32>,
        %add3A_3129 = arith.constant 112 : i32
        %add3A_3130 = vector.broadcast %add3A_3129 : i32 to vector<16xi32>
        %add3A_3131 = arith.addi %iota3A, %add3A_3130 : vector<16xi32>
        %scatter3A_3132 = arith.constant 0 : i32
        %scatter3A_3133 = arith.constant 0 : i32
        %scatter3A_3134 = arith.constant 0 : i32
        %scatter3A_3135 = tpu.memref_slice %arg8[%scatter3A_3132, %scatter3A_3133, %scatter3A_3134] : memref<2x128x255xf32, #tpu.memory_space<vmem>> -> memref<1x128x255xf32, #tpu.memory_space<vmem>>
        %scatter3A_3136 = tpu.memref_squeeze %scatter3A_3135 : memref<1x128x255xf32, #tpu.memory_space<vmem>> -> memref<128x255xf32, #tpu.memory_space<vmem>>
        tpu.vector_store_idx %scatter3A_3136[%add3A_3131, %get3A_3126], %broadcast_in_dim3A_14 : memref<128x255xf32, #tpu.memory_space<vmem>>[vector<16xi32>, vector<16xi32>], vector<16xf32>,
        %scatter3A_3137 = arith.constant 0 : i32
        %scatter3A_3138 = arith.constant 0 : i32
        %scatter3A_3139 = arith.constant 0 : i32
        %scatter3A_3140 = tpu.memref_slice %arg8[%scatter3A_3137, %scatter3A_3138, %scatter3A_3139] : memref<2x128x255xf32, #tpu.memory_space<vmem>> -> memref<1x128x255xf32, #tpu.memory_space<vmem>>
        %scatter3A_3141 = tpu.memref_squeeze %scatter3A_3140 : memref<1x128x255xf32, #tpu.memory_space<vmem>> -> memref<128x255xf32, #tpu.memory_space<vmem>>
        tpu.vector_store_idx %scatter3A_3141[%add3A_3131, %get3A_3128], %broadcast_in_dim3A_14 : memref<128x255xf32, #tpu.memory_space<vmem>>[vector<16xi32>, vector<16xi32>], vector<16xf32>,
      } else {
      }
      %mul3A_100 = arith.constant 128 : i32
      %mul3A_101 = arith.muli %add3A_64, %mul3A_100 : i32
      %add3A_102 = arith.constant 0 : i32
      %add3A_103 = arith.addi %mul3A_101, %add3A_102 : i32
      %get3A = arith.index_cast %add3A_103 : i32 to index
      %get3A_104 = tpu.vector_load %arg6[%get3A] {strides = array<i32>} : memref<8192xf32, #tpu.memory_space<vmem>>, vector<16xf32>,
      %max3A = arith.maximumf %get3A_104, %gather3A : vector<16xf32>
      %min3A = arith.minimumf %max3A, %gather3A_18 : vector<16xf32>
      %add3A_105 = arith.constant 128 : i32
      %add3A_106 = vector.broadcast %add3A_105 : i32 to vector<16xi32>
      %add3A_107 = arith.addi %broadcast_in_dim3A_12, %add3A_106 : vector<16xi32>
      %min3A_108 = arith.constant 255 : i32
      %min3A_109 = vector.broadcast %min3A_108 : i32 to vector<16xi32>
      %min3A_110 = arith.minsi %add3A_107, %min3A_109 : vector<16xi32>
      %sub3A_111 = arith.constant 1 : i32
      %sub3A_112 = vector.broadcast %sub3A_111 : i32 to vector<16xi32>
      %sub3A_113 = arith.subi %min3A_110, %sub3A_112 : vector<16xi32>
      %gather3A_114 = tpu.vector_load_idx %arg7[%sub3A_113] : memref<256xf32, #tpu.memory_space<vmem>>[vector<16xi32>], vector<16xf32>,
      %le3A = arith.constant 255 : i32
      %le3A_115 = vector.broadcast %le3A : i32 to vector<16xi32>
      %le3A_116 = arith.cmpi sle, %add3A_107, %le3A_115 : vector<16xi32>
      %lt3A_117 = arith.cmpf olt, %gather3A_114, %min3A : vector<16xf32>
      %and3A_118 = arith.andi %le3A_116, %lt3A_117 : vector<16xi1>
      %select_n3A_119 = arith.select %and3A_118, %add3A_107, %broadcast_in_dim3A_12 : vector<16xi1>, vector<16xi32>
      %add3A_120 = arith.constant 64 : i32
      %add3A_121 = vector.broadcast %add3A_120 : i32 to vector<16xi32>
      %add3A_122 = arith.addi %select_n3A_119, %add3A_121 : vector<16xi32>
      %min3A_123 = arith.constant 255 : i32
      %min3A_124 = vector.broadcast %min3A_123 : i32 to vector<16xi32>
      %min3A_125 = arith.minsi %add3A_122, %min3A_124 : vector<16xi32>
      %sub3A_126 = arith.constant 1 : i32
      %sub3A_127 = vector.broadcast %sub3A_126 : i32 to vector<16xi32>
      %sub3A_128 = arith.subi %min3A_125, %sub3A_127 : vector<16xi32>
      %gather3A_129 = tpu.vector_load_idx %arg7[%sub3A_128] : memref<256xf32, #tpu.memory_space<vmem>>[vector<16xi32>], vector<16xf32>,
      %le3A_130 = arith.constant 255 : i32
      %le3A_131 = vector.broadcast %le3A_130 : i32 to vector<16xi32>
      %le3A_132 = arith.cmpi sle, %add3A_122, %le3A_131 : vector<16xi32>
      %lt3A_133 = arith.cmpf olt, %gather3A_129, %min3A : vector<16xf32>
      %and3A_134 = arith.andi %le3A_132, %lt3A_133 : vector<16xi1>
      %select_n3A_135 = arith.select %and3A_134, %add3A_122, %select_n3A_119 : vector<16xi1>, vector<16xi32>
      %add3A_136 = arith.constant 32 : i32
      %add3A_137 = vector.broadcast %add3A_136 : i32 to vector<16xi32>
      %add3A_138 = arith.addi %select_n3A_135, %add3A_137 : vector<16xi32>
      %min3A_139 = arith.constant 255 : i32
      %min3A_140 = vector.broadcast %min3A_139 : i32 to vector<16xi32>
      %min3A_141 = arith.minsi %add3A_138, %min3A_140 : vector<16xi32>
      %sub3A_142 = arith.constant 1 : i32
      %sub3A_143 = vector.broadcast %sub3A_142 : i32 to vector<16xi32>
      %sub3A_144 = arith.subi %min3A_141, %sub3A_143 : vector<16xi32>
      %gather3A_145 = tpu.vector_load_idx %arg7[%sub3A_144] : memref<256xf32, #tpu.memory_space<vmem>>[vector<16xi32>], vector<16xf32>,
      %le3A_146 = arith.constant 255 : i32
      %le3A_147 = vector.broadcast %le3A_146 : i32 to vector<16xi32>
      %le3A_148 = arith.cmpi sle, %add3A_138, %le3A_147 : vector<16xi32>
      %lt3A_149 = arith.cmpf olt, %gather3A_145, %min3A : vector<16xf32>
      %and3A_150 = arith.andi %le3A_148, %lt3A_149 : vector<16xi1>
      %select_n3A_151 = arith.select %and3A_150, %add3A_138, %select_n3A_135 : vector<16xi1>, vector<16xi32>
      %add3A_152 = arith.constant 16 : i32
      %add3A_153 = vector.broadcast %add3A_152 : i32 to vector<16xi32>
      %add3A_154 = arith.addi %select_n3A_151, %add3A_153 : vector<16xi32>
      %min3A_155 = arith.constant 255 : i32
      %min3A_156 = vector.broadcast %min3A_155 : i32 to vector<16xi32>
      %min3A_157 = arith.minsi %add3A_154, %min3A_156 : vector<16xi32>
      %sub3A_158 = arith.constant 1 : i32
      %sub3A_159 = vector.broadcast %sub3A_158 : i32 to vector<16xi32>
      %sub3A_160 = arith.subi %min3A_157, %sub3A_159 : vector<16xi32>
      %gather3A_161 = tpu.vector_load_idx %arg7[%sub3A_160] : memref<256xf32, #tpu.memory_space<vmem>>[vector<16xi32>], vector<16xf32>,
      %le3A_162 = arith.constant 255 : i32
      %le3A_163 = vector.broadcast %le3A_162 : i32 to vector<16xi32>
      %le3A_164 = arith.cmpi sle, %add3A_154, %le3A_163 : vector<16xi32>
      %lt3A_165 = arith.cmpf olt, %gather3A_161, %min3A : vector<16xf32>
      %and3A_166 = arith.andi %le3A_164, %lt3A_165 : vector<16xi1>
      %select_n3A_167 = arith.select %and3A_166, %add3A_154, %select_n3A_151 : vector<16xi1>, vector<16xi32>
      %add3A_168 = arith.constant 8 : i32
      %add3A_169 = vector.broadcast %add3A_168 : i32 to vector<16xi32>
      %add3A_170 = arith.addi %select_n3A_167, %add3A_169 : vector<16xi32>
      %min3A_171 = arith.constant 255 : i32
      %min3A_172 = vector.broadcast %min3A_171 : i32 to vector<16xi32>
      %min3A_173 = arith.minsi %add3A_170, %min3A_172 : vector<16xi32>
      %sub3A_174 = arith.constant 1 : i32
      %sub3A_175 = vector.broadcast %sub3A_174 : i32 to vector<16xi32>
      %sub3A_176 = arith.subi %min3A_173, %sub3A_175 : vector<16xi32>
      %gather3A_177 = tpu.vector_load_idx %arg7[%sub3A_176] : memref<256xf32, #tpu.memory_space<vmem>>[vector<16xi32>], vector<16xf32>,
      %le3A_178 = arith.constant 255 : i32
      %le3A_179 = vector.broadcast %le3A_178 : i32 to vector<16xi32>
      %le3A_180 = arith.cmpi sle, %add3A_170, %le3A_179 : vector<16xi32>
      %lt3A_181 = arith.cmpf olt, %gather3A_177, %min3A : vector<16xf32>
      %and3A_182 = arith.andi %le3A_180, %lt3A_181 : vector<16xi1>
      %select_n3A_183 = arith.select %and3A_182, %add3A_170, %select_n3A_167 : vector<16xi1>, vector<16xi32>
      %add3A_184 = arith.constant 4 : i32
      %add3A_185 = vector.broadcast %add3A_184 : i32 to vector<16xi32>
      %add3A_186 = arith.addi %select_n3A_183, %add3A_185 : vector<16xi32>
      %min3A_187 = arith.constant 255 : i32
      %min3A_188 = vector.broadcast %min3A_187 : i32 to vector<16xi32>
      %min3A_189 = arith.minsi %add3A_186, %min3A_188 : vector<16xi32>
      %sub3A_190 = arith.constant 1 : i32
      %sub3A_191 = vector.broadcast %sub3A_190 : i32 to vector<16xi32>
      %sub3A_192 = arith.subi %min3A_189, %sub3A_191 : vector<16xi32>
      %gather3A_193 = tpu.vector_load_idx %arg7[%sub3A_192] : memref<256xf32, #tpu.memory_space<vmem>>[vector<16xi32>], vector<16xf32>,
      %le3A_194 = arith.constant 255 : i32
      %le3A_195 = vector.broadcast %le3A_194 : i32 to vector<16xi32>
      %le3A_196 = arith.cmpi sle, %add3A_186, %le3A_195 : vector<16xi32>
      %lt3A_197 = arith.cmpf olt, %gather3A_193, %min3A : vector<16xf32>
      %and3A_198 = arith.andi %le3A_196, %lt3A_197 : vector<16xi1>
      %select_n3A_199 = arith.select %and3A_198, %add3A_186, %select_n3A_183 : vector<16xi1>, vector<16xi32>
      %add3A_200 = arith.constant 2 : i32
      %add3A_201 = vector.broadcast %add3A_200 : i32 to vector<16xi32>
      %add3A_202 = arith.addi %select_n3A_199, %add3A_201 : vector<16xi32>
      %min3A_203 = arith.constant 255 : i32
      %min3A_204 = vector.broadcast %min3A_203 : i32 to vector<16xi32>
      %min3A_205 = arith.minsi %add3A_202, %min3A_204 : vector<16xi32>
      %sub3A_206 = arith.constant 1 : i32
      %sub3A_207 = vector.broadcast %sub3A_206 : i32 to vector<16xi32>
      %sub3A_208 = arith.subi %min3A_205, %sub3A_207 : vector<16xi32>
      %gather3A_209 = tpu.vector_load_idx %arg7[%sub3A_208] : memref<256xf32, #tpu.memory_space<vmem>>[vector<16xi32>], vector<16xf32>,
      %le3A_210 = arith.constant 255 : i32
      %le3A_211 = vector.broadcast %le3A_210 : i32 to vector<16xi32>
      %le3A_212 = arith.cmpi sle, %add3A_202, %le3A_211 : vector<16xi32>
      %lt3A_213 = arith.cmpf olt, %gather3A_209, %min3A : vector<16xf32>
      %and3A_214 = arith.andi %le3A_212, %lt3A_213 : vector<16xi1>
      %select_n3A_215 = arith.select %and3A_214, %add3A_202, %select_n3A_199 : vector<16xi1>, vector<16xi32>
      %add3A_216 = arith.constant 1 : i32
      %add3A_217 = vector.broadcast %add3A_216 : i32 to vector<16xi32>
      %add3A_218 = arith.addi %select_n3A_215, %add3A_217 : vector<16xi32>
      %min3A_219 = arith.constant 255 : i32
      %min3A_220 = vector.broadcast %min3A_219 : i32 to vector<16xi32>
      %min3A_221 = arith.minsi %add3A_218, %min3A_220 : vector<16xi32>
      %sub3A_222 = arith.constant 1 : i32
      %sub3A_223 = vector.broadcast %sub3A_222 : i32 to vector<16xi32>
      %sub3A_224 = arith.subi %min3A_221, %sub3A_223 : vector<16xi32>
      %gather3A_225 = tpu.vector_load_idx %arg7[%sub3A_224] : memref<256xf32, #tpu.memory_space<vmem>>[vector<16xi32>], vector<16xf32>,
      %le3A_226 = arith.constant 255 : i32
      %le3A_227 = vector.broadcast %le3A_226 : i32 to vector<16xi32>
      %le3A_228 = arith.cmpi sle, %add3A_218, %le3A_227 : vector<16xi32>
      %lt3A_229 = arith.cmpf olt, %gather3A_225, %min3A : vector<16xf32>
      %and3A_230 = arith.andi %le3A_228, %lt3A_229 : vector<16xi1>
      %select_n3A_231 = arith.select %and3A_230, %add3A_218, %select_n3A_215 : vector<16xi1>, vector<16xi32>
      %sub3A_232 = arith.constant 1 : i32
      %sub3A_233 = vector.broadcast %sub3A_232 : i32 to vector<16xi32>
      %sub3A_234 = arith.subi %select_n3A_231, %sub3A_233 : vector<16xi32>
      %jit3A_235 = arith.constant 0 : i32
      %jit3A_236 = arith.constant 253 : i32
      %max3A_237 = vector.broadcast %jit3A_235 : i32 to vector<16xi32>
      %max3A_238 = arith.maxsi %max3A_237, %sub3A_234 : vector<16xi32>
      %min3A_239 = vector.broadcast %jit3A_236 : i32 to vector<16xi32>
      %min3A_240 = arith.minsi %min3A_239, %max3A_238 : vector<16xi32>
      %add3A_241 = arith.constant 1 : i32
      %add3A_242 = vector.broadcast %add3A_241 : i32 to vector<16xi32>
      %add3A_243 = arith.addi %min3A_240, %add3A_242 : vector<16xi32>
      %gather3A_244 = tpu.vector_load_idx %arg7[%min3A_240] : memref<256xf32, #tpu.memory_space<vmem>>[vector<16xi32>], vector<16xf32>,
      %gather3A_245 = tpu.vector_load_idx %arg7[%add3A_243] : memref<256xf32, #tpu.memory_space<vmem>>[vector<16xi32>], vector<16xf32>,
      %sub3A_246 = arith.subf %min3A, %gather3A_244 : vector<16xf32>
      %sub3A_247 = arith.subf %gather3A_245, %gather3A_244 : vector<16xf32>
      %add3A_248 = arith.constant 9.99999993E-9 : f32
      %add3A_249 = vector.broadcast %add3A_248 : f32 to vector<16xf32>
      %add3A_250 = arith.addf %sub3A_247, %add3A_249 : vector<16xf32>
      %div3A_251 = arith.divf %sub3A_246, %add3A_250 : vector<16xf32>
      %sub3A_252 = arith.constant 1.000000e+00 : f32
      %sub3A_253 = vector.broadcast %sub3A_252 : f32 to vector<16xf32>
      %sub3A_254 = arith.subf %sub3A_253, %div3A_251 : vector<16xf32>
      %add3A_255 = arith.constant 0 : i32
      %add3A_256 = vector.broadcast %add3A_255 : i32 to vector<16xi32>
      %add3A_257 = arith.addi %iota3A, %add3A_256 : vector<16xi32>
      %scatter3A = arith.constant 0 : i32
      %scatter3A_258 = arith.constant 0 : i32
      %scatter3A_259 = arith.constant 0 : i32
      %scatter3A_260 = tpu.memref_slice %arg8[%scatter3A, %scatter3A_258, %scatter3A_259] : memref<2x128x255xf32, #tpu.memory_space<vmem>> -> memref<1x128x255xf32, #tpu.memory_space<vmem>>
      %scatter3A_261 = tpu.memref_squeeze %scatter3A_260 : memref<1x128x255xf32, #tpu.memory_space<vmem>> -> memref<128x255xf32, #tpu.memory_space<vmem>>
      tpu.vector_store_idx %scatter3A_261[%add3A_257, %min3A_240], %sub3A_254 : memref<128x255xf32, #tpu.memory_space<vmem>>[vector<16xi32>, vector<16xi32>], vector<16xf32>,
      %scatter3A_262 = arith.constant 0 : i32
      %scatter3A_263 = arith.constant 0 : i32
      %scatter3A_264 = arith.constant 0 : i32
      %scatter3A_265 = tpu.memref_slice %arg8[%scatter3A_262, %scatter3A_263, %scatter3A_264] : memref<2x128x255xf32, #tpu.memory_space<vmem>> -> memref<1x128x255xf32, #tpu.memory_space<vmem>>
      %scatter3A_266 = tpu.memref_squeeze %scatter3A_265 : memref<1x128x255xf32, #tpu.memory_space<vmem>> -> memref<128x255xf32, #tpu.memory_space<vmem>>
      tpu.vector_store_idx %scatter3A_266[%add3A_257, %add3A_243], %div3A_251 : memref<128x255xf32, #tpu.memory_space<vmem>>[vector<16xi32>, vector<16xi32>], vector<16xf32>,
      %swap3A = arith.constant 0 : index
      %swap3A_267 = tpu.vector_load %arg9[%swap3A] {strides = array<i32>} : memref<512xi32, #tpu.memory_space<vmem>>, vector<16xi32>,
      tpu.vector_store %arg9[%swap3A], %min3A_240 {strides = array<i32>} : memref<512xi32, #tpu.memory_space<vmem>>, vector<16xi32>,
      %swap3A_268 = arith.constant 16 : index
      %swap3A_269 = tpu.vector_load %arg9[%swap3A_268] {strides = array<i32>} : memref<512xi32, #tpu.memory_space<vmem>>, vector<16xi32>,
      tpu.vector_store %arg9[%swap3A_268], %add3A_243 {strides = array<i32>} : memref<512xi32, #tpu.memory_space<vmem>>, vector<16xi32>,
      %mul3A_270 = arith.constant 128 : i32
      %mul3A_271 = arith.muli %add3A_64, %mul3A_270 : i32
      %add3A_272 = arith.constant 16 : i32
      %add3A_273 = arith.addi %mul3A_271, %add3A_272 : i32
      %get3A_274 = arith.index_cast %add3A_273 : i32 to index
      %get3A_275 = tpu.vector_load %arg6[%get3A_274] {strides = array<i32>} : memref<8192xf32, #tpu.memory_space<vmem>>, vector<16xf32>,
      %max3A_276 = arith.maximumf %get3A_275, %gather3A : vector<16xf32>
      %min3A_277 = arith.minimumf %max3A_276, %gather3A_18 : vector<16xf32>
      %add3A_278 = arith.constant 128 : i32
      %add3A_279 = vector.broadcast %add3A_278 : i32 to vector<16xi32>
      %add3A_280 = arith.addi %broadcast_in_dim3A_12, %add3A_279 : vector<16xi32>
      %min3A_281 = arith.constant 255 : i32
      %min3A_282 = vector.broadcast %min3A_281 : i32 to vector<16xi32>
      %min3A_283 = arith.minsi %add3A_280, %min3A_282 : vector<16xi32>
      %sub3A_284 = arith.constant 1 : i32
      %sub3A_285 = vector.broadcast %sub3A_284 : i32 to vector<16xi32>
      %sub3A_286 = arith.subi %min3A_283, %sub3A_285 : vector<16xi32>
      %gather3A_287 = tpu.vector_load_idx %arg7[%sub3A_286] : memref<256xf32, #tpu.memory_space<vmem>>[vector<16xi32>], vector<16xf32>,
      %le3A_288 = arith.constant 255 : i32
      %le3A_289 = vector.broadcast %le3A_288 : i32 to vector<16xi32>
      %le3A_290 = arith.cmpi sle, %add3A_280, %le3A_289 : vector<16xi32>
      %lt3A_291 = arith.cmpf olt, %gather3A_287, %min3A_277 : vector<16xf32>
      %and3A_292 = arith.andi %le3A_290, %lt3A_291 : vector<16xi1>
      %select_n3A_293 = arith.select %and3A_292, %add3A_280, %broadcast_in_dim3A_12 : vector<16xi1>, vector<16xi32>
      %add3A_294 = arith.constant 64 : i32
      %add3A_295 = vector.broadcast %add3A_294 : i32 to vector<16xi32>
      %add3A_296 = arith.addi %select_n3A_293, %add3A_295 : vector<16xi32>
      %min3A_297 = arith.constant 255 : i32
      %min3A_298 = vector.broadcast %min3A_297 : i32 to vector<16xi32>
      %min3A_299 = arith.minsi %add3A_296, %min3A_298 : vector<16xi32>
      %sub3A_300 = arith.constant 1 : i32
      %sub3A_301 = vector.broadcast %sub3A_300 : i32 to vector<16xi32>
      %sub3A_302 = arith.subi %min3A_299, %sub3A_301 : vector<16xi32>
      %gather3A_303 = tpu.vector_load_idx %arg7[%sub3A_302] : memref<256xf32, #tpu.memory_space<vmem>>[vector<16xi32>], vector<16xf32>,
      %le3A_304 = arith.constant 255 : i32
      %le3A_305 = vector.broadcast %le3A_304 : i32 to vector<16xi32>
      %le3A_306 = arith.cmpi sle, %add3A_296, %le3A_305 : vector<16xi32>
      %lt3A_307 = arith.cmpf olt, %gather3A_303, %min3A_277 : vector<16xf32>
      %and3A_308 = arith.andi %le3A_306, %lt3A_307 : vector<16xi1>
      %select_n3A_309 = arith.select %and3A_308, %add3A_296, %select_n3A_293 : vector<16xi1>, vector<16xi32>
      %add3A_310 = arith.constant 32 : i32
      %add3A_311 = vector.broadcast %add3A_310 : i32 to vector<16xi32>
      %add3A_312 = arith.addi %select_n3A_309, %add3A_311 : vector<16xi32>
      %min3A_313 = arith.constant 255 : i32
      %min3A_314 = vector.broadcast %min3A_313 : i32 to vector<16xi32>
      %min3A_315 = arith.minsi %add3A_312, %min3A_314 : vector<16xi32>
      %sub3A_316 = arith.constant 1 : i32
      %sub3A_317 = vector.broadcast %sub3A_316 : i32 to vector<16xi32>
      %sub3A_318 = arith.subi %min3A_315, %sub3A_317 : vector<16xi32>
      %gather3A_319 = tpu.vector_load_idx %arg7[%sub3A_318] : memref<256xf32, #tpu.memory_space<vmem>>[vector<16xi32>], vector<16xf32>,
      %le3A_320 = arith.constant 255 : i32
      %le3A_321 = vector.broadcast %le3A_320 : i32 to vector<16xi32>
      %le3A_322 = arith.cmpi sle, %add3A_312, %le3A_321 : vector<16xi32>
      %lt3A_323 = arith.cmpf olt, %gather3A_319, %min3A_277 : vector<16xf32>
      %and3A_324 = arith.andi %le3A_322, %lt3A_323 : vector<16xi1>
      %select_n3A_325 = arith.select %and3A_324, %add3A_312, %select_n3A_309 : vector<16xi1>, vector<16xi32>
      %add3A_326 = arith.constant 16 : i32
      %add3A_327 = vector.broadcast %add3A_326 : i32 to vector<16xi32>
      %add3A_328 = arith.addi %select_n3A_325, %add3A_327 : vector<16xi32>
      %min3A_329 = arith.constant 255 : i32
      %min3A_330 = vector.broadcast %min3A_329 : i32 to vector<16xi32>
      %min3A_331 = arith.minsi %add3A_328, %min3A_330 : vector<16xi32>
      %sub3A_332 = arith.constant 1 : i32
      %sub3A_333 = vector.broadcast %sub3A_332 : i32 to vector<16xi32>
      %sub3A_334 = arith.subi %min3A_331, %sub3A_333 : vector<16xi32>
      %gather3A_335 = tpu.vector_load_idx %arg7[%sub3A_334] : memref<256xf32, #tpu.memory_space<vmem>>[vector<16xi32>], vector<16xf32>,
      %le3A_336 = arith.constant 255 : i32
      %le3A_337 = vector.broadcast %le3A_336 : i32 to vector<16xi32>
      %le3A_338 = arith.cmpi sle, %add3A_328, %le3A_337 : vector<16xi32>
      %lt3A_339 = arith.cmpf olt, %gather3A_335, %min3A_277 : vector<16xf32>
      %and3A_340 = arith.andi %le3A_338, %lt3A_339 : vector<16xi1>
      %select_n3A_341 = arith.select %and3A_340, %add3A_328, %select_n3A_325 : vector<16xi1>, vector<16xi32>
      %add3A_342 = arith.constant 8 : i32
      %add3A_343 = vector.broadcast %add3A_342 : i32 to vector<16xi32>
      %add3A_344 = arith.addi %select_n3A_341, %add3A_343 : vector<16xi32>
      %min3A_345 = arith.constant 255 : i32
      %min3A_346 = vector.broadcast %min3A_345 : i32 to vector<16xi32>
      %min3A_347 = arith.minsi %add3A_344, %min3A_346 : vector<16xi32>
      %sub3A_348 = arith.constant 1 : i32
      %sub3A_349 = vector.broadcast %sub3A_348 : i32 to vector<16xi32>
      %sub3A_350 = arith.subi %min3A_347, %sub3A_349 : vector<16xi32>
      %gather3A_351 = tpu.vector_load_idx %arg7[%sub3A_350] : memref<256xf32, #tpu.memory_space<vmem>>[vector<16xi32>], vector<16xf32>,
      %le3A_352 = arith.constant 255 : i32
      %le3A_353 = vector.broadcast %le3A_352 : i32 to vector<16xi32>
      %le3A_354 = arith.cmpi sle, %add3A_344, %le3A_353 : vector<16xi32>
      %lt3A_355 = arith.cmpf olt, %gather3A_351, %min3A_277 : vector<16xf32>
      %and3A_356 = arith.andi %le3A_354, %lt3A_355 : vector<16xi1>
      %select_n3A_357 = arith.select %and3A_356, %add3A_344, %select_n3A_341 : vector<16xi1>, vector<16xi32>
      %add3A_358 = arith.constant 4 : i32
      %add3A_359 = vector.broadcast %add3A_358 : i32 to vector<16xi32>
      %add3A_360 = arith.addi %select_n3A_357, %add3A_359 : vector<16xi32>
      %min3A_361 = arith.constant 255 : i32
      %min3A_362 = vector.broadcast %min3A_361 : i32 to vector<16xi32>
      %min3A_363 = arith.minsi %add3A_360, %min3A_362 : vector<16xi32>
      %sub3A_364 = arith.constant 1 : i32
      %sub3A_365 = vector.broadcast %sub3A_364 : i32 to vector<16xi32>
      %sub3A_366 = arith.subi %min3A_363, %sub3A_365 : vector<16xi32>
      %gather3A_367 = tpu.vector_load_idx %arg7[%sub3A_366] : memref<256xf32, #tpu.memory_space<vmem>>[vector<16xi32>], vector<16xf32>,
      %le3A_368 = arith.constant 255 : i32
      %le3A_369 = vector.broadcast %le3A_368 : i32 to vector<16xi32>
      %le3A_370 = arith.cmpi sle, %add3A_360, %le3A_369 : vector<16xi32>
      %lt3A_371 = arith.cmpf olt, %gather3A_367, %min3A_277 : vector<16xf32>
      %and3A_372 = arith.andi %le3A_370, %lt3A_371 : vector<16xi1>
      %select_n3A_373 = arith.select %and3A_372, %add3A_360, %select_n3A_357 : vector<16xi1>, vector<16xi32>
      %add3A_374 = arith.constant 2 : i32
      %add3A_375 = vector.broadcast %add3A_374 : i32 to vector<16xi32>
      %add3A_376 = arith.addi %select_n3A_373, %add3A_375 : vector<16xi32>
      %min3A_377 = arith.constant 255 : i32
      %min3A_378 = vector.broadcast %min3A_377 : i32 to vector<16xi32>
      %min3A_379 = arith.minsi %add3A_376, %min3A_378 : vector<16xi32>
      %sub3A_380 = arith.constant 1 : i32
      %sub3A_381 = vector.broadcast %sub3A_380 : i32 to vector<16xi32>
      %sub3A_382 = arith.subi %min3A_379, %sub3A_381 : vector<16xi32>
      %gather3A_383 = tpu.vector_load_idx %arg7[%sub3A_382] : memref<256xf32, #tpu.memory_space<vmem>>[vector<16xi32>], vector<16xf32>,
      %le3A_384 = arith.constant 255 : i32
      %le3A_385 = vector.broadcast %le3A_384 : i32 to vector<16xi32>
      %le3A_386 = arith.cmpi sle, %add3A_376, %le3A_385 : vector<16xi32>
      %lt3A_387 = arith.cmpf olt, %gather3A_383, %min3A_277 : vector<16xf32>
      %and3A_388 = arith.andi %le3A_386, %lt3A_387 : vector<16xi1>
      %select_n3A_389 = arith.select %and3A_388, %add3A_376, %select_n3A_373 : vector<16xi1>, vector<16xi32>
      %add3A_390 = arith.constant 1 : i32
      %add3A_391 = vector.broadcast %add3A_390 : i32 to vector<16xi32>
      %add3A_392 = arith.addi %select_n3A_389, %add3A_391 : vector<16xi32>
      %min3A_393 = arith.constant 255 : i32
      %min3A_394 = vector.broadcast %min3A_393 : i32 to vector<16xi32>
      %min3A_395 = arith.minsi %add3A_392, %min3A_394 : vector<16xi32>
      %sub3A_396 = arith.constant 1 : i32
      %sub3A_397 = vector.broadcast %sub3A_396 : i32 to vector<16xi32>
      %sub3A_398 = arith.subi %min3A_395, %sub3A_397 : vector<16xi32>
      %gather3A_399 = tpu.vector_load_idx %arg7[%sub3A_398] : memref<256xf32, #tpu.memory_space<vmem>>[vector<16xi32>], vector<16xf32>,
      %le3A_400 = arith.constant 255 : i32
      %le3A_401 = vector.broadcast %le3A_400 : i32 to vector<16xi32>
      %le3A_402 = arith.cmpi sle, %add3A_392, %le3A_401 : vector<16xi32>
      %lt3A_403 = arith.cmpf olt, %gather3A_399, %min3A_277 : vector<16xf32>
      %and3A_404 = arith.andi %le3A_402, %lt3A_403 : vector<16xi1>
      %select_n3A_405 = arith.select %and3A_404, %add3A_392, %select_n3A_389 : vector<16xi1>, vector<16xi32>
      %sub3A_406 = arith.constant 1 : i32
      %sub3A_407 = vector.broadcast %sub3A_406 : i32 to vector<16xi32>
      %sub3A_408 = arith.subi %select_n3A_405, %sub3A_407 : vector<16xi32>
      %jit3A_409 = arith.constant 0 : i32
      %jit3A_410 = arith.constant 253 : i32
      %max3A_411 = vector.broadcast %jit3A_409 : i32 to vector<16xi32>
      %max3A_412 = arith.maxsi %max3A_411, %sub3A_408 : vector<16xi32>
      %min3A_413 = vector.broadcast %jit3A_410 : i32 to vector<16xi32>
      %min3A_414 = arith.minsi %min3A_413, %max3A_412 : vector<16xi32>
      %add3A_415 = arith.constant 1 : i32
      %add3A_416 = vector.broadcast %add3A_415 : i32 to vector<16xi32>
      %add3A_417 = arith.addi %min3A_414, %add3A_416 : vector<16xi32>
      %gather3A_418 = tpu.vector_load_idx %arg7[%min3A_414] : memref<256xf32, #tpu.memory_space<vmem>>[vector<16xi32>], vector<16xf32>,
      %gather3A_419 = tpu.vector_load_idx %arg7[%add3A_417] : memref<256xf32, #tpu.memory_space<vmem>>[vector<16xi32>], vector<16xf32>,
      %sub3A_420 = arith.subf %min3A_277, %gather3A_418 : vector<16xf32>
      %sub3A_421 = arith.subf %gather3A_419, %gather3A_418 : vector<16xf32>
      %add3A_422 = arith.constant 9.99999993E-9 : f32
      %add3A_423 = vector.broadcast %add3A_422 : f32 to vector<16xf32>
      %add3A_424 = arith.addf %sub3A_421, %add3A_423 : vector<16xf32>
      %div3A_425 = arith.divf %sub3A_420, %add3A_424 : vector<16xf32>
      %sub3A_426 = arith.constant 1.000000e+00 : f32
      %sub3A_427 = vector.broadcast %sub3A_426 : f32 to vector<16xf32>
      %sub3A_428 = arith.subf %sub3A_427, %div3A_425 : vector<16xf32>
      %add3A_429 = arith.constant 16 : i32
      %add3A_430 = vector.broadcast %add3A_429 : i32 to vector<16xi32>
      %add3A_431 = arith.addi %iota3A, %add3A_430 : vector<16xi32>
      %scatter3A_432 = arith.constant 0 : i32
      %scatter3A_433 = arith.constant 0 : i32
      %scatter3A_434 = arith.constant 0 : i32
      %scatter3A_435 = tpu.memref_slice %arg8[%scatter3A_432, %scatter3A_433, %scatter3A_434] : memref<2x128x255xf32, #tpu.memory_space<vmem>> -> memref<1x128x255xf32, #tpu.memory_space<vmem>>
      %scatter3A_436 = tpu.memref_squeeze %scatter3A_435 : memref<1x128x255xf32, #tpu.memory_space<vmem>> -> memref<128x255xf32, #tpu.memory_space<vmem>>
      tpu.vector_store_idx %scatter3A_436[%add3A_431, %min3A_414], %sub3A_428 : memref<128x255xf32, #tpu.memory_space<vmem>>[vector<16xi32>, vector<16xi32>], vector<16xf32>,
      %scatter3A_437 = arith.constant 0 : i32
      %scatter3A_438 = arith.constant 0 : i32
      %scatter3A_439 = arith.constant 0 : i32
      %scatter3A_440 = tpu.memref_slice %arg8[%scatter3A_437, %scatter3A_438, %scatter3A_439] : memref<2x128x255xf32, #tpu.memory_space<vmem>> -> memref<1x128x255xf32, #tpu.memory_space<vmem>>
      %scatter3A_441 = tpu.memref_squeeze %scatter3A_440 : memref<1x128x255xf32, #tpu.memory_space<vmem>> -> memref<128x255xf32, #tpu.memory_space<vmem>>
      tpu.vector_store_idx %scatter3A_441[%add3A_431, %add3A_417], %div3A_425 : memref<128x255xf32, #tpu.memory_space<vmem>>[vector<16xi32>, vector<16xi32>], vector<16xf32>,
      %swap3A_442 = arith.constant 32 : index
      %swap3A_443 = tpu.vector_load %arg9[%swap3A_442] {strides = array<i32>} : memref<512xi32, #tpu.memory_space<vmem>>, vector<16xi32>,
      tpu.vector_store %arg9[%swap3A_442], %min3A_414 {strides = array<i32>} : memref<512xi32, #tpu.memory_space<vmem>>, vector<16xi32>,
      %swap3A_444 = arith.constant 48 : index
      %swap3A_445 = tpu.vector_load %arg9[%swap3A_444] {strides = array<i32>} : memref<512xi32, #tpu.memory_space<vmem>>, vector<16xi32>,
      tpu.vector_store %arg9[%swap3A_444], %add3A_417 {strides = array<i32>} : memref<512xi32, #tpu.memory_space<vmem>>, vector<16xi32>,
      %mul3A_446 = arith.constant 128 : i32
      %mul3A_447 = arith.muli %add3A_64, %mul3A_446 : i32
      %add3A_448 = arith.constant 32 : i32
      %add3A_449 = arith.addi %mul3A_447, %add3A_448 : i32
      %get3A_450 = arith.index_cast %add3A_449 : i32 to index
      %get3A_451 = tpu.vector_load %arg6[%get3A_450] {strides = array<i32>} : memref<8192xf32, #tpu.memory_space<vmem>>, vector<16xf32>,
      %max3A_452 = arith.maximumf %get3A_451, %gather3A : vector<16xf32>
      %min3A_453 = arith.minimumf %max3A_452, %gather3A_18 : vector<16xf32>
      %add3A_454 = arith.constant 128 : i32
      %add3A_455 = vector.broadcast %add3A_454 : i32 to vector<16xi32>
      %add3A_456 = arith.addi %broadcast_in_dim3A_12, %add3A_455 : vector<16xi32>
      %min3A_457 = arith.constant 255 : i32
      %min3A_458 = vector.broadcast %min3A_457 : i32 to vector<16xi32>
      %min3A_459 = arith.minsi %add3A_456, %min3A_458 : vector<16xi32>
      %sub3A_460 = arith.constant 1 : i32
      %sub3A_461 = vector.broadcast %sub3A_460 : i32 to vector<16xi32>
      %sub3A_462 = arith.subi %min3A_459, %sub3A_461 : vector<16xi32>
      %gather3A_463 = tpu.vector_load_idx %arg7[%sub3A_462] : memref<256xf32, #tpu.memory_space<vmem>>[vector<16xi32>], vector<16xf32>,
      %le3A_464 = arith.constant 255 : i32
      %le3A_465 = vector.broadcast %le3A_464 : i32 to vector<16xi32>
      %le3A_466 = arith.cmpi sle, %add3A_456, %le3A_465 : vector<16xi32>
      %lt3A_467 = arith.cmpf olt, %gather3A_463, %min3A_453 : vector<16xf32>
      %and3A_468 = arith.andi %le3A_466, %lt3A_467 : vector<16xi1>
      %select_n3A_469 = arith.select %and3A_468, %add3A_456, %broadcast_in_dim3A_12 : vector<16xi1>, vector<16xi32>
      %add3A_470 = arith.constant 64 : i32
      %add3A_471 = vector.broadcast %add3A_470 : i32 to vector<16xi32>
      %add3A_472 = arith.addi %select_n3A_469, %add3A_471 : vector<16xi32>
      %min3A_473 = arith.constant 255 : i32
      %min3A_474 = vector.broadcast %min3A_473 : i32 to vector<16xi32>
      %min3A_475 = arith.minsi %add3A_472, %min3A_474 : vector<16xi32>
      %sub3A_476 = arith.constant 1 : i32
      %sub3A_477 = vector.broadcast %sub3A_476 : i32 to vector<16xi32>
      %sub3A_478 = arith.subi %min3A_475, %sub3A_477 : vector<16xi32>
      %gather3A_479 = tpu.vector_load_idx %arg7[%sub3A_478] : memref<256xf32, #tpu.memory_space<vmem>>[vector<16xi32>], vector<16xf32>,
      %le3A_480 = arith.constant 255 : i32
      %le3A_481 = vector.broadcast %le3A_480 : i32 to vector<16xi32>
      %le3A_482 = arith.cmpi sle, %add3A_472, %le3A_481 : vector<16xi32>
      %lt3A_483 = arith.cmpf olt, %gather3A_479, %min3A_453 : vector<16xf32>
      %and3A_484 = arith.andi %le3A_482, %lt3A_483 : vector<16xi1>
      %select_n3A_485 = arith.select %and3A_484, %add3A_472, %select_n3A_469 : vector<16xi1>, vector<16xi32>
      %add3A_486 = arith.constant 32 : i32
      %add3A_487 = vector.broadcast %add3A_486 : i32 to vector<16xi32>
      %add3A_488 = arith.addi %select_n3A_485, %add3A_487 : vector<16xi32>
      %min3A_489 = arith.constant 255 : i32
      %min3A_490 = vector.broadcast %min3A_489 : i32 to vector<16xi32>
      %min3A_491 = arith.minsi %add3A_488, %min3A_490 : vector<16xi32>
      %sub3A_492 = arith.constant 1 : i32
      %sub3A_493 = vector.broadcast %sub3A_492 : i32 to vector<16xi32>
      %sub3A_494 = arith.subi %min3A_491, %sub3A_493 : vector<16xi32>
      %gather3A_495 = tpu.vector_load_idx %arg7[%sub3A_494] : memref<256xf32, #tpu.memory_space<vmem>>[vector<16xi32>], vector<16xf32>,
      %le3A_496 = arith.constant 255 : i32
      %le3A_497 = vector.broadcast %le3A_496 : i32 to vector<16xi32>
      %le3A_498 = arith.cmpi sle, %add3A_488, %le3A_497 : vector<16xi32>
      %lt3A_499 = arith.cmpf olt, %gather3A_495, %min3A_453 : vector<16xf32>
      %and3A_500 = arith.andi %le3A_498, %lt3A_499 : vector<16xi1>
      %select_n3A_501 = arith.select %and3A_500, %add3A_488, %select_n3A_485 : vector<16xi1>, vector<16xi32>
      %add3A_502 = arith.constant 16 : i32
      %add3A_503 = vector.broadcast %add3A_502 : i32 to vector<16xi32>
      %add3A_504 = arith.addi %select_n3A_501, %add3A_503 : vector<16xi32>
      %min3A_505 = arith.constant 255 : i32
      %min3A_506 = vector.broadcast %min3A_505 : i32 to vector<16xi32>
      %min3A_507 = arith.minsi %add3A_504, %min3A_506 : vector<16xi32>
      %sub3A_508 = arith.constant 1 : i32
      %sub3A_509 = vector.broadcast %sub3A_508 : i32 to vector<16xi32>
      %sub3A_510 = arith.subi %min3A_507, %sub3A_509 : vector<16xi32>
      %gather3A_511 = tpu.vector_load_idx %arg7[%sub3A_510] : memref<256xf32, #tpu.memory_space<vmem>>[vector<16xi32>], vector<16xf32>,
      %le3A_512 = arith.constant 255 : i32
      %le3A_513 = vector.broadcast %le3A_512 : i32 to vector<16xi32>
      %le3A_514 = arith.cmpi sle, %add3A_504, %le3A_513 : vector<16xi32>
      %lt3A_515 = arith.cmpf olt, %gather3A_511, %min3A_453 : vector<16xf32>
      %and3A_516 = arith.andi %le3A_514, %lt3A_515 : vector<16xi1>
      %select_n3A_517 = arith.select %and3A_516, %add3A_504, %select_n3A_501 : vector<16xi1>, vector<16xi32>
      %add3A_518 = arith.constant 8 : i32
      %add3A_519 = vector.broadcast %add3A_518 : i32 to vector<16xi32>
      %add3A_520 = arith.addi %select_n3A_517, %add3A_519 : vector<16xi32>
      %min3A_521 = arith.constant 255 : i32
      %min3A_522 = vector.broadcast %min3A_521 : i32 to vector<16xi32>
      %min3A_523 = arith.minsi %add3A_520, %min3A_522 : vector<16xi32>
      %sub3A_524 = arith.constant 1 : i32
      %sub3A_525 = vector.broadcast %sub3A_524 : i32 to vector<16xi32>
      %sub3A_526 = arith.subi %min3A_523, %sub3A_525 : vector<16xi32>
      %gather3A_527 = tpu.vector_load_idx %arg7[%sub3A_526] : memref<256xf32, #tpu.memory_space<vmem>>[vector<16xi32>], vector<16xf32>,
      %le3A_528 = arith.constant 255 : i32
      %le3A_529 = vector.broadcast %le3A_528 : i32 to vector<16xi32>
      %le3A_530 = arith.cmpi sle, %add3A_520, %le3A_529 : vector<16xi32>
      %lt3A_531 = arith.cmpf olt, %gather3A_527, %min3A_453 : vector<16xf32>
      %and3A_532 = arith.andi %le3A_530, %lt3A_531 : vector<16xi1>
      %select_n3A_533 = arith.select %and3A_532, %add3A_520, %select_n3A_517 : vector<16xi1>, vector<16xi32>
      %add3A_534 = arith.constant 4 : i32
      %add3A_535 = vector.broadcast %add3A_534 : i32 to vector<16xi32>
      %add3A_536 = arith.addi %select_n3A_533, %add3A_535 : vector<16xi32>
      %min3A_537 = arith.constant 255 : i32
      %min3A_538 = vector.broadcast %min3A_537 : i32 to vector<16xi32>
      %min3A_539 = arith.minsi %add3A_536, %min3A_538 : vector<16xi32>
      %sub3A_540 = arith.constant 1 : i32
      %sub3A_541 = vector.broadcast %sub3A_540 : i32 to vector<16xi32>
      %sub3A_542 = arith.subi %min3A_539, %sub3A_541 : vector<16xi32>
      %gather3A_543 = tpu.vector_load_idx %arg7[%sub3A_542] : memref<256xf32, #tpu.memory_space<vmem>>[vector<16xi32>], vector<16xf32>,
      %le3A_544 = arith.constant 255 : i32
      %le3A_545 = vector.broadcast %le3A_544 : i32 to vector<16xi32>
      %le3A_546 = arith.cmpi sle, %add3A_536, %le3A_545 : vector<16xi32>
      %lt3A_547 = arith.cmpf olt, %gather3A_543, %min3A_453 : vector<16xf32>
      %and3A_548 = arith.andi %le3A_546, %lt3A_547 : vector<16xi1>
      %select_n3A_549 = arith.select %and3A_548, %add3A_536, %select_n3A_533 : vector<16xi1>, vector<16xi32>
      %add3A_550 = arith.constant 2 : i32
      %add3A_551 = vector.broadcast %add3A_550 : i32 to vector<16xi32>
      %add3A_552 = arith.addi %select_n3A_549, %add3A_551 : vector<16xi32>
      %min3A_553 = arith.constant 255 : i32
      %min3A_554 = vector.broadcast %min3A_553 : i32 to vector<16xi32>
      %min3A_555 = arith.minsi %add3A_552, %min3A_554 : vector<16xi32>
      %sub3A_556 = arith.constant 1 : i32
      %sub3A_557 = vector.broadcast %sub3A_556 : i32 to vector<16xi32>
      %sub3A_558 = arith.subi %min3A_555, %sub3A_557 : vector<16xi32>
      %gather3A_559 = tpu.vector_load_idx %arg7[%sub3A_558] : memref<256xf32, #tpu.memory_space<vmem>>[vector<16xi32>], vector<16xf32>,
      %le3A_560 = arith.constant 255 : i32
      %le3A_561 = vector.broadcast %le3A_560 : i32 to vector<16xi32>
      %le3A_562 = arith.cmpi sle, %add3A_552, %le3A_561 : vector<16xi32>
      %lt3A_563 = arith.cmpf olt, %gather3A_559, %min3A_453 : vector<16xf32>
      %and3A_564 = arith.andi %le3A_562, %lt3A_563 : vector<16xi1>
      %select_n3A_565 = arith.select %and3A_564, %add3A_552, %select_n3A_549 : vector<16xi1>, vector<16xi32>
      %add3A_566 = arith.constant 1 : i32
      %add3A_567 = vector.broadcast %add3A_566 : i32 to vector<16xi32>
      %add3A_568 = arith.addi %select_n3A_565, %add3A_567 : vector<16xi32>
      %min3A_569 = arith.constant 255 : i32
      %min3A_570 = vector.broadcast %min3A_569 : i32 to vector<16xi32>
      %min3A_571 = arith.minsi %add3A_568, %min3A_570 : vector<16xi32>
      %sub3A_572 = arith.constant 1 : i32
      %sub3A_573 = vector.broadcast %sub3A_572 : i32 to vector<16xi32>
      %sub3A_574 = arith.subi %min3A_571, %sub3A_573 : vector<16xi32>
      %gather3A_575 = tpu.vector_load_idx %arg7[%sub3A_574] : memref<256xf32, #tpu.memory_space<vmem>>[vector<16xi32>], vector<16xf32>,
      %le3A_576 = arith.constant 255 : i32
      %le3A_577 = vector.broadcast %le3A_576 : i32 to vector<16xi32>
      %le3A_578 = arith.cmpi sle, %add3A_568, %le3A_577 : vector<16xi32>
      %lt3A_579 = arith.cmpf olt, %gather3A_575, %min3A_453 : vector<16xf32>
      %and3A_580 = arith.andi %le3A_578, %lt3A_579 : vector<16xi1>
      %select_n3A_581 = arith.select %and3A_580, %add3A_568, %select_n3A_565 : vector<16xi1>, vector<16xi32>
      %sub3A_582 = arith.constant 1 : i32
      %sub3A_583 = vector.broadcast %sub3A_582 : i32 to vector<16xi32>
      %sub3A_584 = arith.subi %select_n3A_581, %sub3A_583 : vector<16xi32>
      %jit3A_585 = arith.constant 0 : i32
      %jit3A_586 = arith.constant 253 : i32
      %max3A_587 = vector.broadcast %jit3A_585 : i32 to vector<16xi32>
      %max3A_588 = arith.maxsi %max3A_587, %sub3A_584 : vector<16xi32>
      %min3A_589 = vector.broadcast %jit3A_586 : i32 to vector<16xi32>
      %min3A_590 = arith.minsi %min3A_589, %max3A_588 : vector<16xi32>
      %add3A_591 = arith.constant 1 : i32
      %add3A_592 = vector.broadcast %add3A_591 : i32 to vector<16xi32>
      %add3A_593 = arith.addi %min3A_590, %add3A_592 : vector<16xi32>
      %gather3A_594 = tpu.vector_load_idx %arg7[%min3A_590] : memref<256xf32, #tpu.memory_space<vmem>>[vector<16xi32>], vector<16xf32>,
      %gather3A_595 = tpu.vector_load_idx %arg7[%add3A_593] : memref<256xf32, #tpu.memory_space<vmem>>[vector<16xi32>], vector<16xf32>,
      %sub3A_596 = arith.subf %min3A_453, %gather3A_594 : vector<16xf32>
      %sub3A_597 = arith.subf %gather3A_595, %gather3A_594 : vector<16xf32>
      %add3A_598 = arith.constant 9.99999993E-9 : f32
      %add3A_599 = vector.broadcast %add3A_598 : f32 to vector<16xf32>
      %add3A_600 = arith.addf %sub3A_597, %add3A_599 : vector<16xf32>
      %div3A_601 = arith.divf %sub3A_596, %add3A_600 : vector<16xf32>
      %sub3A_602 = arith.constant 1.000000e+00 : f32
      %sub3A_603 = vector.broadcast %sub3A_602 : f32 to vector<16xf32>
      %sub3A_604 = arith.subf %sub3A_603, %div3A_601 : vector<16xf32>
      %add3A_605 = arith.constant 32 : i32
      %add3A_606 = vector.broadcast %add3A_605 : i32 to vector<16xi32>
      %add3A_607 = arith.addi %iota3A, %add3A_606 : vector<16xi32>
      %scatter3A_608 = arith.constant 0 : i32
      %scatter3A_609 = arith.constant 0 : i32
      %scatter3A_610 = arith.constant 0 : i32
      %scatter3A_611 = tpu.memref_slice %arg8[%scatter3A_608, %scatter3A_609, %scatter3A_610] : memref<2x128x255xf32, #tpu.memory_space<vmem>> -> memref<1x128x255xf32, #tpu.memory_space<vmem>>
      %scatter3A_612 = tpu.memref_squeeze %scatter3A_611 : memref<1x128x255xf32, #tpu.memory_space<vmem>> -> memref<128x255xf32, #tpu.memory_space<vmem>>
      tpu.vector_store_idx %scatter3A_612[%add3A_607, %min3A_590], %sub3A_604 : memref<128x255xf32, #tpu.memory_space<vmem>>[vector<16xi32>, vector<16xi32>], vector<16xf32>,
      %scatter3A_613 = arith.constant 0 : i32
      %scatter3A_614 = arith.constant 0 : i32
      %scatter3A_615 = arith.constant 0 : i32
      %scatter3A_616 = tpu.memref_slice %arg8[%scatter3A_613, %scatter3A_614, %scatter3A_615] : memref<2x128x255xf32, #tpu.memory_space<vmem>> -> memref<1x128x255xf32, #tpu.memory_space<vmem>>
      %scatter3A_617 = tpu.memref_squeeze %scatter3A_616 : memref<1x128x255xf32, #tpu.memory_space<vmem>> -> memref<128x255xf32, #tpu.memory_space<vmem>>
      tpu.vector_store_idx %scatter3A_617[%add3A_607, %add3A_593], %div3A_601 : memref<128x255xf32, #tpu.memory_space<vmem>>[vector<16xi32>, vector<16xi32>], vector<16xf32>,
      %swap3A_618 = arith.constant 64 : index
      %swap3A_619 = tpu.vector_load %arg9[%swap3A_618] {strides = array<i32>} : memref<512xi32, #tpu.memory_space<vmem>>, vector<16xi32>,
      tpu.vector_store %arg9[%swap3A_618], %min3A_590 {strides = array<i32>} : memref<512xi32, #tpu.memory_space<vmem>>, vector<16xi32>,
      %swap3A_620 = arith.constant 80 : index
      %swap3A_621 = tpu.vector_load %arg9[%swap3A_620] {strides = array<i32>} : memref<512xi32, #tpu.memory_space<vmem>>, vector<16xi32>,
      tpu.vector_store %arg9[%swap3A_620], %add3A_593 {strides = array<i32>} : memref<512xi32, #tpu.memory_space<vmem>>, vector<16xi32>,
      %mul3A_622 = arith.constant 128 : i32
      %mul3A_623 = arith.muli %add3A_64, %mul3A_622 : i32
      %add3A_624 = arith.constant 48 : i32
      %add3A_625 = arith.addi %mul3A_623, %add3A_624 : i32
      %get3A_626 = arith.index_cast %add3A_625 : i32 to index
      %get3A_627 = tpu.vector_load %arg6[%get3A_626] {strides = array<i32>} : memref<8192xf32, #tpu.memory_space<vmem>>, vector<16xf32>,
      %max3A_628 = arith.maximumf %get3A_627, %gather3A : vector<16xf32>
      %min3A_629 = arith.minimumf %max3A_628, %gather3A_18 : vector<16xf32>
      %add3A_630 = arith.constant 128 : i32
      %add3A_631 = vector.broadcast %add3A_630 : i32 to vector<16xi32>
      %add3A_632 = arith.addi %broadcast_in_dim3A_12, %add3A_631 : vector<16xi32>
      %min3A_633 = arith.constant 255 : i32
      %min3A_634 = vector.broadcast %min3A_633 : i32 to vector<16xi32>
      %min3A_635 = arith.minsi %add3A_632, %min3A_634 : vector<16xi32>
      %sub3A_636 = arith.constant 1 : i32
      %sub3A_637 = vector.broadcast %sub3A_636 : i32 to vector<16xi32>
      %sub3A_638 = arith.subi %min3A_635, %sub3A_637 : vector<16xi32>
      %gather3A_639 = tpu.vector_load_idx %arg7[%sub3A_638] : memref<256xf32, #tpu.memory_space<vmem>>[vector<16xi32>], vector<16xf32>,
      %le3A_640 = arith.constant 255 : i32
      %le3A_641 = vector.broadcast %le3A_640 : i32 to vector<16xi32>
      %le3A_642 = arith.cmpi sle, %add3A_632, %le3A_641 : vector<16xi32>
      %lt3A_643 = arith.cmpf olt, %gather3A_639, %min3A_629 : vector<16xf32>
      %and3A_644 = arith.andi %le3A_642, %lt3A_643 : vector<16xi1>
      %select_n3A_645 = arith.select %and3A_644, %add3A_632, %broadcast_in_dim3A_12 : vector<16xi1>, vector<16xi32>
      %add3A_646 = arith.constant 64 : i32
      %add3A_647 = vector.broadcast %add3A_646 : i32 to vector<16xi32>
      %add3A_648 = arith.addi %select_n3A_645, %add3A_647 : vector<16xi32>
      %min3A_649 = arith.constant 255 : i32
      %min3A_650 = vector.broadcast %min3A_649 : i32 to vector<16xi32>
      %min3A_651 = arith.minsi %add3A_648, %min3A_650 : vector<16xi32>
      %sub3A_652 = arith.constant 1 : i32
      %sub3A_653 = vector.broadcast %sub3A_652 : i32 to vector<16xi32>
      %sub3A_654 = arith.subi %min3A_651, %sub3A_653 : vector<16xi32>
      %gather3A_655 = tpu.vector_load_idx %arg7[%sub3A_654] : memref<256xf32, #tpu.memory_space<vmem>>[vector<16xi32>], vector<16xf32>,
      %le3A_656 = arith.constant 255 : i32
      %le3A_657 = vector.broadcast %le3A_656 : i32 to vector<16xi32>
      %le3A_658 = arith.cmpi sle, %add3A_648, %le3A_657 : vector<16xi32>
      %lt3A_659 = arith.cmpf olt, %gather3A_655, %min3A_629 : vector<16xf32>
      %and3A_660 = arith.andi %le3A_658, %lt3A_659 : vector<16xi1>
      %select_n3A_661 = arith.select %and3A_660, %add3A_648, %select_n3A_645 : vector<16xi1>, vector<16xi32>
      %add3A_662 = arith.constant 32 : i32
      %add3A_663 = vector.broadcast %add3A_662 : i32 to vector<16xi32>
      %add3A_664 = arith.addi %select_n3A_661, %add3A_663 : vector<16xi32>
      %min3A_665 = arith.constant 255 : i32
      %min3A_666 = vector.broadcast %min3A_665 : i32 to vector<16xi32>
      %min3A_667 = arith.minsi %add3A_664, %min3A_666 : vector<16xi32>
      %sub3A_668 = arith.constant 1 : i32
      %sub3A_669 = vector.broadcast %sub3A_668 : i32 to vector<16xi32>
      %sub3A_670 = arith.subi %min3A_667, %sub3A_669 : vector<16xi32>
      %gather3A_671 = tpu.vector_load_idx %arg7[%sub3A_670] : memref<256xf32, #tpu.memory_space<vmem>>[vector<16xi32>], vector<16xf32>,
      %le3A_672 = arith.constant 255 : i32
      %le3A_673 = vector.broadcast %le3A_672 : i32 to vector<16xi32>
      %le3A_674 = arith.cmpi sle, %add3A_664, %le3A_673 : vector<16xi32>
      %lt3A_675 = arith.cmpf olt, %gather3A_671, %min3A_629 : vector<16xf32>
      %and3A_676 = arith.andi %le3A_674, %lt3A_675 : vector<16xi1>
      %select_n3A_677 = arith.select %and3A_676, %add3A_664, %select_n3A_661 : vector<16xi1>, vector<16xi32>
      %add3A_678 = arith.constant 16 : i32
      %add3A_679 = vector.broadcast %add3A_678 : i32 to vector<16xi32>
      %add3A_680 = arith.addi %select_n3A_677, %add3A_679 : vector<16xi32>
      %min3A_681 = arith.constant 255 : i32
      %min3A_682 = vector.broadcast %min3A_681 : i32 to vector<16xi32>
      %min3A_683 = arith.minsi %add3A_680, %min3A_682 : vector<16xi32>
      %sub3A_684 = arith.constant 1 : i32
      %sub3A_685 = vector.broadcast %sub3A_684 : i32 to vector<16xi32>
      %sub3A_686 = arith.subi %min3A_683, %sub3A_685 : vector<16xi32>
      %gather3A_687 = tpu.vector_load_idx %arg7[%sub3A_686] : memref<256xf32, #tpu.memory_space<vmem>>[vector<16xi32>], vector<16xf32>,
      %le3A_688 = arith.constant 255 : i32
      %le3A_689 = vector.broadcast %le3A_688 : i32 to vector<16xi32>
      %le3A_690 = arith.cmpi sle, %add3A_680, %le3A_689 : vector<16xi32>
      %lt3A_691 = arith.cmpf olt, %gather3A_687, %min3A_629 : vector<16xf32>
      %and3A_692 = arith.andi %le3A_690, %lt3A_691 : vector<16xi1>
      %select_n3A_693 = arith.select %and3A_692, %add3A_680, %select_n3A_677 : vector<16xi1>, vector<16xi32>
      %add3A_694 = arith.constant 8 : i32
      %add3A_695 = vector.broadcast %add3A_694 : i32 to vector<16xi32>
      %add3A_696 = arith.addi %select_n3A_693, %add3A_695 : vector<16xi32>
      %min3A_697 = arith.constant 255 : i32
      %min3A_698 = vector.broadcast %min3A_697 : i32 to vector<16xi32>
      %min3A_699 = arith.minsi %add3A_696, %min3A_698 : vector<16xi32>
      %sub3A_700 = arith.constant 1 : i32
      %sub3A_701 = vector.broadcast %sub3A_700 : i32 to vector<16xi32>
      %sub3A_702 = arith.subi %min3A_699, %sub3A_701 : vector<16xi32>
      %gather3A_703 = tpu.vector_load_idx %arg7[%sub3A_702] : memref<256xf32, #tpu.memory_space<vmem>>[vector<16xi32>], vector<16xf32>,
      %le3A_704 = arith.constant 255 : i32
      %le3A_705 = vector.broadcast %le3A_704 : i32 to vector<16xi32>
      %le3A_706 = arith.cmpi sle, %add3A_696, %le3A_705 : vector<16xi32>
      %lt3A_707 = arith.cmpf olt, %gather3A_703, %min3A_629 : vector<16xf32>
      %and3A_708 = arith.andi %le3A_706, %lt3A_707 : vector<16xi1>
      %select_n3A_709 = arith.select %and3A_708, %add3A_696, %select_n3A_693 : vector<16xi1>, vector<16xi32>
      %add3A_710 = arith.constant 4 : i32
      %add3A_711 = vector.broadcast %add3A_710 : i32 to vector<16xi32>
      %add3A_712 = arith.addi %select_n3A_709, %add3A_711 : vector<16xi32>
      %min3A_713 = arith.constant 255 : i32
      %min3A_714 = vector.broadcast %min3A_713 : i32 to vector<16xi32>
      %min3A_715 = arith.minsi %add3A_712, %min3A_714 : vector<16xi32>
      %sub3A_716 = arith.constant 1 : i32
      %sub3A_717 = vector.broadcast %sub3A_716 : i32 to vector<16xi32>
      %sub3A_718 = arith.subi %min3A_715, %sub3A_717 : vector<16xi32>
      %gather3A_719 = tpu.vector_load_idx %arg7[%sub3A_718] : memref<256xf32, #tpu.memory_space<vmem>>[vector<16xi32>], vector<16xf32>,
      %le3A_720 = arith.constant 255 : i32
      %le3A_721 = vector.broadcast %le3A_720 : i32 to vector<16xi32>
      %le3A_722 = arith.cmpi sle, %add3A_712, %le3A_721 : vector<16xi32>
      %lt3A_723 = arith.cmpf olt, %gather3A_719, %min3A_629 : vector<16xf32>
      %and3A_724 = arith.andi %le3A_722, %lt3A_723 : vector<16xi1>
      %select_n3A_725 = arith.select %and3A_724, %add3A_712, %select_n3A_709 : vector<16xi1>, vector<16xi32>
      %add3A_726 = arith.constant 2 : i32
      %add3A_727 = vector.broadcast %add3A_726 : i32 to vector<16xi32>
      %add3A_728 = arith.addi %select_n3A_725, %add3A_727 : vector<16xi32>
      %min3A_729 = arith.constant 255 : i32
      %min3A_730 = vector.broadcast %min3A_729 : i32 to vector<16xi32>
      %min3A_731 = arith.minsi %add3A_728, %min3A_730 : vector<16xi32>
      %sub3A_732 = arith.constant 1 : i32
      %sub3A_733 = vector.broadcast %sub3A_732 : i32 to vector<16xi32>
      %sub3A_734 = arith.subi %min3A_731, %sub3A_733 : vector<16xi32>
      %gather3A_735 = tpu.vector_load_idx %arg7[%sub3A_734] : memref<256xf32, #tpu.memory_space<vmem>>[vector<16xi32>], vector<16xf32>,
      %le3A_736 = arith.constant 255 : i32
      %le3A_737 = vector.broadcast %le3A_736 : i32 to vector<16xi32>
      %le3A_738 = arith.cmpi sle, %add3A_728, %le3A_737 : vector<16xi32>
      %lt3A_739 = arith.cmpf olt, %gather3A_735, %min3A_629 : vector<16xf32>
      %and3A_740 = arith.andi %le3A_738, %lt3A_739 : vector<16xi1>
      %select_n3A_741 = arith.select %and3A_740, %add3A_728, %select_n3A_725 : vector<16xi1>, vector<16xi32>
      %add3A_742 = arith.constant 1 : i32
      %add3A_743 = vector.broadcast %add3A_742 : i32 to vector<16xi32>
      %add3A_744 = arith.addi %select_n3A_741, %add3A_743 : vector<16xi32>
      %min3A_745 = arith.constant 255 : i32
      %min3A_746 = vector.broadcast %min3A_745 : i32 to vector<16xi32>
      %min3A_747 = arith.minsi %add3A_744, %min3A_746 : vector<16xi32>
      %sub3A_748 = arith.constant 1 : i32
      %sub3A_749 = vector.broadcast %sub3A_748 : i32 to vector<16xi32>
      %sub3A_750 = arith.subi %min3A_747, %sub3A_749 : vector<16xi32>
      %gather3A_751 = tpu.vector_load_idx %arg7[%sub3A_750] : memref<256xf32, #tpu.memory_space<vmem>>[vector<16xi32>], vector<16xf32>,
      %le3A_752 = arith.constant 255 : i32
      %le3A_753 = vector.broadcast %le3A_752 : i32 to vector<16xi32>
      %le3A_754 = arith.cmpi sle, %add3A_744, %le3A_753 : vector<16xi32>
      %lt3A_755 = arith.cmpf olt, %gather3A_751, %min3A_629 : vector<16xf32>
      %and3A_756 = arith.andi %le3A_754, %lt3A_755 : vector<16xi1>
      %select_n3A_757 = arith.select %and3A_756, %add3A_744, %select_n3A_741 : vector<16xi1>, vector<16xi32>
      %sub3A_758 = arith.constant 1 : i32
      %sub3A_759 = vector.broadcast %sub3A_758 : i32 to vector<16xi32>
      %sub3A_760 = arith.subi %select_n3A_757, %sub3A_759 : vector<16xi32>
      %jit3A_761 = arith.constant 0 : i32
      %jit3A_762 = arith.constant 253 : i32
      %max3A_763 = vector.broadcast %jit3A_761 : i32 to vector<16xi32>
      %max3A_764 = arith.maxsi %max3A_763, %sub3A_760 : vector<16xi32>
      %min3A_765 = vector.broadcast %jit3A_762 : i32 to vector<16xi32>
      %min3A_766 = arith.minsi %min3A_765, %max3A_764 : vector<16xi32>
      %add3A_767 = arith.constant 1 : i32
      %add3A_768 = vector.broadcast %add3A_767 : i32 to vector<16xi32>
      %add3A_769 = arith.addi %min3A_766, %add3A_768 : vector<16xi32>
      %gather3A_770 = tpu.vector_load_idx %arg7[%min3A_766] : memref<256xf32, #tpu.memory_space<vmem>>[vector<16xi32>], vector<16xf32>,
      %gather3A_771 = tpu.vector_load_idx %arg7[%add3A_769] : memref<256xf32, #tpu.memory_space<vmem>>[vector<16xi32>], vector<16xf32>,
      %sub3A_772 = arith.subf %min3A_629, %gather3A_770 : vector<16xf32>
      %sub3A_773 = arith.subf %gather3A_771, %gather3A_770 : vector<16xf32>
      %add3A_774 = arith.constant 9.99999993E-9 : f32
      %add3A_775 = vector.broadcast %add3A_774 : f32 to vector<16xf32>
      %add3A_776 = arith.addf %sub3A_773, %add3A_775 : vector<16xf32>
      %div3A_777 = arith.divf %sub3A_772, %add3A_776 : vector<16xf32>
      %sub3A_778 = arith.constant 1.000000e+00 : f32
      %sub3A_779 = vector.broadcast %sub3A_778 : f32 to vector<16xf32>
      %sub3A_780 = arith.subf %sub3A_779, %div3A_777 : vector<16xf32>
      %add3A_781 = arith.constant 48 : i32
      %add3A_782 = vector.broadcast %add3A_781 : i32 to vector<16xi32>
      %add3A_783 = arith.addi %iota3A, %add3A_782 : vector<16xi32>
      %scatter3A_784 = arith.constant 0 : i32
      %scatter3A_785 = arith.constant 0 : i32
      %scatter3A_786 = arith.constant 0 : i32
      %scatter3A_787 = tpu.memref_slice %arg8[%scatter3A_784, %scatter3A_785, %scatter3A_786] : memref<2x128x255xf32, #tpu.memory_space<vmem>> -> memref<1x128x255xf32, #tpu.memory_space<vmem>>
      %scatter3A_788 = tpu.memref_squeeze %scatter3A_787 : memref<1x128x255xf32, #tpu.memory_space<vmem>> -> memref<128x255xf32, #tpu.memory_space<vmem>>
      tpu.vector_store_idx %scatter3A_788[%add3A_783, %min3A_766], %sub3A_780 : memref<128x255xf32, #tpu.memory_space<vmem>>[vector<16xi32>, vector<16xi32>], vector<16xf32>,
      %scatter3A_789 = arith.constant 0 : i32
      %scatter3A_790 = arith.constant 0 : i32
      %scatter3A_791 = arith.constant 0 : i32
      %scatter3A_792 = tpu.memref_slice %arg8[%scatter3A_789, %scatter3A_790, %scatter3A_791] : memref<2x128x255xf32, #tpu.memory_space<vmem>> -> memref<1x128x255xf32, #tpu.memory_space<vmem>>
      %scatter3A_793 = tpu.memref_squeeze %scatter3A_792 : memref<1x128x255xf32, #tpu.memory_space<vmem>> -> memref<128x255xf32, #tpu.memory_space<vmem>>
      tpu.vector_store_idx %scatter3A_793[%add3A_783, %add3A_769], %div3A_777 : memref<128x255xf32, #tpu.memory_space<vmem>>[vector<16xi32>, vector<16xi32>], vector<16xf32>,
      %swap3A_794 = arith.constant 96 : index
      %swap3A_795 = tpu.vector_load %arg9[%swap3A_794] {strides = array<i32>} : memref<512xi32, #tpu.memory_space<vmem>>, vector<16xi32>,
      tpu.vector_store %arg9[%swap3A_794], %min3A_766 {strides = array<i32>} : memref<512xi32, #tpu.memory_space<vmem>>, vector<16xi32>,
      %swap3A_796 = arith.constant 112 : index
      %swap3A_797 = tpu.vector_load %arg9[%swap3A_796] {strides = array<i32>} : memref<512xi32, #tpu.memory_space<vmem>>, vector<16xi32>,
      tpu.vector_store %arg9[%swap3A_796], %add3A_769 {strides = array<i32>} : memref<512xi32, #tpu.memory_space<vmem>>, vector<16xi32>,
      %mul3A_798 = arith.constant 128 : i32
      %mul3A_799 = arith.muli %add3A_64, %mul3A_798 : i32
      %add3A_800 = arith.constant 64 : i32
      %add3A_801 = arith.addi %mul3A_799, %add3A_800 : i32
      %get3A_802 = arith.index_cast %add3A_801 : i32 to index
      %get3A_803 = tpu.vector_load %arg6[%get3A_802] {strides = array<i32>} : memref<8192xf32, #tpu.memory_space<vmem>>, vector<16xf32>,
      %max3A_804 = arith.maximumf %get3A_803, %gather3A : vector<16xf32>
      %min3A_805 = arith.minimumf %max3A_804, %gather3A_18 : vector<16xf32>
      %add3A_806 = arith.constant 128 : i32
      %add3A_807 = vector.broadcast %add3A_806 : i32 to vector<16xi32>
      %add3A_808 = arith.addi %broadcast_in_dim3A_12, %add3A_807 : vector<16xi32>
      %min3A_809 = arith.constant 255 : i32
      %min3A_810 = vector.broadcast %min3A_809 : i32 to vector<16xi32>
      %min3A_811 = arith.minsi %add3A_808, %min3A_810 : vector<16xi32>
      %sub3A_812 = arith.constant 1 : i32
      %sub3A_813 = vector.broadcast %sub3A_812 : i32 to vector<16xi32>
      %sub3A_814 = arith.subi %min3A_811, %sub3A_813 : vector<16xi32>
      %gather3A_815 = tpu.vector_load_idx %arg7[%sub3A_814] : memref<256xf32, #tpu.memory_space<vmem>>[vector<16xi32>], vector<16xf32>,
      %le3A_816 = arith.constant 255 : i32
      %le3A_817 = vector.broadcast %le3A_816 : i32 to vector<16xi32>
      %le3A_818 = arith.cmpi sle, %add3A_808, %le3A_817 : vector<16xi32>
      %lt3A_819 = arith.cmpf olt, %gather3A_815, %min3A_805 : vector<16xf32>
      %and3A_820 = arith.andi %le3A_818, %lt3A_819 : vector<16xi1>
      %select_n3A_821 = arith.select %and3A_820, %add3A_808, %broadcast_in_dim3A_12 : vector<16xi1>, vector<16xi32>
      %add3A_822 = arith.constant 64 : i32
      %add3A_823 = vector.broadcast %add3A_822 : i32 to vector<16xi32>
      %add3A_824 = arith.addi %select_n3A_821, %add3A_823 : vector<16xi32>
      %min3A_825 = arith.constant 255 : i32
      %min3A_826 = vector.broadcast %min3A_825 : i32 to vector<16xi32>
      %min3A_827 = arith.minsi %add3A_824, %min3A_826 : vector<16xi32>
      %sub3A_828 = arith.constant 1 : i32
      %sub3A_829 = vector.broadcast %sub3A_828 : i32 to vector<16xi32>
      %sub3A_830 = arith.subi %min3A_827, %sub3A_829 : vector<16xi32>
      %gather3A_831 = tpu.vector_load_idx %arg7[%sub3A_830] : memref<256xf32, #tpu.memory_space<vmem>>[vector<16xi32>], vector<16xf32>,
      %le3A_832 = arith.constant 255 : i32
      %le3A_833 = vector.broadcast %le3A_832 : i32 to vector<16xi32>
      %le3A_834 = arith.cmpi sle, %add3A_824, %le3A_833 : vector<16xi32>
      %lt3A_835 = arith.cmpf olt, %gather3A_831, %min3A_805 : vector<16xf32>
      %and3A_836 = arith.andi %le3A_834, %lt3A_835 : vector<16xi1>
      %select_n3A_837 = arith.select %and3A_836, %add3A_824, %select_n3A_821 : vector<16xi1>, vector<16xi32>
      %add3A_838 = arith.constant 32 : i32
      %add3A_839 = vector.broadcast %add3A_838 : i32 to vector<16xi32>
      %add3A_840 = arith.addi %select_n3A_837, %add3A_839 : vector<16xi32>
      %min3A_841 = arith.constant 255 : i32
      %min3A_842 = vector.broadcast %min3A_841 : i32 to vector<16xi32>
      %min3A_843 = arith.minsi %add3A_840, %min3A_842 : vector<16xi32>
      %sub3A_844 = arith.constant 1 : i32
      %sub3A_845 = vector.broadcast %sub3A_844 : i32 to vector<16xi32>
      %sub3A_846 = arith.subi %min3A_843, %sub3A_845 : vector<16xi32>
      %gather3A_847 = tpu.vector_load_idx %arg7[%sub3A_846] : memref<256xf32, #tpu.memory_space<vmem>>[vector<16xi32>], vector<16xf32>,
      %le3A_848 = arith.constant 255 : i32
      %le3A_849 = vector.broadcast %le3A_848 : i32 to vector<16xi32>
      %le3A_850 = arith.cmpi sle, %add3A_840, %le3A_849 : vector<16xi32>
      %lt3A_851 = arith.cmpf olt, %gather3A_847, %min3A_805 : vector<16xf32>
      %and3A_852 = arith.andi %le3A_850, %lt3A_851 : vector<16xi1>
      %select_n3A_853 = arith.select %and3A_852, %add3A_840, %select_n3A_837 : vector<16xi1>, vector<16xi32>
      %add3A_854 = arith.constant 16 : i32
      %add3A_855 = vector.broadcast %add3A_854 : i32 to vector<16xi32>
      %add3A_856 = arith.addi %select_n3A_853, %add3A_855 : vector<16xi32>
      %min3A_857 = arith.constant 255 : i32
      %min3A_858 = vector.broadcast %min3A_857 : i32 to vector<16xi32>
      %min3A_859 = arith.minsi %add3A_856, %min3A_858 : vector<16xi32>
      %sub3A_860 = arith.constant 1 : i32
      %sub3A_861 = vector.broadcast %sub3A_860 : i32 to vector<16xi32>
      %sub3A_862 = arith.subi %min3A_859, %sub3A_861 : vector<16xi32>
      %gather3A_863 = tpu.vector_load_idx %arg7[%sub3A_862] : memref<256xf32, #tpu.memory_space<vmem>>[vector<16xi32>], vector<16xf32>,
      %le3A_864 = arith.constant 255 : i32
      %le3A_865 = vector.broadcast %le3A_864 : i32 to vector<16xi32>
      %le3A_866 = arith.cmpi sle, %add3A_856, %le3A_865 : vector<16xi32>
      %lt3A_867 = arith.cmpf olt, %gather3A_863, %min3A_805 : vector<16xf32>
      %and3A_868 = arith.andi %le3A_866, %lt3A_867 : vector<16xi1>
      %select_n3A_869 = arith.select %and3A_868, %add3A_856, %select_n3A_853 : vector<16xi1>, vector<16xi32>
      %add3A_870 = arith.constant 8 : i32
      %add3A_871 = vector.broadcast %add3A_870 : i32 to vector<16xi32>
      %add3A_872 = arith.addi %select_n3A_869, %add3A_871 : vector<16xi32>
      %min3A_873 = arith.constant 255 : i32
      %min3A_874 = vector.broadcast %min3A_873 : i32 to vector<16xi32>
      %min3A_875 = arith.minsi %add3A_872, %min3A_874 : vector<16xi32>
      %sub3A_876 = arith.constant 1 : i32
      %sub3A_877 = vector.broadcast %sub3A_876 : i32 to vector<16xi32>
      %sub3A_878 = arith.subi %min3A_875, %sub3A_877 : vector<16xi32>
      %gather3A_879 = tpu.vector_load_idx %arg7[%sub3A_878] : memref<256xf32, #tpu.memory_space<vmem>>[vector<16xi32>], vector<16xf32>,
      %le3A_880 = arith.constant 255 : i32
      %le3A_881 = vector.broadcast %le3A_880 : i32 to vector<16xi32>
      %le3A_882 = arith.cmpi sle, %add3A_872, %le3A_881 : vector<16xi32>
      %lt3A_883 = arith.cmpf olt, %gather3A_879, %min3A_805 : vector<16xf32>
      %and3A_884 = arith.andi %le3A_882, %lt3A_883 : vector<16xi1>
      %select_n3A_885 = arith.select %and3A_884, %add3A_872, %select_n3A_869 : vector<16xi1>, vector<16xi32>
      %add3A_886 = arith.constant 4 : i32
      %add3A_887 = vector.broadcast %add3A_886 : i32 to vector<16xi32>
      %add3A_888 = arith.addi %select_n3A_885, %add3A_887 : vector<16xi32>
      %min3A_889 = arith.constant 255 : i32
      %min3A_890 = vector.broadcast %min3A_889 : i32 to vector<16xi32>
      %min3A_891 = arith.minsi %add3A_888, %min3A_890 : vector<16xi32>
      %sub3A_892 = arith.constant 1 : i32
      %sub3A_893 = vector.broadcast %sub3A_892 : i32 to vector<16xi32>
      %sub3A_894 = arith.subi %min3A_891, %sub3A_893 : vector<16xi32>
      %gather3A_895 = tpu.vector_load_idx %arg7[%sub3A_894] : memref<256xf32, #tpu.memory_space<vmem>>[vector<16xi32>], vector<16xf32>,
      %le3A_896 = arith.constant 255 : i32
      %le3A_897 = vector.broadcast %le3A_896 : i32 to vector<16xi32>
      %le3A_898 = arith.cmpi sle, %add3A_888, %le3A_897 : vector<16xi32>
      %lt3A_899 = arith.cmpf olt, %gather3A_895, %min3A_805 : vector<16xf32>
      %and3A_900 = arith.andi %le3A_898, %lt3A_899 : vector<16xi1>
      %select_n3A_901 = arith.select %and3A_900, %add3A_888, %select_n3A_885 : vector<16xi1>, vector<16xi32>
      %add3A_902 = arith.constant 2 : i32
      %add3A_903 = vector.broadcast %add3A_902 : i32 to vector<16xi32>
      %add3A_904 = arith.addi %select_n3A_901, %add3A_903 : vector<16xi32>
      %min3A_905 = arith.constant 255 : i32
      %min3A_906 = vector.broadcast %min3A_905 : i32 to vector<16xi32>
      %min3A_907 = arith.minsi %add3A_904, %min3A_906 : vector<16xi32>
      %sub3A_908 = arith.constant 1 : i32
      %sub3A_909 = vector.broadcast %sub3A_908 : i32 to vector<16xi32>
      %sub3A_910 = arith.subi %min3A_907, %sub3A_909 : vector<16xi32>
      %gather3A_911 = tpu.vector_load_idx %arg7[%sub3A_910] : memref<256xf32, #tpu.memory_space<vmem>>[vector<16xi32>], vector<16xf32>,
      %le3A_912 = arith.constant 255 : i32
      %le3A_913 = vector.broadcast %le3A_912 : i32 to vector<16xi32>
      %le3A_914 = arith.cmpi sle, %add3A_904, %le3A_913 : vector<16xi32>
      %lt3A_915 = arith.cmpf olt, %gather3A_911, %min3A_805 : vector<16xf32>
      %and3A_916 = arith.andi %le3A_914, %lt3A_915 : vector<16xi1>
      %select_n3A_917 = arith.select %and3A_916, %add3A_904, %select_n3A_901 : vector<16xi1>, vector<16xi32>
      %add3A_918 = arith.constant 1 : i32
      %add3A_919 = vector.broadcast %add3A_918 : i32 to vector<16xi32>
      %add3A_920 = arith.addi %select_n3A_917, %add3A_919 : vector<16xi32>
      %min3A_921 = arith.constant 255 : i32
      %min3A_922 = vector.broadcast %min3A_921 : i32 to vector<16xi32>
      %min3A_923 = arith.minsi %add3A_920, %min3A_922 : vector<16xi32>
      %sub3A_924 = arith.constant 1 : i32
      %sub3A_925 = vector.broadcast %sub3A_924 : i32 to vector<16xi32>
      %sub3A_926 = arith.subi %min3A_923, %sub3A_925 : vector<16xi32>
      %gather3A_927 = tpu.vector_load_idx %arg7[%sub3A_926] : memref<256xf32, #tpu.memory_space<vmem>>[vector<16xi32>], vector<16xf32>,
      %le3A_928 = arith.constant 255 : i32
      %le3A_929 = vector.broadcast %le3A_928 : i32 to vector<16xi32>
      %le3A_930 = arith.cmpi sle, %add3A_920, %le3A_929 : vector<16xi32>
      %lt3A_931 = arith.cmpf olt, %gather3A_927, %min3A_805 : vector<16xf32>
      %and3A_932 = arith.andi %le3A_930, %lt3A_931 : vector<16xi1>
      %select_n3A_933 = arith.select %and3A_932, %add3A_920, %select_n3A_917 : vector<16xi1>, vector<16xi32>
      %sub3A_934 = arith.constant 1 : i32
      %sub3A_935 = vector.broadcast %sub3A_934 : i32 to vector<16xi32>
      %sub3A_936 = arith.subi %select_n3A_933, %sub3A_935 : vector<16xi32>
      %jit3A_937 = arith.constant 0 : i32
      %jit3A_938 = arith.constant 253 : i32
      %max3A_939 = vector.broadcast %jit3A_937 : i32 to vector<16xi32>
      %max3A_940 = arith.maxsi %max3A_939, %sub3A_936 : vector<16xi32>
      %min3A_941 = vector.broadcast %jit3A_938 : i32 to vector<16xi32>
      %min3A_942 = arith.minsi %min3A_941, %max3A_940 : vector<16xi32>
      %add3A_943 = arith.constant 1 : i32
      %add3A_944 = vector.broadcast %add3A_943 : i32 to vector<16xi32>
      %add3A_945 = arith.addi %min3A_942, %add3A_944 : vector<16xi32>
      %gather3A_946 = tpu.vector_load_idx %arg7[%min3A_942] : memref<256xf32, #tpu.memory_space<vmem>>[vector<16xi32>], vector<16xf32>,
      %gather3A_947 = tpu.vector_load_idx %arg7[%add3A_945] : memref<256xf32, #tpu.memory_space<vmem>>[vector<16xi32>], vector<16xf32>,
      %sub3A_948 = arith.subf %min3A_805, %gather3A_946 : vector<16xf32>
      %sub3A_949 = arith.subf %gather3A_947, %gather3A_946 : vector<16xf32>
      %add3A_950 = arith.constant 9.99999993E-9 : f32
      %add3A_951 = vector.broadcast %add3A_950 : f32 to vector<16xf32>
      %add3A_952 = arith.addf %sub3A_949, %add3A_951 : vector<16xf32>
      %div3A_953 = arith.divf %sub3A_948, %add3A_952 : vector<16xf32>
      %sub3A_954 = arith.constant 1.000000e+00 : f32
      %sub3A_955 = vector.broadcast %sub3A_954 : f32 to vector<16xf32>
      %sub3A_956 = arith.subf %sub3A_955, %div3A_953 : vector<16xf32>
      %add3A_957 = arith.constant 64 : i32
      %add3A_958 = vector.broadcast %add3A_957 : i32 to vector<16xi32>
      %add3A_959 = arith.addi %iota3A, %add3A_958 : vector<16xi32>
      %scatter3A_960 = arith.constant 0 : i32
      %scatter3A_961 = arith.constant 0 : i32
      %scatter3A_962 = arith.constant 0 : i32
      %scatter3A_963 = tpu.memref_slice %arg8[%scatter3A_960, %scatter3A_961, %scatter3A_962] : memref<2x128x255xf32, #tpu.memory_space<vmem>> -> memref<1x128x255xf32, #tpu.memory_space<vmem>>
      %scatter3A_964 = tpu.memref_squeeze %scatter3A_963 : memref<1x128x255xf32, #tpu.memory_space<vmem>> -> memref<128x255xf32, #tpu.memory_space<vmem>>
      tpu.vector_store_idx %scatter3A_964[%add3A_959, %min3A_942], %sub3A_956 : memref<128x255xf32, #tpu.memory_space<vmem>>[vector<16xi32>, vector<16xi32>], vector<16xf32>,
      %scatter3A_965 = arith.constant 0 : i32
      %scatter3A_966 = arith.constant 0 : i32
      %scatter3A_967 = arith.constant 0 : i32
      %scatter3A_968 = tpu.memref_slice %arg8[%scatter3A_965, %scatter3A_966, %scatter3A_967] : memref<2x128x255xf32, #tpu.memory_space<vmem>> -> memref<1x128x255xf32, #tpu.memory_space<vmem>>
      %scatter3A_969 = tpu.memref_squeeze %scatter3A_968 : memref<1x128x255xf32, #tpu.memory_space<vmem>> -> memref<128x255xf32, #tpu.memory_space<vmem>>
      tpu.vector_store_idx %scatter3A_969[%add3A_959, %add3A_945], %div3A_953 : memref<128x255xf32, #tpu.memory_space<vmem>>[vector<16xi32>, vector<16xi32>], vector<16xf32>,
      %swap3A_970 = arith.constant 128 : index
      %swap3A_971 = tpu.vector_load %arg9[%swap3A_970] {strides = array<i32>} : memref<512xi32, #tpu.memory_space<vmem>>, vector<16xi32>,
      tpu.vector_store %arg9[%swap3A_970], %min3A_942 {strides = array<i32>} : memref<512xi32, #tpu.memory_space<vmem>>, vector<16xi32>,
      %swap3A_972 = arith.constant 144 : index
      %swap3A_973 = tpu.vector_load %arg9[%swap3A_972] {strides = array<i32>} : memref<512xi32, #tpu.memory_space<vmem>>, vector<16xi32>,
      tpu.vector_store %arg9[%swap3A_972], %add3A_945 {strides = array<i32>} : memref<512xi32, #tpu.memory_space<vmem>>, vector<16xi32>,
      %mul3A_974 = arith.constant 128 : i32
      %mul3A_975 = arith.muli %add3A_64, %mul3A_974 : i32
      %add3A_976 = arith.constant 80 : i32
      %add3A_977 = arith.addi %mul3A_975, %add3A_976 : i32
      %get3A_978 = arith.index_cast %add3A_977 : i32 to index
      %get3A_979 = tpu.vector_load %arg6[%get3A_978] {strides = array<i32>} : memref<8192xf32, #tpu.memory_space<vmem>>, vector<16xf32>,
      %max3A_980 = arith.maximumf %get3A_979, %gather3A : vector<16xf32>
      %min3A_981 = arith.minimumf %max3A_980, %gather3A_18 : vector<16xf32>
      %add3A_982 = arith.constant 128 : i32
      %add3A_983 = vector.broadcast %add3A_982 : i32 to vector<16xi32>
      %add3A_984 = arith.addi %broadcast_in_dim3A_12, %add3A_983 : vector<16xi32>
      %min3A_985 = arith.constant 255 : i32
      %min3A_986 = vector.broadcast %min3A_985 : i32 to vector<16xi32>
      %min3A_987 = arith.minsi %add3A_984, %min3A_986 : vector<16xi32>
      %sub3A_988 = arith.constant 1 : i32
      %sub3A_989 = vector.broadcast %sub3A_988 : i32 to vector<16xi32>
      %sub3A_990 = arith.subi %min3A_987, %sub3A_989 : vector<16xi32>
      %gather3A_991 = tpu.vector_load_idx %arg7[%sub3A_990] : memref<256xf32, #tpu.memory_space<vmem>>[vector<16xi32>], vector<16xf32>,
      %le3A_992 = arith.constant 255 : i32
      %le3A_993 = vector.broadcast %le3A_992 : i32 to vector<16xi32>
      %le3A_994 = arith.cmpi sle, %add3A_984, %le3A_993 : vector<16xi32>
      %lt3A_995 = arith.cmpf olt, %gather3A_991, %min3A_981 : vector<16xf32>
      %and3A_996 = arith.andi %le3A_994, %lt3A_995 : vector<16xi1>
      %select_n3A_997 = arith.select %and3A_996, %add3A_984, %broadcast_in_dim3A_12 : vector<16xi1>, vector<16xi32>
      %add3A_998 = arith.constant 64 : i32
      %add3A_999 = vector.broadcast %add3A_998 : i32 to vector<16xi32>
      %add3A_1000 = arith.addi %select_n3A_997, %add3A_999 : vector<16xi32>
      %min3A_1001 = arith.constant 255 : i32
      %min3A_1002 = vector.broadcast %min3A_1001 : i32 to vector<16xi32>
      %min3A_1003 = arith.minsi %add3A_1000, %min3A_1002 : vector<16xi32>
      %sub3A_1004 = arith.constant 1 : i32
      %sub3A_1005 = vector.broadcast %sub3A_1004 : i32 to vector<16xi32>
      %sub3A_1006 = arith.subi %min3A_1003, %sub3A_1005 : vector<16xi32>
      %gather3A_1007 = tpu.vector_load_idx %arg7[%sub3A_1006] : memref<256xf32, #tpu.memory_space<vmem>>[vector<16xi32>], vector<16xf32>,
      %le3A_1008 = arith.constant 255 : i32
      %le3A_1009 = vector.broadcast %le3A_1008 : i32 to vector<16xi32>
      %le3A_1010 = arith.cmpi sle, %add3A_1000, %le3A_1009 : vector<16xi32>
      %lt3A_1011 = arith.cmpf olt, %gather3A_1007, %min3A_981 : vector<16xf32>
      %and3A_1012 = arith.andi %le3A_1010, %lt3A_1011 : vector<16xi1>
      %select_n3A_1013 = arith.select %and3A_1012, %add3A_1000, %select_n3A_997 : vector<16xi1>, vector<16xi32>
      %add3A_1014 = arith.constant 32 : i32
      %add3A_1015 = vector.broadcast %add3A_1014 : i32 to vector<16xi32>
      %add3A_1016 = arith.addi %select_n3A_1013, %add3A_1015 : vector<16xi32>
      %min3A_1017 = arith.constant 255 : i32
      %min3A_1018 = vector.broadcast %min3A_1017 : i32 to vector<16xi32>
      %min3A_1019 = arith.minsi %add3A_1016, %min3A_1018 : vector<16xi32>
      %sub3A_1020 = arith.constant 1 : i32
      %sub3A_1021 = vector.broadcast %sub3A_1020 : i32 to vector<16xi32>
      %sub3A_1022 = arith.subi %min3A_1019, %sub3A_1021 : vector<16xi32>
      %gather3A_1023 = tpu.vector_load_idx %arg7[%sub3A_1022] : memref<256xf32, #tpu.memory_space<vmem>>[vector<16xi32>], vector<16xf32>,
      %le3A_1024 = arith.constant 255 : i32
      %le3A_1025 = vector.broadcast %le3A_1024 : i32 to vector<16xi32>
      %le3A_1026 = arith.cmpi sle, %add3A_1016, %le3A_1025 : vector<16xi32>
      %lt3A_1027 = arith.cmpf olt, %gather3A_1023, %min3A_981 : vector<16xf32>
      %and3A_1028 = arith.andi %le3A_1026, %lt3A_1027 : vector<16xi1>
      %select_n3A_1029 = arith.select %and3A_1028, %add3A_1016, %select_n3A_1013 : vector<16xi1>, vector<16xi32>
      %add3A_1030 = arith.constant 16 : i32
      %add3A_1031 = vector.broadcast %add3A_1030 : i32 to vector<16xi32>
      %add3A_1032 = arith.addi %select_n3A_1029, %add3A_1031 : vector<16xi32>
      %min3A_1033 = arith.constant 255 : i32
      %min3A_1034 = vector.broadcast %min3A_1033 : i32 to vector<16xi32>
      %min3A_1035 = arith.minsi %add3A_1032, %min3A_1034 : vector<16xi32>
      %sub3A_1036 = arith.constant 1 : i32
      %sub3A_1037 = vector.broadcast %sub3A_1036 : i32 to vector<16xi32>
      %sub3A_1038 = arith.subi %min3A_1035, %sub3A_1037 : vector<16xi32>
      %gather3A_1039 = tpu.vector_load_idx %arg7[%sub3A_1038] : memref<256xf32, #tpu.memory_space<vmem>>[vector<16xi32>], vector<16xf32>,
      %le3A_1040 = arith.constant 255 : i32
      %le3A_1041 = vector.broadcast %le3A_1040 : i32 to vector<16xi32>
      %le3A_1042 = arith.cmpi sle, %add3A_1032, %le3A_1041 : vector<16xi32>
      %lt3A_1043 = arith.cmpf olt, %gather3A_1039, %min3A_981 : vector<16xf32>
      %and3A_1044 = arith.andi %le3A_1042, %lt3A_1043 : vector<16xi1>
      %select_n3A_1045 = arith.select %and3A_1044, %add3A_1032, %select_n3A_1029 : vector<16xi1>, vector<16xi32>
      %add3A_1046 = arith.constant 8 : i32
      %add3A_1047 = vector.broadcast %add3A_1046 : i32 to vector<16xi32>
      %add3A_1048 = arith.addi %select_n3A_1045, %add3A_1047 : vector<16xi32>
      %min3A_1049 = arith.constant 255 : i32
      %min3A_1050 = vector.broadcast %min3A_1049 : i32 to vector<16xi32>
      %min3A_1051 = arith.minsi %add3A_1048, %min3A_1050 : vector<16xi32>
      %sub3A_1052 = arith.constant 1 : i32
      %sub3A_1053 = vector.broadcast %sub3A_1052 : i32 to vector<16xi32>
      %sub3A_1054 = arith.subi %min3A_1051, %sub3A_1053 : vector<16xi32>
      %gather3A_1055 = tpu.vector_load_idx %arg7[%sub3A_1054] : memref<256xf32, #tpu.memory_space<vmem>>[vector<16xi32>], vector<16xf32>,
      %le3A_1056 = arith.constant 255 : i32
      %le3A_1057 = vector.broadcast %le3A_1056 : i32 to vector<16xi32>
      %le3A_1058 = arith.cmpi sle, %add3A_1048, %le3A_1057 : vector<16xi32>
      %lt3A_1059 = arith.cmpf olt, %gather3A_1055, %min3A_981 : vector<16xf32>
      %and3A_1060 = arith.andi %le3A_1058, %lt3A_1059 : vector<16xi1>
      %select_n3A_1061 = arith.select %and3A_1060, %add3A_1048, %select_n3A_1045 : vector<16xi1>, vector<16xi32>
      %add3A_1062 = arith.constant 4 : i32
      %add3A_1063 = vector.broadcast %add3A_1062 : i32 to vector<16xi32>
      %add3A_1064 = arith.addi %select_n3A_1061, %add3A_1063 : vector<16xi32>
      %min3A_1065 = arith.constant 255 : i32
      %min3A_1066 = vector.broadcast %min3A_1065 : i32 to vector<16xi32>
      %min3A_1067 = arith.minsi %add3A_1064, %min3A_1066 : vector<16xi32>
      %sub3A_1068 = arith.constant 1 : i32
      %sub3A_1069 = vector.broadcast %sub3A_1068 : i32 to vector<16xi32>
      %sub3A_1070 = arith.subi %min3A_1067, %sub3A_1069 : vector<16xi32>
      %gather3A_1071 = tpu.vector_load_idx %arg7[%sub3A_1070] : memref<256xf32, #tpu.memory_space<vmem>>[vector<16xi32>], vector<16xf32>,
      %le3A_1072 = arith.constant 255 : i32
      %le3A_1073 = vector.broadcast %le3A_1072 : i32 to vector<16xi32>
      %le3A_1074 = arith.cmpi sle, %add3A_1064, %le3A_1073 : vector<16xi32>
      %lt3A_1075 = arith.cmpf olt, %gather3A_1071, %min3A_981 : vector<16xf32>
      %and3A_1076 = arith.andi %le3A_1074, %lt3A_1075 : vector<16xi1>
      %select_n3A_1077 = arith.select %and3A_1076, %add3A_1064, %select_n3A_1061 : vector<16xi1>, vector<16xi32>
      %add3A_1078 = arith.constant 2 : i32
      %add3A_1079 = vector.broadcast %add3A_1078 : i32 to vector<16xi32>
      %add3A_1080 = arith.addi %select_n3A_1077, %add3A_1079 : vector<16xi32>
      %min3A_1081 = arith.constant 255 : i32
      %min3A_1082 = vector.broadcast %min3A_1081 : i32 to vector<16xi32>
      %min3A_1083 = arith.minsi %add3A_1080, %min3A_1082 : vector<16xi32>
      %sub3A_1084 = arith.constant 1 : i32
      %sub3A_1085 = vector.broadcast %sub3A_1084 : i32 to vector<16xi32>
      %sub3A_1086 = arith.subi %min3A_1083, %sub3A_1085 : vector<16xi32>
      %gather3A_1087 = tpu.vector_load_idx %arg7[%sub3A_1086] : memref<256xf32, #tpu.memory_space<vmem>>[vector<16xi32>], vector<16xf32>,
      %le3A_1088 = arith.constant 255 : i32
      %le3A_1089 = vector.broadcast %le3A_1088 : i32 to vector<16xi32>
      %le3A_1090 = arith.cmpi sle, %add3A_1080, %le3A_1089 : vector<16xi32>
      %lt3A_1091 = arith.cmpf olt, %gather3A_1087, %min3A_981 : vector<16xf32>
      %and3A_1092 = arith.andi %le3A_1090, %lt3A_1091 : vector<16xi1>
      %select_n3A_1093 = arith.select %and3A_1092, %add3A_1080, %select_n3A_1077 : vector<16xi1>, vector<16xi32>
      %add3A_1094 = arith.constant 1 : i32
      %add3A_1095 = vector.broadcast %add3A_1094 : i32 to vector<16xi32>
      %add3A_1096 = arith.addi %select_n3A_1093, %add3A_1095 : vector<16xi32>
      %min3A_1097 = arith.constant 255 : i32
      %min3A_1098 = vector.broadcast %min3A_1097 : i32 to vector<16xi32>
      %min3A_1099 = arith.minsi %add3A_1096, %min3A_1098 : vector<16xi32>
      %sub3A_1100 = arith.constant 1 : i32
      %sub3A_1101 = vector.broadcast %sub3A_1100 : i32 to vector<16xi32>
      %sub3A_1102 = arith.subi %min3A_1099, %sub3A_1101 : vector<16xi32>
      %gather3A_1103 = tpu.vector_load_idx %arg7[%sub3A_1102] : memref<256xf32, #tpu.memory_space<vmem>>[vector<16xi32>], vector<16xf32>,
      %le3A_1104 = arith.constant 255 : i32
      %le3A_1105 = vector.broadcast %le3A_1104 : i32 to vector<16xi32>
      %le3A_1106 = arith.cmpi sle, %add3A_1096, %le3A_1105 : vector<16xi32>
      %lt3A_1107 = arith.cmpf olt, %gather3A_1103, %min3A_981 : vector<16xf32>
      %and3A_1108 = arith.andi %le3A_1106, %lt3A_1107 : vector<16xi1>
      %select_n3A_1109 = arith.select %and3A_1108, %add3A_1096, %select_n3A_1093 : vector<16xi1>, vector<16xi32>
      %sub3A_1110 = arith.constant 1 : i32
      %sub3A_1111 = vector.broadcast %sub3A_1110 : i32 to vector<16xi32>
      %sub3A_1112 = arith.subi %select_n3A_1109, %sub3A_1111 : vector<16xi32>
      %jit3A_1113 = arith.constant 0 : i32
      %jit3A_1114 = arith.constant 253 : i32
      %max3A_1115 = vector.broadcast %jit3A_1113 : i32 to vector<16xi32>
      %max3A_1116 = arith.maxsi %max3A_1115, %sub3A_1112 : vector<16xi32>
      %min3A_1117 = vector.broadcast %jit3A_1114 : i32 to vector<16xi32>
      %min3A_1118 = arith.minsi %min3A_1117, %max3A_1116 : vector<16xi32>
      %add3A_1119 = arith.constant 1 : i32
      %add3A_1120 = vector.broadcast %add3A_1119 : i32 to vector<16xi32>
      %add3A_1121 = arith.addi %min3A_1118, %add3A_1120 : vector<16xi32>
      %gather3A_1122 = tpu.vector_load_idx %arg7[%min3A_1118] : memref<256xf32, #tpu.memory_space<vmem>>[vector<16xi32>], vector<16xf32>,
      %gather3A_1123 = tpu.vector_load_idx %arg7[%add3A_1121] : memref<256xf32, #tpu.memory_space<vmem>>[vector<16xi32>], vector<16xf32>,
      %sub3A_1124 = arith.subf %min3A_981, %gather3A_1122 : vector<16xf32>
      %sub3A_1125 = arith.subf %gather3A_1123, %gather3A_1122 : vector<16xf32>
      %add3A_1126 = arith.constant 9.99999993E-9 : f32
      %add3A_1127 = vector.broadcast %add3A_1126 : f32 to vector<16xf32>
      %add3A_1128 = arith.addf %sub3A_1125, %add3A_1127 : vector<16xf32>
      %div3A_1129 = arith.divf %sub3A_1124, %add3A_1128 : vector<16xf32>
      %sub3A_1130 = arith.constant 1.000000e+00 : f32
      %sub3A_1131 = vector.broadcast %sub3A_1130 : f32 to vector<16xf32>
      %sub3A_1132 = arith.subf %sub3A_1131, %div3A_1129 : vector<16xf32>
      %add3A_1133 = arith.constant 80 : i32
      %add3A_1134 = vector.broadcast %add3A_1133 : i32 to vector<16xi32>
      %add3A_1135 = arith.addi %iota3A, %add3A_1134 : vector<16xi32>
      %scatter3A_1136 = arith.constant 0 : i32
      %scatter3A_1137 = arith.constant 0 : i32
      %scatter3A_1138 = arith.constant 0 : i32
      %scatter3A_1139 = tpu.memref_slice %arg8[%scatter3A_1136, %scatter3A_1137, %scatter3A_1138] : memref<2x128x255xf32, #tpu.memory_space<vmem>> -> memref<1x128x255xf32, #tpu.memory_space<vmem>>
      %scatter3A_1140 = tpu.memref_squeeze %scatter3A_1139 : memref<1x128x255xf32, #tpu.memory_space<vmem>> -> memref<128x255xf32, #tpu.memory_space<vmem>>
      tpu.vector_store_idx %scatter3A_1140[%add3A_1135, %min3A_1118], %sub3A_1132 : memref<128x255xf32, #tpu.memory_space<vmem>>[vector<16xi32>, vector<16xi32>], vector<16xf32>,
      %scatter3A_1141 = arith.constant 0 : i32
      %scatter3A_1142 = arith.constant 0 : i32
      %scatter3A_1143 = arith.constant 0 : i32
      %scatter3A_1144 = tpu.memref_slice %arg8[%scatter3A_1141, %scatter3A_1142, %scatter3A_1143] : memref<2x128x255xf32, #tpu.memory_space<vmem>> -> memref<1x128x255xf32, #tpu.memory_space<vmem>>
      %scatter3A_1145 = tpu.memref_squeeze %scatter3A_1144 : memref<1x128x255xf32, #tpu.memory_space<vmem>> -> memref<128x255xf32, #tpu.memory_space<vmem>>
      tpu.vector_store_idx %scatter3A_1145[%add3A_1135, %add3A_1121], %div3A_1129 : memref<128x255xf32, #tpu.memory_space<vmem>>[vector<16xi32>, vector<16xi32>], vector<16xf32>,
      %swap3A_1146 = arith.constant 160 : index
      %swap3A_1147 = tpu.vector_load %arg9[%swap3A_1146] {strides = array<i32>} : memref<512xi32, #tpu.memory_space<vmem>>, vector<16xi32>,
      tpu.vector_store %arg9[%swap3A_1146], %min3A_1118 {strides = array<i32>} : memref<512xi32, #tpu.memory_space<vmem>>, vector<16xi32>,
      %swap3A_1148 = arith.constant 176 : index
      %swap3A_1149 = tpu.vector_load %arg9[%swap3A_1148] {strides = array<i32>} : memref<512xi32, #tpu.memory_space<vmem>>, vector<16xi32>,
      tpu.vector_store %arg9[%swap3A_1148], %add3A_1121 {strides = array<i32>} : memref<512xi32, #tpu.memory_space<vmem>>, vector<16xi32>,
      %mul3A_1150 = arith.constant 128 : i32
      %mul3A_1151 = arith.muli %add3A_64, %mul3A_1150 : i32
      %add3A_1152 = arith.constant 96 : i32
      %add3A_1153 = arith.addi %mul3A_1151, %add3A_1152 : i32
      %get3A_1154 = arith.index_cast %add3A_1153 : i32 to index
      %get3A_1155 = tpu.vector_load %arg6[%get3A_1154] {strides = array<i32>} : memref<8192xf32, #tpu.memory_space<vmem>>, vector<16xf32>,
      %max3A_1156 = arith.maximumf %get3A_1155, %gather3A : vector<16xf32>
      %min3A_1157 = arith.minimumf %max3A_1156, %gather3A_18 : vector<16xf32>
      %add3A_1158 = arith.constant 128 : i32
      %add3A_1159 = vector.broadcast %add3A_1158 : i32 to vector<16xi32>
      %add3A_1160 = arith.addi %broadcast_in_dim3A_12, %add3A_1159 : vector<16xi32>
      %min3A_1161 = arith.constant 255 : i32
      %min3A_1162 = vector.broadcast %min3A_1161 : i32 to vector<16xi32>
      %min3A_1163 = arith.minsi %add3A_1160, %min3A_1162 : vector<16xi32>
      %sub3A_1164 = arith.constant 1 : i32
      %sub3A_1165 = vector.broadcast %sub3A_1164 : i32 to vector<16xi32>
      %sub3A_1166 = arith.subi %min3A_1163, %sub3A_1165 : vector<16xi32>
      %gather3A_1167 = tpu.vector_load_idx %arg7[%sub3A_1166] : memref<256xf32, #tpu.memory_space<vmem>>[vector<16xi32>], vector<16xf32>,
      %le3A_1168 = arith.constant 255 : i32
      %le3A_1169 = vector.broadcast %le3A_1168 : i32 to vector<16xi32>
      %le3A_1170 = arith.cmpi sle, %add3A_1160, %le3A_1169 : vector<16xi32>
      %lt3A_1171 = arith.cmpf olt, %gather3A_1167, %min3A_1157 : vector<16xf32>
      %and3A_1172 = arith.andi %le3A_1170, %lt3A_1171 : vector<16xi1>
      %select_n3A_1173 = arith.select %and3A_1172, %add3A_1160, %broadcast_in_dim3A_12 : vector<16xi1>, vector<16xi32>
      %add3A_1174 = arith.constant 64 : i32
      %add3A_1175 = vector.broadcast %add3A_1174 : i32 to vector<16xi32>
      %add3A_1176 = arith.addi %select_n3A_1173, %add3A_1175 : vector<16xi32>
      %min3A_1177 = arith.constant 255 : i32
      %min3A_1178 = vector.broadcast %min3A_1177 : i32 to vector<16xi32>
      %min3A_1179 = arith.minsi %add3A_1176, %min3A_1178 : vector<16xi32>
      %sub3A_1180 = arith.constant 1 : i32
      %sub3A_1181 = vector.broadcast %sub3A_1180 : i32 to vector<16xi32>
      %sub3A_1182 = arith.subi %min3A_1179, %sub3A_1181 : vector<16xi32>
      %gather3A_1183 = tpu.vector_load_idx %arg7[%sub3A_1182] : memref<256xf32, #tpu.memory_space<vmem>>[vector<16xi32>], vector<16xf32>,
      %le3A_1184 = arith.constant 255 : i32
      %le3A_1185 = vector.broadcast %le3A_1184 : i32 to vector<16xi32>
      %le3A_1186 = arith.cmpi sle, %add3A_1176, %le3A_1185 : vector<16xi32>
      %lt3A_1187 = arith.cmpf olt, %gather3A_1183, %min3A_1157 : vector<16xf32>
      %and3A_1188 = arith.andi %le3A_1186, %lt3A_1187 : vector<16xi1>
      %select_n3A_1189 = arith.select %and3A_1188, %add3A_1176, %select_n3A_1173 : vector<16xi1>, vector<16xi32>
      %add3A_1190 = arith.constant 32 : i32
      %add3A_1191 = vector.broadcast %add3A_1190 : i32 to vector<16xi32>
      %add3A_1192 = arith.addi %select_n3A_1189, %add3A_1191 : vector<16xi32>
      %min3A_1193 = arith.constant 255 : i32
      %min3A_1194 = vector.broadcast %min3A_1193 : i32 to vector<16xi32>
      %min3A_1195 = arith.minsi %add3A_1192, %min3A_1194 : vector<16xi32>
      %sub3A_1196 = arith.constant 1 : i32
      %sub3A_1197 = vector.broadcast %sub3A_1196 : i32 to vector<16xi32>
      %sub3A_1198 = arith.subi %min3A_1195, %sub3A_1197 : vector<16xi32>
      %gather3A_1199 = tpu.vector_load_idx %arg7[%sub3A_1198] : memref<256xf32, #tpu.memory_space<vmem>>[vector<16xi32>], vector<16xf32>,
      %le3A_1200 = arith.constant 255 : i32
      %le3A_1201 = vector.broadcast %le3A_1200 : i32 to vector<16xi32>
      %le3A_1202 = arith.cmpi sle, %add3A_1192, %le3A_1201 : vector<16xi32>
      %lt3A_1203 = arith.cmpf olt, %gather3A_1199, %min3A_1157 : vector<16xf32>
      %and3A_1204 = arith.andi %le3A_1202, %lt3A_1203 : vector<16xi1>
      %select_n3A_1205 = arith.select %and3A_1204, %add3A_1192, %select_n3A_1189 : vector<16xi1>, vector<16xi32>
      %add3A_1206 = arith.constant 16 : i32
      %add3A_1207 = vector.broadcast %add3A_1206 : i32 to vector<16xi32>
      %add3A_1208 = arith.addi %select_n3A_1205, %add3A_1207 : vector<16xi32>
      %min3A_1209 = arith.constant 255 : i32
      %min3A_1210 = vector.broadcast %min3A_1209 : i32 to vector<16xi32>
      %min3A_1211 = arith.minsi %add3A_1208, %min3A_1210 : vector<16xi32>
      %sub3A_1212 = arith.constant 1 : i32
      %sub3A_1213 = vector.broadcast %sub3A_1212 : i32 to vector<16xi32>
      %sub3A_1214 = arith.subi %min3A_1211, %sub3A_1213 : vector<16xi32>
      %gather3A_1215 = tpu.vector_load_idx %arg7[%sub3A_1214] : memref<256xf32, #tpu.memory_space<vmem>>[vector<16xi32>], vector<16xf32>,
      %le3A_1216 = arith.constant 255 : i32
      %le3A_1217 = vector.broadcast %le3A_1216 : i32 to vector<16xi32>
      %le3A_1218 = arith.cmpi sle, %add3A_1208, %le3A_1217 : vector<16xi32>
      %lt3A_1219 = arith.cmpf olt, %gather3A_1215, %min3A_1157 : vector<16xf32>
      %and3A_1220 = arith.andi %le3A_1218, %lt3A_1219 : vector<16xi1>
      %select_n3A_1221 = arith.select %and3A_1220, %add3A_1208, %select_n3A_1205 : vector<16xi1>, vector<16xi32>
      %add3A_1222 = arith.constant 8 : i32
      %add3A_1223 = vector.broadcast %add3A_1222 : i32 to vector<16xi32>
      %add3A_1224 = arith.addi %select_n3A_1221, %add3A_1223 : vector<16xi32>
      %min3A_1225 = arith.constant 255 : i32
      %min3A_1226 = vector.broadcast %min3A_1225 : i32 to vector<16xi32>
      %min3A_1227 = arith.minsi %add3A_1224, %min3A_1226 : vector<16xi32>
      %sub3A_1228 = arith.constant 1 : i32
      %sub3A_1229 = vector.broadcast %sub3A_1228 : i32 to vector<16xi32>
      %sub3A_1230 = arith.subi %min3A_1227, %sub3A_1229 : vector<16xi32>
      %gather3A_1231 = tpu.vector_load_idx %arg7[%sub3A_1230] : memref<256xf32, #tpu.memory_space<vmem>>[vector<16xi32>], vector<16xf32>,
      %le3A_1232 = arith.constant 255 : i32
      %le3A_1233 = vector.broadcast %le3A_1232 : i32 to vector<16xi32>
      %le3A_1234 = arith.cmpi sle, %add3A_1224, %le3A_1233 : vector<16xi32>
      %lt3A_1235 = arith.cmpf olt, %gather3A_1231, %min3A_1157 : vector<16xf32>
      %and3A_1236 = arith.andi %le3A_1234, %lt3A_1235 : vector<16xi1>
      %select_n3A_1237 = arith.select %and3A_1236, %add3A_1224, %select_n3A_1221 : vector<16xi1>, vector<16xi32>
      %add3A_1238 = arith.constant 4 : i32
      %add3A_1239 = vector.broadcast %add3A_1238 : i32 to vector<16xi32>
      %add3A_1240 = arith.addi %select_n3A_1237, %add3A_1239 : vector<16xi32>
      %min3A_1241 = arith.constant 255 : i32
      %min3A_1242 = vector.broadcast %min3A_1241 : i32 to vector<16xi32>
      %min3A_1243 = arith.minsi %add3A_1240, %min3A_1242 : vector<16xi32>
      %sub3A_1244 = arith.constant 1 : i32
      %sub3A_1245 = vector.broadcast %sub3A_1244 : i32 to vector<16xi32>
      %sub3A_1246 = arith.subi %min3A_1243, %sub3A_1245 : vector<16xi32>
      %gather3A_1247 = tpu.vector_load_idx %arg7[%sub3A_1246] : memref<256xf32, #tpu.memory_space<vmem>>[vector<16xi32>], vector<16xf32>,
      %le3A_1248 = arith.constant 255 : i32
      %le3A_1249 = vector.broadcast %le3A_1248 : i32 to vector<16xi32>
      %le3A_1250 = arith.cmpi sle, %add3A_1240, %le3A_1249 : vector<16xi32>
      %lt3A_1251 = arith.cmpf olt, %gather3A_1247, %min3A_1157 : vector<16xf32>
      %and3A_1252 = arith.andi %le3A_1250, %lt3A_1251 : vector<16xi1>
      %select_n3A_1253 = arith.select %and3A_1252, %add3A_1240, %select_n3A_1237 : vector<16xi1>, vector<16xi32>
      %add3A_1254 = arith.constant 2 : i32
      %add3A_1255 = vector.broadcast %add3A_1254 : i32 to vector<16xi32>
      %add3A_1256 = arith.addi %select_n3A_1253, %add3A_1255 : vector<16xi32>
      %min3A_1257 = arith.constant 255 : i32
      %min3A_1258 = vector.broadcast %min3A_1257 : i32 to vector<16xi32>
      %min3A_1259 = arith.minsi %add3A_1256, %min3A_1258 : vector<16xi32>
      %sub3A_1260 = arith.constant 1 : i32
      %sub3A_1261 = vector.broadcast %sub3A_1260 : i32 to vector<16xi32>
      %sub3A_1262 = arith.subi %min3A_1259, %sub3A_1261 : vector<16xi32>
      %gather3A_1263 = tpu.vector_load_idx %arg7[%sub3A_1262] : memref<256xf32, #tpu.memory_space<vmem>>[vector<16xi32>], vector<16xf32>,
      %le3A_1264 = arith.constant 255 : i32
      %le3A_1265 = vector.broadcast %le3A_1264 : i32 to vector<16xi32>
      %le3A_1266 = arith.cmpi sle, %add3A_1256, %le3A_1265 : vector<16xi32>
      %lt3A_1267 = arith.cmpf olt, %gather3A_1263, %min3A_1157 : vector<16xf32>
      %and3A_1268 = arith.andi %le3A_1266, %lt3A_1267 : vector<16xi1>
      %select_n3A_1269 = arith.select %and3A_1268, %add3A_1256, %select_n3A_1253 : vector<16xi1>, vector<16xi32>
      %add3A_1270 = arith.constant 1 : i32
      %add3A_1271 = vector.broadcast %add3A_1270 : i32 to vector<16xi32>
      %add3A_1272 = arith.addi %select_n3A_1269, %add3A_1271 : vector<16xi32>
      %min3A_1273 = arith.constant 255 : i32
      %min3A_1274 = vector.broadcast %min3A_1273 : i32 to vector<16xi32>
      %min3A_1275 = arith.minsi %add3A_1272, %min3A_1274 : vector<16xi32>
      %sub3A_1276 = arith.constant 1 : i32
      %sub3A_1277 = vector.broadcast %sub3A_1276 : i32 to vector<16xi32>
      %sub3A_1278 = arith.subi %min3A_1275, %sub3A_1277 : vector<16xi32>
      %gather3A_1279 = tpu.vector_load_idx %arg7[%sub3A_1278] : memref<256xf32, #tpu.memory_space<vmem>>[vector<16xi32>], vector<16xf32>,
      %le3A_1280 = arith.constant 255 : i32
      %le3A_1281 = vector.broadcast %le3A_1280 : i32 to vector<16xi32>
      %le3A_1282 = arith.cmpi sle, %add3A_1272, %le3A_1281 : vector<16xi32>
      %lt3A_1283 = arith.cmpf olt, %gather3A_1279, %min3A_1157 : vector<16xf32>
      %and3A_1284 = arith.andi %le3A_1282, %lt3A_1283 : vector<16xi1>
      %select_n3A_1285 = arith.select %and3A_1284, %add3A_1272, %select_n3A_1269 : vector<16xi1>, vector<16xi32>
      %sub3A_1286 = arith.constant 1 : i32
      %sub3A_1287 = vector.broadcast %sub3A_1286 : i32 to vector<16xi32>
      %sub3A_1288 = arith.subi %select_n3A_1285, %sub3A_1287 : vector<16xi32>
      %jit3A_1289 = arith.constant 0 : i32
      %jit3A_1290 = arith.constant 253 : i32
      %max3A_1291 = vector.broadcast %jit3A_1289 : i32 to vector<16xi32>
      %max3A_1292 = arith.maxsi %max3A_1291, %sub3A_1288 : vector<16xi32>
      %min3A_1293 = vector.broadcast %jit3A_1290 : i32 to vector<16xi32>
      %min3A_1294 = arith.minsi %min3A_1293, %max3A_1292 : vector<16xi32>
      %add3A_1295 = arith.constant 1 : i32
      %add3A_1296 = vector.broadcast %add3A_1295 : i32 to vector<16xi32>
      %add3A_1297 = arith.addi %min3A_1294, %add3A_1296 : vector<16xi32>
      %gather3A_1298 = tpu.vector_load_idx %arg7[%min3A_1294] : memref<256xf32, #tpu.memory_space<vmem>>[vector<16xi32>], vector<16xf32>,
      %gather3A_1299 = tpu.vector_load_idx %arg7[%add3A_1297] : memref<256xf32, #tpu.memory_space<vmem>>[vector<16xi32>], vector<16xf32>,
      %sub3A_1300 = arith.subf %min3A_1157, %gather3A_1298 : vector<16xf32>
      %sub3A_1301 = arith.subf %gather3A_1299, %gather3A_1298 : vector<16xf32>
      %add3A_1302 = arith.constant 9.99999993E-9 : f32
      %add3A_1303 = vector.broadcast %add3A_1302 : f32 to vector<16xf32>
      %add3A_1304 = arith.addf %sub3A_1301, %add3A_1303 : vector<16xf32>
      %div3A_1305 = arith.divf %sub3A_1300, %add3A_1304 : vector<16xf32>
      %sub3A_1306 = arith.constant 1.000000e+00 : f32
      %sub3A_1307 = vector.broadcast %sub3A_1306 : f32 to vector<16xf32>
      %sub3A_1308 = arith.subf %sub3A_1307, %div3A_1305 : vector<16xf32>
      %add3A_1309 = arith.constant 96 : i32
      %add3A_1310 = vector.broadcast %add3A_1309 : i32 to vector<16xi32>
      %add3A_1311 = arith.addi %iota3A, %add3A_1310 : vector<16xi32>
      %scatter3A_1312 = arith.constant 0 : i32
      %scatter3A_1313 = arith.constant 0 : i32
      %scatter3A_1314 = arith.constant 0 : i32
      %scatter3A_1315 = tpu.memref_slice %arg8[%scatter3A_1312, %scatter3A_1313, %scatter3A_1314] : memref<2x128x255xf32, #tpu.memory_space<vmem>> -> memref<1x128x255xf32, #tpu.memory_space<vmem>>
      %scatter3A_1316 = tpu.memref_squeeze %scatter3A_1315 : memref<1x128x255xf32, #tpu.memory_space<vmem>> -> memref<128x255xf32, #tpu.memory_space<vmem>>
      tpu.vector_store_idx %scatter3A_1316[%add3A_1311, %min3A_1294], %sub3A_1308 : memref<128x255xf32, #tpu.memory_space<vmem>>[vector<16xi32>, vector<16xi32>], vector<16xf32>,
      %scatter3A_1317 = arith.constant 0 : i32
      %scatter3A_1318 = arith.constant 0 : i32
      %scatter3A_1319 = arith.constant 0 : i32
      %scatter3A_1320 = tpu.memref_slice %arg8[%scatter3A_1317, %scatter3A_1318, %scatter3A_1319] : memref<2x128x255xf32, #tpu.memory_space<vmem>> -> memref<1x128x255xf32, #tpu.memory_space<vmem>>
      %scatter3A_1321 = tpu.memref_squeeze %scatter3A_1320 : memref<1x128x255xf32, #tpu.memory_space<vmem>> -> memref<128x255xf32, #tpu.memory_space<vmem>>
      tpu.vector_store_idx %scatter3A_1321[%add3A_1311, %add3A_1297], %div3A_1305 : memref<128x255xf32, #tpu.memory_space<vmem>>[vector<16xi32>, vector<16xi32>], vector<16xf32>,
      %swap3A_1322 = arith.constant 192 : index
      %swap3A_1323 = tpu.vector_load %arg9[%swap3A_1322] {strides = array<i32>} : memref<512xi32, #tpu.memory_space<vmem>>, vector<16xi32>,
      tpu.vector_store %arg9[%swap3A_1322], %min3A_1294 {strides = array<i32>} : memref<512xi32, #tpu.memory_space<vmem>>, vector<16xi32>,
      %swap3A_1324 = arith.constant 208 : index
      %swap3A_1325 = tpu.vector_load %arg9[%swap3A_1324] {strides = array<i32>} : memref<512xi32, #tpu.memory_space<vmem>>, vector<16xi32>,
      tpu.vector_store %arg9[%swap3A_1324], %add3A_1297 {strides = array<i32>} : memref<512xi32, #tpu.memory_space<vmem>>, vector<16xi32>,
      %mul3A_1326 = arith.constant 128 : i32
      %mul3A_1327 = arith.muli %add3A_64, %mul3A_1326 : i32
      %add3A_1328 = arith.constant 112 : i32
      %add3A_1329 = arith.addi %mul3A_1327, %add3A_1328 : i32
      %get3A_1330 = arith.index_cast %add3A_1329 : i32 to index
      %get3A_1331 = tpu.vector_load %arg6[%get3A_1330] {strides = array<i32>} : memref<8192xf32, #tpu.memory_space<vmem>>, vector<16xf32>,
      %max3A_1332 = arith.maximumf %get3A_1331, %gather3A : vector<16xf32>
      %min3A_1333 = arith.minimumf %max3A_1332, %gather3A_18 : vector<16xf32>
      %add3A_1334 = arith.constant 128 : i32
      %add3A_1335 = vector.broadcast %add3A_1334 : i32 to vector<16xi32>
      %add3A_1336 = arith.addi %broadcast_in_dim3A_12, %add3A_1335 : vector<16xi32>
      %min3A_1337 = arith.constant 255 : i32
      %min3A_1338 = vector.broadcast %min3A_1337 : i32 to vector<16xi32>
      %min3A_1339 = arith.minsi %add3A_1336, %min3A_1338 : vector<16xi32>
      %sub3A_1340 = arith.constant 1 : i32
      %sub3A_1341 = vector.broadcast %sub3A_1340 : i32 to vector<16xi32>
      %sub3A_1342 = arith.subi %min3A_1339, %sub3A_1341 : vector<16xi32>
      %gather3A_1343 = tpu.vector_load_idx %arg7[%sub3A_1342] : memref<256xf32, #tpu.memory_space<vmem>>[vector<16xi32>], vector<16xf32>,
      %le3A_1344 = arith.constant 255 : i32
      %le3A_1345 = vector.broadcast %le3A_1344 : i32 to vector<16xi32>
      %le3A_1346 = arith.cmpi sle, %add3A_1336, %le3A_1345 : vector<16xi32>
      %lt3A_1347 = arith.cmpf olt, %gather3A_1343, %min3A_1333 : vector<16xf32>
      %and3A_1348 = arith.andi %le3A_1346, %lt3A_1347 : vector<16xi1>
      %select_n3A_1349 = arith.select %and3A_1348, %add3A_1336, %broadcast_in_dim3A_12 : vector<16xi1>, vector<16xi32>
      %add3A_1350 = arith.constant 64 : i32
      %add3A_1351 = vector.broadcast %add3A_1350 : i32 to vector<16xi32>
      %add3A_1352 = arith.addi %select_n3A_1349, %add3A_1351 : vector<16xi32>
      %min3A_1353 = arith.constant 255 : i32
      %min3A_1354 = vector.broadcast %min3A_1353 : i32 to vector<16xi32>
      %min3A_1355 = arith.minsi %add3A_1352, %min3A_1354 : vector<16xi32>
      %sub3A_1356 = arith.constant 1 : i32
      %sub3A_1357 = vector.broadcast %sub3A_1356 : i32 to vector<16xi32>
      %sub3A_1358 = arith.subi %min3A_1355, %sub3A_1357 : vector<16xi32>
      %gather3A_1359 = tpu.vector_load_idx %arg7[%sub3A_1358] : memref<256xf32, #tpu.memory_space<vmem>>[vector<16xi32>], vector<16xf32>,
      %le3A_1360 = arith.constant 255 : i32
      %le3A_1361 = vector.broadcast %le3A_1360 : i32 to vector<16xi32>
      %le3A_1362 = arith.cmpi sle, %add3A_1352, %le3A_1361 : vector<16xi32>
      %lt3A_1363 = arith.cmpf olt, %gather3A_1359, %min3A_1333 : vector<16xf32>
      %and3A_1364 = arith.andi %le3A_1362, %lt3A_1363 : vector<16xi1>
      %select_n3A_1365 = arith.select %and3A_1364, %add3A_1352, %select_n3A_1349 : vector<16xi1>, vector<16xi32>
      %add3A_1366 = arith.constant 32 : i32
      %add3A_1367 = vector.broadcast %add3A_1366 : i32 to vector<16xi32>
      %add3A_1368 = arith.addi %select_n3A_1365, %add3A_1367 : vector<16xi32>
      %min3A_1369 = arith.constant 255 : i32
      %min3A_1370 = vector.broadcast %min3A_1369 : i32 to vector<16xi32>
      %min3A_1371 = arith.minsi %add3A_1368, %min3A_1370 : vector<16xi32>
      %sub3A_1372 = arith.constant 1 : i32
      %sub3A_1373 = vector.broadcast %sub3A_1372 : i32 to vector<16xi32>
      %sub3A_1374 = arith.subi %min3A_1371, %sub3A_1373 : vector<16xi32>
      %gather3A_1375 = tpu.vector_load_idx %arg7[%sub3A_1374] : memref<256xf32, #tpu.memory_space<vmem>>[vector<16xi32>], vector<16xf32>,
      %le3A_1376 = arith.constant 255 : i32
      %le3A_1377 = vector.broadcast %le3A_1376 : i32 to vector<16xi32>
      %le3A_1378 = arith.cmpi sle, %add3A_1368, %le3A_1377 : vector<16xi32>
      %lt3A_1379 = arith.cmpf olt, %gather3A_1375, %min3A_1333 : vector<16xf32>
      %and3A_1380 = arith.andi %le3A_1378, %lt3A_1379 : vector<16xi1>
      %select_n3A_1381 = arith.select %and3A_1380, %add3A_1368, %select_n3A_1365 : vector<16xi1>, vector<16xi32>
      %add3A_1382 = arith.constant 16 : i32
      %add3A_1383 = vector.broadcast %add3A_1382 : i32 to vector<16xi32>
      %add3A_1384 = arith.addi %select_n3A_1381, %add3A_1383 : vector<16xi32>
      %min3A_1385 = arith.constant 255 : i32
      %min3A_1386 = vector.broadcast %min3A_1385 : i32 to vector<16xi32>
      %min3A_1387 = arith.minsi %add3A_1384, %min3A_1386 : vector<16xi32>
      %sub3A_1388 = arith.constant 1 : i32
      %sub3A_1389 = vector.broadcast %sub3A_1388 : i32 to vector<16xi32>
      %sub3A_1390 = arith.subi %min3A_1387, %sub3A_1389 : vector<16xi32>
      %gather3A_1391 = tpu.vector_load_idx %arg7[%sub3A_1390] : memref<256xf32, #tpu.memory_space<vmem>>[vector<16xi32>], vector<16xf32>,
      %le3A_1392 = arith.constant 255 : i32
      %le3A_1393 = vector.broadcast %le3A_1392 : i32 to vector<16xi32>
      %le3A_1394 = arith.cmpi sle, %add3A_1384, %le3A_1393 : vector<16xi32>
      %lt3A_1395 = arith.cmpf olt, %gather3A_1391, %min3A_1333 : vector<16xf32>
      %and3A_1396 = arith.andi %le3A_1394, %lt3A_1395 : vector<16xi1>
      %select_n3A_1397 = arith.select %and3A_1396, %add3A_1384, %select_n3A_1381 : vector<16xi1>, vector<16xi32>
      %add3A_1398 = arith.constant 8 : i32
      %add3A_1399 = vector.broadcast %add3A_1398 : i32 to vector<16xi32>
      %add3A_1400 = arith.addi %select_n3A_1397, %add3A_1399 : vector<16xi32>
      %min3A_1401 = arith.constant 255 : i32
      %min3A_1402 = vector.broadcast %min3A_1401 : i32 to vector<16xi32>
      %min3A_1403 = arith.minsi %add3A_1400, %min3A_1402 : vector<16xi32>
      %sub3A_1404 = arith.constant 1 : i32
      %sub3A_1405 = vector.broadcast %sub3A_1404 : i32 to vector<16xi32>
      %sub3A_1406 = arith.subi %min3A_1403, %sub3A_1405 : vector<16xi32>
      %gather3A_1407 = tpu.vector_load_idx %arg7[%sub3A_1406] : memref<256xf32, #tpu.memory_space<vmem>>[vector<16xi32>], vector<16xf32>,
      %le3A_1408 = arith.constant 255 : i32
      %le3A_1409 = vector.broadcast %le3A_1408 : i32 to vector<16xi32>
      %le3A_1410 = arith.cmpi sle, %add3A_1400, %le3A_1409 : vector<16xi32>
      %lt3A_1411 = arith.cmpf olt, %gather3A_1407, %min3A_1333 : vector<16xf32>
      %and3A_1412 = arith.andi %le3A_1410, %lt3A_1411 : vector<16xi1>
      %select_n3A_1413 = arith.select %and3A_1412, %add3A_1400, %select_n3A_1397 : vector<16xi1>, vector<16xi32>
      %add3A_1414 = arith.constant 4 : i32
      %add3A_1415 = vector.broadcast %add3A_1414 : i32 to vector<16xi32>
      %add3A_1416 = arith.addi %select_n3A_1413, %add3A_1415 : vector<16xi32>
      %min3A_1417 = arith.constant 255 : i32
      %min3A_1418 = vector.broadcast %min3A_1417 : i32 to vector<16xi32>
      %min3A_1419 = arith.minsi %add3A_1416, %min3A_1418 : vector<16xi32>
      %sub3A_1420 = arith.constant 1 : i32
      %sub3A_1421 = vector.broadcast %sub3A_1420 : i32 to vector<16xi32>
      %sub3A_1422 = arith.subi %min3A_1419, %sub3A_1421 : vector<16xi32>
      %gather3A_1423 = tpu.vector_load_idx %arg7[%sub3A_1422] : memref<256xf32, #tpu.memory_space<vmem>>[vector<16xi32>], vector<16xf32>,
      %le3A_1424 = arith.constant 255 : i32
      %le3A_1425 = vector.broadcast %le3A_1424 : i32 to vector<16xi32>
      %le3A_1426 = arith.cmpi sle, %add3A_1416, %le3A_1425 : vector<16xi32>
      %lt3A_1427 = arith.cmpf olt, %gather3A_1423, %min3A_1333 : vector<16xf32>
      %and3A_1428 = arith.andi %le3A_1426, %lt3A_1427 : vector<16xi1>
      %select_n3A_1429 = arith.select %and3A_1428, %add3A_1416, %select_n3A_1413 : vector<16xi1>, vector<16xi32>
      %add3A_1430 = arith.constant 2 : i32
      %add3A_1431 = vector.broadcast %add3A_1430 : i32 to vector<16xi32>
      %add3A_1432 = arith.addi %select_n3A_1429, %add3A_1431 : vector<16xi32>
      %min3A_1433 = arith.constant 255 : i32
      %min3A_1434 = vector.broadcast %min3A_1433 : i32 to vector<16xi32>
      %min3A_1435 = arith.minsi %add3A_1432, %min3A_1434 : vector<16xi32>
      %sub3A_1436 = arith.constant 1 : i32
      %sub3A_1437 = vector.broadcast %sub3A_1436 : i32 to vector<16xi32>
      %sub3A_1438 = arith.subi %min3A_1435, %sub3A_1437 : vector<16xi32>
      %gather3A_1439 = tpu.vector_load_idx %arg7[%sub3A_1438] : memref<256xf32, #tpu.memory_space<vmem>>[vector<16xi32>], vector<16xf32>,
      %le3A_1440 = arith.constant 255 : i32
      %le3A_1441 = vector.broadcast %le3A_1440 : i32 to vector<16xi32>
      %le3A_1442 = arith.cmpi sle, %add3A_1432, %le3A_1441 : vector<16xi32>
      %lt3A_1443 = arith.cmpf olt, %gather3A_1439, %min3A_1333 : vector<16xf32>
      %and3A_1444 = arith.andi %le3A_1442, %lt3A_1443 : vector<16xi1>
      %select_n3A_1445 = arith.select %and3A_1444, %add3A_1432, %select_n3A_1429 : vector<16xi1>, vector<16xi32>
      %add3A_1446 = arith.constant 1 : i32
      %add3A_1447 = vector.broadcast %add3A_1446 : i32 to vector<16xi32>
      %add3A_1448 = arith.addi %select_n3A_1445, %add3A_1447 : vector<16xi32>
      %min3A_1449 = arith.constant 255 : i32
      %min3A_1450 = vector.broadcast %min3A_1449 : i32 to vector<16xi32>
      %min3A_1451 = arith.minsi %add3A_1448, %min3A_1450 : vector<16xi32>
      %sub3A_1452 = arith.constant 1 : i32
      %sub3A_1453 = vector.broadcast %sub3A_1452 : i32 to vector<16xi32>
      %sub3A_1454 = arith.subi %min3A_1451, %sub3A_1453 : vector<16xi32>
      %gather3A_1455 = tpu.vector_load_idx %arg7[%sub3A_1454] : memref<256xf32, #tpu.memory_space<vmem>>[vector<16xi32>], vector<16xf32>,
      %le3A_1456 = arith.constant 255 : i32
      %le3A_1457 = vector.broadcast %le3A_1456 : i32 to vector<16xi32>
      %le3A_1458 = arith.cmpi sle, %add3A_1448, %le3A_1457 : vector<16xi32>
      %lt3A_1459 = arith.cmpf olt, %gather3A_1455, %min3A_1333 : vector<16xf32>
      %and3A_1460 = arith.andi %le3A_1458, %lt3A_1459 : vector<16xi1>
      %select_n3A_1461 = arith.select %and3A_1460, %add3A_1448, %select_n3A_1445 : vector<16xi1>, vector<16xi32>
      %sub3A_1462 = arith.constant 1 : i32
      %sub3A_1463 = vector.broadcast %sub3A_1462 : i32 to vector<16xi32>
      %sub3A_1464 = arith.subi %select_n3A_1461, %sub3A_1463 : vector<16xi32>
      %jit3A_1465 = arith.constant 0 : i32
      %jit3A_1466 = arith.constant 253 : i32
      %max3A_1467 = vector.broadcast %jit3A_1465 : i32 to vector<16xi32>
      %max3A_1468 = arith.maxsi %max3A_1467, %sub3A_1464 : vector<16xi32>
      %min3A_1469 = vector.broadcast %jit3A_1466 : i32 to vector<16xi32>
      %min3A_1470 = arith.minsi %min3A_1469, %max3A_1468 : vector<16xi32>
      %add3A_1471 = arith.constant 1 : i32
      %add3A_1472 = vector.broadcast %add3A_1471 : i32 to vector<16xi32>
      %add3A_1473 = arith.addi %min3A_1470, %add3A_1472 : vector<16xi32>
      %gather3A_1474 = tpu.vector_load_idx %arg7[%min3A_1470] : memref<256xf32, #tpu.memory_space<vmem>>[vector<16xi32>], vector<16xf32>,
      %gather3A_1475 = tpu.vector_load_idx %arg7[%add3A_1473] : memref<256xf32, #tpu.memory_space<vmem>>[vector<16xi32>], vector<16xf32>,
      %sub3A_1476 = arith.subf %min3A_1333, %gather3A_1474 : vector<16xf32>
      %sub3A_1477 = arith.subf %gather3A_1475, %gather3A_1474 : vector<16xf32>
      %add3A_1478 = arith.constant 9.99999993E-9 : f32
      %add3A_1479 = vector.broadcast %add3A_1478 : f32 to vector<16xf32>
      %add3A_1480 = arith.addf %sub3A_1477, %add3A_1479 : vector<16xf32>
      %div3A_1481 = arith.divf %sub3A_1476, %add3A_1480 : vector<16xf32>
      %sub3A_1482 = arith.constant 1.000000e+00 : f32
      %sub3A_1483 = vector.broadcast %sub3A_1482 : f32 to vector<16xf32>
      %sub3A_1484 = arith.subf %sub3A_1483, %div3A_1481 : vector<16xf32>
      %add3A_1485 = arith.constant 112 : i32
      %add3A_1486 = vector.broadcast %add3A_1485 : i32 to vector<16xi32>
      %add3A_1487 = arith.addi %iota3A, %add3A_1486 : vector<16xi32>
      %scatter3A_1488 = arith.constant 0 : i32
      %scatter3A_1489 = arith.constant 0 : i32
      %scatter3A_1490 = arith.constant 0 : i32
      %scatter3A_1491 = tpu.memref_slice %arg8[%scatter3A_1488, %scatter3A_1489, %scatter3A_1490] : memref<2x128x255xf32, #tpu.memory_space<vmem>> -> memref<1x128x255xf32, #tpu.memory_space<vmem>>
      %scatter3A_1492 = tpu.memref_squeeze %scatter3A_1491 : memref<1x128x255xf32, #tpu.memory_space<vmem>> -> memref<128x255xf32, #tpu.memory_space<vmem>>
      tpu.vector_store_idx %scatter3A_1492[%add3A_1487, %min3A_1470], %sub3A_1484 : memref<128x255xf32, #tpu.memory_space<vmem>>[vector<16xi32>, vector<16xi32>], vector<16xf32>,
      %scatter3A_1493 = arith.constant 0 : i32
      %scatter3A_1494 = arith.constant 0 : i32
      %scatter3A_1495 = arith.constant 0 : i32
      %scatter3A_1496 = tpu.memref_slice %arg8[%scatter3A_1493, %scatter3A_1494, %scatter3A_1495] : memref<2x128x255xf32, #tpu.memory_space<vmem>> -> memref<1x128x255xf32, #tpu.memory_space<vmem>>
      %scatter3A_1497 = tpu.memref_squeeze %scatter3A_1496 : memref<1x128x255xf32, #tpu.memory_space<vmem>> -> memref<128x255xf32, #tpu.memory_space<vmem>>
      tpu.vector_store_idx %scatter3A_1497[%add3A_1487, %add3A_1473], %div3A_1481 : memref<128x255xf32, #tpu.memory_space<vmem>>[vector<16xi32>, vector<16xi32>], vector<16xf32>,
      %swap3A_1498 = arith.constant 224 : index
      %swap3A_1499 = tpu.vector_load %arg9[%swap3A_1498] {strides = array<i32>} : memref<512xi32, #tpu.memory_space<vmem>>, vector<16xi32>,
      tpu.vector_store %arg9[%swap3A_1498], %min3A_1470 {strides = array<i32>} : memref<512xi32, #tpu.memory_space<vmem>>, vector<16xi32>,
      %swap3A_1500 = arith.constant 240 : index
      %swap3A_1501 = tpu.vector_load %arg9[%swap3A_1500] {strides = array<i32>} : memref<512xi32, #tpu.memory_space<vmem>>, vector<16xi32>,
      tpu.vector_store %arg9[%swap3A_1500], %add3A_1473 {strides = array<i32>} : memref<512xi32, #tpu.memory_space<vmem>>, vector<16xi32>,
      %dma_start3A = arith.constant 0 : i32
      %dma_start3A_1502 = arith.constant 0 : i32
      %dma_start3A_1503 = arith.constant 0 : i32
      %dma_start3A_1504 = tpu.memref_slice %arg8[%dma_start3A, %dma_start3A_1502, %dma_start3A_1503] : memref<2x128x255xf32, #tpu.memory_space<vmem>> -> memref<1x128x255xf32, #tpu.memory_space<vmem>>
      %dma_start3A_1505 = tpu.memref_squeeze %dma_start3A_1504 : memref<1x128x255xf32, #tpu.memory_space<vmem>> -> memref<128x255xf32, #tpu.memory_space<vmem>>
      %dma_start3A_1506 = arith.constant 0 : i32
      %dma_start3A_1507 = tpu.memref_slice %arg5[%add3A_81, %mul3A_97, %dma_start3A_1506] : memref<128x2048x255xf32, #tpu.memory_space<hbm>> -> memref<1x128x255xf32, #tpu.memory_space<hbm>>
      %dma_start3A_1508 = tpu.memref_squeeze %dma_start3A_1507 : memref<1x128x255xf32, #tpu.memory_space<hbm>> -> memref<128x255xf32, #tpu.memory_space<hbm>>
      %dma_start3A_1509 = arith.constant 0 : i32
      %dma_start3A_1510 = tpu.memref_slice %arg5[%add3A_81, %mul3A_97, %dma_start3A_1509] : memref<128x2048x255xf32, #tpu.memory_space<hbm>> -> memref<1x128x255xf32, #tpu.memory_space<hbm>>
      %dma_start3A_1511 = tpu.memref_squeeze %dma_start3A_1510 : memref<1x128x255xf32, #tpu.memory_space<hbm>> -> memref<128x255xf32, #tpu.memory_space<hbm>>
      %dma_start3A_1512 = arith.constant 0 : i32
      %dma_start3A_1513 = arith.constant 0 : i32
      %dma_start3A_1514 = tpu.memref_slice %arg8[%dma_start3A, %dma_start3A_1512, %dma_start3A_1513] : memref<2x128x255xf32, #tpu.memory_space<vmem>> -> memref<1x128x255xf32, #tpu.memory_space<vmem>>
      %dma_start3A_1515 = tpu.memref_squeeze %dma_start3A_1514 : memref<1x128x255xf32, #tpu.memory_space<vmem>> -> memref<128x255xf32, #tpu.memory_space<vmem>>
      tpu.enqueue_dma source(%dma_start3A_1515 : memref<128x255xf32, #tpu.memory_space<vmem>>) target(%dma_start3A_1511 : memref<128x255xf32, #tpu.memory_space<hbm>>) target_semaphore(%arg10 : memref<!tpu.dma_semaphore, #tpu.memory_space<semaphore_mem>>)
      %mul3A_1516 = arith.constant 2 : i32
      %mul3A_1517 = arith.muli %scan3A_60, %mul3A_1516 : i32
      %add3A_1518 = arith.constant 1 : i32
      %add3A_1519 = arith.addi %mul3A_1517, %add3A_1518 : i32
      %jit3A_1520 = arith.constant 16 : i32
      %div3A_1521 = arith.divsi %add3A_1519, %jit3A_1520 : i32
      %sign3A_1522 = arith.constant 0 : i32
      %sign3A_1523 = arith.cmpi sgt, %add3A_1519, %sign3A_1522 : i32
      %sign3A_1524 = arith.extui %sign3A_1523 : i1 to i32
      %sign3A_1525 = arith.constant 0 : i32
      %sign3A_1526 = arith.cmpi slt, %add3A_1519, %sign3A_1525 : i32
      %sign3A_1527 = arith.extui %sign3A_1526 : i1 to i32
      %sign3A_1528 = arith.subi %sign3A_1524, %sign3A_1527 : i32
      %sign3A_1529 = arith.constant 0 : i32
      %sign3A_1530 = arith.cmpi sgt, %jit3A_1520, %sign3A_1529 : i32
      %sign3A_1531 = arith.extui %sign3A_1530 : i1 to i32
      %sign3A_1532 = arith.constant 0 : i32
      %sign3A_1533 = arith.cmpi slt, %jit3A_1520, %sign3A_1532 : i32
      %sign3A_1534 = arith.extui %sign3A_1533 : i1 to i32
      %sign3A_1535 = arith.subi %sign3A_1531, %sign3A_1534 : i32
      %ne3A_1536 = arith.cmpi ne, %sign3A_1528, %sign3A_1535 : i32
      %rem3A_1537 = arith.remsi %add3A_1519, %jit3A_1520 : i32
      %ne3A_1538 = arith.constant 0 : i32
      %ne3A_1539 = arith.cmpi ne, %rem3A_1537, %ne3A_1538 : i32
      %and3A_1540 = arith.andi %ne3A_1536, %ne3A_1539 : i1
      %sub3A_1541 = arith.constant 1 : i32
      %sub3A_1542 = arith.subi %div3A_1521, %sub3A_1541 : i32
      %select_n3A_1543 = arith.select %and3A_1540, %sub3A_1542, %div3A_1521 : i32
      %add3A_1544 = arith.addi %mul3A_2, %select_n3A_1543 : i32
      %jit3A_1545 = arith.constant 16 : i32
      %eq3A_1546 = arith.constant 0 : i32
      %eq3A_1547 = arith.cmpi eq, %jit3A_1545, %eq3A_1546 : i32
      %jit3A_1548 = arith.constant 1 : i32
      %select_n3A_1549 = arith.select %eq3A_1547, %jit3A_1548, %jit3A_1545 : i32
      %rem3A_1550 = arith.remsi %add3A_1519, %select_n3A_1549 : i32
      %ne3A_1551 = arith.constant 0 : i32
      %ne3A_1552 = arith.cmpi ne, %rem3A_1550, %ne3A_1551 : i32
      %lt3A_1553 = arith.constant 0 : i32
      %lt3A_1554 = arith.cmpi slt, %rem3A_1550, %lt3A_1553 : i32
      %lt3A_1555 = arith.constant 0 : i32
      %lt3A_1556 = arith.cmpi slt, %select_n3A_1549, %lt3A_1555 : i32
      %ne3A_1557 = arith.xori %lt3A_1554, %lt3A_1556 : i1
      %and3A_1558 = arith.andi %ne3A_1557, %ne3A_1552 : i1
      %add3A_1559 = arith.addi %rem3A_1550, %select_n3A_1549 : i32
      %select_n3A_1560 = arith.select %and3A_1558, %add3A_1559, %rem3A_1550 : i32
      %mul3A_1561 = arith.constant 128 : i32
      %mul3A_1562 = arith.muli %select_n3A_1560, %mul3A_1561 : i32
      %gt3A_1563 = arith.constant 0 : i32
      %gt3A_1564 = arith.cmpi sgt, %scan3A_60, %gt3A_1563 : i32
      %convert_element_type3A_1565 = arith.extui %gt3A_1564 : i1 to i32
      %cond3A_1566 = arith.constant 0 : i32
      %cond3A_1567 = arith.cmpi ne, %convert_element_type3A_1565, %cond3A_1566 : i32
      scf.if %cond3A_1567 {
        %dma_wait3A_2991 = arith.constant 1 : i32
        %dma_wait3A_2992 = arith.constant 0 : i32
        %dma_wait3A_2993 = arith.constant 0 : i32
        %dma_wait3A_2994 = tpu.memref_slice %arg8[%dma_wait3A_2991, %dma_wait3A_2992, %dma_wait3A_2993] : memref<2x128x255xf32, #tpu.memory_space<vmem>> -> memref<1x128x255xf32, #tpu.memory_space<vmem>>
        %dma_wait3A_2995 = tpu.memref_squeeze %dma_wait3A_2994 : memref<1x128x255xf32, #tpu.memory_space<vmem>> -> memref<128x255xf32, #tpu.memory_space<vmem>>
        %dma_wait3A_2996 = arith.constant 0 : i32
        %dma_wait3A_2997 = tpu.memref_slice %arg5[%add3A_1544, %mul3A_1562, %dma_wait3A_2996] : memref<128x2048x255xf32, #tpu.memory_space<hbm>> -> memref<1x128x255xf32, #tpu.memory_space<hbm>>
        %dma_wait3A_2998 = tpu.memref_squeeze %dma_wait3A_2997 : memref<1x128x255xf32, #tpu.memory_space<hbm>> -> memref<128x255xf32, #tpu.memory_space<hbm>>
        %dma_wait3A_2999 = arith.constant 0 : i32
        %dma_wait3A_3000 = tpu.memref_slice %arg5[%add3A_1544, %mul3A_1562, %dma_wait3A_2999] : memref<128x2048x255xf32, #tpu.memory_space<hbm>> -> memref<1x128x255xf32, #tpu.memory_space<hbm>>
        %dma_wait3A_3001 = tpu.memref_squeeze %dma_wait3A_3000 : memref<1x128x255xf32, #tpu.memory_space<hbm>> -> memref<128x255xf32, #tpu.memory_space<hbm>>
        %dma_wait3A_3002 = arith.constant 0 : i32
        %dma_wait3A_3003 = arith.constant 0 : i32
        %dma_wait3A_3004 = tpu.memref_slice %arg8[%dma_wait3A_2991, %dma_wait3A_3002, %dma_wait3A_3003] : memref<2x128x255xf32, #tpu.memory_space<vmem>> -> memref<1x128x255xf32, #tpu.memory_space<vmem>>
        %dma_wait3A_3005 = tpu.memref_squeeze %dma_wait3A_3004 : memref<1x128x255xf32, #tpu.memory_space<vmem>> -> memref<128x255xf32, #tpu.memory_space<vmem>>
        tpu.wait_dma2 semaphore(%arg11 : memref<!tpu.dma_semaphore, #tpu.memory_space<semaphore_mem>>) src(%dma_wait3A_3005 : memref<128x255xf32, #tpu.memory_space<vmem>>) dst(%dma_wait3A_3001 : memref<128x255xf32, #tpu.memory_space<hbm>>)
        %get3A_3006 = arith.constant 256 : index
        %get3A_3007 = tpu.vector_load %arg9[%get3A_3006] {strides = array<i32>} : memref<512xi32, #tpu.memory_space<vmem>>, vector<16xi32>,
        %get3A_3008 = arith.constant 272 : index
        %get3A_3009 = tpu.vector_load %arg9[%get3A_3008] {strides = array<i32>} : memref<512xi32, #tpu.memory_space<vmem>>, vector<16xi32>,
        %add3A_3010 = arith.constant 0 : i32
        %add3A_3011 = vector.broadcast %add3A_3010 : i32 to vector<16xi32>
        %add3A_3012 = arith.addi %iota3A, %add3A_3011 : vector<16xi32>
        %scatter3A_3013 = arith.constant 1 : i32
        %scatter3A_3014 = arith.constant 0 : i32
        %scatter3A_3015 = arith.constant 0 : i32
        %scatter3A_3016 = tpu.memref_slice %arg8[%scatter3A_3013, %scatter3A_3014, %scatter3A_3015] : memref<2x128x255xf32, #tpu.memory_space<vmem>> -> memref<1x128x255xf32, #tpu.memory_space<vmem>>
        %scatter3A_3017 = tpu.memref_squeeze %scatter3A_3016 : memref<1x128x255xf32, #tpu.memory_space<vmem>> -> memref<128x255xf32, #tpu.memory_space<vmem>>
        tpu.vector_store_idx %scatter3A_3017[%add3A_3012, %get3A_3007], %broadcast_in_dim3A_14 : memref<128x255xf32, #tpu.memory_space<vmem>>[vector<16xi32>, vector<16xi32>], vector<16xf32>,
        %scatter3A_3018 = arith.constant 1 : i32
        %scatter3A_3019 = arith.constant 0 : i32
        %scatter3A_3020 = arith.constant 0 : i32
        %scatter3A_3021 = tpu.memref_slice %arg8[%scatter3A_3018, %scatter3A_3019, %scatter3A_3020] : memref<2x128x255xf32, #tpu.memory_space<vmem>> -> memref<1x128x255xf32, #tpu.memory_space<vmem>>
        %scatter3A_3022 = tpu.memref_squeeze %scatter3A_3021 : memref<1x128x255xf32, #tpu.memory_space<vmem>> -> memref<128x255xf32, #tpu.memory_space<vmem>>
        tpu.vector_store_idx %scatter3A_3022[%add3A_3012, %get3A_3009], %broadcast_in_dim3A_14 : memref<128x255xf32, #tpu.memory_space<vmem>>[vector<16xi32>, vector<16xi32>], vector<16xf32>,
        %get3A_3023 = arith.constant 288 : index
        %get3A_3024 = tpu.vector_load %arg9[%get3A_3023] {strides = array<i32>} : memref<512xi32, #tpu.memory_space<vmem>>, vector<16xi32>,
        %get3A_3025 = arith.constant 304 : index
        %get3A_3026 = tpu.vector_load %arg9[%get3A_3025] {strides = array<i32>} : memref<512xi32, #tpu.memory_space<vmem>>, vector<16xi32>,
        %add3A_3027 = arith.constant 16 : i32
        %add3A_3028 = vector.broadcast %add3A_3027 : i32 to vector<16xi32>
        %add3A_3029 = arith.addi %iota3A, %add3A_3028 : vector<16xi32>
        %scatter3A_3030 = arith.constant 1 : i32
        %scatter3A_3031 = arith.constant 0 : i32
        %scatter3A_3032 = arith.constant 0 : i32
        %scatter3A_3033 = tpu.memref_slice %arg8[%scatter3A_3030, %scatter3A_3031, %scatter3A_3032] : memref<2x128x255xf32, #tpu.memory_space<vmem>> -> memref<1x128x255xf32, #tpu.memory_space<vmem>>
        %scatter3A_3034 = tpu.memref_squeeze %scatter3A_3033 : memref<1x128x255xf32, #tpu.memory_space<vmem>> -> memref<128x255xf32, #tpu.memory_space<vmem>>
        tpu.vector_store_idx %scatter3A_3034[%add3A_3029, %get3A_3024], %broadcast_in_dim3A_14 : memref<128x255xf32, #tpu.memory_space<vmem>>[vector<16xi32>, vector<16xi32>], vector<16xf32>,
        %scatter3A_3035 = arith.constant 1 : i32
        %scatter3A_3036 = arith.constant 0 : i32
        %scatter3A_3037 = arith.constant 0 : i32
        %scatter3A_3038 = tpu.memref_slice %arg8[%scatter3A_3035, %scatter3A_3036, %scatter3A_3037] : memref<2x128x255xf32, #tpu.memory_space<vmem>> -> memref<1x128x255xf32, #tpu.memory_space<vmem>>
        %scatter3A_3039 = tpu.memref_squeeze %scatter3A_3038 : memref<1x128x255xf32, #tpu.memory_space<vmem>> -> memref<128x255xf32, #tpu.memory_space<vmem>>
        tpu.vector_store_idx %scatter3A_3039[%add3A_3029, %get3A_3026], %broadcast_in_dim3A_14 : memref<128x255xf32, #tpu.memory_space<vmem>>[vector<16xi32>, vector<16xi32>], vector<16xf32>,
        %get3A_3040 = arith.constant 320 : index
        %get3A_3041 = tpu.vector_load %arg9[%get3A_3040] {strides = array<i32>} : memref<512xi32, #tpu.memory_space<vmem>>, vector<16xi32>,
        %get3A_3042 = arith.constant 336 : index
        %get3A_3043 = tpu.vector_load %arg9[%get3A_3042] {strides = array<i32>} : memref<512xi32, #tpu.memory_space<vmem>>, vector<16xi32>,
        %add3A_3044 = arith.constant 32 : i32
        %add3A_3045 = vector.broadcast %add3A_3044 : i32 to vector<16xi32>
        %add3A_3046 = arith.addi %iota3A, %add3A_3045 : vector<16xi32>
        %scatter3A_3047 = arith.constant 1 : i32
        %scatter3A_3048 = arith.constant 0 : i32
        %scatter3A_3049 = arith.constant 0 : i32
        %scatter3A_3050 = tpu.memref_slice %arg8[%scatter3A_3047, %scatter3A_3048, %scatter3A_3049] : memref<2x128x255xf32, #tpu.memory_space<vmem>> -> memref<1x128x255xf32, #tpu.memory_space<vmem>>
        %scatter3A_3051 = tpu.memref_squeeze %scatter3A_3050 : memref<1x128x255xf32, #tpu.memory_space<vmem>> -> memref<128x255xf32, #tpu.memory_space<vmem>>
        tpu.vector_store_idx %scatter3A_3051[%add3A_3046, %get3A_3041], %broadcast_in_dim3A_14 : memref<128x255xf32, #tpu.memory_space<vmem>>[vector<16xi32>, vector<16xi32>], vector<16xf32>,
        %scatter3A_3052 = arith.constant 1 : i32
        %scatter3A_3053 = arith.constant 0 : i32
        %scatter3A_3054 = arith.constant 0 : i32
        %scatter3A_3055 = tpu.memref_slice %arg8[%scatter3A_3052, %scatter3A_3053, %scatter3A_3054] : memref<2x128x255xf32, #tpu.memory_space<vmem>> -> memref<1x128x255xf32, #tpu.memory_space<vmem>>
        %scatter3A_3056 = tpu.memref_squeeze %scatter3A_3055 : memref<1x128x255xf32, #tpu.memory_space<vmem>> -> memref<128x255xf32, #tpu.memory_space<vmem>>
        tpu.vector_store_idx %scatter3A_3056[%add3A_3046, %get3A_3043], %broadcast_in_dim3A_14 : memref<128x255xf32, #tpu.memory_space<vmem>>[vector<16xi32>, vector<16xi32>], vector<16xf32>,
        %get3A_3057 = arith.constant 352 : index
        %get3A_3058 = tpu.vector_load %arg9[%get3A_3057] {strides = array<i32>} : memref<512xi32, #tpu.memory_space<vmem>>, vector<16xi32>,
        %get3A_3059 = arith.constant 368 : index
        %get3A_3060 = tpu.vector_load %arg9[%get3A_3059] {strides = array<i32>} : memref<512xi32, #tpu.memory_space<vmem>>, vector<16xi32>,
        %add3A_3061 = arith.constant 48 : i32
        %add3A_3062 = vector.broadcast %add3A_3061 : i32 to vector<16xi32>
        %add3A_3063 = arith.addi %iota3A, %add3A_3062 : vector<16xi32>
        %scatter3A_3064 = arith.constant 1 : i32
        %scatter3A_3065 = arith.constant 0 : i32
        %scatter3A_3066 = arith.constant 0 : i32
        %scatter3A_3067 = tpu.memref_slice %arg8[%scatter3A_3064, %scatter3A_3065, %scatter3A_3066] : memref<2x128x255xf32, #tpu.memory_space<vmem>> -> memref<1x128x255xf32, #tpu.memory_space<vmem>>
        %scatter3A_3068 = tpu.memref_squeeze %scatter3A_3067 : memref<1x128x255xf32, #tpu.memory_space<vmem>> -> memref<128x255xf32, #tpu.memory_space<vmem>>
        tpu.vector_store_idx %scatter3A_3068[%add3A_3063, %get3A_3058], %broadcast_in_dim3A_14 : memref<128x255xf32, #tpu.memory_space<vmem>>[vector<16xi32>, vector<16xi32>], vector<16xf32>,
        %scatter3A_3069 = arith.constant 1 : i32
        %scatter3A_3070 = arith.constant 0 : i32
        %scatter3A_3071 = arith.constant 0 : i32
        %scatter3A_3072 = tpu.memref_slice %arg8[%scatter3A_3069, %scatter3A_3070, %scatter3A_3071] : memref<2x128x255xf32, #tpu.memory_space<vmem>> -> memref<1x128x255xf32, #tpu.memory_space<vmem>>
        %scatter3A_3073 = tpu.memref_squeeze %scatter3A_3072 : memref<1x128x255xf32, #tpu.memory_space<vmem>> -> memref<128x255xf32, #tpu.memory_space<vmem>>
        tpu.vector_store_idx %scatter3A_3073[%add3A_3063, %get3A_3060], %broadcast_in_dim3A_14 : memref<128x255xf32, #tpu.memory_space<vmem>>[vector<16xi32>, vector<16xi32>], vector<16xf32>,
        %get3A_3074 = arith.constant 384 : index
        %get3A_3075 = tpu.vector_load %arg9[%get3A_3074] {strides = array<i32>} : memref<512xi32, #tpu.memory_space<vmem>>, vector<16xi32>,
        %get3A_3076 = arith.constant 400 : index
        %get3A_3077 = tpu.vector_load %arg9[%get3A_3076] {strides = array<i32>} : memref<512xi32, #tpu.memory_space<vmem>>, vector<16xi32>,
        %add3A_3078 = arith.constant 64 : i32
        %add3A_3079 = vector.broadcast %add3A_3078 : i32 to vector<16xi32>
        %add3A_3080 = arith.addi %iota3A, %add3A_3079 : vector<16xi32>
        %scatter3A_3081 = arith.constant 1 : i32
        %scatter3A_3082 = arith.constant 0 : i32
        %scatter3A_3083 = arith.constant 0 : i32
        %scatter3A_3084 = tpu.memref_slice %arg8[%scatter3A_3081, %scatter3A_3082, %scatter3A_3083] : memref<2x128x255xf32, #tpu.memory_space<vmem>> -> memref<1x128x255xf32, #tpu.memory_space<vmem>>
        %scatter3A_3085 = tpu.memref_squeeze %scatter3A_3084 : memref<1x128x255xf32, #tpu.memory_space<vmem>> -> memref<128x255xf32, #tpu.memory_space<vmem>>
        tpu.vector_store_idx %scatter3A_3085[%add3A_3080, %get3A_3075], %broadcast_in_dim3A_14 : memref<128x255xf32, #tpu.memory_space<vmem>>[vector<16xi32>, vector<16xi32>], vector<16xf32>,
        %scatter3A_3086 = arith.constant 1 : i32
        %scatter3A_3087 = arith.constant 0 : i32
        %scatter3A_3088 = arith.constant 0 : i32
        %scatter3A_3089 = tpu.memref_slice %arg8[%scatter3A_3086, %scatter3A_3087, %scatter3A_3088] : memref<2x128x255xf32, #tpu.memory_space<vmem>> -> memref<1x128x255xf32, #tpu.memory_space<vmem>>
        %scatter3A_3090 = tpu.memref_squeeze %scatter3A_3089 : memref<1x128x255xf32, #tpu.memory_space<vmem>> -> memref<128x255xf32, #tpu.memory_space<vmem>>
        tpu.vector_store_idx %scatter3A_3090[%add3A_3080, %get3A_3077], %broadcast_in_dim3A_14 : memref<128x255xf32, #tpu.memory_space<vmem>>[vector<16xi32>, vector<16xi32>], vector<16xf32>,
        %get3A_3091 = arith.constant 416 : index
        %get3A_3092 = tpu.vector_load %arg9[%get3A_3091] {strides = array<i32>} : memref<512xi32, #tpu.memory_space<vmem>>, vector<16xi32>,
        %get3A_3093 = arith.constant 432 : index
        %get3A_3094 = tpu.vector_load %arg9[%get3A_3093] {strides = array<i32>} : memref<512xi32, #tpu.memory_space<vmem>>, vector<16xi32>,
        %add3A_3095 = arith.constant 80 : i32
        %add3A_3096 = vector.broadcast %add3A_3095 : i32 to vector<16xi32>
        %add3A_3097 = arith.addi %iota3A, %add3A_3096 : vector<16xi32>
        %scatter3A_3098 = arith.constant 1 : i32
        %scatter3A_3099 = arith.constant 0 : i32
        %scatter3A_3100 = arith.constant 0 : i32
        %scatter3A_3101 = tpu.memref_slice %arg8[%scatter3A_3098, %scatter3A_3099, %scatter3A_3100] : memref<2x128x255xf32, #tpu.memory_space<vmem>> -> memref<1x128x255xf32, #tpu.memory_space<vmem>>
        %scatter3A_3102 = tpu.memref_squeeze %scatter3A_3101 : memref<1x128x255xf32, #tpu.memory_space<vmem>> -> memref<128x255xf32, #tpu.memory_space<vmem>>
        tpu.vector_store_idx %scatter3A_3102[%add3A_3097, %get3A_3092], %broadcast_in_dim3A_14 : memref<128x255xf32, #tpu.memory_space<vmem>>[vector<16xi32>, vector<16xi32>], vector<16xf32>,
        %scatter3A_3103 = arith.constant 1 : i32
        %scatter3A_3104 = arith.constant 0 : i32
        %scatter3A_3105 = arith.constant 0 : i32
        %scatter3A_3106 = tpu.memref_slice %arg8[%scatter3A_3103, %scatter3A_3104, %scatter3A_3105] : memref<2x128x255xf32, #tpu.memory_space<vmem>> -> memref<1x128x255xf32, #tpu.memory_space<vmem>>
        %scatter3A_3107 = tpu.memref_squeeze %scatter3A_3106 : memref<1x128x255xf32, #tpu.memory_space<vmem>> -> memref<128x255xf32, #tpu.memory_space<vmem>>
        tpu.vector_store_idx %scatter3A_3107[%add3A_3097, %get3A_3094], %broadcast_in_dim3A_14 : memref<128x255xf32, #tpu.memory_space<vmem>>[vector<16xi32>, vector<16xi32>], vector<16xf32>,
        %get3A_3108 = arith.constant 448 : index
        %get3A_3109 = tpu.vector_load %arg9[%get3A_3108] {strides = array<i32>} : memref<512xi32, #tpu.memory_space<vmem>>, vector<16xi32>,
        %get3A_3110 = arith.constant 464 : index
        %get3A_3111 = tpu.vector_load %arg9[%get3A_3110] {strides = array<i32>} : memref<512xi32, #tpu.memory_space<vmem>>, vector<16xi32>,
        %add3A_3112 = arith.constant 96 : i32
        %add3A_3113 = vector.broadcast %add3A_3112 : i32 to vector<16xi32>
        %add3A_3114 = arith.addi %iota3A, %add3A_3113 : vector<16xi32>
        %scatter3A_3115 = arith.constant 1 : i32
        %scatter3A_3116 = arith.constant 0 : i32
        %scatter3A_3117 = arith.constant 0 : i32
        %scatter3A_3118 = tpu.memref_slice %arg8[%scatter3A_3115, %scatter3A_3116, %scatter3A_3117] : memref<2x128x255xf32, #tpu.memory_space<vmem>> -> memref<1x128x255xf32, #tpu.memory_space<vmem>>
        %scatter3A_3119 = tpu.memref_squeeze %scatter3A_3118 : memref<1x128x255xf32, #tpu.memory_space<vmem>> -> memref<128x255xf32, #tpu.memory_space<vmem>>
        tpu.vector_store_idx %scatter3A_3119[%add3A_3114, %get3A_3109], %broadcast_in_dim3A_14 : memref<128x255xf32, #tpu.memory_space<vmem>>[vector<16xi32>, vector<16xi32>], vector<16xf32>,
        %scatter3A_3120 = arith.constant 1 : i32
        %scatter3A_3121 = arith.constant 0 : i32
        %scatter3A_3122 = arith.constant 0 : i32
        %scatter3A_3123 = tpu.memref_slice %arg8[%scatter3A_3120, %scatter3A_3121, %scatter3A_3122] : memref<2x128x255xf32, #tpu.memory_space<vmem>> -> memref<1x128x255xf32, #tpu.memory_space<vmem>>
        %scatter3A_3124 = tpu.memref_squeeze %scatter3A_3123 : memref<1x128x255xf32, #tpu.memory_space<vmem>> -> memref<128x255xf32, #tpu.memory_space<vmem>>
        tpu.vector_store_idx %scatter3A_3124[%add3A_3114, %get3A_3111], %broadcast_in_dim3A_14 : memref<128x255xf32, #tpu.memory_space<vmem>>[vector<16xi32>, vector<16xi32>], vector<16xf32>,
        %get3A_3125 = arith.constant 480 : index
        %get3A_3126 = tpu.vector_load %arg9[%get3A_3125] {strides = array<i32>} : memref<512xi32, #tpu.memory_space<vmem>>, vector<16xi32>,
        %get3A_3127 = arith.constant 496 : index
        %get3A_3128 = tpu.vector_load %arg9[%get3A_3127] {strides = array<i32>} : memref<512xi32, #tpu.memory_space<vmem>>, vector<16xi32>,
        %add3A_3129 = arith.constant 112 : i32
        %add3A_3130 = vector.broadcast %add3A_3129 : i32 to vector<16xi32>
        %add3A_3131 = arith.addi %iota3A, %add3A_3130 : vector<16xi32>
        %scatter3A_3132 = arith.constant 1 : i32
        %scatter3A_3133 = arith.constant 0 : i32
        %scatter3A_3134 = arith.constant 0 : i32
        %scatter3A_3135 = tpu.memref_slice %arg8[%scatter3A_3132, %scatter3A_3133, %scatter3A_3134] : memref<2x128x255xf32, #tpu.memory_space<vmem>> -> memref<1x128x255xf32, #tpu.memory_space<vmem>>
        %scatter3A_3136 = tpu.memref_squeeze %scatter3A_3135 : memref<1x128x255xf32, #tpu.memory_space<vmem>> -> memref<128x255xf32, #tpu.memory_space<vmem>>
        tpu.vector_store_idx %scatter3A_3136[%add3A_3131, %get3A_3126], %broadcast_in_dim3A_14 : memref<128x255xf32, #tpu.memory_space<vmem>>[vector<16xi32>, vector<16xi32>], vector<16xf32>,
        %scatter3A_3137 = arith.constant 1 : i32
        %scatter3A_3138 = arith.constant 0 : i32
        %scatter3A_3139 = arith.constant 0 : i32
        %scatter3A_3140 = tpu.memref_slice %arg8[%scatter3A_3137, %scatter3A_3138, %scatter3A_3139] : memref<2x128x255xf32, #tpu.memory_space<vmem>> -> memref<1x128x255xf32, #tpu.memory_space<vmem>>
        %scatter3A_3141 = tpu.memref_squeeze %scatter3A_3140 : memref<1x128x255xf32, #tpu.memory_space<vmem>> -> memref<128x255xf32, #tpu.memory_space<vmem>>
        tpu.vector_store_idx %scatter3A_3141[%add3A_3131, %get3A_3128], %broadcast_in_dim3A_14 : memref<128x255xf32, #tpu.memory_space<vmem>>[vector<16xi32>, vector<16xi32>], vector<16xf32>,
      } else {
      }
      %mul3A_1568 = arith.constant 128 : i32
      %mul3A_1569 = arith.muli %add3A_1519, %mul3A_1568 : i32
      %add3A_1570 = arith.constant 0 : i32
      %add3A_1571 = arith.addi %mul3A_1569, %add3A_1570 : i32
      %get3A_1572 = arith.index_cast %add3A_1571 : i32 to index
      %get3A_1573 = tpu.vector_load %arg6[%get3A_1572] {strides = array<i32>} : memref<8192xf32, #tpu.memory_space<vmem>>, vector<16xf32>,
      %max3A_1574 = arith.maximumf %get3A_1573, %gather3A : vector<16xf32>
      %min3A_1575 = arith.minimumf %max3A_1574, %gather3A_18 : vector<16xf32>
      %add3A_1576 = arith.constant 128 : i32
      %add3A_1577 = vector.broadcast %add3A_1576 : i32 to vector<16xi32>
      %add3A_1578 = arith.addi %broadcast_in_dim3A_12, %add3A_1577 : vector<16xi32>
      %min3A_1579 = arith.constant 255 : i32
      %min3A_1580 = vector.broadcast %min3A_1579 : i32 to vector<16xi32>
      %min3A_1581 = arith.minsi %add3A_1578, %min3A_1580 : vector<16xi32>
      %sub3A_1582 = arith.constant 1 : i32
      %sub3A_1583 = vector.broadcast %sub3A_1582 : i32 to vector<16xi32>
      %sub3A_1584 = arith.subi %min3A_1581, %sub3A_1583 : vector<16xi32>
      %gather3A_1585 = tpu.vector_load_idx %arg7[%sub3A_1584] : memref<256xf32, #tpu.memory_space<vmem>>[vector<16xi32>], vector<16xf32>,
      %le3A_1586 = arith.constant 255 : i32
      %le3A_1587 = vector.broadcast %le3A_1586 : i32 to vector<16xi32>
      %le3A_1588 = arith.cmpi sle, %add3A_1578, %le3A_1587 : vector<16xi32>
      %lt3A_1589 = arith.cmpf olt, %gather3A_1585, %min3A_1575 : vector<16xf32>
      %and3A_1590 = arith.andi %le3A_1588, %lt3A_1589 : vector<16xi1>
      %select_n3A_1591 = arith.select %and3A_1590, %add3A_1578, %broadcast_in_dim3A_12 : vector<16xi1>, vector<16xi32>
      %add3A_1592 = arith.constant 64 : i32
      %add3A_1593 = vector.broadcast %add3A_1592 : i32 to vector<16xi32>
      %add3A_1594 = arith.addi %select_n3A_1591, %add3A_1593 : vector<16xi32>
      %min3A_1595 = arith.constant 255 : i32
      %min3A_1596 = vector.broadcast %min3A_1595 : i32 to vector<16xi32>
      %min3A_1597 = arith.minsi %add3A_1594, %min3A_1596 : vector<16xi32>
      %sub3A_1598 = arith.constant 1 : i32
      %sub3A_1599 = vector.broadcast %sub3A_1598 : i32 to vector<16xi32>
      %sub3A_1600 = arith.subi %min3A_1597, %sub3A_1599 : vector<16xi32>
      %gather3A_1601 = tpu.vector_load_idx %arg7[%sub3A_1600] : memref<256xf32, #tpu.memory_space<vmem>>[vector<16xi32>], vector<16xf32>,
      %le3A_1602 = arith.constant 255 : i32
      %le3A_1603 = vector.broadcast %le3A_1602 : i32 to vector<16xi32>
      %le3A_1604 = arith.cmpi sle, %add3A_1594, %le3A_1603 : vector<16xi32>
      %lt3A_1605 = arith.cmpf olt, %gather3A_1601, %min3A_1575 : vector<16xf32>
      %and3A_1606 = arith.andi %le3A_1604, %lt3A_1605 : vector<16xi1>
      %select_n3A_1607 = arith.select %and3A_1606, %add3A_1594, %select_n3A_1591 : vector<16xi1>, vector<16xi32>
      %add3A_1608 = arith.constant 32 : i32
      %add3A_1609 = vector.broadcast %add3A_1608 : i32 to vector<16xi32>
      %add3A_1610 = arith.addi %select_n3A_1607, %add3A_1609 : vector<16xi32>
      %min3A_1611 = arith.constant 255 : i32
      %min3A_1612 = vector.broadcast %min3A_1611 : i32 to vector<16xi32>
      %min3A_1613 = arith.minsi %add3A_1610, %min3A_1612 : vector<16xi32>
      %sub3A_1614 = arith.constant 1 : i32
      %sub3A_1615 = vector.broadcast %sub3A_1614 : i32 to vector<16xi32>
      %sub3A_1616 = arith.subi %min3A_1613, %sub3A_1615 : vector<16xi32>
      %gather3A_1617 = tpu.vector_load_idx %arg7[%sub3A_1616] : memref<256xf32, #tpu.memory_space<vmem>>[vector<16xi32>], vector<16xf32>,
      %le3A_1618 = arith.constant 255 : i32
      %le3A_1619 = vector.broadcast %le3A_1618 : i32 to vector<16xi32>
      %le3A_1620 = arith.cmpi sle, %add3A_1610, %le3A_1619 : vector<16xi32>
      %lt3A_1621 = arith.cmpf olt, %gather3A_1617, %min3A_1575 : vector<16xf32>
      %and3A_1622 = arith.andi %le3A_1620, %lt3A_1621 : vector<16xi1>
      %select_n3A_1623 = arith.select %and3A_1622, %add3A_1610, %select_n3A_1607 : vector<16xi1>, vector<16xi32>
      %add3A_1624 = arith.constant 16 : i32
      %add3A_1625 = vector.broadcast %add3A_1624 : i32 to vector<16xi32>
      %add3A_1626 = arith.addi %select_n3A_1623, %add3A_1625 : vector<16xi32>
      %min3A_1627 = arith.constant 255 : i32
      %min3A_1628 = vector.broadcast %min3A_1627 : i32 to vector<16xi32>
      %min3A_1629 = arith.minsi %add3A_1626, %min3A_1628 : vector<16xi32>
      %sub3A_1630 = arith.constant 1 : i32
      %sub3A_1631 = vector.broadcast %sub3A_1630 : i32 to vector<16xi32>
      %sub3A_1632 = arith.subi %min3A_1629, %sub3A_1631 : vector<16xi32>
      %gather3A_1633 = tpu.vector_load_idx %arg7[%sub3A_1632] : memref<256xf32, #tpu.memory_space<vmem>>[vector<16xi32>], vector<16xf32>,
      %le3A_1634 = arith.constant 255 : i32
      %le3A_1635 = vector.broadcast %le3A_1634 : i32 to vector<16xi32>
      %le3A_1636 = arith.cmpi sle, %add3A_1626, %le3A_1635 : vector<16xi32>
      %lt3A_1637 = arith.cmpf olt, %gather3A_1633, %min3A_1575 : vector<16xf32>
      %and3A_1638 = arith.andi %le3A_1636, %lt3A_1637 : vector<16xi1>
      %select_n3A_1639 = arith.select %and3A_1638, %add3A_1626, %select_n3A_1623 : vector<16xi1>, vector<16xi32>
      %add3A_1640 = arith.constant 8 : i32
      %add3A_1641 = vector.broadcast %add3A_1640 : i32 to vector<16xi32>
      %add3A_1642 = arith.addi %select_n3A_1639, %add3A_1641 : vector<16xi32>
      %min3A_1643 = arith.constant 255 : i32
      %min3A_1644 = vector.broadcast %min3A_1643 : i32 to vector<16xi32>
      %min3A_1645 = arith.minsi %add3A_1642, %min3A_1644 : vector<16xi32>
      %sub3A_1646 = arith.constant 1 : i32
      %sub3A_1647 = vector.broadcast %sub3A_1646 : i32 to vector<16xi32>
      %sub3A_1648 = arith.subi %min3A_1645, %sub3A_1647 : vector<16xi32>
      %gather3A_1649 = tpu.vector_load_idx %arg7[%sub3A_1648] : memref<256xf32, #tpu.memory_space<vmem>>[vector<16xi32>], vector<16xf32>,
      %le3A_1650 = arith.constant 255 : i32
      %le3A_1651 = vector.broadcast %le3A_1650 : i32 to vector<16xi32>
      %le3A_1652 = arith.cmpi sle, %add3A_1642, %le3A_1651 : vector<16xi32>
      %lt3A_1653 = arith.cmpf olt, %gather3A_1649, %min3A_1575 : vector<16xf32>
      %and3A_1654 = arith.andi %le3A_1652, %lt3A_1653 : vector<16xi1>
      %select_n3A_1655 = arith.select %and3A_1654, %add3A_1642, %select_n3A_1639 : vector<16xi1>, vector<16xi32>
      %add3A_1656 = arith.constant 4 : i32
      %add3A_1657 = vector.broadcast %add3A_1656 : i32 to vector<16xi32>
      %add3A_1658 = arith.addi %select_n3A_1655, %add3A_1657 : vector<16xi32>
      %min3A_1659 = arith.constant 255 : i32
      %min3A_1660 = vector.broadcast %min3A_1659 : i32 to vector<16xi32>
      %min3A_1661 = arith.minsi %add3A_1658, %min3A_1660 : vector<16xi32>
      %sub3A_1662 = arith.constant 1 : i32
      %sub3A_1663 = vector.broadcast %sub3A_1662 : i32 to vector<16xi32>
      %sub3A_1664 = arith.subi %min3A_1661, %sub3A_1663 : vector<16xi32>
      %gather3A_1665 = tpu.vector_load_idx %arg7[%sub3A_1664] : memref<256xf32, #tpu.memory_space<vmem>>[vector<16xi32>], vector<16xf32>,
      %le3A_1666 = arith.constant 255 : i32
      %le3A_1667 = vector.broadcast %le3A_1666 : i32 to vector<16xi32>
      %le3A_1668 = arith.cmpi sle, %add3A_1658, %le3A_1667 : vector<16xi32>
      %lt3A_1669 = arith.cmpf olt, %gather3A_1665, %min3A_1575 : vector<16xf32>
      %and3A_1670 = arith.andi %le3A_1668, %lt3A_1669 : vector<16xi1>
      %select_n3A_1671 = arith.select %and3A_1670, %add3A_1658, %select_n3A_1655 : vector<16xi1>, vector<16xi32>
      %add3A_1672 = arith.constant 2 : i32
      %add3A_1673 = vector.broadcast %add3A_1672 : i32 to vector<16xi32>
      %add3A_1674 = arith.addi %select_n3A_1671, %add3A_1673 : vector<16xi32>
      %min3A_1675 = arith.constant 255 : i32
      %min3A_1676 = vector.broadcast %min3A_1675 : i32 to vector<16xi32>
      %min3A_1677 = arith.minsi %add3A_1674, %min3A_1676 : vector<16xi32>
      %sub3A_1678 = arith.constant 1 : i32
      %sub3A_1679 = vector.broadcast %sub3A_1678 : i32 to vector<16xi32>
      %sub3A_1680 = arith.subi %min3A_1677, %sub3A_1679 : vector<16xi32>
      %gather3A_1681 = tpu.vector_load_idx %arg7[%sub3A_1680] : memref<256xf32, #tpu.memory_space<vmem>>[vector<16xi32>], vector<16xf32>,
      %le3A_1682 = arith.constant 255 : i32
      %le3A_1683 = vector.broadcast %le3A_1682 : i32 to vector<16xi32>
      %le3A_1684 = arith.cmpi sle, %add3A_1674, %le3A_1683 : vector<16xi32>
      %lt3A_1685 = arith.cmpf olt, %gather3A_1681, %min3A_1575 : vector<16xf32>
      %and3A_1686 = arith.andi %le3A_1684, %lt3A_1685 : vector<16xi1>
      %select_n3A_1687 = arith.select %and3A_1686, %add3A_1674, %select_n3A_1671 : vector<16xi1>, vector<16xi32>
      %add3A_1688 = arith.constant 1 : i32
      %add3A_1689 = vector.broadcast %add3A_1688 : i32 to vector<16xi32>
      %add3A_1690 = arith.addi %select_n3A_1687, %add3A_1689 : vector<16xi32>
      %min3A_1691 = arith.constant 255 : i32
      %min3A_1692 = vector.broadcast %min3A_1691 : i32 to vector<16xi32>
      %min3A_1693 = arith.minsi %add3A_1690, %min3A_1692 : vector<16xi32>
      %sub3A_1694 = arith.constant 1 : i32
      %sub3A_1695 = vector.broadcast %sub3A_1694 : i32 to vector<16xi32>
      %sub3A_1696 = arith.subi %min3A_1693, %sub3A_1695 : vector<16xi32>
      %gather3A_1697 = tpu.vector_load_idx %arg7[%sub3A_1696] : memref<256xf32, #tpu.memory_space<vmem>>[vector<16xi32>], vector<16xf32>,
      %le3A_1698 = arith.constant 255 : i32
      %le3A_1699 = vector.broadcast %le3A_1698 : i32 to vector<16xi32>
      %le3A_1700 = arith.cmpi sle, %add3A_1690, %le3A_1699 : vector<16xi32>
      %lt3A_1701 = arith.cmpf olt, %gather3A_1697, %min3A_1575 : vector<16xf32>
      %and3A_1702 = arith.andi %le3A_1700, %lt3A_1701 : vector<16xi1>
      %select_n3A_1703 = arith.select %and3A_1702, %add3A_1690, %select_n3A_1687 : vector<16xi1>, vector<16xi32>
      %sub3A_1704 = arith.constant 1 : i32
      %sub3A_1705 = vector.broadcast %sub3A_1704 : i32 to vector<16xi32>
      %sub3A_1706 = arith.subi %select_n3A_1703, %sub3A_1705 : vector<16xi32>
      %jit3A_1707 = arith.constant 0 : i32
      %jit3A_1708 = arith.constant 253 : i32
      %max3A_1709 = vector.broadcast %jit3A_1707 : i32 to vector<16xi32>
      %max3A_1710 = arith.maxsi %max3A_1709, %sub3A_1706 : vector<16xi32>
      %min3A_1711 = vector.broadcast %jit3A_1708 : i32 to vector<16xi32>
      %min3A_1712 = arith.minsi %min3A_1711, %max3A_1710 : vector<16xi32>
      %add3A_1713 = arith.constant 1 : i32
      %add3A_1714 = vector.broadcast %add3A_1713 : i32 to vector<16xi32>
      %add3A_1715 = arith.addi %min3A_1712, %add3A_1714 : vector<16xi32>
      %gather3A_1716 = tpu.vector_load_idx %arg7[%min3A_1712] : memref<256xf32, #tpu.memory_space<vmem>>[vector<16xi32>], vector<16xf32>,
      %gather3A_1717 = tpu.vector_load_idx %arg7[%add3A_1715] : memref<256xf32, #tpu.memory_space<vmem>>[vector<16xi32>], vector<16xf32>,
      %sub3A_1718 = arith.subf %min3A_1575, %gather3A_1716 : vector<16xf32>
      %sub3A_1719 = arith.subf %gather3A_1717, %gather3A_1716 : vector<16xf32>
      %add3A_1720 = arith.constant 9.99999993E-9 : f32
      %add3A_1721 = vector.broadcast %add3A_1720 : f32 to vector<16xf32>
      %add3A_1722 = arith.addf %sub3A_1719, %add3A_1721 : vector<16xf32>
      %div3A_1723 = arith.divf %sub3A_1718, %add3A_1722 : vector<16xf32>
      %sub3A_1724 = arith.constant 1.000000e+00 : f32
      %sub3A_1725 = vector.broadcast %sub3A_1724 : f32 to vector<16xf32>
      %sub3A_1726 = arith.subf %sub3A_1725, %div3A_1723 : vector<16xf32>
      %add3A_1727 = arith.constant 0 : i32
      %add3A_1728 = vector.broadcast %add3A_1727 : i32 to vector<16xi32>
      %add3A_1729 = arith.addi %iota3A, %add3A_1728 : vector<16xi32>
      %scatter3A_1730 = arith.constant 1 : i32
      %scatter3A_1731 = arith.constant 0 : i32
      %scatter3A_1732 = arith.constant 0 : i32
      %scatter3A_1733 = tpu.memref_slice %arg8[%scatter3A_1730, %scatter3A_1731, %scatter3A_1732] : memref<2x128x255xf32, #tpu.memory_space<vmem>> -> memref<1x128x255xf32, #tpu.memory_space<vmem>>
      %scatter3A_1734 = tpu.memref_squeeze %scatter3A_1733 : memref<1x128x255xf32, #tpu.memory_space<vmem>> -> memref<128x255xf32, #tpu.memory_space<vmem>>
      tpu.vector_store_idx %scatter3A_1734[%add3A_1729, %min3A_1712], %sub3A_1726 : memref<128x255xf32, #tpu.memory_space<vmem>>[vector<16xi32>, vector<16xi32>], vector<16xf32>,
      %scatter3A_1735 = arith.constant 1 : i32
      %scatter3A_1736 = arith.constant 0 : i32
      %scatter3A_1737 = arith.constant 0 : i32
      %scatter3A_1738 = tpu.memref_slice %arg8[%scatter3A_1735, %scatter3A_1736, %scatter3A_1737] : memref<2x128x255xf32, #tpu.memory_space<vmem>> -> memref<1x128x255xf32, #tpu.memory_space<vmem>>
      %scatter3A_1739 = tpu.memref_squeeze %scatter3A_1738 : memref<1x128x255xf32, #tpu.memory_space<vmem>> -> memref<128x255xf32, #tpu.memory_space<vmem>>
      tpu.vector_store_idx %scatter3A_1739[%add3A_1729, %add3A_1715], %div3A_1723 : memref<128x255xf32, #tpu.memory_space<vmem>>[vector<16xi32>, vector<16xi32>], vector<16xf32>,
      %swap3A_1740 = arith.constant 256 : index
      %swap3A_1741 = tpu.vector_load %arg9[%swap3A_1740] {strides = array<i32>} : memref<512xi32, #tpu.memory_space<vmem>>, vector<16xi32>,
      tpu.vector_store %arg9[%swap3A_1740], %min3A_1712 {strides = array<i32>} : memref<512xi32, #tpu.memory_space<vmem>>, vector<16xi32>,
      %swap3A_1742 = arith.constant 272 : index
      %swap3A_1743 = tpu.vector_load %arg9[%swap3A_1742] {strides = array<i32>} : memref<512xi32, #tpu.memory_space<vmem>>, vector<16xi32>,
      tpu.vector_store %arg9[%swap3A_1742], %add3A_1715 {strides = array<i32>} : memref<512xi32, #tpu.memory_space<vmem>>, vector<16xi32>,
      %mul3A_1744 = arith.constant 128 : i32
      %mul3A_1745 = arith.muli %add3A_1519, %mul3A_1744 : i32
      %add3A_1746 = arith.constant 16 : i32
      %add3A_1747 = arith.addi %mul3A_1745, %add3A_1746 : i32
      %get3A_1748 = arith.index_cast %add3A_1747 : i32 to index
      %get3A_1749 = tpu.vector_load %arg6[%get3A_1748] {strides = array<i32>} : memref<8192xf32, #tpu.memory_space<vmem>>, vector<16xf32>,
      %max3A_1750 = arith.maximumf %get3A_1749, %gather3A : vector<16xf32>
      %min3A_1751 = arith.minimumf %max3A_1750, %gather3A_18 : vector<16xf32>
      %add3A_1752 = arith.constant 128 : i32
      %add3A_1753 = vector.broadcast %add3A_1752 : i32 to vector<16xi32>
      %add3A_1754 = arith.addi %broadcast_in_dim3A_12, %add3A_1753 : vector<16xi32>
      %min3A_1755 = arith.constant 255 : i32
      %min3A_1756 = vector.broadcast %min3A_1755 : i32 to vector<16xi32>
      %min3A_1757 = arith.minsi %add3A_1754, %min3A_1756 : vector<16xi32>
      %sub3A_1758 = arith.constant 1 : i32
      %sub3A_1759 = vector.broadcast %sub3A_1758 : i32 to vector<16xi32>
      %sub3A_1760 = arith.subi %min3A_1757, %sub3A_1759 : vector<16xi32>
      %gather3A_1761 = tpu.vector_load_idx %arg7[%sub3A_1760] : memref<256xf32, #tpu.memory_space<vmem>>[vector<16xi32>], vector<16xf32>,
      %le3A_1762 = arith.constant 255 : i32
      %le3A_1763 = vector.broadcast %le3A_1762 : i32 to vector<16xi32>
      %le3A_1764 = arith.cmpi sle, %add3A_1754, %le3A_1763 : vector<16xi32>
      %lt3A_1765 = arith.cmpf olt, %gather3A_1761, %min3A_1751 : vector<16xf32>
      %and3A_1766 = arith.andi %le3A_1764, %lt3A_1765 : vector<16xi1>
      %select_n3A_1767 = arith.select %and3A_1766, %add3A_1754, %broadcast_in_dim3A_12 : vector<16xi1>, vector<16xi32>
      %add3A_1768 = arith.constant 64 : i32
      %add3A_1769 = vector.broadcast %add3A_1768 : i32 to vector<16xi32>
      %add3A_1770 = arith.addi %select_n3A_1767, %add3A_1769 : vector<16xi32>
      %min3A_1771 = arith.constant 255 : i32
      %min3A_1772 = vector.broadcast %min3A_1771 : i32 to vector<16xi32>
      %min3A_1773 = arith.minsi %add3A_1770, %min3A_1772 : vector<16xi32>
      %sub3A_1774 = arith.constant 1 : i32
      %sub3A_1775 = vector.broadcast %sub3A_1774 : i32 to vector<16xi32>
      %sub3A_1776 = arith.subi %min3A_1773, %sub3A_1775 : vector<16xi32>
      %gather3A_1777 = tpu.vector_load_idx %arg7[%sub3A_1776] : memref<256xf32, #tpu.memory_space<vmem>>[vector<16xi32>], vector<16xf32>,
      %le3A_1778 = arith.constant 255 : i32
      %le3A_1779 = vector.broadcast %le3A_1778 : i32 to vector<16xi32>
      %le3A_1780 = arith.cmpi sle, %add3A_1770, %le3A_1779 : vector<16xi32>
      %lt3A_1781 = arith.cmpf olt, %gather3A_1777, %min3A_1751 : vector<16xf32>
      %and3A_1782 = arith.andi %le3A_1780, %lt3A_1781 : vector<16xi1>
      %select_n3A_1783 = arith.select %and3A_1782, %add3A_1770, %select_n3A_1767 : vector<16xi1>, vector<16xi32>
      %add3A_1784 = arith.constant 32 : i32
      %add3A_1785 = vector.broadcast %add3A_1784 : i32 to vector<16xi32>
      %add3A_1786 = arith.addi %select_n3A_1783, %add3A_1785 : vector<16xi32>
      %min3A_1787 = arith.constant 255 : i32
      %min3A_1788 = vector.broadcast %min3A_1787 : i32 to vector<16xi32>
      %min3A_1789 = arith.minsi %add3A_1786, %min3A_1788 : vector<16xi32>
      %sub3A_1790 = arith.constant 1 : i32
      %sub3A_1791 = vector.broadcast %sub3A_1790 : i32 to vector<16xi32>
      %sub3A_1792 = arith.subi %min3A_1789, %sub3A_1791 : vector<16xi32>
      %gather3A_1793 = tpu.vector_load_idx %arg7[%sub3A_1792] : memref<256xf32, #tpu.memory_space<vmem>>[vector<16xi32>], vector<16xf32>,
      %le3A_1794 = arith.constant 255 : i32
      %le3A_1795 = vector.broadcast %le3A_1794 : i32 to vector<16xi32>
      %le3A_1796 = arith.cmpi sle, %add3A_1786, %le3A_1795 : vector<16xi32>
      %lt3A_1797 = arith.cmpf olt, %gather3A_1793, %min3A_1751 : vector<16xf32>
      %and3A_1798 = arith.andi %le3A_1796, %lt3A_1797 : vector<16xi1>
      %select_n3A_1799 = arith.select %and3A_1798, %add3A_1786, %select_n3A_1783 : vector<16xi1>, vector<16xi32>
      %add3A_1800 = arith.constant 16 : i32
      %add3A_1801 = vector.broadcast %add3A_1800 : i32 to vector<16xi32>
      %add3A_1802 = arith.addi %select_n3A_1799, %add3A_1801 : vector<16xi32>
      %min3A_1803 = arith.constant 255 : i32
      %min3A_1804 = vector.broadcast %min3A_1803 : i32 to vector<16xi32>
      %min3A_1805 = arith.minsi %add3A_1802, %min3A_1804 : vector<16xi32>
      %sub3A_1806 = arith.constant 1 : i32
      %sub3A_1807 = vector.broadcast %sub3A_1806 : i32 to vector<16xi32>
      %sub3A_1808 = arith.subi %min3A_1805, %sub3A_1807 : vector<16xi32>
      %gather3A_1809 = tpu.vector_load_idx %arg7[%sub3A_1808] : memref<256xf32, #tpu.memory_space<vmem>>[vector<16xi32>], vector<16xf32>,
      %le3A_1810 = arith.constant 255 : i32
      %le3A_1811 = vector.broadcast %le3A_1810 : i32 to vector<16xi32>
      %le3A_1812 = arith.cmpi sle, %add3A_1802, %le3A_1811 : vector<16xi32>
      %lt3A_1813 = arith.cmpf olt, %gather3A_1809, %min3A_1751 : vector<16xf32>
      %and3A_1814 = arith.andi %le3A_1812, %lt3A_1813 : vector<16xi1>
      %select_n3A_1815 = arith.select %and3A_1814, %add3A_1802, %select_n3A_1799 : vector<16xi1>, vector<16xi32>
      %add3A_1816 = arith.constant 8 : i32
      %add3A_1817 = vector.broadcast %add3A_1816 : i32 to vector<16xi32>
      %add3A_1818 = arith.addi %select_n3A_1815, %add3A_1817 : vector<16xi32>
      %min3A_1819 = arith.constant 255 : i32
      %min3A_1820 = vector.broadcast %min3A_1819 : i32 to vector<16xi32>
      %min3A_1821 = arith.minsi %add3A_1818, %min3A_1820 : vector<16xi32>
      %sub3A_1822 = arith.constant 1 : i32
      %sub3A_1823 = vector.broadcast %sub3A_1822 : i32 to vector<16xi32>
      %sub3A_1824 = arith.subi %min3A_1821, %sub3A_1823 : vector<16xi32>
      %gather3A_1825 = tpu.vector_load_idx %arg7[%sub3A_1824] : memref<256xf32, #tpu.memory_space<vmem>>[vector<16xi32>], vector<16xf32>,
      %le3A_1826 = arith.constant 255 : i32
      %le3A_1827 = vector.broadcast %le3A_1826 : i32 to vector<16xi32>
      %le3A_1828 = arith.cmpi sle, %add3A_1818, %le3A_1827 : vector<16xi32>
      %lt3A_1829 = arith.cmpf olt, %gather3A_1825, %min3A_1751 : vector<16xf32>
      %and3A_1830 = arith.andi %le3A_1828, %lt3A_1829 : vector<16xi1>
      %select_n3A_1831 = arith.select %and3A_1830, %add3A_1818, %select_n3A_1815 : vector<16xi1>, vector<16xi32>
      %add3A_1832 = arith.constant 4 : i32
      %add3A_1833 = vector.broadcast %add3A_1832 : i32 to vector<16xi32>
      %add3A_1834 = arith.addi %select_n3A_1831, %add3A_1833 : vector<16xi32>
      %min3A_1835 = arith.constant 255 : i32
      %min3A_1836 = vector.broadcast %min3A_1835 : i32 to vector<16xi32>
      %min3A_1837 = arith.minsi %add3A_1834, %min3A_1836 : vector<16xi32>
      %sub3A_1838 = arith.constant 1 : i32
      %sub3A_1839 = vector.broadcast %sub3A_1838 : i32 to vector<16xi32>
      %sub3A_1840 = arith.subi %min3A_1837, %sub3A_1839 : vector<16xi32>
      %gather3A_1841 = tpu.vector_load_idx %arg7[%sub3A_1840] : memref<256xf32, #tpu.memory_space<vmem>>[vector<16xi32>], vector<16xf32>,
      %le3A_1842 = arith.constant 255 : i32
      %le3A_1843 = vector.broadcast %le3A_1842 : i32 to vector<16xi32>
      %le3A_1844 = arith.cmpi sle, %add3A_1834, %le3A_1843 : vector<16xi32>
      %lt3A_1845 = arith.cmpf olt, %gather3A_1841, %min3A_1751 : vector<16xf32>
      %and3A_1846 = arith.andi %le3A_1844, %lt3A_1845 : vector<16xi1>
      %select_n3A_1847 = arith.select %and3A_1846, %add3A_1834, %select_n3A_1831 : vector<16xi1>, vector<16xi32>
      %add3A_1848 = arith.constant 2 : i32
      %add3A_1849 = vector.broadcast %add3A_1848 : i32 to vector<16xi32>
      %add3A_1850 = arith.addi %select_n3A_1847, %add3A_1849 : vector<16xi32>
      %min3A_1851 = arith.constant 255 : i32
      %min3A_1852 = vector.broadcast %min3A_1851 : i32 to vector<16xi32>
      %min3A_1853 = arith.minsi %add3A_1850, %min3A_1852 : vector<16xi32>
      %sub3A_1854 = arith.constant 1 : i32
      %sub3A_1855 = vector.broadcast %sub3A_1854 : i32 to vector<16xi32>
      %sub3A_1856 = arith.subi %min3A_1853, %sub3A_1855 : vector<16xi32>
      %gather3A_1857 = tpu.vector_load_idx %arg7[%sub3A_1856] : memref<256xf32, #tpu.memory_space<vmem>>[vector<16xi32>], vector<16xf32>,
      %le3A_1858 = arith.constant 255 : i32
      %le3A_1859 = vector.broadcast %le3A_1858 : i32 to vector<16xi32>
      %le3A_1860 = arith.cmpi sle, %add3A_1850, %le3A_1859 : vector<16xi32>
      %lt3A_1861 = arith.cmpf olt, %gather3A_1857, %min3A_1751 : vector<16xf32>
      %and3A_1862 = arith.andi %le3A_1860, %lt3A_1861 : vector<16xi1>
      %select_n3A_1863 = arith.select %and3A_1862, %add3A_1850, %select_n3A_1847 : vector<16xi1>, vector<16xi32>
      %add3A_1864 = arith.constant 1 : i32
      %add3A_1865 = vector.broadcast %add3A_1864 : i32 to vector<16xi32>
      %add3A_1866 = arith.addi %select_n3A_1863, %add3A_1865 : vector<16xi32>
      %min3A_1867 = arith.constant 255 : i32
      %min3A_1868 = vector.broadcast %min3A_1867 : i32 to vector<16xi32>
      %min3A_1869 = arith.minsi %add3A_1866, %min3A_1868 : vector<16xi32>
      %sub3A_1870 = arith.constant 1 : i32
      %sub3A_1871 = vector.broadcast %sub3A_1870 : i32 to vector<16xi32>
      %sub3A_1872 = arith.subi %min3A_1869, %sub3A_1871 : vector<16xi32>
      %gather3A_1873 = tpu.vector_load_idx %arg7[%sub3A_1872] : memref<256xf32, #tpu.memory_space<vmem>>[vector<16xi32>], vector<16xf32>,
      %le3A_1874 = arith.constant 255 : i32
      %le3A_1875 = vector.broadcast %le3A_1874 : i32 to vector<16xi32>
      %le3A_1876 = arith.cmpi sle, %add3A_1866, %le3A_1875 : vector<16xi32>
      %lt3A_1877 = arith.cmpf olt, %gather3A_1873, %min3A_1751 : vector<16xf32>
      %and3A_1878 = arith.andi %le3A_1876, %lt3A_1877 : vector<16xi1>
      %select_n3A_1879 = arith.select %and3A_1878, %add3A_1866, %select_n3A_1863 : vector<16xi1>, vector<16xi32>
      %sub3A_1880 = arith.constant 1 : i32
      %sub3A_1881 = vector.broadcast %sub3A_1880 : i32 to vector<16xi32>
      %sub3A_1882 = arith.subi %select_n3A_1879, %sub3A_1881 : vector<16xi32>
      %jit3A_1883 = arith.constant 0 : i32
      %jit3A_1884 = arith.constant 253 : i32
      %max3A_1885 = vector.broadcast %jit3A_1883 : i32 to vector<16xi32>
      %max3A_1886 = arith.maxsi %max3A_1885, %sub3A_1882 : vector<16xi32>
      %min3A_1887 = vector.broadcast %jit3A_1884 : i32 to vector<16xi32>
      %min3A_1888 = arith.minsi %min3A_1887, %max3A_1886 : vector<16xi32>
      %add3A_1889 = arith.constant 1 : i32
      %add3A_1890 = vector.broadcast %add3A_1889 : i32 to vector<16xi32>
      %add3A_1891 = arith.addi %min3A_1888, %add3A_1890 : vector<16xi32>
      %gather3A_1892 = tpu.vector_load_idx %arg7[%min3A_1888] : memref<256xf32, #tpu.memory_space<vmem>>[vector<16xi32>], vector<16xf32>,
      %gather3A_1893 = tpu.vector_load_idx %arg7[%add3A_1891] : memref<256xf32, #tpu.memory_space<vmem>>[vector<16xi32>], vector<16xf32>,
      %sub3A_1894 = arith.subf %min3A_1751, %gather3A_1892 : vector<16xf32>
      %sub3A_1895 = arith.subf %gather3A_1893, %gather3A_1892 : vector<16xf32>
      %add3A_1896 = arith.constant 9.99999993E-9 : f32
      %add3A_1897 = vector.broadcast %add3A_1896 : f32 to vector<16xf32>
      %add3A_1898 = arith.addf %sub3A_1895, %add3A_1897 : vector<16xf32>
      %div3A_1899 = arith.divf %sub3A_1894, %add3A_1898 : vector<16xf32>
      %sub3A_1900 = arith.constant 1.000000e+00 : f32
      %sub3A_1901 = vector.broadcast %sub3A_1900 : f32 to vector<16xf32>
      %sub3A_1902 = arith.subf %sub3A_1901, %div3A_1899 : vector<16xf32>
      %add3A_1903 = arith.constant 16 : i32
      %add3A_1904 = vector.broadcast %add3A_1903 : i32 to vector<16xi32>
      %add3A_1905 = arith.addi %iota3A, %add3A_1904 : vector<16xi32>
      %scatter3A_1906 = arith.constant 1 : i32
      %scatter3A_1907 = arith.constant 0 : i32
      %scatter3A_1908 = arith.constant 0 : i32
      %scatter3A_1909 = tpu.memref_slice %arg8[%scatter3A_1906, %scatter3A_1907, %scatter3A_1908] : memref<2x128x255xf32, #tpu.memory_space<vmem>> -> memref<1x128x255xf32, #tpu.memory_space<vmem>>
      %scatter3A_1910 = tpu.memref_squeeze %scatter3A_1909 : memref<1x128x255xf32, #tpu.memory_space<vmem>> -> memref<128x255xf32, #tpu.memory_space<vmem>>
      tpu.vector_store_idx %scatter3A_1910[%add3A_1905, %min3A_1888], %sub3A_1902 : memref<128x255xf32, #tpu.memory_space<vmem>>[vector<16xi32>, vector<16xi32>], vector<16xf32>,
      %scatter3A_1911 = arith.constant 1 : i32
      %scatter3A_1912 = arith.constant 0 : i32
      %scatter3A_1913 = arith.constant 0 : i32
      %scatter3A_1914 = tpu.memref_slice %arg8[%scatter3A_1911, %scatter3A_1912, %scatter3A_1913] : memref<2x128x255xf32, #tpu.memory_space<vmem>> -> memref<1x128x255xf32, #tpu.memory_space<vmem>>
      %scatter3A_1915 = tpu.memref_squeeze %scatter3A_1914 : memref<1x128x255xf32, #tpu.memory_space<vmem>> -> memref<128x255xf32, #tpu.memory_space<vmem>>
      tpu.vector_store_idx %scatter3A_1915[%add3A_1905, %add3A_1891], %div3A_1899 : memref<128x255xf32, #tpu.memory_space<vmem>>[vector<16xi32>, vector<16xi32>], vector<16xf32>,
      %swap3A_1916 = arith.constant 288 : index
      %swap3A_1917 = tpu.vector_load %arg9[%swap3A_1916] {strides = array<i32>} : memref<512xi32, #tpu.memory_space<vmem>>, vector<16xi32>,
      tpu.vector_store %arg9[%swap3A_1916], %min3A_1888 {strides = array<i32>} : memref<512xi32, #tpu.memory_space<vmem>>, vector<16xi32>,
      %swap3A_1918 = arith.constant 304 : index
      %swap3A_1919 = tpu.vector_load %arg9[%swap3A_1918] {strides = array<i32>} : memref<512xi32, #tpu.memory_space<vmem>>, vector<16xi32>,
      tpu.vector_store %arg9[%swap3A_1918], %add3A_1891 {strides = array<i32>} : memref<512xi32, #tpu.memory_space<vmem>>, vector<16xi32>,
      %mul3A_1920 = arith.constant 128 : i32
      %mul3A_1921 = arith.muli %add3A_1519, %mul3A_1920 : i32
      %add3A_1922 = arith.constant 32 : i32
      %add3A_1923 = arith.addi %mul3A_1921, %add3A_1922 : i32
      %get3A_1924 = arith.index_cast %add3A_1923 : i32 to index
      %get3A_1925 = tpu.vector_load %arg6[%get3A_1924] {strides = array<i32>} : memref<8192xf32, #tpu.memory_space<vmem>>, vector<16xf32>,
      %max3A_1926 = arith.maximumf %get3A_1925, %gather3A : vector<16xf32>
      %min3A_1927 = arith.minimumf %max3A_1926, %gather3A_18 : vector<16xf32>
      %add3A_1928 = arith.constant 128 : i32
      %add3A_1929 = vector.broadcast %add3A_1928 : i32 to vector<16xi32>
      %add3A_1930 = arith.addi %broadcast_in_dim3A_12, %add3A_1929 : vector<16xi32>
      %min3A_1931 = arith.constant 255 : i32
      %min3A_1932 = vector.broadcast %min3A_1931 : i32 to vector<16xi32>
      %min3A_1933 = arith.minsi %add3A_1930, %min3A_1932 : vector<16xi32>
      %sub3A_1934 = arith.constant 1 : i32
      %sub3A_1935 = vector.broadcast %sub3A_1934 : i32 to vector<16xi32>
      %sub3A_1936 = arith.subi %min3A_1933, %sub3A_1935 : vector<16xi32>
      %gather3A_1937 = tpu.vector_load_idx %arg7[%sub3A_1936] : memref<256xf32, #tpu.memory_space<vmem>>[vector<16xi32>], vector<16xf32>,
      %le3A_1938 = arith.constant 255 : i32
      %le3A_1939 = vector.broadcast %le3A_1938 : i32 to vector<16xi32>
      %le3A_1940 = arith.cmpi sle, %add3A_1930, %le3A_1939 : vector<16xi32>
      %lt3A_1941 = arith.cmpf olt, %gather3A_1937, %min3A_1927 : vector<16xf32>
      %and3A_1942 = arith.andi %le3A_1940, %lt3A_1941 : vector<16xi1>
      %select_n3A_1943 = arith.select %and3A_1942, %add3A_1930, %broadcast_in_dim3A_12 : vector<16xi1>, vector<16xi32>
      %add3A_1944 = arith.constant 64 : i32
      %add3A_1945 = vector.broadcast %add3A_1944 : i32 to vector<16xi32>
      %add3A_1946 = arith.addi %select_n3A_1943, %add3A_1945 : vector<16xi32>
      %min3A_1947 = arith.constant 255 : i32
      %min3A_1948 = vector.broadcast %min3A_1947 : i32 to vector<16xi32>
      %min3A_1949 = arith.minsi %add3A_1946, %min3A_1948 : vector<16xi32>
      %sub3A_1950 = arith.constant 1 : i32
      %sub3A_1951 = vector.broadcast %sub3A_1950 : i32 to vector<16xi32>
      %sub3A_1952 = arith.subi %min3A_1949, %sub3A_1951 : vector<16xi32>
      %gather3A_1953 = tpu.vector_load_idx %arg7[%sub3A_1952] : memref<256xf32, #tpu.memory_space<vmem>>[vector<16xi32>], vector<16xf32>,
      %le3A_1954 = arith.constant 255 : i32
      %le3A_1955 = vector.broadcast %le3A_1954 : i32 to vector<16xi32>
      %le3A_1956 = arith.cmpi sle, %add3A_1946, %le3A_1955 : vector<16xi32>
      %lt3A_1957 = arith.cmpf olt, %gather3A_1953, %min3A_1927 : vector<16xf32>
      %and3A_1958 = arith.andi %le3A_1956, %lt3A_1957 : vector<16xi1>
      %select_n3A_1959 = arith.select %and3A_1958, %add3A_1946, %select_n3A_1943 : vector<16xi1>, vector<16xi32>
      %add3A_1960 = arith.constant 32 : i32
      %add3A_1961 = vector.broadcast %add3A_1960 : i32 to vector<16xi32>
      %add3A_1962 = arith.addi %select_n3A_1959, %add3A_1961 : vector<16xi32>
      %min3A_1963 = arith.constant 255 : i32
      %min3A_1964 = vector.broadcast %min3A_1963 : i32 to vector<16xi32>
      %min3A_1965 = arith.minsi %add3A_1962, %min3A_1964 : vector<16xi32>
      %sub3A_1966 = arith.constant 1 : i32
      %sub3A_1967 = vector.broadcast %sub3A_1966 : i32 to vector<16xi32>
      %sub3A_1968 = arith.subi %min3A_1965, %sub3A_1967 : vector<16xi32>
      %gather3A_1969 = tpu.vector_load_idx %arg7[%sub3A_1968] : memref<256xf32, #tpu.memory_space<vmem>>[vector<16xi32>], vector<16xf32>,
      %le3A_1970 = arith.constant 255 : i32
      %le3A_1971 = vector.broadcast %le3A_1970 : i32 to vector<16xi32>
      %le3A_1972 = arith.cmpi sle, %add3A_1962, %le3A_1971 : vector<16xi32>
      %lt3A_1973 = arith.cmpf olt, %gather3A_1969, %min3A_1927 : vector<16xf32>
      %and3A_1974 = arith.andi %le3A_1972, %lt3A_1973 : vector<16xi1>
      %select_n3A_1975 = arith.select %and3A_1974, %add3A_1962, %select_n3A_1959 : vector<16xi1>, vector<16xi32>
      %add3A_1976 = arith.constant 16 : i32
      %add3A_1977 = vector.broadcast %add3A_1976 : i32 to vector<16xi32>
      %add3A_1978 = arith.addi %select_n3A_1975, %add3A_1977 : vector<16xi32>
      %min3A_1979 = arith.constant 255 : i32
      %min3A_1980 = vector.broadcast %min3A_1979 : i32 to vector<16xi32>
      %min3A_1981 = arith.minsi %add3A_1978, %min3A_1980 : vector<16xi32>
      %sub3A_1982 = arith.constant 1 : i32
      %sub3A_1983 = vector.broadcast %sub3A_1982 : i32 to vector<16xi32>
      %sub3A_1984 = arith.subi %min3A_1981, %sub3A_1983 : vector<16xi32>
      %gather3A_1985 = tpu.vector_load_idx %arg7[%sub3A_1984] : memref<256xf32, #tpu.memory_space<vmem>>[vector<16xi32>], vector<16xf32>,
      %le3A_1986 = arith.constant 255 : i32
      %le3A_1987 = vector.broadcast %le3A_1986 : i32 to vector<16xi32>
      %le3A_1988 = arith.cmpi sle, %add3A_1978, %le3A_1987 : vector<16xi32>
      %lt3A_1989 = arith.cmpf olt, %gather3A_1985, %min3A_1927 : vector<16xf32>
      %and3A_1990 = arith.andi %le3A_1988, %lt3A_1989 : vector<16xi1>
      %select_n3A_1991 = arith.select %and3A_1990, %add3A_1978, %select_n3A_1975 : vector<16xi1>, vector<16xi32>
      %add3A_1992 = arith.constant 8 : i32
      %add3A_1993 = vector.broadcast %add3A_1992 : i32 to vector<16xi32>
      %add3A_1994 = arith.addi %select_n3A_1991, %add3A_1993 : vector<16xi32>
      %min3A_1995 = arith.constant 255 : i32
      %min3A_1996 = vector.broadcast %min3A_1995 : i32 to vector<16xi32>
      %min3A_1997 = arith.minsi %add3A_1994, %min3A_1996 : vector<16xi32>
      %sub3A_1998 = arith.constant 1 : i32
      %sub3A_1999 = vector.broadcast %sub3A_1998 : i32 to vector<16xi32>
      %sub3A_2000 = arith.subi %min3A_1997, %sub3A_1999 : vector<16xi32>
      %gather3A_2001 = tpu.vector_load_idx %arg7[%sub3A_2000] : memref<256xf32, #tpu.memory_space<vmem>>[vector<16xi32>], vector<16xf32>,
      %le3A_2002 = arith.constant 255 : i32
      %le3A_2003 = vector.broadcast %le3A_2002 : i32 to vector<16xi32>
      %le3A_2004 = arith.cmpi sle, %add3A_1994, %le3A_2003 : vector<16xi32>
      %lt3A_2005 = arith.cmpf olt, %gather3A_2001, %min3A_1927 : vector<16xf32>
      %and3A_2006 = arith.andi %le3A_2004, %lt3A_2005 : vector<16xi1>
      %select_n3A_2007 = arith.select %and3A_2006, %add3A_1994, %select_n3A_1991 : vector<16xi1>, vector<16xi32>
      %add3A_2008 = arith.constant 4 : i32
      %add3A_2009 = vector.broadcast %add3A_2008 : i32 to vector<16xi32>
      %add3A_2010 = arith.addi %select_n3A_2007, %add3A_2009 : vector<16xi32>
      %min3A_2011 = arith.constant 255 : i32
      %min3A_2012 = vector.broadcast %min3A_2011 : i32 to vector<16xi32>
      %min3A_2013 = arith.minsi %add3A_2010, %min3A_2012 : vector<16xi32>
      %sub3A_2014 = arith.constant 1 : i32
      %sub3A_2015 = vector.broadcast %sub3A_2014 : i32 to vector<16xi32>
      %sub3A_2016 = arith.subi %min3A_2013, %sub3A_2015 : vector<16xi32>
      %gather3A_2017 = tpu.vector_load_idx %arg7[%sub3A_2016] : memref<256xf32, #tpu.memory_space<vmem>>[vector<16xi32>], vector<16xf32>,
      %le3A_2018 = arith.constant 255 : i32
      %le3A_2019 = vector.broadcast %le3A_2018 : i32 to vector<16xi32>
      %le3A_2020 = arith.cmpi sle, %add3A_2010, %le3A_2019 : vector<16xi32>
      %lt3A_2021 = arith.cmpf olt, %gather3A_2017, %min3A_1927 : vector<16xf32>
      %and3A_2022 = arith.andi %le3A_2020, %lt3A_2021 : vector<16xi1>
      %select_n3A_2023 = arith.select %and3A_2022, %add3A_2010, %select_n3A_2007 : vector<16xi1>, vector<16xi32>
      %add3A_2024 = arith.constant 2 : i32
      %add3A_2025 = vector.broadcast %add3A_2024 : i32 to vector<16xi32>
      %add3A_2026 = arith.addi %select_n3A_2023, %add3A_2025 : vector<16xi32>
      %min3A_2027 = arith.constant 255 : i32
      %min3A_2028 = vector.broadcast %min3A_2027 : i32 to vector<16xi32>
      %min3A_2029 = arith.minsi %add3A_2026, %min3A_2028 : vector<16xi32>
      %sub3A_2030 = arith.constant 1 : i32
      %sub3A_2031 = vector.broadcast %sub3A_2030 : i32 to vector<16xi32>
      %sub3A_2032 = arith.subi %min3A_2029, %sub3A_2031 : vector<16xi32>
      %gather3A_2033 = tpu.vector_load_idx %arg7[%sub3A_2032] : memref<256xf32, #tpu.memory_space<vmem>>[vector<16xi32>], vector<16xf32>,
      %le3A_2034 = arith.constant 255 : i32
      %le3A_2035 = vector.broadcast %le3A_2034 : i32 to vector<16xi32>
      %le3A_2036 = arith.cmpi sle, %add3A_2026, %le3A_2035 : vector<16xi32>
      %lt3A_2037 = arith.cmpf olt, %gather3A_2033, %min3A_1927 : vector<16xf32>
      %and3A_2038 = arith.andi %le3A_2036, %lt3A_2037 : vector<16xi1>
      %select_n3A_2039 = arith.select %and3A_2038, %add3A_2026, %select_n3A_2023 : vector<16xi1>, vector<16xi32>
      %add3A_2040 = arith.constant 1 : i32
      %add3A_2041 = vector.broadcast %add3A_2040 : i32 to vector<16xi32>
      %add3A_2042 = arith.addi %select_n3A_2039, %add3A_2041 : vector<16xi32>
      %min3A_2043 = arith.constant 255 : i32
      %min3A_2044 = vector.broadcast %min3A_2043 : i32 to vector<16xi32>
      %min3A_2045 = arith.minsi %add3A_2042, %min3A_2044 : vector<16xi32>
      %sub3A_2046 = arith.constant 1 : i32
      %sub3A_2047 = vector.broadcast %sub3A_2046 : i32 to vector<16xi32>
      %sub3A_2048 = arith.subi %min3A_2045, %sub3A_2047 : vector<16xi32>
      %gather3A_2049 = tpu.vector_load_idx %arg7[%sub3A_2048] : memref<256xf32, #tpu.memory_space<vmem>>[vector<16xi32>], vector<16xf32>,
      %le3A_2050 = arith.constant 255 : i32
      %le3A_2051 = vector.broadcast %le3A_2050 : i32 to vector<16xi32>
      %le3A_2052 = arith.cmpi sle, %add3A_2042, %le3A_2051 : vector<16xi32>
      %lt3A_2053 = arith.cmpf olt, %gather3A_2049, %min3A_1927 : vector<16xf32>
      %and3A_2054 = arith.andi %le3A_2052, %lt3A_2053 : vector<16xi1>
      %select_n3A_2055 = arith.select %and3A_2054, %add3A_2042, %select_n3A_2039 : vector<16xi1>, vector<16xi32>
      %sub3A_2056 = arith.constant 1 : i32
      %sub3A_2057 = vector.broadcast %sub3A_2056 : i32 to vector<16xi32>
      %sub3A_2058 = arith.subi %select_n3A_2055, %sub3A_2057 : vector<16xi32>
      %jit3A_2059 = arith.constant 0 : i32
      %jit3A_2060 = arith.constant 253 : i32
      %max3A_2061 = vector.broadcast %jit3A_2059 : i32 to vector<16xi32>
      %max3A_2062 = arith.maxsi %max3A_2061, %sub3A_2058 : vector<16xi32>
      %min3A_2063 = vector.broadcast %jit3A_2060 : i32 to vector<16xi32>
      %min3A_2064 = arith.minsi %min3A_2063, %max3A_2062 : vector<16xi32>
      %add3A_2065 = arith.constant 1 : i32
      %add3A_2066 = vector.broadcast %add3A_2065 : i32 to vector<16xi32>
      %add3A_2067 = arith.addi %min3A_2064, %add3A_2066 : vector<16xi32>
      %gather3A_2068 = tpu.vector_load_idx %arg7[%min3A_2064] : memref<256xf32, #tpu.memory_space<vmem>>[vector<16xi32>], vector<16xf32>,
      %gather3A_2069 = tpu.vector_load_idx %arg7[%add3A_2067] : memref<256xf32, #tpu.memory_space<vmem>>[vector<16xi32>], vector<16xf32>,
      %sub3A_2070 = arith.subf %min3A_1927, %gather3A_2068 : vector<16xf32>
      %sub3A_2071 = arith.subf %gather3A_2069, %gather3A_2068 : vector<16xf32>
      %add3A_2072 = arith.constant 9.99999993E-9 : f32
      %add3A_2073 = vector.broadcast %add3A_2072 : f32 to vector<16xf32>
      %add3A_2074 = arith.addf %sub3A_2071, %add3A_2073 : vector<16xf32>
      %div3A_2075 = arith.divf %sub3A_2070, %add3A_2074 : vector<16xf32>
      %sub3A_2076 = arith.constant 1.000000e+00 : f32
      %sub3A_2077 = vector.broadcast %sub3A_2076 : f32 to vector<16xf32>
      %sub3A_2078 = arith.subf %sub3A_2077, %div3A_2075 : vector<16xf32>
      %add3A_2079 = arith.constant 32 : i32
      %add3A_2080 = vector.broadcast %add3A_2079 : i32 to vector<16xi32>
      %add3A_2081 = arith.addi %iota3A, %add3A_2080 : vector<16xi32>
      %scatter3A_2082 = arith.constant 1 : i32
      %scatter3A_2083 = arith.constant 0 : i32
      %scatter3A_2084 = arith.constant 0 : i32
      %scatter3A_2085 = tpu.memref_slice %arg8[%scatter3A_2082, %scatter3A_2083, %scatter3A_2084] : memref<2x128x255xf32, #tpu.memory_space<vmem>> -> memref<1x128x255xf32, #tpu.memory_space<vmem>>
      %scatter3A_2086 = tpu.memref_squeeze %scatter3A_2085 : memref<1x128x255xf32, #tpu.memory_space<vmem>> -> memref<128x255xf32, #tpu.memory_space<vmem>>
      tpu.vector_store_idx %scatter3A_2086[%add3A_2081, %min3A_2064], %sub3A_2078 : memref<128x255xf32, #tpu.memory_space<vmem>>[vector<16xi32>, vector<16xi32>], vector<16xf32>,
      %scatter3A_2087 = arith.constant 1 : i32
      %scatter3A_2088 = arith.constant 0 : i32
      %scatter3A_2089 = arith.constant 0 : i32
      %scatter3A_2090 = tpu.memref_slice %arg8[%scatter3A_2087, %scatter3A_2088, %scatter3A_2089] : memref<2x128x255xf32, #tpu.memory_space<vmem>> -> memref<1x128x255xf32, #tpu.memory_space<vmem>>
      %scatter3A_2091 = tpu.memref_squeeze %scatter3A_2090 : memref<1x128x255xf32, #tpu.memory_space<vmem>> -> memref<128x255xf32, #tpu.memory_space<vmem>>
      tpu.vector_store_idx %scatter3A_2091[%add3A_2081, %add3A_2067], %div3A_2075 : memref<128x255xf32, #tpu.memory_space<vmem>>[vector<16xi32>, vector<16xi32>], vector<16xf32>,
      %swap3A_2092 = arith.constant 320 : index
      %swap3A_2093 = tpu.vector_load %arg9[%swap3A_2092] {strides = array<i32>} : memref<512xi32, #tpu.memory_space<vmem>>, vector<16xi32>,
      tpu.vector_store %arg9[%swap3A_2092], %min3A_2064 {strides = array<i32>} : memref<512xi32, #tpu.memory_space<vmem>>, vector<16xi32>,
      %swap3A_2094 = arith.constant 336 : index
      %swap3A_2095 = tpu.vector_load %arg9[%swap3A_2094] {strides = array<i32>} : memref<512xi32, #tpu.memory_space<vmem>>, vector<16xi32>,
      tpu.vector_store %arg9[%swap3A_2094], %add3A_2067 {strides = array<i32>} : memref<512xi32, #tpu.memory_space<vmem>>, vector<16xi32>,
      %mul3A_2096 = arith.constant 128 : i32
      %mul3A_2097 = arith.muli %add3A_1519, %mul3A_2096 : i32
      %add3A_2098 = arith.constant 48 : i32
      %add3A_2099 = arith.addi %mul3A_2097, %add3A_2098 : i32
      %get3A_2100 = arith.index_cast %add3A_2099 : i32 to index
      %get3A_2101 = tpu.vector_load %arg6[%get3A_2100] {strides = array<i32>} : memref<8192xf32, #tpu.memory_space<vmem>>, vector<16xf32>,
      %max3A_2102 = arith.maximumf %get3A_2101, %gather3A : vector<16xf32>
      %min3A_2103 = arith.minimumf %max3A_2102, %gather3A_18 : vector<16xf32>
      %add3A_2104 = arith.constant 128 : i32
      %add3A_2105 = vector.broadcast %add3A_2104 : i32 to vector<16xi32>
      %add3A_2106 = arith.addi %broadcast_in_dim3A_12, %add3A_2105 : vector<16xi32>
      %min3A_2107 = arith.constant 255 : i32
      %min3A_2108 = vector.broadcast %min3A_2107 : i32 to vector<16xi32>
      %min3A_2109 = arith.minsi %add3A_2106, %min3A_2108 : vector<16xi32>
      %sub3A_2110 = arith.constant 1 : i32
      %sub3A_2111 = vector.broadcast %sub3A_2110 : i32 to vector<16xi32>
      %sub3A_2112 = arith.subi %min3A_2109, %sub3A_2111 : vector<16xi32>
      %gather3A_2113 = tpu.vector_load_idx %arg7[%sub3A_2112] : memref<256xf32, #tpu.memory_space<vmem>>[vector<16xi32>], vector<16xf32>,
      %le3A_2114 = arith.constant 255 : i32
      %le3A_2115 = vector.broadcast %le3A_2114 : i32 to vector<16xi32>
      %le3A_2116 = arith.cmpi sle, %add3A_2106, %le3A_2115 : vector<16xi32>
      %lt3A_2117 = arith.cmpf olt, %gather3A_2113, %min3A_2103 : vector<16xf32>
      %and3A_2118 = arith.andi %le3A_2116, %lt3A_2117 : vector<16xi1>
      %select_n3A_2119 = arith.select %and3A_2118, %add3A_2106, %broadcast_in_dim3A_12 : vector<16xi1>, vector<16xi32>
      %add3A_2120 = arith.constant 64 : i32
      %add3A_2121 = vector.broadcast %add3A_2120 : i32 to vector<16xi32>
      %add3A_2122 = arith.addi %select_n3A_2119, %add3A_2121 : vector<16xi32>
      %min3A_2123 = arith.constant 255 : i32
      %min3A_2124 = vector.broadcast %min3A_2123 : i32 to vector<16xi32>
      %min3A_2125 = arith.minsi %add3A_2122, %min3A_2124 : vector<16xi32>
      %sub3A_2126 = arith.constant 1 : i32
      %sub3A_2127 = vector.broadcast %sub3A_2126 : i32 to vector<16xi32>
      %sub3A_2128 = arith.subi %min3A_2125, %sub3A_2127 : vector<16xi32>
      %gather3A_2129 = tpu.vector_load_idx %arg7[%sub3A_2128] : memref<256xf32, #tpu.memory_space<vmem>>[vector<16xi32>], vector<16xf32>,
      %le3A_2130 = arith.constant 255 : i32
      %le3A_2131 = vector.broadcast %le3A_2130 : i32 to vector<16xi32>
      %le3A_2132 = arith.cmpi sle, %add3A_2122, %le3A_2131 : vector<16xi32>
      %lt3A_2133 = arith.cmpf olt, %gather3A_2129, %min3A_2103 : vector<16xf32>
      %and3A_2134 = arith.andi %le3A_2132, %lt3A_2133 : vector<16xi1>
      %select_n3A_2135 = arith.select %and3A_2134, %add3A_2122, %select_n3A_2119 : vector<16xi1>, vector<16xi32>
      %add3A_2136 = arith.constant 32 : i32
      %add3A_2137 = vector.broadcast %add3A_2136 : i32 to vector<16xi32>
      %add3A_2138 = arith.addi %select_n3A_2135, %add3A_2137 : vector<16xi32>
      %min3A_2139 = arith.constant 255 : i32
      %min3A_2140 = vector.broadcast %min3A_2139 : i32 to vector<16xi32>
      %min3A_2141 = arith.minsi %add3A_2138, %min3A_2140 : vector<16xi32>
      %sub3A_2142 = arith.constant 1 : i32
      %sub3A_2143 = vector.broadcast %sub3A_2142 : i32 to vector<16xi32>
      %sub3A_2144 = arith.subi %min3A_2141, %sub3A_2143 : vector<16xi32>
      %gather3A_2145 = tpu.vector_load_idx %arg7[%sub3A_2144] : memref<256xf32, #tpu.memory_space<vmem>>[vector<16xi32>], vector<16xf32>,
      %le3A_2146 = arith.constant 255 : i32
      %le3A_2147 = vector.broadcast %le3A_2146 : i32 to vector<16xi32>
      %le3A_2148 = arith.cmpi sle, %add3A_2138, %le3A_2147 : vector<16xi32>
      %lt3A_2149 = arith.cmpf olt, %gather3A_2145, %min3A_2103 : vector<16xf32>
      %and3A_2150 = arith.andi %le3A_2148, %lt3A_2149 : vector<16xi1>
      %select_n3A_2151 = arith.select %and3A_2150, %add3A_2138, %select_n3A_2135 : vector<16xi1>, vector<16xi32>
      %add3A_2152 = arith.constant 16 : i32
      %add3A_2153 = vector.broadcast %add3A_2152 : i32 to vector<16xi32>
      %add3A_2154 = arith.addi %select_n3A_2151, %add3A_2153 : vector<16xi32>
      %min3A_2155 = arith.constant 255 : i32
      %min3A_2156 = vector.broadcast %min3A_2155 : i32 to vector<16xi32>
      %min3A_2157 = arith.minsi %add3A_2154, %min3A_2156 : vector<16xi32>
      %sub3A_2158 = arith.constant 1 : i32
      %sub3A_2159 = vector.broadcast %sub3A_2158 : i32 to vector<16xi32>
      %sub3A_2160 = arith.subi %min3A_2157, %sub3A_2159 : vector<16xi32>
      %gather3A_2161 = tpu.vector_load_idx %arg7[%sub3A_2160] : memref<256xf32, #tpu.memory_space<vmem>>[vector<16xi32>], vector<16xf32>,
      %le3A_2162 = arith.constant 255 : i32
      %le3A_2163 = vector.broadcast %le3A_2162 : i32 to vector<16xi32>
      %le3A_2164 = arith.cmpi sle, %add3A_2154, %le3A_2163 : vector<16xi32>
      %lt3A_2165 = arith.cmpf olt, %gather3A_2161, %min3A_2103 : vector<16xf32>
      %and3A_2166 = arith.andi %le3A_2164, %lt3A_2165 : vector<16xi1>
      %select_n3A_2167 = arith.select %and3A_2166, %add3A_2154, %select_n3A_2151 : vector<16xi1>, vector<16xi32>
      %add3A_2168 = arith.constant 8 : i32
      %add3A_2169 = vector.broadcast %add3A_2168 : i32 to vector<16xi32>
      %add3A_2170 = arith.addi %select_n3A_2167, %add3A_2169 : vector<16xi32>
      %min3A_2171 = arith.constant 255 : i32
      %min3A_2172 = vector.broadcast %min3A_2171 : i32 to vector<16xi32>
      %min3A_2173 = arith.minsi %add3A_2170, %min3A_2172 : vector<16xi32>
      %sub3A_2174 = arith.constant 1 : i32
      %sub3A_2175 = vector.broadcast %sub3A_2174 : i32 to vector<16xi32>
      %sub3A_2176 = arith.subi %min3A_2173, %sub3A_2175 : vector<16xi32>
      %gather3A_2177 = tpu.vector_load_idx %arg7[%sub3A_2176] : memref<256xf32, #tpu.memory_space<vmem>>[vector<16xi32>], vector<16xf32>,
      %le3A_2178 = arith.constant 255 : i32
      %le3A_2179 = vector.broadcast %le3A_2178 : i32 to vector<16xi32>
      %le3A_2180 = arith.cmpi sle, %add3A_2170, %le3A_2179 : vector<16xi32>
      %lt3A_2181 = arith.cmpf olt, %gather3A_2177, %min3A_2103 : vector<16xf32>
      %and3A_2182 = arith.andi %le3A_2180, %lt3A_2181 : vector<16xi1>
      %select_n3A_2183 = arith.select %and3A_2182, %add3A_2170, %select_n3A_2167 : vector<16xi1>, vector<16xi32>
      %add3A_2184 = arith.constant 4 : i32
      %add3A_2185 = vector.broadcast %add3A_2184 : i32 to vector<16xi32>
      %add3A_2186 = arith.addi %select_n3A_2183, %add3A_2185 : vector<16xi32>
      %min3A_2187 = arith.constant 255 : i32
      %min3A_2188 = vector.broadcast %min3A_2187 : i32 to vector<16xi32>
      %min3A_2189 = arith.minsi %add3A_2186, %min3A_2188 : vector<16xi32>
      %sub3A_2190 = arith.constant 1 : i32
      %sub3A_2191 = vector.broadcast %sub3A_2190 : i32 to vector<16xi32>
      %sub3A_2192 = arith.subi %min3A_2189, %sub3A_2191 : vector<16xi32>
      %gather3A_2193 = tpu.vector_load_idx %arg7[%sub3A_2192] : memref<256xf32, #tpu.memory_space<vmem>>[vector<16xi32>], vector<16xf32>,
      %le3A_2194 = arith.constant 255 : i32
      %le3A_2195 = vector.broadcast %le3A_2194 : i32 to vector<16xi32>
      %le3A_2196 = arith.cmpi sle, %add3A_2186, %le3A_2195 : vector<16xi32>
      %lt3A_2197 = arith.cmpf olt, %gather3A_2193, %min3A_2103 : vector<16xf32>
      %and3A_2198 = arith.andi %le3A_2196, %lt3A_2197 : vector<16xi1>
      %select_n3A_2199 = arith.select %and3A_2198, %add3A_2186, %select_n3A_2183 : vector<16xi1>, vector<16xi32>
      %add3A_2200 = arith.constant 2 : i32
      %add3A_2201 = vector.broadcast %add3A_2200 : i32 to vector<16xi32>
      %add3A_2202 = arith.addi %select_n3A_2199, %add3A_2201 : vector<16xi32>
      %min3A_2203 = arith.constant 255 : i32
      %min3A_2204 = vector.broadcast %min3A_2203 : i32 to vector<16xi32>
      %min3A_2205 = arith.minsi %add3A_2202, %min3A_2204 : vector<16xi32>
      %sub3A_2206 = arith.constant 1 : i32
      %sub3A_2207 = vector.broadcast %sub3A_2206 : i32 to vector<16xi32>
      %sub3A_2208 = arith.subi %min3A_2205, %sub3A_2207 : vector<16xi32>
      %gather3A_2209 = tpu.vector_load_idx %arg7[%sub3A_2208] : memref<256xf32, #tpu.memory_space<vmem>>[vector<16xi32>], vector<16xf32>,
      %le3A_2210 = arith.constant 255 : i32
      %le3A_2211 = vector.broadcast %le3A_2210 : i32 to vector<16xi32>
      %le3A_2212 = arith.cmpi sle, %add3A_2202, %le3A_2211 : vector<16xi32>
      %lt3A_2213 = arith.cmpf olt, %gather3A_2209, %min3A_2103 : vector<16xf32>
      %and3A_2214 = arith.andi %le3A_2212, %lt3A_2213 : vector<16xi1>
      %select_n3A_2215 = arith.select %and3A_2214, %add3A_2202, %select_n3A_2199 : vector<16xi1>, vector<16xi32>
      %add3A_2216 = arith.constant 1 : i32
      %add3A_2217 = vector.broadcast %add3A_2216 : i32 to vector<16xi32>
      %add3A_2218 = arith.addi %select_n3A_2215, %add3A_2217 : vector<16xi32>
      %min3A_2219 = arith.constant 255 : i32
      %min3A_2220 = vector.broadcast %min3A_2219 : i32 to vector<16xi32>
      %min3A_2221 = arith.minsi %add3A_2218, %min3A_2220 : vector<16xi32>
      %sub3A_2222 = arith.constant 1 : i32
      %sub3A_2223 = vector.broadcast %sub3A_2222 : i32 to vector<16xi32>
      %sub3A_2224 = arith.subi %min3A_2221, %sub3A_2223 : vector<16xi32>
      %gather3A_2225 = tpu.vector_load_idx %arg7[%sub3A_2224] : memref<256xf32, #tpu.memory_space<vmem>>[vector<16xi32>], vector<16xf32>,
      %le3A_2226 = arith.constant 255 : i32
      %le3A_2227 = vector.broadcast %le3A_2226 : i32 to vector<16xi32>
      %le3A_2228 = arith.cmpi sle, %add3A_2218, %le3A_2227 : vector<16xi32>
      %lt3A_2229 = arith.cmpf olt, %gather3A_2225, %min3A_2103 : vector<16xf32>
      %and3A_2230 = arith.andi %le3A_2228, %lt3A_2229 : vector<16xi1>
      %select_n3A_2231 = arith.select %and3A_2230, %add3A_2218, %select_n3A_2215 : vector<16xi1>, vector<16xi32>
      %sub3A_2232 = arith.constant 1 : i32
      %sub3A_2233 = vector.broadcast %sub3A_2232 : i32 to vector<16xi32>
      %sub3A_2234 = arith.subi %select_n3A_2231, %sub3A_2233 : vector<16xi32>
      %jit3A_2235 = arith.constant 0 : i32
      %jit3A_2236 = arith.constant 253 : i32
      %max3A_2237 = vector.broadcast %jit3A_2235 : i32 to vector<16xi32>
      %max3A_2238 = arith.maxsi %max3A_2237, %sub3A_2234 : vector<16xi32>
      %min3A_2239 = vector.broadcast %jit3A_2236 : i32 to vector<16xi32>
      %min3A_2240 = arith.minsi %min3A_2239, %max3A_2238 : vector<16xi32>
      %add3A_2241 = arith.constant 1 : i32
      %add3A_2242 = vector.broadcast %add3A_2241 : i32 to vector<16xi32>
      %add3A_2243 = arith.addi %min3A_2240, %add3A_2242 : vector<16xi32>
      %gather3A_2244 = tpu.vector_load_idx %arg7[%min3A_2240] : memref<256xf32, #tpu.memory_space<vmem>>[vector<16xi32>], vector<16xf32>,
      %gather3A_2245 = tpu.vector_load_idx %arg7[%add3A_2243] : memref<256xf32, #tpu.memory_space<vmem>>[vector<16xi32>], vector<16xf32>,
      %sub3A_2246 = arith.subf %min3A_2103, %gather3A_2244 : vector<16xf32>
      %sub3A_2247 = arith.subf %gather3A_2245, %gather3A_2244 : vector<16xf32>
      %add3A_2248 = arith.constant 9.99999993E-9 : f32
      %add3A_2249 = vector.broadcast %add3A_2248 : f32 to vector<16xf32>
      %add3A_2250 = arith.addf %sub3A_2247, %add3A_2249 : vector<16xf32>
      %div3A_2251 = arith.divf %sub3A_2246, %add3A_2250 : vector<16xf32>
      %sub3A_2252 = arith.constant 1.000000e+00 : f32
      %sub3A_2253 = vector.broadcast %sub3A_2252 : f32 to vector<16xf32>
      %sub3A_2254 = arith.subf %sub3A_2253, %div3A_2251 : vector<16xf32>
      %add3A_2255 = arith.constant 48 : i32
      %add3A_2256 = vector.broadcast %add3A_2255 : i32 to vector<16xi32>
      %add3A_2257 = arith.addi %iota3A, %add3A_2256 : vector<16xi32>
      %scatter3A_2258 = arith.constant 1 : i32
      %scatter3A_2259 = arith.constant 0 : i32
      %scatter3A_2260 = arith.constant 0 : i32
      %scatter3A_2261 = tpu.memref_slice %arg8[%scatter3A_2258, %scatter3A_2259, %scatter3A_2260] : memref<2x128x255xf32, #tpu.memory_space<vmem>> -> memref<1x128x255xf32, #tpu.memory_space<vmem>>
      %scatter3A_2262 = tpu.memref_squeeze %scatter3A_2261 : memref<1x128x255xf32, #tpu.memory_space<vmem>> -> memref<128x255xf32, #tpu.memory_space<vmem>>
      tpu.vector_store_idx %scatter3A_2262[%add3A_2257, %min3A_2240], %sub3A_2254 : memref<128x255xf32, #tpu.memory_space<vmem>>[vector<16xi32>, vector<16xi32>], vector<16xf32>,
      %scatter3A_2263 = arith.constant 1 : i32
      %scatter3A_2264 = arith.constant 0 : i32
      %scatter3A_2265 = arith.constant 0 : i32
      %scatter3A_2266 = tpu.memref_slice %arg8[%scatter3A_2263, %scatter3A_2264, %scatter3A_2265] : memref<2x128x255xf32, #tpu.memory_space<vmem>> -> memref<1x128x255xf32, #tpu.memory_space<vmem>>
      %scatter3A_2267 = tpu.memref_squeeze %scatter3A_2266 : memref<1x128x255xf32, #tpu.memory_space<vmem>> -> memref<128x255xf32, #tpu.memory_space<vmem>>
      tpu.vector_store_idx %scatter3A_2267[%add3A_2257, %add3A_2243], %div3A_2251 : memref<128x255xf32, #tpu.memory_space<vmem>>[vector<16xi32>, vector<16xi32>], vector<16xf32>,
      %swap3A_2268 = arith.constant 352 : index
      %swap3A_2269 = tpu.vector_load %arg9[%swap3A_2268] {strides = array<i32>} : memref<512xi32, #tpu.memory_space<vmem>>, vector<16xi32>,
      tpu.vector_store %arg9[%swap3A_2268], %min3A_2240 {strides = array<i32>} : memref<512xi32, #tpu.memory_space<vmem>>, vector<16xi32>,
      %swap3A_2270 = arith.constant 368 : index
      %swap3A_2271 = tpu.vector_load %arg9[%swap3A_2270] {strides = array<i32>} : memref<512xi32, #tpu.memory_space<vmem>>, vector<16xi32>,
      tpu.vector_store %arg9[%swap3A_2270], %add3A_2243 {strides = array<i32>} : memref<512xi32, #tpu.memory_space<vmem>>, vector<16xi32>,
      %mul3A_2272 = arith.constant 128 : i32
      %mul3A_2273 = arith.muli %add3A_1519, %mul3A_2272 : i32
      %add3A_2274 = arith.constant 64 : i32
      %add3A_2275 = arith.addi %mul3A_2273, %add3A_2274 : i32
      %get3A_2276 = arith.index_cast %add3A_2275 : i32 to index
      %get3A_2277 = tpu.vector_load %arg6[%get3A_2276] {strides = array<i32>} : memref<8192xf32, #tpu.memory_space<vmem>>, vector<16xf32>,
      %max3A_2278 = arith.maximumf %get3A_2277, %gather3A : vector<16xf32>
      %min3A_2279 = arith.minimumf %max3A_2278, %gather3A_18 : vector<16xf32>
      %add3A_2280 = arith.constant 128 : i32
      %add3A_2281 = vector.broadcast %add3A_2280 : i32 to vector<16xi32>
      %add3A_2282 = arith.addi %broadcast_in_dim3A_12, %add3A_2281 : vector<16xi32>
      %min3A_2283 = arith.constant 255 : i32
      %min3A_2284 = vector.broadcast %min3A_2283 : i32 to vector<16xi32>
      %min3A_2285 = arith.minsi %add3A_2282, %min3A_2284 : vector<16xi32>
      %sub3A_2286 = arith.constant 1 : i32
      %sub3A_2287 = vector.broadcast %sub3A_2286 : i32 to vector<16xi32>
      %sub3A_2288 = arith.subi %min3A_2285, %sub3A_2287 : vector<16xi32>
      %gather3A_2289 = tpu.vector_load_idx %arg7[%sub3A_2288] : memref<256xf32, #tpu.memory_space<vmem>>[vector<16xi32>], vector<16xf32>,
      %le3A_2290 = arith.constant 255 : i32
      %le3A_2291 = vector.broadcast %le3A_2290 : i32 to vector<16xi32>
      %le3A_2292 = arith.cmpi sle, %add3A_2282, %le3A_2291 : vector<16xi32>
      %lt3A_2293 = arith.cmpf olt, %gather3A_2289, %min3A_2279 : vector<16xf32>
      %and3A_2294 = arith.andi %le3A_2292, %lt3A_2293 : vector<16xi1>
      %select_n3A_2295 = arith.select %and3A_2294, %add3A_2282, %broadcast_in_dim3A_12 : vector<16xi1>, vector<16xi32>
      %add3A_2296 = arith.constant 64 : i32
      %add3A_2297 = vector.broadcast %add3A_2296 : i32 to vector<16xi32>
      %add3A_2298 = arith.addi %select_n3A_2295, %add3A_2297 : vector<16xi32>
      %min3A_2299 = arith.constant 255 : i32
      %min3A_2300 = vector.broadcast %min3A_2299 : i32 to vector<16xi32>
      %min3A_2301 = arith.minsi %add3A_2298, %min3A_2300 : vector<16xi32>
      %sub3A_2302 = arith.constant 1 : i32
      %sub3A_2303 = vector.broadcast %sub3A_2302 : i32 to vector<16xi32>
      %sub3A_2304 = arith.subi %min3A_2301, %sub3A_2303 : vector<16xi32>
      %gather3A_2305 = tpu.vector_load_idx %arg7[%sub3A_2304] : memref<256xf32, #tpu.memory_space<vmem>>[vector<16xi32>], vector<16xf32>,
      %le3A_2306 = arith.constant 255 : i32
      %le3A_2307 = vector.broadcast %le3A_2306 : i32 to vector<16xi32>
      %le3A_2308 = arith.cmpi sle, %add3A_2298, %le3A_2307 : vector<16xi32>
      %lt3A_2309 = arith.cmpf olt, %gather3A_2305, %min3A_2279 : vector<16xf32>
      %and3A_2310 = arith.andi %le3A_2308, %lt3A_2309 : vector<16xi1>
      %select_n3A_2311 = arith.select %and3A_2310, %add3A_2298, %select_n3A_2295 : vector<16xi1>, vector<16xi32>
      %add3A_2312 = arith.constant 32 : i32
      %add3A_2313 = vector.broadcast %add3A_2312 : i32 to vector<16xi32>
      %add3A_2314 = arith.addi %select_n3A_2311, %add3A_2313 : vector<16xi32>
      %min3A_2315 = arith.constant 255 : i32
      %min3A_2316 = vector.broadcast %min3A_2315 : i32 to vector<16xi32>
      %min3A_2317 = arith.minsi %add3A_2314, %min3A_2316 : vector<16xi32>
      %sub3A_2318 = arith.constant 1 : i32
      %sub3A_2319 = vector.broadcast %sub3A_2318 : i32 to vector<16xi32>
      %sub3A_2320 = arith.subi %min3A_2317, %sub3A_2319 : vector<16xi32>
      %gather3A_2321 = tpu.vector_load_idx %arg7[%sub3A_2320] : memref<256xf32, #tpu.memory_space<vmem>>[vector<16xi32>], vector<16xf32>,
      %le3A_2322 = arith.constant 255 : i32
      %le3A_2323 = vector.broadcast %le3A_2322 : i32 to vector<16xi32>
      %le3A_2324 = arith.cmpi sle, %add3A_2314, %le3A_2323 : vector<16xi32>
      %lt3A_2325 = arith.cmpf olt, %gather3A_2321, %min3A_2279 : vector<16xf32>
      %and3A_2326 = arith.andi %le3A_2324, %lt3A_2325 : vector<16xi1>
      %select_n3A_2327 = arith.select %and3A_2326, %add3A_2314, %select_n3A_2311 : vector<16xi1>, vector<16xi32>
      %add3A_2328 = arith.constant 16 : i32
      %add3A_2329 = vector.broadcast %add3A_2328 : i32 to vector<16xi32>
      %add3A_2330 = arith.addi %select_n3A_2327, %add3A_2329 : vector<16xi32>
      %min3A_2331 = arith.constant 255 : i32
      %min3A_2332 = vector.broadcast %min3A_2331 : i32 to vector<16xi32>
      %min3A_2333 = arith.minsi %add3A_2330, %min3A_2332 : vector<16xi32>
      %sub3A_2334 = arith.constant 1 : i32
      %sub3A_2335 = vector.broadcast %sub3A_2334 : i32 to vector<16xi32>
      %sub3A_2336 = arith.subi %min3A_2333, %sub3A_2335 : vector<16xi32>
      %gather3A_2337 = tpu.vector_load_idx %arg7[%sub3A_2336] : memref<256xf32, #tpu.memory_space<vmem>>[vector<16xi32>], vector<16xf32>,
      %le3A_2338 = arith.constant 255 : i32
      %le3A_2339 = vector.broadcast %le3A_2338 : i32 to vector<16xi32>
      %le3A_2340 = arith.cmpi sle, %add3A_2330, %le3A_2339 : vector<16xi32>
      %lt3A_2341 = arith.cmpf olt, %gather3A_2337, %min3A_2279 : vector<16xf32>
      %and3A_2342 = arith.andi %le3A_2340, %lt3A_2341 : vector<16xi1>
      %select_n3A_2343 = arith.select %and3A_2342, %add3A_2330, %select_n3A_2327 : vector<16xi1>, vector<16xi32>
      %add3A_2344 = arith.constant 8 : i32
      %add3A_2345 = vector.broadcast %add3A_2344 : i32 to vector<16xi32>
      %add3A_2346 = arith.addi %select_n3A_2343, %add3A_2345 : vector<16xi32>
      %min3A_2347 = arith.constant 255 : i32
      %min3A_2348 = vector.broadcast %min3A_2347 : i32 to vector<16xi32>
      %min3A_2349 = arith.minsi %add3A_2346, %min3A_2348 : vector<16xi32>
      %sub3A_2350 = arith.constant 1 : i32
      %sub3A_2351 = vector.broadcast %sub3A_2350 : i32 to vector<16xi32>
      %sub3A_2352 = arith.subi %min3A_2349, %sub3A_2351 : vector<16xi32>
      %gather3A_2353 = tpu.vector_load_idx %arg7[%sub3A_2352] : memref<256xf32, #tpu.memory_space<vmem>>[vector<16xi32>], vector<16xf32>,
      %le3A_2354 = arith.constant 255 : i32
      %le3A_2355 = vector.broadcast %le3A_2354 : i32 to vector<16xi32>
      %le3A_2356 = arith.cmpi sle, %add3A_2346, %le3A_2355 : vector<16xi32>
      %lt3A_2357 = arith.cmpf olt, %gather3A_2353, %min3A_2279 : vector<16xf32>
      %and3A_2358 = arith.andi %le3A_2356, %lt3A_2357 : vector<16xi1>
      %select_n3A_2359 = arith.select %and3A_2358, %add3A_2346, %select_n3A_2343 : vector<16xi1>, vector<16xi32>
      %add3A_2360 = arith.constant 4 : i32
      %add3A_2361 = vector.broadcast %add3A_2360 : i32 to vector<16xi32>
      %add3A_2362 = arith.addi %select_n3A_2359, %add3A_2361 : vector<16xi32>
      %min3A_2363 = arith.constant 255 : i32
      %min3A_2364 = vector.broadcast %min3A_2363 : i32 to vector<16xi32>
      %min3A_2365 = arith.minsi %add3A_2362, %min3A_2364 : vector<16xi32>
      %sub3A_2366 = arith.constant 1 : i32
      %sub3A_2367 = vector.broadcast %sub3A_2366 : i32 to vector<16xi32>
      %sub3A_2368 = arith.subi %min3A_2365, %sub3A_2367 : vector<16xi32>
      %gather3A_2369 = tpu.vector_load_idx %arg7[%sub3A_2368] : memref<256xf32, #tpu.memory_space<vmem>>[vector<16xi32>], vector<16xf32>,
      %le3A_2370 = arith.constant 255 : i32
      %le3A_2371 = vector.broadcast %le3A_2370 : i32 to vector<16xi32>
      %le3A_2372 = arith.cmpi sle, %add3A_2362, %le3A_2371 : vector<16xi32>
      %lt3A_2373 = arith.cmpf olt, %gather3A_2369, %min3A_2279 : vector<16xf32>
      %and3A_2374 = arith.andi %le3A_2372, %lt3A_2373 : vector<16xi1>
      %select_n3A_2375 = arith.select %and3A_2374, %add3A_2362, %select_n3A_2359 : vector<16xi1>, vector<16xi32>
      %add3A_2376 = arith.constant 2 : i32
      %add3A_2377 = vector.broadcast %add3A_2376 : i32 to vector<16xi32>
      %add3A_2378 = arith.addi %select_n3A_2375, %add3A_2377 : vector<16xi32>
      %min3A_2379 = arith.constant 255 : i32
      %min3A_2380 = vector.broadcast %min3A_2379 : i32 to vector<16xi32>
      %min3A_2381 = arith.minsi %add3A_2378, %min3A_2380 : vector<16xi32>
      %sub3A_2382 = arith.constant 1 : i32
      %sub3A_2383 = vector.broadcast %sub3A_2382 : i32 to vector<16xi32>
      %sub3A_2384 = arith.subi %min3A_2381, %sub3A_2383 : vector<16xi32>
      %gather3A_2385 = tpu.vector_load_idx %arg7[%sub3A_2384] : memref<256xf32, #tpu.memory_space<vmem>>[vector<16xi32>], vector<16xf32>,
      %le3A_2386 = arith.constant 255 : i32
      %le3A_2387 = vector.broadcast %le3A_2386 : i32 to vector<16xi32>
      %le3A_2388 = arith.cmpi sle, %add3A_2378, %le3A_2387 : vector<16xi32>
      %lt3A_2389 = arith.cmpf olt, %gather3A_2385, %min3A_2279 : vector<16xf32>
      %and3A_2390 = arith.andi %le3A_2388, %lt3A_2389 : vector<16xi1>
      %select_n3A_2391 = arith.select %and3A_2390, %add3A_2378, %select_n3A_2375 : vector<16xi1>, vector<16xi32>
      %add3A_2392 = arith.constant 1 : i32
      %add3A_2393 = vector.broadcast %add3A_2392 : i32 to vector<16xi32>
      %add3A_2394 = arith.addi %select_n3A_2391, %add3A_2393 : vector<16xi32>
      %min3A_2395 = arith.constant 255 : i32
      %min3A_2396 = vector.broadcast %min3A_2395 : i32 to vector<16xi32>
      %min3A_2397 = arith.minsi %add3A_2394, %min3A_2396 : vector<16xi32>
      %sub3A_2398 = arith.constant 1 : i32
      %sub3A_2399 = vector.broadcast %sub3A_2398 : i32 to vector<16xi32>
      %sub3A_2400 = arith.subi %min3A_2397, %sub3A_2399 : vector<16xi32>
      %gather3A_2401 = tpu.vector_load_idx %arg7[%sub3A_2400] : memref<256xf32, #tpu.memory_space<vmem>>[vector<16xi32>], vector<16xf32>,
      %le3A_2402 = arith.constant 255 : i32
      %le3A_2403 = vector.broadcast %le3A_2402 : i32 to vector<16xi32>
      %le3A_2404 = arith.cmpi sle, %add3A_2394, %le3A_2403 : vector<16xi32>
      %lt3A_2405 = arith.cmpf olt, %gather3A_2401, %min3A_2279 : vector<16xf32>
      %and3A_2406 = arith.andi %le3A_2404, %lt3A_2405 : vector<16xi1>
      %select_n3A_2407 = arith.select %and3A_2406, %add3A_2394, %select_n3A_2391 : vector<16xi1>, vector<16xi32>
      %sub3A_2408 = arith.constant 1 : i32
      %sub3A_2409 = vector.broadcast %sub3A_2408 : i32 to vector<16xi32>
      %sub3A_2410 = arith.subi %select_n3A_2407, %sub3A_2409 : vector<16xi32>
      %jit3A_2411 = arith.constant 0 : i32
      %jit3A_2412 = arith.constant 253 : i32
      %max3A_2413 = vector.broadcast %jit3A_2411 : i32 to vector<16xi32>
      %max3A_2414 = arith.maxsi %max3A_2413, %sub3A_2410 : vector<16xi32>
      %min3A_2415 = vector.broadcast %jit3A_2412 : i32 to vector<16xi32>
      %min3A_2416 = arith.minsi %min3A_2415, %max3A_2414 : vector<16xi32>
      %add3A_2417 = arith.constant 1 : i32
      %add3A_2418 = vector.broadcast %add3A_2417 : i32 to vector<16xi32>
      %add3A_2419 = arith.addi %min3A_2416, %add3A_2418 : vector<16xi32>
      %gather3A_2420 = tpu.vector_load_idx %arg7[%min3A_2416] : memref<256xf32, #tpu.memory_space<vmem>>[vector<16xi32>], vector<16xf32>,
      %gather3A_2421 = tpu.vector_load_idx %arg7[%add3A_2419] : memref<256xf32, #tpu.memory_space<vmem>>[vector<16xi32>], vector<16xf32>,
      %sub3A_2422 = arith.subf %min3A_2279, %gather3A_2420 : vector<16xf32>
      %sub3A_2423 = arith.subf %gather3A_2421, %gather3A_2420 : vector<16xf32>
      %add3A_2424 = arith.constant 9.99999993E-9 : f32
      %add3A_2425 = vector.broadcast %add3A_2424 : f32 to vector<16xf32>
      %add3A_2426 = arith.addf %sub3A_2423, %add3A_2425 : vector<16xf32>
      %div3A_2427 = arith.divf %sub3A_2422, %add3A_2426 : vector<16xf32>
      %sub3A_2428 = arith.constant 1.000000e+00 : f32
      %sub3A_2429 = vector.broadcast %sub3A_2428 : f32 to vector<16xf32>
      %sub3A_2430 = arith.subf %sub3A_2429, %div3A_2427 : vector<16xf32>
      %add3A_2431 = arith.constant 64 : i32
      %add3A_2432 = vector.broadcast %add3A_2431 : i32 to vector<16xi32>
      %add3A_2433 = arith.addi %iota3A, %add3A_2432 : vector<16xi32>
      %scatter3A_2434 = arith.constant 1 : i32
      %scatter3A_2435 = arith.constant 0 : i32
      %scatter3A_2436 = arith.constant 0 : i32
      %scatter3A_2437 = tpu.memref_slice %arg8[%scatter3A_2434, %scatter3A_2435, %scatter3A_2436] : memref<2x128x255xf32, #tpu.memory_space<vmem>> -> memref<1x128x255xf32, #tpu.memory_space<vmem>>
      %scatter3A_2438 = tpu.memref_squeeze %scatter3A_2437 : memref<1x128x255xf32, #tpu.memory_space<vmem>> -> memref<128x255xf32, #tpu.memory_space<vmem>>
      tpu.vector_store_idx %scatter3A_2438[%add3A_2433, %min3A_2416], %sub3A_2430 : memref<128x255xf32, #tpu.memory_space<vmem>>[vector<16xi32>, vector<16xi32>], vector<16xf32>,
      %scatter3A_2439 = arith.constant 1 : i32
      %scatter3A_2440 = arith.constant 0 : i32
      %scatter3A_2441 = arith.constant 0 : i32
      %scatter3A_2442 = tpu.memref_slice %arg8[%scatter3A_2439, %scatter3A_2440, %scatter3A_2441] : memref<2x128x255xf32, #tpu.memory_space<vmem>> -> memref<1x128x255xf32, #tpu.memory_space<vmem>>
      %scatter3A_2443 = tpu.memref_squeeze %scatter3A_2442 : memref<1x128x255xf32, #tpu.memory_space<vmem>> -> memref<128x255xf32, #tpu.memory_space<vmem>>
      tpu.vector_store_idx %scatter3A_2443[%add3A_2433, %add3A_2419], %div3A_2427 : memref<128x255xf32, #tpu.memory_space<vmem>>[vector<16xi32>, vector<16xi32>], vector<16xf32>,
      %swap3A_2444 = arith.constant 384 : index
      %swap3A_2445 = tpu.vector_load %arg9[%swap3A_2444] {strides = array<i32>} : memref<512xi32, #tpu.memory_space<vmem>>, vector<16xi32>,
      tpu.vector_store %arg9[%swap3A_2444], %min3A_2416 {strides = array<i32>} : memref<512xi32, #tpu.memory_space<vmem>>, vector<16xi32>,
      %swap3A_2446 = arith.constant 400 : index
      %swap3A_2447 = tpu.vector_load %arg9[%swap3A_2446] {strides = array<i32>} : memref<512xi32, #tpu.memory_space<vmem>>, vector<16xi32>,
      tpu.vector_store %arg9[%swap3A_2446], %add3A_2419 {strides = array<i32>} : memref<512xi32, #tpu.memory_space<vmem>>, vector<16xi32>,
      %mul3A_2448 = arith.constant 128 : i32
      %mul3A_2449 = arith.muli %add3A_1519, %mul3A_2448 : i32
      %add3A_2450 = arith.constant 80 : i32
      %add3A_2451 = arith.addi %mul3A_2449, %add3A_2450 : i32
      %get3A_2452 = arith.index_cast %add3A_2451 : i32 to index
      %get3A_2453 = tpu.vector_load %arg6[%get3A_2452] {strides = array<i32>} : memref<8192xf32, #tpu.memory_space<vmem>>, vector<16xf32>,
      %max3A_2454 = arith.maximumf %get3A_2453, %gather3A : vector<16xf32>
      %min3A_2455 = arith.minimumf %max3A_2454, %gather3A_18 : vector<16xf32>
      %add3A_2456 = arith.constant 128 : i32
      %add3A_2457 = vector.broadcast %add3A_2456 : i32 to vector<16xi32>
      %add3A_2458 = arith.addi %broadcast_in_dim3A_12, %add3A_2457 : vector<16xi32>
      %min3A_2459 = arith.constant 255 : i32
      %min3A_2460 = vector.broadcast %min3A_2459 : i32 to vector<16xi32>
      %min3A_2461 = arith.minsi %add3A_2458, %min3A_2460 : vector<16xi32>
      %sub3A_2462 = arith.constant 1 : i32
      %sub3A_2463 = vector.broadcast %sub3A_2462 : i32 to vector<16xi32>
      %sub3A_2464 = arith.subi %min3A_2461, %sub3A_2463 : vector<16xi32>
      %gather3A_2465 = tpu.vector_load_idx %arg7[%sub3A_2464] : memref<256xf32, #tpu.memory_space<vmem>>[vector<16xi32>], vector<16xf32>,
      %le3A_2466 = arith.constant 255 : i32
      %le3A_2467 = vector.broadcast %le3A_2466 : i32 to vector<16xi32>
      %le3A_2468 = arith.cmpi sle, %add3A_2458, %le3A_2467 : vector<16xi32>
      %lt3A_2469 = arith.cmpf olt, %gather3A_2465, %min3A_2455 : vector<16xf32>
      %and3A_2470 = arith.andi %le3A_2468, %lt3A_2469 : vector<16xi1>
      %select_n3A_2471 = arith.select %and3A_2470, %add3A_2458, %broadcast_in_dim3A_12 : vector<16xi1>, vector<16xi32>
      %add3A_2472 = arith.constant 64 : i32
      %add3A_2473 = vector.broadcast %add3A_2472 : i32 to vector<16xi32>
      %add3A_2474 = arith.addi %select_n3A_2471, %add3A_2473 : vector<16xi32>
      %min3A_2475 = arith.constant 255 : i32
      %min3A_2476 = vector.broadcast %min3A_2475 : i32 to vector<16xi32>
      %min3A_2477 = arith.minsi %add3A_2474, %min3A_2476 : vector<16xi32>
      %sub3A_2478 = arith.constant 1 : i32
      %sub3A_2479 = vector.broadcast %sub3A_2478 : i32 to vector<16xi32>
      %sub3A_2480 = arith.subi %min3A_2477, %sub3A_2479 : vector<16xi32>
      %gather3A_2481 = tpu.vector_load_idx %arg7[%sub3A_2480] : memref<256xf32, #tpu.memory_space<vmem>>[vector<16xi32>], vector<16xf32>,
      %le3A_2482 = arith.constant 255 : i32
      %le3A_2483 = vector.broadcast %le3A_2482 : i32 to vector<16xi32>
      %le3A_2484 = arith.cmpi sle, %add3A_2474, %le3A_2483 : vector<16xi32>
      %lt3A_2485 = arith.cmpf olt, %gather3A_2481, %min3A_2455 : vector<16xf32>
      %and3A_2486 = arith.andi %le3A_2484, %lt3A_2485 : vector<16xi1>
      %select_n3A_2487 = arith.select %and3A_2486, %add3A_2474, %select_n3A_2471 : vector<16xi1>, vector<16xi32>
      %add3A_2488 = arith.constant 32 : i32
      %add3A_2489 = vector.broadcast %add3A_2488 : i32 to vector<16xi32>
      %add3A_2490 = arith.addi %select_n3A_2487, %add3A_2489 : vector<16xi32>
      %min3A_2491 = arith.constant 255 : i32
      %min3A_2492 = vector.broadcast %min3A_2491 : i32 to vector<16xi32>
      %min3A_2493 = arith.minsi %add3A_2490, %min3A_2492 : vector<16xi32>
      %sub3A_2494 = arith.constant 1 : i32
      %sub3A_2495 = vector.broadcast %sub3A_2494 : i32 to vector<16xi32>
      %sub3A_2496 = arith.subi %min3A_2493, %sub3A_2495 : vector<16xi32>
      %gather3A_2497 = tpu.vector_load_idx %arg7[%sub3A_2496] : memref<256xf32, #tpu.memory_space<vmem>>[vector<16xi32>], vector<16xf32>,
      %le3A_2498 = arith.constant 255 : i32
      %le3A_2499 = vector.broadcast %le3A_2498 : i32 to vector<16xi32>
      %le3A_2500 = arith.cmpi sle, %add3A_2490, %le3A_2499 : vector<16xi32>
      %lt3A_2501 = arith.cmpf olt, %gather3A_2497, %min3A_2455 : vector<16xf32>
      %and3A_2502 = arith.andi %le3A_2500, %lt3A_2501 : vector<16xi1>
      %select_n3A_2503 = arith.select %and3A_2502, %add3A_2490, %select_n3A_2487 : vector<16xi1>, vector<16xi32>
      %add3A_2504 = arith.constant 16 : i32
      %add3A_2505 = vector.broadcast %add3A_2504 : i32 to vector<16xi32>
      %add3A_2506 = arith.addi %select_n3A_2503, %add3A_2505 : vector<16xi32>
      %min3A_2507 = arith.constant 255 : i32
      %min3A_2508 = vector.broadcast %min3A_2507 : i32 to vector<16xi32>
      %min3A_2509 = arith.minsi %add3A_2506, %min3A_2508 : vector<16xi32>
      %sub3A_2510 = arith.constant 1 : i32
      %sub3A_2511 = vector.broadcast %sub3A_2510 : i32 to vector<16xi32>
      %sub3A_2512 = arith.subi %min3A_2509, %sub3A_2511 : vector<16xi32>
      %gather3A_2513 = tpu.vector_load_idx %arg7[%sub3A_2512] : memref<256xf32, #tpu.memory_space<vmem>>[vector<16xi32>], vector<16xf32>,
      %le3A_2514 = arith.constant 255 : i32
      %le3A_2515 = vector.broadcast %le3A_2514 : i32 to vector<16xi32>
      %le3A_2516 = arith.cmpi sle, %add3A_2506, %le3A_2515 : vector<16xi32>
      %lt3A_2517 = arith.cmpf olt, %gather3A_2513, %min3A_2455 : vector<16xf32>
      %and3A_2518 = arith.andi %le3A_2516, %lt3A_2517 : vector<16xi1>
      %select_n3A_2519 = arith.select %and3A_2518, %add3A_2506, %select_n3A_2503 : vector<16xi1>, vector<16xi32>
      %add3A_2520 = arith.constant 8 : i32
      %add3A_2521 = vector.broadcast %add3A_2520 : i32 to vector<16xi32>
      %add3A_2522 = arith.addi %select_n3A_2519, %add3A_2521 : vector<16xi32>
      %min3A_2523 = arith.constant 255 : i32
      %min3A_2524 = vector.broadcast %min3A_2523 : i32 to vector<16xi32>
      %min3A_2525 = arith.minsi %add3A_2522, %min3A_2524 : vector<16xi32>
      %sub3A_2526 = arith.constant 1 : i32
      %sub3A_2527 = vector.broadcast %sub3A_2526 : i32 to vector<16xi32>
      %sub3A_2528 = arith.subi %min3A_2525, %sub3A_2527 : vector<16xi32>
      %gather3A_2529 = tpu.vector_load_idx %arg7[%sub3A_2528] : memref<256xf32, #tpu.memory_space<vmem>>[vector<16xi32>], vector<16xf32>,
      %le3A_2530 = arith.constant 255 : i32
      %le3A_2531 = vector.broadcast %le3A_2530 : i32 to vector<16xi32>
      %le3A_2532 = arith.cmpi sle, %add3A_2522, %le3A_2531 : vector<16xi32>
      %lt3A_2533 = arith.cmpf olt, %gather3A_2529, %min3A_2455 : vector<16xf32>
      %and3A_2534 = arith.andi %le3A_2532, %lt3A_2533 : vector<16xi1>
      %select_n3A_2535 = arith.select %and3A_2534, %add3A_2522, %select_n3A_2519 : vector<16xi1>, vector<16xi32>
      %add3A_2536 = arith.constant 4 : i32
      %add3A_2537 = vector.broadcast %add3A_2536 : i32 to vector<16xi32>
      %add3A_2538 = arith.addi %select_n3A_2535, %add3A_2537 : vector<16xi32>
      %min3A_2539 = arith.constant 255 : i32
      %min3A_2540 = vector.broadcast %min3A_2539 : i32 to vector<16xi32>
      %min3A_2541 = arith.minsi %add3A_2538, %min3A_2540 : vector<16xi32>
      %sub3A_2542 = arith.constant 1 : i32
      %sub3A_2543 = vector.broadcast %sub3A_2542 : i32 to vector<16xi32>
      %sub3A_2544 = arith.subi %min3A_2541, %sub3A_2543 : vector<16xi32>
      %gather3A_2545 = tpu.vector_load_idx %arg7[%sub3A_2544] : memref<256xf32, #tpu.memory_space<vmem>>[vector<16xi32>], vector<16xf32>,
      %le3A_2546 = arith.constant 255 : i32
      %le3A_2547 = vector.broadcast %le3A_2546 : i32 to vector<16xi32>
      %le3A_2548 = arith.cmpi sle, %add3A_2538, %le3A_2547 : vector<16xi32>
      %lt3A_2549 = arith.cmpf olt, %gather3A_2545, %min3A_2455 : vector<16xf32>
      %and3A_2550 = arith.andi %le3A_2548, %lt3A_2549 : vector<16xi1>
      %select_n3A_2551 = arith.select %and3A_2550, %add3A_2538, %select_n3A_2535 : vector<16xi1>, vector<16xi32>
      %add3A_2552 = arith.constant 2 : i32
      %add3A_2553 = vector.broadcast %add3A_2552 : i32 to vector<16xi32>
      %add3A_2554 = arith.addi %select_n3A_2551, %add3A_2553 : vector<16xi32>
      %min3A_2555 = arith.constant 255 : i32
      %min3A_2556 = vector.broadcast %min3A_2555 : i32 to vector<16xi32>
      %min3A_2557 = arith.minsi %add3A_2554, %min3A_2556 : vector<16xi32>
      %sub3A_2558 = arith.constant 1 : i32
      %sub3A_2559 = vector.broadcast %sub3A_2558 : i32 to vector<16xi32>
      %sub3A_2560 = arith.subi %min3A_2557, %sub3A_2559 : vector<16xi32>
      %gather3A_2561 = tpu.vector_load_idx %arg7[%sub3A_2560] : memref<256xf32, #tpu.memory_space<vmem>>[vector<16xi32>], vector<16xf32>,
      %le3A_2562 = arith.constant 255 : i32
      %le3A_2563 = vector.broadcast %le3A_2562 : i32 to vector<16xi32>
      %le3A_2564 = arith.cmpi sle, %add3A_2554, %le3A_2563 : vector<16xi32>
      %lt3A_2565 = arith.cmpf olt, %gather3A_2561, %min3A_2455 : vector<16xf32>
      %and3A_2566 = arith.andi %le3A_2564, %lt3A_2565 : vector<16xi1>
      %select_n3A_2567 = arith.select %and3A_2566, %add3A_2554, %select_n3A_2551 : vector<16xi1>, vector<16xi32>
      %add3A_2568 = arith.constant 1 : i32
      %add3A_2569 = vector.broadcast %add3A_2568 : i32 to vector<16xi32>
      %add3A_2570 = arith.addi %select_n3A_2567, %add3A_2569 : vector<16xi32>
      %min3A_2571 = arith.constant 255 : i32
      %min3A_2572 = vector.broadcast %min3A_2571 : i32 to vector<16xi32>
      %min3A_2573 = arith.minsi %add3A_2570, %min3A_2572 : vector<16xi32>
      %sub3A_2574 = arith.constant 1 : i32
      %sub3A_2575 = vector.broadcast %sub3A_2574 : i32 to vector<16xi32>
      %sub3A_2576 = arith.subi %min3A_2573, %sub3A_2575 : vector<16xi32>
      %gather3A_2577 = tpu.vector_load_idx %arg7[%sub3A_2576] : memref<256xf32, #tpu.memory_space<vmem>>[vector<16xi32>], vector<16xf32>,
      %le3A_2578 = arith.constant 255 : i32
      %le3A_2579 = vector.broadcast %le3A_2578 : i32 to vector<16xi32>
      %le3A_2580 = arith.cmpi sle, %add3A_2570, %le3A_2579 : vector<16xi32>
      %lt3A_2581 = arith.cmpf olt, %gather3A_2577, %min3A_2455 : vector<16xf32>
      %and3A_2582 = arith.andi %le3A_2580, %lt3A_2581 : vector<16xi1>
      %select_n3A_2583 = arith.select %and3A_2582, %add3A_2570, %select_n3A_2567 : vector<16xi1>, vector<16xi32>
      %sub3A_2584 = arith.constant 1 : i32
      %sub3A_2585 = vector.broadcast %sub3A_2584 : i32 to vector<16xi32>
      %sub3A_2586 = arith.subi %select_n3A_2583, %sub3A_2585 : vector<16xi32>
      %jit3A_2587 = arith.constant 0 : i32
      %jit3A_2588 = arith.constant 253 : i32
      %max3A_2589 = vector.broadcast %jit3A_2587 : i32 to vector<16xi32>
      %max3A_2590 = arith.maxsi %max3A_2589, %sub3A_2586 : vector<16xi32>
      %min3A_2591 = vector.broadcast %jit3A_2588 : i32 to vector<16xi32>
      %min3A_2592 = arith.minsi %min3A_2591, %max3A_2590 : vector<16xi32>
      %add3A_2593 = arith.constant 1 : i32
      %add3A_2594 = vector.broadcast %add3A_2593 : i32 to vector<16xi32>
      %add3A_2595 = arith.addi %min3A_2592, %add3A_2594 : vector<16xi32>
      %gather3A_2596 = tpu.vector_load_idx %arg7[%min3A_2592] : memref<256xf32, #tpu.memory_space<vmem>>[vector<16xi32>], vector<16xf32>,
      %gather3A_2597 = tpu.vector_load_idx %arg7[%add3A_2595] : memref<256xf32, #tpu.memory_space<vmem>>[vector<16xi32>], vector<16xf32>,
      %sub3A_2598 = arith.subf %min3A_2455, %gather3A_2596 : vector<16xf32>
      %sub3A_2599 = arith.subf %gather3A_2597, %gather3A_2596 : vector<16xf32>
      %add3A_2600 = arith.constant 9.99999993E-9 : f32
      %add3A_2601 = vector.broadcast %add3A_2600 : f32 to vector<16xf32>
      %add3A_2602 = arith.addf %sub3A_2599, %add3A_2601 : vector<16xf32>
      %div3A_2603 = arith.divf %sub3A_2598, %add3A_2602 : vector<16xf32>
      %sub3A_2604 = arith.constant 1.000000e+00 : f32
      %sub3A_2605 = vector.broadcast %sub3A_2604 : f32 to vector<16xf32>
      %sub3A_2606 = arith.subf %sub3A_2605, %div3A_2603 : vector<16xf32>
      %add3A_2607 = arith.constant 80 : i32
      %add3A_2608 = vector.broadcast %add3A_2607 : i32 to vector<16xi32>
      %add3A_2609 = arith.addi %iota3A, %add3A_2608 : vector<16xi32>
      %scatter3A_2610 = arith.constant 1 : i32
      %scatter3A_2611 = arith.constant 0 : i32
      %scatter3A_2612 = arith.constant 0 : i32
      %scatter3A_2613 = tpu.memref_slice %arg8[%scatter3A_2610, %scatter3A_2611, %scatter3A_2612] : memref<2x128x255xf32, #tpu.memory_space<vmem>> -> memref<1x128x255xf32, #tpu.memory_space<vmem>>
      %scatter3A_2614 = tpu.memref_squeeze %scatter3A_2613 : memref<1x128x255xf32, #tpu.memory_space<vmem>> -> memref<128x255xf32, #tpu.memory_space<vmem>>
      tpu.vector_store_idx %scatter3A_2614[%add3A_2609, %min3A_2592], %sub3A_2606 : memref<128x255xf32, #tpu.memory_space<vmem>>[vector<16xi32>, vector<16xi32>], vector<16xf32>,
      %scatter3A_2615 = arith.constant 1 : i32
      %scatter3A_2616 = arith.constant 0 : i32
      %scatter3A_2617 = arith.constant 0 : i32
      %scatter3A_2618 = tpu.memref_slice %arg8[%scatter3A_2615, %scatter3A_2616, %scatter3A_2617] : memref<2x128x255xf32, #tpu.memory_space<vmem>> -> memref<1x128x255xf32, #tpu.memory_space<vmem>>
      %scatter3A_2619 = tpu.memref_squeeze %scatter3A_2618 : memref<1x128x255xf32, #tpu.memory_space<vmem>> -> memref<128x255xf32, #tpu.memory_space<vmem>>
      tpu.vector_store_idx %scatter3A_2619[%add3A_2609, %add3A_2595], %div3A_2603 : memref<128x255xf32, #tpu.memory_space<vmem>>[vector<16xi32>, vector<16xi32>], vector<16xf32>,
      %swap3A_2620 = arith.constant 416 : index
      %swap3A_2621 = tpu.vector_load %arg9[%swap3A_2620] {strides = array<i32>} : memref<512xi32, #tpu.memory_space<vmem>>, vector<16xi32>,
      tpu.vector_store %arg9[%swap3A_2620], %min3A_2592 {strides = array<i32>} : memref<512xi32, #tpu.memory_space<vmem>>, vector<16xi32>,
      %swap3A_2622 = arith.constant 432 : index
      %swap3A_2623 = tpu.vector_load %arg9[%swap3A_2622] {strides = array<i32>} : memref<512xi32, #tpu.memory_space<vmem>>, vector<16xi32>,
      tpu.vector_store %arg9[%swap3A_2622], %add3A_2595 {strides = array<i32>} : memref<512xi32, #tpu.memory_space<vmem>>, vector<16xi32>,
      %mul3A_2624 = arith.constant 128 : i32
      %mul3A_2625 = arith.muli %add3A_1519, %mul3A_2624 : i32
      %add3A_2626 = arith.constant 96 : i32
      %add3A_2627 = arith.addi %mul3A_2625, %add3A_2626 : i32
      %get3A_2628 = arith.index_cast %add3A_2627 : i32 to index
      %get3A_2629 = tpu.vector_load %arg6[%get3A_2628] {strides = array<i32>} : memref<8192xf32, #tpu.memory_space<vmem>>, vector<16xf32>,
      %max3A_2630 = arith.maximumf %get3A_2629, %gather3A : vector<16xf32>
      %min3A_2631 = arith.minimumf %max3A_2630, %gather3A_18 : vector<16xf32>
      %add3A_2632 = arith.constant 128 : i32
      %add3A_2633 = vector.broadcast %add3A_2632 : i32 to vector<16xi32>
      %add3A_2634 = arith.addi %broadcast_in_dim3A_12, %add3A_2633 : vector<16xi32>
      %min3A_2635 = arith.constant 255 : i32
      %min3A_2636 = vector.broadcast %min3A_2635 : i32 to vector<16xi32>
      %min3A_2637 = arith.minsi %add3A_2634, %min3A_2636 : vector<16xi32>
      %sub3A_2638 = arith.constant 1 : i32
      %sub3A_2639 = vector.broadcast %sub3A_2638 : i32 to vector<16xi32>
      %sub3A_2640 = arith.subi %min3A_2637, %sub3A_2639 : vector<16xi32>
      %gather3A_2641 = tpu.vector_load_idx %arg7[%sub3A_2640] : memref<256xf32, #tpu.memory_space<vmem>>[vector<16xi32>], vector<16xf32>,
      %le3A_2642 = arith.constant 255 : i32
      %le3A_2643 = vector.broadcast %le3A_2642 : i32 to vector<16xi32>
      %le3A_2644 = arith.cmpi sle, %add3A_2634, %le3A_2643 : vector<16xi32>
      %lt3A_2645 = arith.cmpf olt, %gather3A_2641, %min3A_2631 : vector<16xf32>
      %and3A_2646 = arith.andi %le3A_2644, %lt3A_2645 : vector<16xi1>
      %select_n3A_2647 = arith.select %and3A_2646, %add3A_2634, %broadcast_in_dim3A_12 : vector<16xi1>, vector<16xi32>
      %add3A_2648 = arith.constant 64 : i32
      %add3A_2649 = vector.broadcast %add3A_2648 : i32 to vector<16xi32>
      %add3A_2650 = arith.addi %select_n3A_2647, %add3A_2649 : vector<16xi32>
      %min3A_2651 = arith.constant 255 : i32
      %min3A_2652 = vector.broadcast %min3A_2651 : i32 to vector<16xi32>
      %min3A_2653 = arith.minsi %add3A_2650, %min3A_2652 : vector<16xi32>
      %sub3A_2654 = arith.constant 1 : i32
      %sub3A_2655 = vector.broadcast %sub3A_2654 : i32 to vector<16xi32>
      %sub3A_2656 = arith.subi %min3A_2653, %sub3A_2655 : vector<16xi32>
      %gather3A_2657 = tpu.vector_load_idx %arg7[%sub3A_2656] : memref<256xf32, #tpu.memory_space<vmem>>[vector<16xi32>], vector<16xf32>,
      %le3A_2658 = arith.constant 255 : i32
      %le3A_2659 = vector.broadcast %le3A_2658 : i32 to vector<16xi32>
      %le3A_2660 = arith.cmpi sle, %add3A_2650, %le3A_2659 : vector<16xi32>
      %lt3A_2661 = arith.cmpf olt, %gather3A_2657, %min3A_2631 : vector<16xf32>
      %and3A_2662 = arith.andi %le3A_2660, %lt3A_2661 : vector<16xi1>
      %select_n3A_2663 = arith.select %and3A_2662, %add3A_2650, %select_n3A_2647 : vector<16xi1>, vector<16xi32>
      %add3A_2664 = arith.constant 32 : i32
      %add3A_2665 = vector.broadcast %add3A_2664 : i32 to vector<16xi32>
      %add3A_2666 = arith.addi %select_n3A_2663, %add3A_2665 : vector<16xi32>
      %min3A_2667 = arith.constant 255 : i32
      %min3A_2668 = vector.broadcast %min3A_2667 : i32 to vector<16xi32>
      %min3A_2669 = arith.minsi %add3A_2666, %min3A_2668 : vector<16xi32>
      %sub3A_2670 = arith.constant 1 : i32
      %sub3A_2671 = vector.broadcast %sub3A_2670 : i32 to vector<16xi32>
      %sub3A_2672 = arith.subi %min3A_2669, %sub3A_2671 : vector<16xi32>
      %gather3A_2673 = tpu.vector_load_idx %arg7[%sub3A_2672] : memref<256xf32, #tpu.memory_space<vmem>>[vector<16xi32>], vector<16xf32>,
      %le3A_2674 = arith.constant 255 : i32
      %le3A_2675 = vector.broadcast %le3A_2674 : i32 to vector<16xi32>
      %le3A_2676 = arith.cmpi sle, %add3A_2666, %le3A_2675 : vector<16xi32>
      %lt3A_2677 = arith.cmpf olt, %gather3A_2673, %min3A_2631 : vector<16xf32>
      %and3A_2678 = arith.andi %le3A_2676, %lt3A_2677 : vector<16xi1>
      %select_n3A_2679 = arith.select %and3A_2678, %add3A_2666, %select_n3A_2663 : vector<16xi1>, vector<16xi32>
      %add3A_2680 = arith.constant 16 : i32
      %add3A_2681 = vector.broadcast %add3A_2680 : i32 to vector<16xi32>
      %add3A_2682 = arith.addi %select_n3A_2679, %add3A_2681 : vector<16xi32>
      %min3A_2683 = arith.constant 255 : i32
      %min3A_2684 = vector.broadcast %min3A_2683 : i32 to vector<16xi32>
      %min3A_2685 = arith.minsi %add3A_2682, %min3A_2684 : vector<16xi32>
      %sub3A_2686 = arith.constant 1 : i32
      %sub3A_2687 = vector.broadcast %sub3A_2686 : i32 to vector<16xi32>
      %sub3A_2688 = arith.subi %min3A_2685, %sub3A_2687 : vector<16xi32>
      %gather3A_2689 = tpu.vector_load_idx %arg7[%sub3A_2688] : memref<256xf32, #tpu.memory_space<vmem>>[vector<16xi32>], vector<16xf32>,
      %le3A_2690 = arith.constant 255 : i32
      %le3A_2691 = vector.broadcast %le3A_2690 : i32 to vector<16xi32>
      %le3A_2692 = arith.cmpi sle, %add3A_2682, %le3A_2691 : vector<16xi32>
      %lt3A_2693 = arith.cmpf olt, %gather3A_2689, %min3A_2631 : vector<16xf32>
      %and3A_2694 = arith.andi %le3A_2692, %lt3A_2693 : vector<16xi1>
      %select_n3A_2695 = arith.select %and3A_2694, %add3A_2682, %select_n3A_2679 : vector<16xi1>, vector<16xi32>
      %add3A_2696 = arith.constant 8 : i32
      %add3A_2697 = vector.broadcast %add3A_2696 : i32 to vector<16xi32>
      %add3A_2698 = arith.addi %select_n3A_2695, %add3A_2697 : vector<16xi32>
      %min3A_2699 = arith.constant 255 : i32
      %min3A_2700 = vector.broadcast %min3A_2699 : i32 to vector<16xi32>
      %min3A_2701 = arith.minsi %add3A_2698, %min3A_2700 : vector<16xi32>
      %sub3A_2702 = arith.constant 1 : i32
      %sub3A_2703 = vector.broadcast %sub3A_2702 : i32 to vector<16xi32>
      %sub3A_2704 = arith.subi %min3A_2701, %sub3A_2703 : vector<16xi32>
      %gather3A_2705 = tpu.vector_load_idx %arg7[%sub3A_2704] : memref<256xf32, #tpu.memory_space<vmem>>[vector<16xi32>], vector<16xf32>,
      %le3A_2706 = arith.constant 255 : i32
      %le3A_2707 = vector.broadcast %le3A_2706 : i32 to vector<16xi32>
      %le3A_2708 = arith.cmpi sle, %add3A_2698, %le3A_2707 : vector<16xi32>
      %lt3A_2709 = arith.cmpf olt, %gather3A_2705, %min3A_2631 : vector<16xf32>
      %and3A_2710 = arith.andi %le3A_2708, %lt3A_2709 : vector<16xi1>
      %select_n3A_2711 = arith.select %and3A_2710, %add3A_2698, %select_n3A_2695 : vector<16xi1>, vector<16xi32>
      %add3A_2712 = arith.constant 4 : i32
      %add3A_2713 = vector.broadcast %add3A_2712 : i32 to vector<16xi32>
      %add3A_2714 = arith.addi %select_n3A_2711, %add3A_2713 : vector<16xi32>
      %min3A_2715 = arith.constant 255 : i32
      %min3A_2716 = vector.broadcast %min3A_2715 : i32 to vector<16xi32>
      %min3A_2717 = arith.minsi %add3A_2714, %min3A_2716 : vector<16xi32>
      %sub3A_2718 = arith.constant 1 : i32
      %sub3A_2719 = vector.broadcast %sub3A_2718 : i32 to vector<16xi32>
      %sub3A_2720 = arith.subi %min3A_2717, %sub3A_2719 : vector<16xi32>
      %gather3A_2721 = tpu.vector_load_idx %arg7[%sub3A_2720] : memref<256xf32, #tpu.memory_space<vmem>>[vector<16xi32>], vector<16xf32>,
      %le3A_2722 = arith.constant 255 : i32
      %le3A_2723 = vector.broadcast %le3A_2722 : i32 to vector<16xi32>
      %le3A_2724 = arith.cmpi sle, %add3A_2714, %le3A_2723 : vector<16xi32>
      %lt3A_2725 = arith.cmpf olt, %gather3A_2721, %min3A_2631 : vector<16xf32>
      %and3A_2726 = arith.andi %le3A_2724, %lt3A_2725 : vector<16xi1>
      %select_n3A_2727 = arith.select %and3A_2726, %add3A_2714, %select_n3A_2711 : vector<16xi1>, vector<16xi32>
      %add3A_2728 = arith.constant 2 : i32
      %add3A_2729 = vector.broadcast %add3A_2728 : i32 to vector<16xi32>
      %add3A_2730 = arith.addi %select_n3A_2727, %add3A_2729 : vector<16xi32>
      %min3A_2731 = arith.constant 255 : i32
      %min3A_2732 = vector.broadcast %min3A_2731 : i32 to vector<16xi32>
      %min3A_2733 = arith.minsi %add3A_2730, %min3A_2732 : vector<16xi32>
      %sub3A_2734 = arith.constant 1 : i32
      %sub3A_2735 = vector.broadcast %sub3A_2734 : i32 to vector<16xi32>
      %sub3A_2736 = arith.subi %min3A_2733, %sub3A_2735 : vector<16xi32>
      %gather3A_2737 = tpu.vector_load_idx %arg7[%sub3A_2736] : memref<256xf32, #tpu.memory_space<vmem>>[vector<16xi32>], vector<16xf32>,
      %le3A_2738 = arith.constant 255 : i32
      %le3A_2739 = vector.broadcast %le3A_2738 : i32 to vector<16xi32>
      %le3A_2740 = arith.cmpi sle, %add3A_2730, %le3A_2739 : vector<16xi32>
      %lt3A_2741 = arith.cmpf olt, %gather3A_2737, %min3A_2631 : vector<16xf32>
      %and3A_2742 = arith.andi %le3A_2740, %lt3A_2741 : vector<16xi1>
      %select_n3A_2743 = arith.select %and3A_2742, %add3A_2730, %select_n3A_2727 : vector<16xi1>, vector<16xi32>
      %add3A_2744 = arith.constant 1 : i32
      %add3A_2745 = vector.broadcast %add3A_2744 : i32 to vector<16xi32>
      %add3A_2746 = arith.addi %select_n3A_2743, %add3A_2745 : vector<16xi32>
      %min3A_2747 = arith.constant 255 : i32
      %min3A_2748 = vector.broadcast %min3A_2747 : i32 to vector<16xi32>
      %min3A_2749 = arith.minsi %add3A_2746, %min3A_2748 : vector<16xi32>
      %sub3A_2750 = arith.constant 1 : i32
      %sub3A_2751 = vector.broadcast %sub3A_2750 : i32 to vector<16xi32>
      %sub3A_2752 = arith.subi %min3A_2749, %sub3A_2751 : vector<16xi32>
      %gather3A_2753 = tpu.vector_load_idx %arg7[%sub3A_2752] : memref<256xf32, #tpu.memory_space<vmem>>[vector<16xi32>], vector<16xf32>,
      %le3A_2754 = arith.constant 255 : i32
      %le3A_2755 = vector.broadcast %le3A_2754 : i32 to vector<16xi32>
      %le3A_2756 = arith.cmpi sle, %add3A_2746, %le3A_2755 : vector<16xi32>
      %lt3A_2757 = arith.cmpf olt, %gather3A_2753, %min3A_2631 : vector<16xf32>
      %and3A_2758 = arith.andi %le3A_2756, %lt3A_2757 : vector<16xi1>
      %select_n3A_2759 = arith.select %and3A_2758, %add3A_2746, %select_n3A_2743 : vector<16xi1>, vector<16xi32>
      %sub3A_2760 = arith.constant 1 : i32
      %sub3A_2761 = vector.broadcast %sub3A_2760 : i32 to vector<16xi32>
      %sub3A_2762 = arith.subi %select_n3A_2759, %sub3A_2761 : vector<16xi32>
      %jit3A_2763 = arith.constant 0 : i32
      %jit3A_2764 = arith.constant 253 : i32
      %max3A_2765 = vector.broadcast %jit3A_2763 : i32 to vector<16xi32>
      %max3A_2766 = arith.maxsi %max3A_2765, %sub3A_2762 : vector<16xi32>
      %min3A_2767 = vector.broadcast %jit3A_2764 : i32 to vector<16xi32>
      %min3A_2768 = arith.minsi %min3A_2767, %max3A_2766 : vector<16xi32>
      %add3A_2769 = arith.constant 1 : i32
      %add3A_2770 = vector.broadcast %add3A_2769 : i32 to vector<16xi32>
      %add3A_2771 = arith.addi %min3A_2768, %add3A_2770 : vector<16xi32>
      %gather3A_2772 = tpu.vector_load_idx %arg7[%min3A_2768] : memref<256xf32, #tpu.memory_space<vmem>>[vector<16xi32>], vector<16xf32>,
      %gather3A_2773 = tpu.vector_load_idx %arg7[%add3A_2771] : memref<256xf32, #tpu.memory_space<vmem>>[vector<16xi32>], vector<16xf32>,
      %sub3A_2774 = arith.subf %min3A_2631, %gather3A_2772 : vector<16xf32>
      %sub3A_2775 = arith.subf %gather3A_2773, %gather3A_2772 : vector<16xf32>
      %add3A_2776 = arith.constant 9.99999993E-9 : f32
      %add3A_2777 = vector.broadcast %add3A_2776 : f32 to vector<16xf32>
      %add3A_2778 = arith.addf %sub3A_2775, %add3A_2777 : vector<16xf32>
      %div3A_2779 = arith.divf %sub3A_2774, %add3A_2778 : vector<16xf32>
      %sub3A_2780 = arith.constant 1.000000e+00 : f32
      %sub3A_2781 = vector.broadcast %sub3A_2780 : f32 to vector<16xf32>
      %sub3A_2782 = arith.subf %sub3A_2781, %div3A_2779 : vector<16xf32>
      %add3A_2783 = arith.constant 96 : i32
      %add3A_2784 = vector.broadcast %add3A_2783 : i32 to vector<16xi32>
      %add3A_2785 = arith.addi %iota3A, %add3A_2784 : vector<16xi32>
      %scatter3A_2786 = arith.constant 1 : i32
      %scatter3A_2787 = arith.constant 0 : i32
      %scatter3A_2788 = arith.constant 0 : i32
      %scatter3A_2789 = tpu.memref_slice %arg8[%scatter3A_2786, %scatter3A_2787, %scatter3A_2788] : memref<2x128x255xf32, #tpu.memory_space<vmem>> -> memref<1x128x255xf32, #tpu.memory_space<vmem>>
      %scatter3A_2790 = tpu.memref_squeeze %scatter3A_2789 : memref<1x128x255xf32, #tpu.memory_space<vmem>> -> memref<128x255xf32, #tpu.memory_space<vmem>>
      tpu.vector_store_idx %scatter3A_2790[%add3A_2785, %min3A_2768], %sub3A_2782 : memref<128x255xf32, #tpu.memory_space<vmem>>[vector<16xi32>, vector<16xi32>], vector<16xf32>,
      %scatter3A_2791 = arith.constant 1 : i32
      %scatter3A_2792 = arith.constant 0 : i32
      %scatter3A_2793 = arith.constant 0 : i32
      %scatter3A_2794 = tpu.memref_slice %arg8[%scatter3A_2791, %scatter3A_2792, %scatter3A_2793] : memref<2x128x255xf32, #tpu.memory_space<vmem>> -> memref<1x128x255xf32, #tpu.memory_space<vmem>>
      %scatter3A_2795 = tpu.memref_squeeze %scatter3A_2794 : memref<1x128x255xf32, #tpu.memory_space<vmem>> -> memref<128x255xf32, #tpu.memory_space<vmem>>
      tpu.vector_store_idx %scatter3A_2795[%add3A_2785, %add3A_2771], %div3A_2779 : memref<128x255xf32, #tpu.memory_space<vmem>>[vector<16xi32>, vector<16xi32>], vector<16xf32>,
      %swap3A_2796 = arith.constant 448 : index
      %swap3A_2797 = tpu.vector_load %arg9[%swap3A_2796] {strides = array<i32>} : memref<512xi32, #tpu.memory_space<vmem>>, vector<16xi32>,
      tpu.vector_store %arg9[%swap3A_2796], %min3A_2768 {strides = array<i32>} : memref<512xi32, #tpu.memory_space<vmem>>, vector<16xi32>,
      %swap3A_2798 = arith.constant 464 : index
      %swap3A_2799 = tpu.vector_load %arg9[%swap3A_2798] {strides = array<i32>} : memref<512xi32, #tpu.memory_space<vmem>>, vector<16xi32>,
      tpu.vector_store %arg9[%swap3A_2798], %add3A_2771 {strides = array<i32>} : memref<512xi32, #tpu.memory_space<vmem>>, vector<16xi32>,
      %mul3A_2800 = arith.constant 128 : i32
      %mul3A_2801 = arith.muli %add3A_1519, %mul3A_2800 : i32
      %add3A_2802 = arith.constant 112 : i32
      %add3A_2803 = arith.addi %mul3A_2801, %add3A_2802 : i32
      %get3A_2804 = arith.index_cast %add3A_2803 : i32 to index
      %get3A_2805 = tpu.vector_load %arg6[%get3A_2804] {strides = array<i32>} : memref<8192xf32, #tpu.memory_space<vmem>>, vector<16xf32>,
      %max3A_2806 = arith.maximumf %get3A_2805, %gather3A : vector<16xf32>
      %min3A_2807 = arith.minimumf %max3A_2806, %gather3A_18 : vector<16xf32>
      %add3A_2808 = arith.constant 128 : i32
      %add3A_2809 = vector.broadcast %add3A_2808 : i32 to vector<16xi32>
      %add3A_2810 = arith.addi %broadcast_in_dim3A_12, %add3A_2809 : vector<16xi32>
      %min3A_2811 = arith.constant 255 : i32
      %min3A_2812 = vector.broadcast %min3A_2811 : i32 to vector<16xi32>
      %min3A_2813 = arith.minsi %add3A_2810, %min3A_2812 : vector<16xi32>
      %sub3A_2814 = arith.constant 1 : i32
      %sub3A_2815 = vector.broadcast %sub3A_2814 : i32 to vector<16xi32>
      %sub3A_2816 = arith.subi %min3A_2813, %sub3A_2815 : vector<16xi32>
      %gather3A_2817 = tpu.vector_load_idx %arg7[%sub3A_2816] : memref<256xf32, #tpu.memory_space<vmem>>[vector<16xi32>], vector<16xf32>,
      %le3A_2818 = arith.constant 255 : i32
      %le3A_2819 = vector.broadcast %le3A_2818 : i32 to vector<16xi32>
      %le3A_2820 = arith.cmpi sle, %add3A_2810, %le3A_2819 : vector<16xi32>
      %lt3A_2821 = arith.cmpf olt, %gather3A_2817, %min3A_2807 : vector<16xf32>
      %and3A_2822 = arith.andi %le3A_2820, %lt3A_2821 : vector<16xi1>
      %select_n3A_2823 = arith.select %and3A_2822, %add3A_2810, %broadcast_in_dim3A_12 : vector<16xi1>, vector<16xi32>
      %add3A_2824 = arith.constant 64 : i32
      %add3A_2825 = vector.broadcast %add3A_2824 : i32 to vector<16xi32>
      %add3A_2826 = arith.addi %select_n3A_2823, %add3A_2825 : vector<16xi32>
      %min3A_2827 = arith.constant 255 : i32
      %min3A_2828 = vector.broadcast %min3A_2827 : i32 to vector<16xi32>
      %min3A_2829 = arith.minsi %add3A_2826, %min3A_2828 : vector<16xi32>
      %sub3A_2830 = arith.constant 1 : i32
      %sub3A_2831 = vector.broadcast %sub3A_2830 : i32 to vector<16xi32>
      %sub3A_2832 = arith.subi %min3A_2829, %sub3A_2831 : vector<16xi32>
      %gather3A_2833 = tpu.vector_load_idx %arg7[%sub3A_2832] : memref<256xf32, #tpu.memory_space<vmem>>[vector<16xi32>], vector<16xf32>,
      %le3A_2834 = arith.constant 255 : i32
      %le3A_2835 = vector.broadcast %le3A_2834 : i32 to vector<16xi32>
      %le3A_2836 = arith.cmpi sle, %add3A_2826, %le3A_2835 : vector<16xi32>
      %lt3A_2837 = arith.cmpf olt, %gather3A_2833, %min3A_2807 : vector<16xf32>
      %and3A_2838 = arith.andi %le3A_2836, %lt3A_2837 : vector<16xi1>
      %select_n3A_2839 = arith.select %and3A_2838, %add3A_2826, %select_n3A_2823 : vector<16xi1>, vector<16xi32>
      %add3A_2840 = arith.constant 32 : i32
      %add3A_2841 = vector.broadcast %add3A_2840 : i32 to vector<16xi32>
      %add3A_2842 = arith.addi %select_n3A_2839, %add3A_2841 : vector<16xi32>
      %min3A_2843 = arith.constant 255 : i32
      %min3A_2844 = vector.broadcast %min3A_2843 : i32 to vector<16xi32>
      %min3A_2845 = arith.minsi %add3A_2842, %min3A_2844 : vector<16xi32>
      %sub3A_2846 = arith.constant 1 : i32
      %sub3A_2847 = vector.broadcast %sub3A_2846 : i32 to vector<16xi32>
      %sub3A_2848 = arith.subi %min3A_2845, %sub3A_2847 : vector<16xi32>
      %gather3A_2849 = tpu.vector_load_idx %arg7[%sub3A_2848] : memref<256xf32, #tpu.memory_space<vmem>>[vector<16xi32>], vector<16xf32>,
      %le3A_2850 = arith.constant 255 : i32
      %le3A_2851 = vector.broadcast %le3A_2850 : i32 to vector<16xi32>
      %le3A_2852 = arith.cmpi sle, %add3A_2842, %le3A_2851 : vector<16xi32>
      %lt3A_2853 = arith.cmpf olt, %gather3A_2849, %min3A_2807 : vector<16xf32>
      %and3A_2854 = arith.andi %le3A_2852, %lt3A_2853 : vector<16xi1>
      %select_n3A_2855 = arith.select %and3A_2854, %add3A_2842, %select_n3A_2839 : vector<16xi1>, vector<16xi32>
      %add3A_2856 = arith.constant 16 : i32
      %add3A_2857 = vector.broadcast %add3A_2856 : i32 to vector<16xi32>
      %add3A_2858 = arith.addi %select_n3A_2855, %add3A_2857 : vector<16xi32>
      %min3A_2859 = arith.constant 255 : i32
      %min3A_2860 = vector.broadcast %min3A_2859 : i32 to vector<16xi32>
      %min3A_2861 = arith.minsi %add3A_2858, %min3A_2860 : vector<16xi32>
      %sub3A_2862 = arith.constant 1 : i32
      %sub3A_2863 = vector.broadcast %sub3A_2862 : i32 to vector<16xi32>
      %sub3A_2864 = arith.subi %min3A_2861, %sub3A_2863 : vector<16xi32>
      %gather3A_2865 = tpu.vector_load_idx %arg7[%sub3A_2864] : memref<256xf32, #tpu.memory_space<vmem>>[vector<16xi32>], vector<16xf32>,
      %le3A_2866 = arith.constant 255 : i32
      %le3A_2867 = vector.broadcast %le3A_2866 : i32 to vector<16xi32>
      %le3A_2868 = arith.cmpi sle, %add3A_2858, %le3A_2867 : vector<16xi32>
      %lt3A_2869 = arith.cmpf olt, %gather3A_2865, %min3A_2807 : vector<16xf32>
      %and3A_2870 = arith.andi %le3A_2868, %lt3A_2869 : vector<16xi1>
      %select_n3A_2871 = arith.select %and3A_2870, %add3A_2858, %select_n3A_2855 : vector<16xi1>, vector<16xi32>
      %add3A_2872 = arith.constant 8 : i32
      %add3A_2873 = vector.broadcast %add3A_2872 : i32 to vector<16xi32>
      %add3A_2874 = arith.addi %select_n3A_2871, %add3A_2873 : vector<16xi32>
      %min3A_2875 = arith.constant 255 : i32
      %min3A_2876 = vector.broadcast %min3A_2875 : i32 to vector<16xi32>
      %min3A_2877 = arith.minsi %add3A_2874, %min3A_2876 : vector<16xi32>
      %sub3A_2878 = arith.constant 1 : i32
      %sub3A_2879 = vector.broadcast %sub3A_2878 : i32 to vector<16xi32>
      %sub3A_2880 = arith.subi %min3A_2877, %sub3A_2879 : vector<16xi32>
      %gather3A_2881 = tpu.vector_load_idx %arg7[%sub3A_2880] : memref<256xf32, #tpu.memory_space<vmem>>[vector<16xi32>], vector<16xf32>,
      %le3A_2882 = arith.constant 255 : i32
      %le3A_2883 = vector.broadcast %le3A_2882 : i32 to vector<16xi32>
      %le3A_2884 = arith.cmpi sle, %add3A_2874, %le3A_2883 : vector<16xi32>
      %lt3A_2885 = arith.cmpf olt, %gather3A_2881, %min3A_2807 : vector<16xf32>
      %and3A_2886 = arith.andi %le3A_2884, %lt3A_2885 : vector<16xi1>
      %select_n3A_2887 = arith.select %and3A_2886, %add3A_2874, %select_n3A_2871 : vector<16xi1>, vector<16xi32>
      %add3A_2888 = arith.constant 4 : i32
      %add3A_2889 = vector.broadcast %add3A_2888 : i32 to vector<16xi32>
      %add3A_2890 = arith.addi %select_n3A_2887, %add3A_2889 : vector<16xi32>
      %min3A_2891 = arith.constant 255 : i32
      %min3A_2892 = vector.broadcast %min3A_2891 : i32 to vector<16xi32>
      %min3A_2893 = arith.minsi %add3A_2890, %min3A_2892 : vector<16xi32>
      %sub3A_2894 = arith.constant 1 : i32
      %sub3A_2895 = vector.broadcast %sub3A_2894 : i32 to vector<16xi32>
      %sub3A_2896 = arith.subi %min3A_2893, %sub3A_2895 : vector<16xi32>
      %gather3A_2897 = tpu.vector_load_idx %arg7[%sub3A_2896] : memref<256xf32, #tpu.memory_space<vmem>>[vector<16xi32>], vector<16xf32>,
      %le3A_2898 = arith.constant 255 : i32
      %le3A_2899 = vector.broadcast %le3A_2898 : i32 to vector<16xi32>
      %le3A_2900 = arith.cmpi sle, %add3A_2890, %le3A_2899 : vector<16xi32>
      %lt3A_2901 = arith.cmpf olt, %gather3A_2897, %min3A_2807 : vector<16xf32>
      %and3A_2902 = arith.andi %le3A_2900, %lt3A_2901 : vector<16xi1>
      %select_n3A_2903 = arith.select %and3A_2902, %add3A_2890, %select_n3A_2887 : vector<16xi1>, vector<16xi32>
      %add3A_2904 = arith.constant 2 : i32
      %add3A_2905 = vector.broadcast %add3A_2904 : i32 to vector<16xi32>
      %add3A_2906 = arith.addi %select_n3A_2903, %add3A_2905 : vector<16xi32>
      %min3A_2907 = arith.constant 255 : i32
      %min3A_2908 = vector.broadcast %min3A_2907 : i32 to vector<16xi32>
      %min3A_2909 = arith.minsi %add3A_2906, %min3A_2908 : vector<16xi32>
      %sub3A_2910 = arith.constant 1 : i32
      %sub3A_2911 = vector.broadcast %sub3A_2910 : i32 to vector<16xi32>
      %sub3A_2912 = arith.subi %min3A_2909, %sub3A_2911 : vector<16xi32>
      %gather3A_2913 = tpu.vector_load_idx %arg7[%sub3A_2912] : memref<256xf32, #tpu.memory_space<vmem>>[vector<16xi32>], vector<16xf32>,
      %le3A_2914 = arith.constant 255 : i32
      %le3A_2915 = vector.broadcast %le3A_2914 : i32 to vector<16xi32>
      %le3A_2916 = arith.cmpi sle, %add3A_2906, %le3A_2915 : vector<16xi32>
      %lt3A_2917 = arith.cmpf olt, %gather3A_2913, %min3A_2807 : vector<16xf32>
      %and3A_2918 = arith.andi %le3A_2916, %lt3A_2917 : vector<16xi1>
      %select_n3A_2919 = arith.select %and3A_2918, %add3A_2906, %select_n3A_2903 : vector<16xi1>, vector<16xi32>
      %add3A_2920 = arith.constant 1 : i32
      %add3A_2921 = vector.broadcast %add3A_2920 : i32 to vector<16xi32>
      %add3A_2922 = arith.addi %select_n3A_2919, %add3A_2921 : vector<16xi32>
      %min3A_2923 = arith.constant 255 : i32
      %min3A_2924 = vector.broadcast %min3A_2923 : i32 to vector<16xi32>
      %min3A_2925 = arith.minsi %add3A_2922, %min3A_2924 : vector<16xi32>
      %sub3A_2926 = arith.constant 1 : i32
      %sub3A_2927 = vector.broadcast %sub3A_2926 : i32 to vector<16xi32>
      %sub3A_2928 = arith.subi %min3A_2925, %sub3A_2927 : vector<16xi32>
      %gather3A_2929 = tpu.vector_load_idx %arg7[%sub3A_2928] : memref<256xf32, #tpu.memory_space<vmem>>[vector<16xi32>], vector<16xf32>,
      %le3A_2930 = arith.constant 255 : i32
      %le3A_2931 = vector.broadcast %le3A_2930 : i32 to vector<16xi32>
      %le3A_2932 = arith.cmpi sle, %add3A_2922, %le3A_2931 : vector<16xi32>
      %lt3A_2933 = arith.cmpf olt, %gather3A_2929, %min3A_2807 : vector<16xf32>
      %and3A_2934 = arith.andi %le3A_2932, %lt3A_2933 : vector<16xi1>
      %select_n3A_2935 = arith.select %and3A_2934, %add3A_2922, %select_n3A_2919 : vector<16xi1>, vector<16xi32>
      %sub3A_2936 = arith.constant 1 : i32
      %sub3A_2937 = vector.broadcast %sub3A_2936 : i32 to vector<16xi32>
      %sub3A_2938 = arith.subi %select_n3A_2935, %sub3A_2937 : vector<16xi32>
      %jit3A_2939 = arith.constant 0 : i32
      %jit3A_2940 = arith.constant 253 : i32
      %max3A_2941 = vector.broadcast %jit3A_2939 : i32 to vector<16xi32>
      %max3A_2942 = arith.maxsi %max3A_2941, %sub3A_2938 : vector<16xi32>
      %min3A_2943 = vector.broadcast %jit3A_2940 : i32 to vector<16xi32>
      %min3A_2944 = arith.minsi %min3A_2943, %max3A_2942 : vector<16xi32>
      %add3A_2945 = arith.constant 1 : i32
      %add3A_2946 = vector.broadcast %add3A_2945 : i32 to vector<16xi32>
      %add3A_2947 = arith.addi %min3A_2944, %add3A_2946 : vector<16xi32>
      %gather3A_2948 = tpu.vector_load_idx %arg7[%min3A_2944] : memref<256xf32, #tpu.memory_space<vmem>>[vector<16xi32>], vector<16xf32>,
      %gather3A_2949 = tpu.vector_load_idx %arg7[%add3A_2947] : memref<256xf32, #tpu.memory_space<vmem>>[vector<16xi32>], vector<16xf32>,
      %sub3A_2950 = arith.subf %min3A_2807, %gather3A_2948 : vector<16xf32>
      %sub3A_2951 = arith.subf %gather3A_2949, %gather3A_2948 : vector<16xf32>
      %add3A_2952 = arith.constant 9.99999993E-9 : f32
      %add3A_2953 = vector.broadcast %add3A_2952 : f32 to vector<16xf32>
      %add3A_2954 = arith.addf %sub3A_2951, %add3A_2953 : vector<16xf32>
      %div3A_2955 = arith.divf %sub3A_2950, %add3A_2954 : vector<16xf32>
      %sub3A_2956 = arith.constant 1.000000e+00 : f32
      %sub3A_2957 = vector.broadcast %sub3A_2956 : f32 to vector<16xf32>
      %sub3A_2958 = arith.subf %sub3A_2957, %div3A_2955 : vector<16xf32>
      %add3A_2959 = arith.constant 112 : i32
      %add3A_2960 = vector.broadcast %add3A_2959 : i32 to vector<16xi32>
      %add3A_2961 = arith.addi %iota3A, %add3A_2960 : vector<16xi32>
      %scatter3A_2962 = arith.constant 1 : i32
      %scatter3A_2963 = arith.constant 0 : i32
      %scatter3A_2964 = arith.constant 0 : i32
      %scatter3A_2965 = tpu.memref_slice %arg8[%scatter3A_2962, %scatter3A_2963, %scatter3A_2964] : memref<2x128x255xf32, #tpu.memory_space<vmem>> -> memref<1x128x255xf32, #tpu.memory_space<vmem>>
      %scatter3A_2966 = tpu.memref_squeeze %scatter3A_2965 : memref<1x128x255xf32, #tpu.memory_space<vmem>> -> memref<128x255xf32, #tpu.memory_space<vmem>>
      tpu.vector_store_idx %scatter3A_2966[%add3A_2961, %min3A_2944], %sub3A_2958 : memref<128x255xf32, #tpu.memory_space<vmem>>[vector<16xi32>, vector<16xi32>], vector<16xf32>,
      %scatter3A_2967 = arith.constant 1 : i32
      %scatter3A_2968 = arith.constant 0 : i32
      %scatter3A_2969 = arith.constant 0 : i32
      %scatter3A_2970 = tpu.memref_slice %arg8[%scatter3A_2967, %scatter3A_2968, %scatter3A_2969] : memref<2x128x255xf32, #tpu.memory_space<vmem>> -> memref<1x128x255xf32, #tpu.memory_space<vmem>>
      %scatter3A_2971 = tpu.memref_squeeze %scatter3A_2970 : memref<1x128x255xf32, #tpu.memory_space<vmem>> -> memref<128x255xf32, #tpu.memory_space<vmem>>
      tpu.vector_store_idx %scatter3A_2971[%add3A_2961, %add3A_2947], %div3A_2955 : memref<128x255xf32, #tpu.memory_space<vmem>>[vector<16xi32>, vector<16xi32>], vector<16xf32>,
      %swap3A_2972 = arith.constant 480 : index
      %swap3A_2973 = tpu.vector_load %arg9[%swap3A_2972] {strides = array<i32>} : memref<512xi32, #tpu.memory_space<vmem>>, vector<16xi32>,
      tpu.vector_store %arg9[%swap3A_2972], %min3A_2944 {strides = array<i32>} : memref<512xi32, #tpu.memory_space<vmem>>, vector<16xi32>,
      %swap3A_2974 = arith.constant 496 : index
      %swap3A_2975 = tpu.vector_load %arg9[%swap3A_2974] {strides = array<i32>} : memref<512xi32, #tpu.memory_space<vmem>>, vector<16xi32>,
      tpu.vector_store %arg9[%swap3A_2974], %add3A_2947 {strides = array<i32>} : memref<512xi32, #tpu.memory_space<vmem>>, vector<16xi32>,
      %dma_start3A_2976 = arith.constant 1 : i32
      %dma_start3A_2977 = arith.constant 0 : i32
      %dma_start3A_2978 = arith.constant 0 : i32
      %dma_start3A_2979 = tpu.memref_slice %arg8[%dma_start3A_2976, %dma_start3A_2977, %dma_start3A_2978] : memref<2x128x255xf32, #tpu.memory_space<vmem>> -> memref<1x128x255xf32, #tpu.memory_space<vmem>>
      %dma_start3A_2980 = tpu.memref_squeeze %dma_start3A_2979 : memref<1x128x255xf32, #tpu.memory_space<vmem>> -> memref<128x255xf32, #tpu.memory_space<vmem>>
      %dma_start3A_2981 = arith.constant 0 : i32
      %dma_start3A_2982 = tpu.memref_slice %arg5[%add3A_1544, %mul3A_1562, %dma_start3A_2981] : memref<128x2048x255xf32, #tpu.memory_space<hbm>> -> memref<1x128x255xf32, #tpu.memory_space<hbm>>
      %dma_start3A_2983 = tpu.memref_squeeze %dma_start3A_2982 : memref<1x128x255xf32, #tpu.memory_space<hbm>> -> memref<128x255xf32, #tpu.memory_space<hbm>>
      %dma_start3A_2984 = arith.constant 0 : i32
      %dma_start3A_2985 = tpu.memref_slice %arg5[%add3A_1544, %mul3A_1562, %dma_start3A_2984] : memref<128x2048x255xf32, #tpu.memory_space<hbm>> -> memref<1x128x255xf32, #tpu.memory_space<hbm>>
      %dma_start3A_2986 = tpu.memref_squeeze %dma_start3A_2985 : memref<1x128x255xf32, #tpu.memory_space<hbm>> -> memref<128x255xf32, #tpu.memory_space<hbm>>
      %dma_start3A_2987 = arith.constant 0 : i32
      %dma_start3A_2988 = arith.constant 0 : i32
      %dma_start3A_2989 = tpu.memref_slice %arg8[%dma_start3A_2976, %dma_start3A_2987, %dma_start3A_2988] : memref<2x128x255xf32, #tpu.memory_space<vmem>> -> memref<1x128x255xf32, #tpu.memory_space<vmem>>
      %dma_start3A_2990 = tpu.memref_squeeze %dma_start3A_2989 : memref<1x128x255xf32, #tpu.memory_space<vmem>> -> memref<128x255xf32, #tpu.memory_space<vmem>>
      tpu.enqueue_dma source(%dma_start3A_2990 : memref<128x255xf32, #tpu.memory_space<vmem>>) target(%dma_start3A_2986 : memref<128x255xf32, #tpu.memory_space<hbm>>) target_semaphore(%arg11 : memref<!tpu.dma_semaphore, #tpu.memory_space<semaphore_mem>>)
    }
    %scan3A_22 = arith.constant 32 : i32
    %add3A_23 = arith.constant 3 : i32
    %add3A_24 = arith.addi %mul3A_2, %add3A_23 : i32
    %dma_wait3A = arith.constant 0 : i32
    %dma_wait3A_25 = arith.constant 0 : i32
    %dma_wait3A_26 = arith.constant 0 : i32
    %dma_wait3A_27 = tpu.memref_slice %arg8[%dma_wait3A, %dma_wait3A_25, %dma_wait3A_26] : memref<2x128x255xf32, #tpu.memory_space<vmem>> -> memref<1x128x255xf32, #tpu.memory_space<vmem>>
    %dma_wait3A_28 = tpu.memref_squeeze %dma_wait3A_27 : memref<1x128x255xf32, #tpu.memory_space<vmem>> -> memref<128x255xf32, #tpu.memory_space<vmem>>
    %dma_wait3A_29 = arith.constant 1792 : i32
    %dma_wait3A_30 = arith.constant 0 : i32
    %dma_wait3A_31 = tpu.memref_slice %arg5[%add3A_24, %dma_wait3A_29, %dma_wait3A_30] : memref<128x2048x255xf32, #tpu.memory_space<hbm>> -> memref<1x128x255xf32, #tpu.memory_space<hbm>>
    %dma_wait3A_32 = tpu.memref_squeeze %dma_wait3A_31 : memref<1x128x255xf32, #tpu.memory_space<hbm>> -> memref<128x255xf32, #tpu.memory_space<hbm>>
    %dma_wait3A_33 = arith.constant 1792 : i32
    %dma_wait3A_34 = arith.constant 0 : i32
    %dma_wait3A_35 = tpu.memref_slice %arg5[%add3A_24, %dma_wait3A_33, %dma_wait3A_34] : memref<128x2048x255xf32, #tpu.memory_space<hbm>> -> memref<1x128x255xf32, #tpu.memory_space<hbm>>
    %dma_wait3A_36 = tpu.memref_squeeze %dma_wait3A_35 : memref<1x128x255xf32, #tpu.memory_space<hbm>> -> memref<128x255xf32, #tpu.memory_space<hbm>>
    %dma_wait3A_37 = arith.constant 0 : i32
    %dma_wait3A_38 = arith.constant 0 : i32
    %dma_wait3A_39 = tpu.memref_slice %arg8[%dma_wait3A, %dma_wait3A_37, %dma_wait3A_38] : memref<2x128x255xf32, #tpu.memory_space<vmem>> -> memref<1x128x255xf32, #tpu.memory_space<vmem>>
    %dma_wait3A_40 = tpu.memref_squeeze %dma_wait3A_39 : memref<1x128x255xf32, #tpu.memory_space<vmem>> -> memref<128x255xf32, #tpu.memory_space<vmem>>
    tpu.wait_dma2 semaphore(%arg10 : memref<!tpu.dma_semaphore, #tpu.memory_space<semaphore_mem>>) src(%dma_wait3A_40 : memref<128x255xf32, #tpu.memory_space<vmem>>) dst(%dma_wait3A_36 : memref<128x255xf32, #tpu.memory_space<hbm>>)
    %add3A_41 = arith.constant 3 : i32
    %add3A_42 = arith.addi %mul3A_2, %add3A_41 : i32
    %dma_wait3A_43 = arith.constant 1 : i32
    %dma_wait3A_44 = arith.constant 0 : i32
    %dma_wait3A_45 = arith.constant 0 : i32
    %dma_wait3A_46 = tpu.memref_slice %arg8[%dma_wait3A_43, %dma_wait3A_44, %dma_wait3A_45] : memref<2x128x255xf32, #tpu.memory_space<vmem>> -> memref<1x128x255xf32, #tpu.memory_space<vmem>>
    %dma_wait3A_47 = tpu.memref_squeeze %dma_wait3A_46 : memref<1x128x255xf32, #tpu.memory_space<vmem>> -> memref<128x255xf32, #tpu.memory_space<vmem>>
    %dma_wait3A_48 = arith.constant 1920 : i32
    %dma_wait3A_49 = arith.constant 0 : i32
    %dma_wait3A_50 = tpu.memref_slice %arg5[%add3A_42, %dma_wait3A_48, %dma_wait3A_49] : memref<128x2048x255xf32, #tpu.memory_space<hbm>> -> memref<1x128x255xf32, #tpu.memory_space<hbm>>
    %dma_wait3A_51 = tpu.memref_squeeze %dma_wait3A_50 : memref<1x128x255xf32, #tpu.memory_space<hbm>> -> memref<128x255xf32, #tpu.memory_space<hbm>>
    %dma_wait3A_52 = arith.constant 1920 : i32
    %dma_wait3A_53 = arith.constant 0 : i32
    %dma_wait3A_54 = tpu.memref_slice %arg5[%add3A_42, %dma_wait3A_52, %dma_wait3A_53] : memref<128x2048x255xf32, #tpu.memory_space<hbm>> -> memref<1x128x255xf32, #tpu.memory_space<hbm>>
    %dma_wait3A_55 = tpu.memref_squeeze %dma_wait3A_54 : memref<1x128x255xf32, #tpu.memory_space<hbm>> -> memref<128x255xf32, #tpu.memory_space<hbm>>
    %dma_wait3A_56 = arith.constant 0 : i32
    %dma_wait3A_57 = arith.constant 0 : i32
    %dma_wait3A_58 = tpu.memref_slice %arg8[%dma_wait3A_43, %dma_wait3A_56, %dma_wait3A_57] : memref<2x128x255xf32, #tpu.memory_space<vmem>> -> memref<1x128x255xf32, #tpu.memory_space<vmem>>
    %dma_wait3A_59 = tpu.memref_squeeze %dma_wait3A_58 : memref<1x128x255xf32, #tpu.memory_space<vmem>> -> memref<128x255xf32, #tpu.memory_space<vmem>>
    tpu.wait_dma2 semaphore(%arg11 : memref<!tpu.dma_semaphore, #tpu.memory_space<semaphore_mem>>) src(%dma_wait3A_59 : memref<128x255xf32, #tpu.memory_space<vmem>>) dst(%dma_wait3A_55 : memref<128x255xf32, #tpu.memory_space<hbm>>)
    return
  }
}

</mosaic_0001>

<sc_bundles>
// kernel: _twohot.3.cloned.1.call-start
scs
__scs_entry_jumppad:
0x0: {  	(pc) =	sbr.rel $0x88, $3  }
0x1: {  	(tag) =	ssettag $0x0;
	lr =	simm.s32 $0x1  }
0x2: {  	[smem:$0x3F9F] =	sst lr;
	_ =	strace $0xD0000000  }
0x3: {  	_ = 	snop  }
0x4: {  	_ = 	snop  }
0x5: {  	_ = 	snop  }
0x6: {  	_ = 	snop  }
0x7: {  	_ = 	snop  }
__scs_overlays_trampoline_lowered:
0x8: {  	[smem:$0x3FAE] =	sst s0  }
0x9: {  	[smem:$0x3FAF] =	sst s1  }
0xa: {  	[smem:$0x3FB0] =	sst s2  }
0xb: {  	[smem:$0x3FB1] =	sst s3  }
0xc: {  	[smem:$0x3FB2] =	sst s4  }
0xd: {  	[smem:$0x3FB3] =	sst s5  }
0xe: {  	[smem:$0x3FB4] =	sst s6  }
0xf: {  	[smem:$0x3FB5] =	sst s7  }
0x10: {  	[smem:$0x3FB6] =	sst s8  }
0x11: {  	[smem:$0x3FB7] =	sst s9;
	s0 =	simm.s32 @!p0 $0x0  }
0x12: {  	s1 =	sld [smem:$0x3F9D];
	s0 =	simm.s32 @p0 $0x1  }
0x13: {  	[smem:$0x3FB8] =	sst s0;
	s0 =	simm.s32 @!p1 $0x0  }
0x14: {  	s2 =	sld [smem:$0x3F9C];
	s0 =	simm.s32 @p1 $0x1  }
0x15: {  	[smem:$0x3FB9] =	sst s0;
	s0 =	simm.s32 @!p2 $0x0  }
0x16: {  	s3 =	sld [smem:$0x3FDB];
	s0 =	simm.s32 @p2 $0x1  }
0x17: {  	s4 =	simm.s32 $0x1BF5;
	[smem:$0x3FBB] =	sst s0  }
0x18: {  	s0 =	sld [smem:$0x3F9E];
	_ =	swait.ge [sflag:s4], $0x0  }
0x19: {  	s7 =	sld [smem:$0x3F9F]  }
0x1a: {  	s8 =	sadd.s32 $0xFFFFE003, lr  }
0x1b: {  	s9 =	sadd.s32 $0xFFFFFEF7, lr;
	s5 =	simm.s32 $0xFFFFFFFF;
	p2 =	slt.u32 s8, $0xFFFFF086  }
0x1c: {  	p1 =	slt.u32 s9, $0xF7A;
	s5 =	simm.s32 @!p2 $0x0  }
0x1d: {  	s5 =	simm.s32 @p1 $0x1;
	p0 =	seq.s32 s7, s2  }
0x1e: {  	s7 =	smul.u32 @!p0 $0xF7A, s2;
	p2 =	seq.s32 @!p0 s5, $0x0  }
0x1f: {  	s9 =	smul.u32 $0xF7A, s1;
	s8 =	simm.s32 @!p0 $0x1BF5;
	p2 =	por !p2, p0  }
0x20: {  	[sflag:s8] =	ssyncset.s32 @!p0 $0xFFFFF086;
	s6 =	sadd.s32 @!p0 s3, s7;
	s7 =	simm.s32 @!p0 $0x108  }
0x21: {  	s3 =	sadd.s32 s3, s9;
	s6 =	sadd.s32 @!p0 $0x88, s6;
	s7 =	simm.s32 @p2 $0x1082  }
0x22: {  	[simem:s7], [sflag:s8] =	dma.local @!p0 [hbm:s6], $0xF7A  }
0x23: {  	s9 =	sor.u32 $0xD0000000, s2;
	s6 =	simm.s32 $0x108;
	_ =	swait.ge @!p0 [sflag:s8], $0x0  }
0x24: {  	s3 =	sadd.s32 $0x88, s3;
	s6 =	simm.s32 @!p1 $0x1082;
	[sflag:s4] =	ssyncset.s32 $0xFFFFF086  }
0x25: {  	[simem:s6], [sflag:s4] =	dma.local [hbm:s3], $0xF7A  }
0x26: {  	[smem:$0x3F9F] =	sst s1;
	(tag) =	ssettag s2;
	_ =	strace s9  }
0x27: {  	s1 =	sld [smem:$0x3FAF]  }
0x28: {  	s2 =	sld [smem:$0x3FB0]  }
0x29: {  	s4 =	sld [smem:$0x3FB2]  }
0x2a: {  	p0 =	seq.s32 s5, $0x0;
	s5 =	sld [smem:$0x3FB3]  }
0x2b: {  	s6 =	sld [smem:$0x3FB4]  }
0x2c: {  	s7 =	sld [smem:$0x3FB5]  }
0x2d: {  	s3 =	simm.s32 $0x108;
	s8 =	sld [smem:$0x3FB6]  }
0x2e: {  	s3 =	simm.s32 @!p0 $0x1082;
	s9 =	sld [smem:$0x3FB7]  }
0x2f: {  	lr =	sadd.s32 s0, s3;
	s0 =	sld [smem:$0x3FAE]  }
0x30: {  	s3 =	sld [smem:$0x3FB1]  }
0x31: {  	[smem:$0x3FBA] =	sst s10  }
0x32: {  	s10 =	sld [smem:$0x3FB8];
	_ =	sdelay $0x3  }
0x33: {  	p0 =	seq.s32 s10, $0x1;
	s10 =	sld [smem:$0x3FBA];
	_ =	sdelay $0x3  }
0x34: {  	[smem:$0x3FBA] =	sst s10  }
0x35: {  	s10 =	sld [smem:$0x3FB9];
	_ =	sdelay $0x3  }
0x36: {  	p1 =	seq.s32 s10, $0x1;
	s10 =	sld [smem:$0x3FBA];
	_ =	sdelay $0x3  }
0x37: {  	[smem:$0x3FBA] =	sst s10  }
0x38: {  	s10 =	sld [smem:$0x3FBB]  }
0x39: {  	_ = 	snop;
	(pc) =	sbr.ind lr, $3  }
0x3a: {  	_ = 	snop  }
0x3b: {  	_ = 	snop  }
0x3c: {  	p2 =	seq.s32 s10, $0x1;
	s10 =	sld [smem:$0x3FBA]  }
0x3d: {  	_ =	shalt  }
0x3e: {  	_ =	shalt  }
0x3f: {  	_ =	shalt  }
0x40: {  	_ =	shalt  }
0x41: {  	_ =	shalt  }
0x42: {  	_ =	shalt  }
0x43: {  	_ =	shalt  }
0x44: {  	_ =	shalt  }
0x45: {  	_ =	shalt  }
0x46: {  	_ =	shalt  }
0x47: {  	_ =	shalt  }
0x48: {  	_ =	shalt  }
0x49: {  	_ =	shalt  }
0x4a: {  	_ =	shalt  }
0x4b: {  	_ =	shalt  }
0x4c: {  	_ =	shalt  }
0x4d: {  	_ =	shalt  }
0x4e: {  	_ =	shalt  }
0x4f: {  	_ =	shalt  }
0x50: {  	_ =	shalt  }
0x51: {  	_ =	shalt  }
0x52: {  	_ =	shalt  }
0x53: {  	_ =	shalt  }
0x54: {  	_ =	shalt  }
0x55: {  	_ =	shalt  }
0x56: {  	_ =	shalt  }
0x57: {  	_ =	shalt  }
0x58: {  	_ =	shalt  }
0x59: {  	_ =	shalt  }
0x5a: {  	_ =	shalt  }
0x5b: {  	_ =	shalt  }
0x5c: {  	_ =	shalt  }
0x5d: {  	_ =	shalt  }
0x5e: {  	_ =	shalt  }
0x5f: {  	_ =	shalt  }
0x60: {  	_ =	shalt  }
0x61: {  	_ =	shalt  }
0x62: {  	_ =	shalt  }
0x63: {  	_ =	shalt  }
0x64: {  	_ =	shalt  }
0x65: {  	_ =	shalt  }
0x66: {  	_ =	shalt  }
0x67: {  	_ =	shalt  }
0x68: {  	_ =	shalt  }
0x69: {  	_ =	shalt  }
0x6a: {  	_ =	shalt  }
0x6b: {  	_ =	shalt  }
0x6c: {  	_ =	shalt  }
0x6d: {  	_ =	shalt  }
0x6e: {  	_ =	shalt  }
0x6f: {  	_ =	shalt  }
0x70: {  	_ =	shalt  }
0x71: {  	_ =	shalt  }
0x72: {  	_ =	shalt  }
0x73: {  	_ =	shalt  }
0x74: {  	_ =	shalt  }
0x75: {  	_ =	shalt  }
0x76: {  	_ =	shalt  }
0x77: {  	_ =	shalt  }
0x78: {  	_ =	shalt  }
0x79: {  	_ =	shalt  }
0x7a: {  	_ =	shalt  }
0x7b: {  	_ =	shalt  }
0x7c: {  	_ =	shalt  }
0x7d: {  	_ =	shalt  }
0x7e: {  	_ =	shalt  }
0x7f: {  	_ =	shalt  }
0x80: {  	_ =	shalt  }
0x81: {  	_ =	shalt  }
0x82: {  	_ =	shalt  }
0x83: {  	_ =	shalt  }
0x84: {  	_ =	shalt  }
0x85: {  	_ =	shalt  }
0x86: {  	_ =	shalt  }
0x87: {  	_ =	shalt  }
.Lfunc_end0:
.L_simem_size_0:
called_computation_lowered:
.L_overlay_start_0:
0x88: {  	s2 =	sld [smem:$0x3FD9]  }
0x89: {  	s3 =	sld [smem:$0x3FFE];
	_ =	sdelay $0x1  }
0x8a: {  	s1 =	srdreg.scid  }
0x8b: {  	s0 =	sand.u32 $0x1, s1  }
0x8c: {  	s17 =	sshll.u32 s0, $0xA;
	s2 =	sadd.s32 s3, s2  }
0x8d: {  	s2 =	sadd.s32 s2, s17  }
0x8e: {  	[smem:$0x3FC6] =	sst s2  }
0x8f: {  	_ = 	snop  }
0x90: {  	s2 =	sld [smem:$0x3FC9]  }
0x91: {  	s18 =	sld [smem:$0x3FD0];
	(tm) =	ssettm $0x1  }
0x92: {  	s4 =	sld [smem:$0x3FFB];
	_ =	sdelay $0x3  }
0x93: {  	_ =	strace s4  }
0x94: {  	s4 =	sld [smem:$0x3FFC];
	_ =	sdelay $0x3  }
0x95: {  	_ =	strace s4  }
0x96: {  	s4 =	sld [smem:$0x3FFD];
	_ =	sdelay $0x3  }
0x97: {  	_ =	strace s4  }
0x98: {  	_ =	strace $0x8FFFFFFF  }
0x99: {  	s19 =	sld [smem:$0x3FDB];
	_ =	sdelay $0x1  }
0x9a: {  	s5 =	simm.s32 $_scs_section_size  }
0x9b: {  	s6 =	simm.s32 $_size__tile_overlayer_lowered;
	s7 =	simm.s32 $_tile_overlayer_lowered  }
0x9c: {  	s22 =	simm.s32 $0x1BFF;
	s21 =	sshll.u32 s7, $0x1;
	s4 =	sadd.s32 s5, s19  }
0x9d: {  	s8 =	simm.s32 $0x0;
	s20 =	sshll.u32 s6, $0x1;
	s6 =	sadd.s32 s21, s4  }
0x9e: {  	[timem:s8], [sflag:s22] =	dma.local [hbm:s6], s20  }
0x9f: {  	_ =	swait.ge [sflag:s22], s20  }
0xa0: {  	s5 =	ssub.s32 $0x0, s20;
	[sflag:s22] =	ssyncset.done $0x0  }
0xa1: {  	[sflag:s22] =	ssyncadd.s32 s5;
	_ =	sdelay $0x1  }
0xa2: {  	s23 =	simm.s32 $0x1B8B  }
0xa3: {  	_ =	swait.ge [sflag:s23], $0x1  }
0xa4: {  	[sflag:s23] =	ssyncset.done $0x0  }
0xa5: {  	s25 =	simm.s32 $0x1B8E;
	s24 =	sld [smem:$0x3FFE];
	[sflag:s23] =	ssyncadd.s32 $0xFFFFFFFF  }
0xa6: {  	s26 =	simm.s32 $execute0_lowered;
	[smem:$0x3FD2] =	sst s25  }
0xa7: {  	s6 =	sshll.u32 s26, $0x1;
	_ =	strace $0x80000046;
	[dreg:$0x1] =	wrdreg $0xFFFFFFFF  }
0xa8: {  	s28 =	simm.s32 $_size_execute0_lowered;
	s4 =	sadd.s32 s4, s6;
	[dreg:$0x0] =	wrdreg $0x0  }
0xa9: {  	s6 =	sshll.u32 s28, $0x1;
	[dreg:$0x2] =	wrdreg s4  }
0xaa: {  	[dreg:$0x3] =	wrdreg s6  }
0xab: {  	[dreg:$0x4] =	wrdreg $0xC0  }
0xac: {  	_ =	task [dreg:s8], $0x5FFFF  }
0xad: {  	[dreg:$0x1] =	wrdreg $0xFFFFFFFF  }
0xae: {  	[dreg:$0x0] =	wrdreg $0x60  }
0xaf: {  	[dreg:$0x2] =	wrdreg s2  }
0xb0: {  	[dreg:$0x3] =	wrdreg s24  }
0xb1: {  	[dreg:$0x4] =	wrdreg s18  }
0xb2: {  	[dreg:$0x5] =	wrdreg $0x9  }
0xb3: {  	_ =	task.clear_ibuf [dreg:s8], $0x6FFFF;
	_ =	strace $0x90000046  }
0xb4: {  	s29 =	simm.s32 $0x9;
	_ =	strace $0x80000048  }
0xb5: {  	_ =	swait.ge [sflag:s29], $0x1  }
0xb6: {  	[sflag:s29] =	ssyncadd.s32 $0xFFFFFFFF  }
0xb7: {  	_ =	strace $0x90000048  }
0xb8: {  	_ =	sfence  }
0xb9: {  	s30 =	sld [smem:$0x0];
	_ =	sdelay $0x2  }
0xba: {  	s31 =	sshll.u32 s1, $0xD;
	s1 =	sshrl.u32 s1, $0x2  }
0xbb: {  	s3 =	sand.u32 $0x4000, s31;
	s1 =	sadd.s32 s1, s30  }
0xbc: {  	s0 =	sor.u32 s3, s0;
	s1 =	sshll.u32 s1, $0x11  }
0xbd: {  	s0 =	sor.u32 s1, s0  }
0xbe: {  	s0 =	sadd.s32 $0x8F2B, s0  }
0xbf: {  	[sflag:s0] =	ssyncadd.remote.s32 $0x1  }
0xc0: {  	_ =	sfence.sel $0xFFFF  }
0xc1: {  	[dreg:$0x0] =	wrdreg $0xFFFFFFFF;
	(pc) =	sbr.abs _section_cstart, $3  }
0xc2: {  	[dreg:$0x1] =	wrdreg $0xFFFFFFFF  }
0xc3: {  	_ =	task.clear_ibuf [dreg:s8], $0x2FFFF;
	_ =	strace $0x9FFFFFFF  }
0xc4: {  	(tm) =	ssettm $0x7FFFFFFF  }
0xc5: {  	_ =	shalt  }
tec
execute0_lowered:
.L_overlay_start_1:
0x0: {  	(tag) =	ssettag $0x1  }
0x1: {  	v0 =	vimm.s32 $0xFE;
	v1 =	vimm.s32 $0x7F;
	v2 =	vimm.s32 $0x0  }
0x2: {  	v3 =	vimm.s32 $0xB80;
	vm14 =	vcmask $0x300;
	v4 =	vimm.s32 $0x1B80  }
0x3: {  	vm13 =	vcmask $0x704;
	vm12 =	vcmask $0xB08;
	vm11 =	vcmask $0xF0C  }
0x4: {  	vm10 =	vcmask $0x1310;
	vm9 =	vcmask $0x1714;
	vm8 =	vcmask $0x1B18  }
0x5: {  	vm7 =	vcmask $0x1F1C;
	vm6 =	vcmask $0x2320;
	vm5 =	vcmask $0x2724  }
0x6: {  	vm4 =	vcmask $0x2B28;
	vm3 =	vcmask $0x2F2C;
	vm2 =	vcmask $0x3330  }
0x7: {  	vm0 =	vcmask $0x3734;
	vm1 =	vcmask $0x3B38;
	v5 =	vimm.s32 $0x2B80  }
0x8: {  	v6 =	vimm.s32 $0x3B80;
	v7 =	vimm.s32 $0x4B80;
	v8 =	vimm.s32 $0x5B80  }
0x9: {  	v9 =	vimm.s32 $0x6B80;
	v10 =	vimm.s32 $0x7B80;
	v11 =	vimm.f32 $0.0e+00  }
0xa: {  	v3 =	vsel vm14, $0x0, v3;
	v4 =	vsel vm14, $0x1000, v4;
	v5 =	vsel vm14, $0x2000, v5  }
0xb: {  	v6 =	vsel vm14, $0x3000, v6;
	v7 =	vsel vm14, $0x4000, v7;
	v8 =	vsel vm14, $0x5000, v8  }
0xc: {  	v9 =	vsel vm14, $0x6000, v9;
	v10 =	vsel vm14, $0x7000, v10;
	v3 =	vsel vm13, $0x80, v3  }
0xd: {  	v4 =	vsel vm13, $0x1080, v4;
	v5 =	vsel vm13, $0x2080, v5;
	v6 =	vsel vm13, $0x3080, v6  }
0xe: {  	v7 =	vsel vm13, $0x4080, v7;
	v8 =	vsel vm13, $0x5080, v8;
	v9 =	vsel vm13, $0x6080, v9  }
0xf: {  	v10 =	vsel vm13, $0x7080, v10;
	v3 =	vsel vm12, $0x100, v3;
	v4 =	vsel vm12, $0x1100, v4  }
0x10: {  	v5 =	vsel vm12, $0x2100, v5;
	v6 =	vsel vm12, $0x3100, v6;
	v7 =	vsel vm12, $0x4100, v7  }
0x11: {  	v8 =	vsel vm12, $0x5100, v8;
	v9 =	vsel vm12, $0x6100, v9;
	v10 =	vsel vm12, $0x7100, v10  }
0x12: {  	v3 =	vsel vm11, $0x180, v3;
	v4 =	vsel vm11, $0x1180, v4;
	v5 =	vsel vm11, $0x2180, v5  }
0x13: {  	v6 =	vsel vm11, $0x3180, v6;
	v7 =	vsel vm11, $0x4180, v7;
	v8 =	vsel vm11, $0x5180, v8  }
0x14: {  	v9 =	vsel vm11, $0x6180, v9;
	v10 =	vsel vm11, $0x7180, v10;
	v3 =	vsel vm10, $0x200, v3  }
0x15: {  	v4 =	vsel vm10, $0x1200, v4;
	v5 =	vsel vm10, $0x2200, v5;
	v6 =	vsel vm10, $0x3200, v6  }
0x16: {  	v7 =	vsel vm10, $0x4200, v7;
	v8 =	vsel vm10, $0x5200, v8;
	v9 =	vsel vm10, $0x6200, v9  }
0x17: {  	v10 =	vsel vm10, $0x7200, v10;
	v3 =	vsel vm9, $0x280, v3;
	v4 =	vsel vm9, $0x1280, v4  }
0x18: {  	v5 =	vsel vm9, $0x2280, v5;
	v6 =	vsel vm9, $0x3280, v6;
	v7 =	vsel vm9, $0x4280, v7  }
0x19: {  	v8 =	vsel vm9, $0x5280, v8;
	v9 =	vsel vm9, $0x6280, v9;
	v10 =	vsel vm9, $0x7280, v10  }
0x1a: {  	v3 =	vsel vm8, $0x300, v3;
	v4 =	vsel vm8, $0x1300, v4;
	v5 =	vsel vm8, $0x2300, v5  }
0x1b: {  	v6 =	vsel vm8, $0x3300, v6;
	v7 =	vsel vm8, $0x4300, v7;
	v8 =	vsel vm8, $0x5300, v8  }
0x1c: {  	v9 =	vsel vm8, $0x6300, v9;
	v10 =	vsel vm8, $0x7300, v10;
	v3 =	vsel vm7, $0x380, v3  }
0x1d: {  	v4 =	vsel vm7, $0x1380, v4;
	v5 =	vsel vm7, $0x2380, v5;
	v6 =	vsel vm7, $0x3380, v6  }
0x1e: {  	v7 =	vsel vm7, $0x4380, v7;
	v8 =	vsel vm7, $0x5380, v8;
	v9 =	vsel vm7, $0x6380, v9  }
0x1f: {  	v10 =	vsel vm7, $0x7380, v10;
	v3 =	vsel vm6, $0x800, v3;
	v4 =	vsel vm6, $0x1800, v4  }
0x20: {  	v5 =	vsel vm6, $0x2800, v5;
	v6 =	vsel vm6, $0x3800, v6;
	v7 =	vsel vm6, $0x4800, v7  }
0x21: {  	v8 =	vsel vm6, $0x5800, v8;
	v9 =	vsel vm6, $0x6800, v9;
	v10 =	vsel vm6, $0x7800, v10  }
0x22: {  	v3 =	vsel vm5, $0x880, v3;
	v4 =	vsel vm5, $0x1880, v4;
	v5 =	vsel vm5, $0x2880, v5  }
0x23: {  	s6 =	rddreg [dreg:$0x0];
	v6 =	vsel vm5, $0x3880, v6;
	v7 =	vsel vm5, $0x4880, v7;
	v8 =	vsel vm5, $0x5880, v8  }
0x24: {  	s5 =	rddreg [dreg:$0x1];
	v9 =	vsel vm5, $0x6880, v9;
	v10 =	vsel vm5, $0x7880, v10;
	v3 =	vsel vm4, $0x900, v3  }
0x25: {  	s1 =	rddreg [dreg:$0x2];
	v4 =	vsel vm4, $0x1900, v4;
	v5 =	vsel vm4, $0x2900, v5;
	v6 =	vsel vm4, $0x3900, v6  }
0x26: {  	s0 =	rddreg [dreg:$0x3];
	v7 =	vsel vm4, $0x4900, v7;
	v8 =	vsel vm4, $0x5900, v8;
	v9 =	vsel vm4, $0x6900, v9  }
0x27: {  	s2 =	simm.s32 $0x0;
	s3 =	srdreg.scid;
	s13 =	simm.s32 $0x3;
	v10 =	vsel vm4, $0x7900, v10;
	v3 =	vsel vm3, $0x980, v3;
	v4 =	vsel vm3, $0x1980, v4  }
0x28: {  	s14 =	simm.s32 $0x400;
	s15 =	simm.s32 $0x800;
	s16 =	simm.s32 $0x1800;
	v5 =	vsel vm3, $0x2980, v5;
	v6 =	vsel vm3, $0x3980, v6;
	v7 =	vsel vm3, $0x4980, v7  }
0x29: {  	s17 =	simm.s32 $0x2100;
	s18 =	simm.s32 $0xA100;
	s19 =	simm.s32 $0x1;
	v8 =	vsel vm3, $0x5980, v8;
	v9 =	vsel vm3, $0x6980, v9;
	v10 =	vsel vm3, $0x7980, v10  }
0x2a: {  	s20 =	simm.s32 $0x2;
	s21 =	simm.s32 $0x0;
	[smem:$0x7FF] =	sst s2;
	v3 =	vsel vm2, $0xA00, v3;
	v4 =	vsel vm2, $0x1A00, v4;
	v5 =	vsel vm2, $0x2A00, v5  }
0x2b: {  	s7 =	sand.u32 $0x1, s3;
	s4 =	sadd.s32 $0x400, s5;
	s3 =	stileid.u32;
	v6 =	vsel vm2, $0x3A00, v6;
	v7 =	vsel vm2, $0x4A00, v7;
	v8 =	vsel vm2, $0x5A00, v8  }
0x2c: {  	s5 =	sadd.s32 $0x600, s5;
	_ =	strace $0x80000047;
	s8 =	ssub.s32 $0x2, s7;
	v9 =	vsel vm2, $0x6A00, v9;
	v10 =	vsel vm2, $0x7A00, v10;
	v3 =	vsel vm0, $0xA80, v3  }
.Ltmp0:
0x2d: {  	s10 =	sshll.u32 s3, $0xB;
	s11 =	sshll.u32 s7, $0x6;
	v4 =	vsel vm0, $0x1A80, v4;
	v5 =	vsel vm0, $0x2A80, v5;
	v6 =	vsel vm0, $0x3A80, v6;
	(pc) =	sbr.rel .LBB2_1-.Ltmp0, $4  }
0x2e: {  	s31 =	sshll.u32 s3, $0x3;
	s7 =	sshll.u32 s7, $0x2;
	s30 =	sor.u32 s11, s10;
	v7 =	vsel vm0, $0x4A80, v7;
	v8 =	vsel vm0, $0x5A80, v8;
	v9 =	vsel vm0, $0x6A80, v9  }
0x2f: {  	s9 =	sshrl.u32 s8, $0x1;
	s7 =	sor.u32 s7, s31;
	s6 =	sadd.s32 s6, s30;
	v10 =	vsel vm0, $0x7A80, v10;
	v3 =	vsel vm1, $0xB00, v3;
	v4 =	vsel vm1, $0x1B00, v4  }
0x30: {  	s12 =	ssub.s32 s8, s9;
	s8 =	sadd.s32 $0x10, s6;
	s9 =	sadd.s32 $0x20, s6;
	v5 =	vsel vm1, $0x2B00, v5;
	v6 =	vsel vm1, $0x3B00, v6;
	v7 =	vsel vm1, $0x4B00, v7  }
0x31: {  	s10 =	sadd.s32 $0x30, s6;
	s11 =	smax.u32 s12, $0x1;
	s12 =	simm.s32 $0x2000;
	v8 =	vsel vm1, $0x5B00, v8;
	v9 =	vsel vm1, $0x6B00, v9;
	v10 =	vsel vm1, $0x7B00, v10  }
.LBB2_7:
0x32: {  	s21 =	sadd.s32 $0x1, s21  }
0x33: {  	_ =	swait.ge [sflag:s19], $0x8000;
	p0 =	sne.s32 s21, s11  }
.Ltmp1:
0x34: {  	[sflag:s19] =	ssyncset.done $0x0;
	(pc) =	sbr.rel @!p0 .LBB2_8-.Ltmp1, $4  }
0x35: {  	[sflag:s19] =	ssyncadd.s32 $0xFFFF8000  }
0x36: {  	_ =	swait.ge [sflag:s20], $0x8000  }
0x37: {  	[sflag:s20] =	ssyncset.done $0x0  }
0x38: {  	[sflag:s20] =	ssyncadd.s32 $0xFFFF8000  }
.LBB2_1:
0x39: {  	[tilespmem:s12], [sflag:$0x3] =	stream.linear.gather [hbm4b:s4+s2], $0x100, $0x38;
	[tilespmem:$0x12300] =	vst v63  }
0x3a: {  	_ =	swait.ge [sflag:s13], $0x100  }
0x3b: {  	[sflag:s13] =	ssyncset.done $0x0  }
0x3c: {  	s22 =	simm.s32 $0x80;
	[sflag:s13] =	ssyncadd.s32 $0xFFFFFF00  }
0x3d: {  	[tilespmem:s2], [sflag:$0x3] =	stream.strided.gather [hbm4b:s6+s22], $0x800, s14, s22, $0x38;
	[tilespmem:$0x12300] =	vst v63  }
0x3e: {  	_ =	swait.ge [sflag:s13], $0x800  }
0x3f: {  	[sflag:s13] =	ssyncset.done $0x0  }
0x40: {  	[sflag:s13] =	ssyncadd.s32 $0xFFFFF800  }
0x41: {  	[tilespmem:s15], [sflag:$0x3] =	stream.strided.gather [hbm4b:s8+s22], $0x800, s14, s22, $0x38;
	[tilespmem:$0x12300] =	vst v63  }
0x42: {  	_ =	swait.ge [sflag:s13], $0x800  }
0x43: {  	[sflag:s13] =	ssyncset.done $0x0  }
0x44: {  	s23 =	simm.s32 $0x1000;
	[sflag:s13] =	ssyncadd.s32 $0xFFFFF800  }
0x45: {  	[tilespmem:s23], [sflag:$0x3] =	stream.strided.gather [hbm4b:s9+s22], $0x800, s14, s22, $0x38;
	[tilespmem:$0x12300] =	vst v63  }
0x46: {  	_ =	swait.ge [sflag:s13], $0x800  }
0x47: {  	[sflag:s13] =	ssyncset.done $0x0  }
0x48: {  	[sflag:s13] =	ssyncadd.s32 $0xFFFFF800  }
0x49: {  	[tilespmem:s16], [sflag:$0x3] =	stream.strided.gather [hbm4b:s10+s22], $0x800, s14, s22, $0x38;
	[tilespmem:$0x12300] =	vst v63  }
0x4a: {  	_ =	swait.ge [sflag:s13], $0x800  }
0x4b: {  	[sflag:s13] =	ssyncset.done $0x0  }
0x4c: {  	[sflag:s13] =	ssyncadd.s32 $0xFFFFF800  }
0x4d: {  	[tilespmem:s17], [sflag:$0x3] =	stream.linear.gather [hbm4b:s1+s2], $0x8000, $0x38;
	[tilespmem:$0x12300] =	vst v63  }
0x4e: {  	_ =	swait.ge [sflag:s13], $0x8000  }
0x4f: {  	[sflag:s13] =	ssyncset.done $0x0  }
0x50: {  	[sflag:s13] =	ssyncadd.s32 $0xFFFF8000  }
0x51: {  	[tilespmem:s18], [sflag:$0x3] =	stream.linear.gather [hbm4b:s1+s2], $0x8000, $0x38;
	[tilespmem:$0x12300] =	vst v63  }
.Ltmp2:
0x52: {  	_ =	swait.ge [sflag:s13], $0x8000;
	(pc) =	sbr.rel .LBB2_2-.Ltmp2, $4  }
0x53: {  	[sflag:s13] =	ssyncset.done $0x0  }
0x54: {  	[sflag:s13] =	ssyncadd.s32 $0xFFFF8000  }
0x55: {  	v12 =	vld.msk [tilespmem:s12+$0x0], $0xffff  }
0x56: {  	s24 =	simm.s32 $0x0;
	v13 =	vld.idx.msk [tilespmem:v0+s12+$0x0], $0xffff  }
.LBB2_6:
0x57: {  	_ =	sdelay $0x1  }
0x58: {  	v14 =	vld [tilespmem:s22+$0x0];
	_ =	sdelay $0x1  }
0x59: {  	v15 =	vld.idx.msk [tilespmem:v1+s12+$0x0], $0xffff;
	_ =	sdelay $0x2  }
0x5a: {  	v14 =	vmax.f32 v14, v12  }
0x5b: {  	v14 =	vmin.f32 v14, v13  }
0x5c: {  	vm0 =	vlt.f32 v15, v14  }
0x5d: {  	v15 =	vsel vm0, $0x80, v2  }
0x5e: {  	v16 =	vor.u32 $0x3F, v15;
	_ =	sdelay $0x4  }
0x5f: {  	v16 =	vld.idx.msk [tilespmem:v16+s12+$0x0], $0xffff;
	_ =	sdelay $0x4  }
0x60: {  	v17 =	vor.u32 $0x40, v15;
	vm10 =	vlt.f32 v16, v14  }
0x61: {  	v16 =	vsel vm10, v17, v15  }
0x62: {  	v17 =	vand.u32 $0x40, v16  }
0x63: {  	v15 =	vor.u32 v17, v15  }
0x64: {  	v15 =	vor.u32 $0x1F, v15;
	_ =	sdelay $0x4  }
0x65: {  	v15 =	vld.idx.msk [tilespmem:v15+s12+$0x0], $0xffff;
	_ =	sdelay $0x4  }
0x66: {  	v57 =	vor.u32 $0x20, v16;
	vm11 =	vlt.f32 v15, v14  }
0x67: {  	v15 =	vsel vm11, v57, v16  }
0x68: {  	v16 =	vor.u32 $0xF, v15;
	_ =	sdelay $0x4  }
0x69: {  	v16 =	vld.idx.msk [tilespmem:v16+s12+$0x0], $0xffff;
	_ =	sdelay $0x4  }
0x6a: {  	v17 =	vor.u32 $0x10, v15;
	vm12 =	vlt.f32 v16, v14  }
0x6b: {  	v15 =	vsel vm12, v17, v15  }
0x6c: {  	v58 =	vadd.s32 $0x8, v15  }
0x6d: {  	v59 =	vmin.u32 v58, $0xFF  }
0x6e: {  	v17 =	vadd.s32 $0xFFFFFFFF, v59;
	_ =	sdelay $0x4  }
0x6f: {  	v17 =	vld.idx.msk [tilespmem:v17+s12+$0x0], $0xffff;
	_ =	sdelay $0x4  }
0x70: {  	vm0 =	vlt.u32 v15, $0xF8;
	vm1 =	vlt.f32 v17, v14  }
0x71: {  	vm0 =	vmand vm1, vm0  }
0x72: {  	v15 =	vsel vm0, v58, v15  }
0x73: {  	v16 =	vadd.s32 $0x4, v15  }
0x74: {  	v60 =	vmin.u32 v16, $0xFF  }
0x75: {  	v17 =	vadd.s32 $0xFFFFFFFF, v60;
	_ =	sdelay $0x4  }
0x76: {  	v17 =	vld.idx.msk [tilespmem:v17+s12+$0x0], $0xffff;
	_ =	sdelay $0x4  }
0x77: {  	vm0 =	vlt.u32 v15, $0xFC;
	vm13 =	vlt.f32 v17, v14  }
0x78: {  	vm0 =	vmand vm13, vm0  }
0x79: {  	v15 =	vsel vm0, v16, v15  }
0x7a: {  	v16 =	vadd.s32 $0x2, v15  }
0x7b: {  	v61 =	vmin.u32 v16, $0xFF  }
0x7c: {  	v17 =	vadd.s32 $0xFFFFFFFF, v61;
	_ =	sdelay $0x4  }
0x7d: {  	v17 =	vld.idx.msk [tilespmem:v17+s12+$0x0], $0xffff;
	_ =	sdelay $0x4  }
0x7e: {  	vm0 =	vlt.u32 v15, $0xFE;
	vm14 =	vlt.f32 v17, v14  }
0x7f: {  	vm0 =	vmand vm14, vm0  }
0x80: {  	v15 =	vsel vm0, v16, v15  }
0x81: {  	v16 =	vmin.u32 v15, $0xFE;
	_ =	sdelay $0x4  }
0x82: {  	v16 =	vld.idx.msk [tilespmem:v16+s12+$0x0], $0xffff;
	_ =	sdelay $0x4  }
0x83: {  	vm15 =	vlt.f32 v16, v14  }
0x84: {  	vm4 =	vgt.u32 v15, $0xFE;
	vm0 =	vmneg vm15  }
0x85: {  	vm0 =	vmor vm0, vm4  }
0x86: {  	v62 =	vsel vm0, $0xFFFFFFFF, v2  }
0x87: {  	v15 =	vadd.s32 v62, v15  }
0x88: {  	vm5 =	vgt.s32 v15, $0x0  }
0x89: {  	v15 =	vnsel vm5, $0x0, v15  }
0x8a: {  	v15 =	vmin.u32 v15, $0xFD  }
0x8b: {  	v63 =	vadd.s32 $0x1, v15;
	_ =	sdelay $0x3  }
0x8c: {  	v23 =	vld.idx.msk [tilespmem:v15+s12+$0x0], $0xffff  }
0x8d: {  	v18 =	vld.idx.msk [tilespmem:v63+s12+$0x0], $0xffff;
	_ =	sdelay $0x4  }
0x8e: {  	v18 =	vsub.f32 v18, v23;
	_ =	sdelay $0x1  }
0x8f: {  	v18 =	vadd.f32 $9.999999930e-09, v18;
	_ =	sdelay $0x1  }
0x90: {  	(erf) = vrcp.f32 v18;
	_ =	sdelay $0x5  }
0x91: {  	v24 =	vand.u32 $0x7F, v15;
	v19 =	vshll.u32 v15, $0x3  }
0x92: {  	v25 =	vand.u32 $0x400, v19;
	v26 =	vshll.u32 v63, $0x3;
	v20 =	vand.u32 $0x7F, v63  }
0x93: {  	v17 =	vor.u32 v25, v24;
	v27 =	vand.u32 $0xC00, v26;
	v14 =	vsub.f32 v14, v23  }
0x94: {  	v17 =	vor.u32 v3, v17;
	v18 =	vor.u32 v20, v27;
	v28 =	vpop (erf)  }
0x95: {  	v18 =	vadd.s32 v3, v18;
	v14 =	vmul.f32 v28, v14;
	_ =	sdelay $0x1  }
0x96: {  	v19 =	vsub.f32 $1.000000000e+00, v14;
	_ =	sdelay $0x1  }
0x97: {  	[tilespmem:v17+s18+$0x0] =	vst.idx.msk $0xffff, v19  }
0x98: {  	[tilespmem:v18+s18+$0x0] =	vst.idx.msk $0xffff, v14  }
0x99: {  	[tilespmem:$0x12200] =	vst v15  }
0x9a: {  	[tilespmem:$0x12210] =	vst v63  }
0x9b: {  	v14 =	vld [tilespmem:s22+$0x10];
	_ =	sdelay $0x1  }
0x9c: {  	v15 =	vld.idx.msk [tilespmem:v1+s12+$0x0], $0xffff;
	_ =	sdelay $0x2  }
0x9d: {  	v14 =	vmax.f32 v14, v12  }
0x9e: {  	v14 =	vmin.f32 v14, v13  }
0x9f: {  	vm6 =	vlt.f32 v15, v14  }
0xa0: {  	v15 =	vsel vm6, $0x80, v2  }
0xa1: {  	v29 =	vor.u32 $0x3F, v15;
	_ =	sdelay $0x4  }
0xa2: {  	v16 =	vld.idx.msk [tilespmem:v29+s12+$0x0], $0xffff;
	_ =	sdelay $0x4  }
0xa3: {  	v30 =	vor.u32 $0x40, v15;
	vm7 =	vlt.f32 v16, v14  }
0xa4: {  	v16 =	vsel vm7, v30, v15  }
0xa5: {  	v17 =	vand.u32 $0x40, v16  }
0xa6: {  	v15 =	vor.u32 v17, v15  }
0xa7: {  	v15 =	vor.u32 $0x1F, v15;
	_ =	sdelay $0x4  }
0xa8: {  	v15 =	vld.idx.msk [tilespmem:v15+s12+$0x0], $0xffff;
	_ =	sdelay $0x4  }
0xa9: {  	v31 =	vor.u32 $0x20, v16;
	vm8 =	vlt.f32 v15, v14  }
0xaa: {  	v15 =	vsel vm8, v31, v16  }
0xab: {  	v16 =	vor.u32 $0xF, v15;
	_ =	sdelay $0x4  }
0xac: {  	v16 =	vld.idx.msk [tilespmem:v16+s12+$0x0], $0xffff;
	_ =	sdelay $0x4  }
0xad: {  	v17 =	vor.u32 $0x10, v15;
	vm9 =	vlt.f32 v16, v14  }
0xae: {  	v15 =	vsel vm9, v17, v15  }
0xaf: {  	v32 =	vadd.s32 $0x8, v15  }
0xb0: {  	v33 =	vmin.u32 v32, $0xFF  }
0xb1: {  	v17 =	vadd.s32 $0xFFFFFFFF, v33;
	_ =	sdelay $0x4  }
0xb2: {  	v17 =	vld.idx.msk [tilespmem:v17+s12+$0x0], $0xffff;
	_ =	sdelay $0x4  }
0xb3: {  	vm0 =	vlt.u32 v15, $0xF8;
	vm10 =	vlt.f32 v17, v14  }
0xb4: {  	vm0 =	vmand vm10, vm0  }
0xb5: {  	v15 =	vsel vm0, v32, v15  }
0xb6: {  	v16 =	vadd.s32 $0x4, v15  }
0xb7: {  	v34 =	vmin.u32 v16, $0xFF  }
0xb8: {  	v17 =	vadd.s32 $0xFFFFFFFF, v34;
	_ =	sdelay $0x4  }
0xb9: {  	v17 =	vld.idx.msk [tilespmem:v17+s12+$0x0], $0xffff;
	_ =	sdelay $0x4  }
0xba: {  	vm0 =	vlt.u32 v15, $0xFC;
	vm11 =	vlt.f32 v17, v14  }
0xbb: {  	vm0 =	vmand vm11, vm0  }
0xbc: {  	v15 =	vsel vm0, v16, v15  }
0xbd: {  	v16 =	vadd.s32 $0x2, v15  }
0xbe: {  	v35 =	vmin.u32 v16, $0xFF  }
0xbf: {  	v17 =	vadd.s32 $0xFFFFFFFF, v35;
	_ =	sdelay $0x4  }
0xc0: {  	v17 =	vld.idx.msk [tilespmem:v17+s12+$0x0], $0xffff;
	_ =	sdelay $0x4  }
0xc1: {  	vm0 =	vlt.u32 v15, $0xFE;
	vm12 =	vlt.f32 v17, v14  }
0xc2: {  	vm0 =	vmand vm12, vm0  }
0xc3: {  	v15 =	vsel vm0, v16, v15  }
0xc4: {  	v16 =	vmin.u32 v15, $0xFE;
	_ =	sdelay $0x4  }
0xc5: {  	v16 =	vld.idx.msk [tilespmem:v16+s12+$0x0], $0xffff;
	_ =	sdelay $0x4  }
0xc6: {  	vm13 =	vlt.f32 v16, v14  }
0xc7: {  	vm14 =	vgt.u32 v15, $0xFE;
	vm0 =	vmneg vm13  }
0xc8: {  	vm0 =	vmor vm0, vm14  }
0xc9: {  	v36 =	vsel vm0, $0xFFFFFFFF, v2  }
0xca: {  	v15 =	vadd.s32 v36, v15  }
0xcb: {  	vm15 =	vgt.s32 v15, $0x0  }
0xcc: {  	v15 =	vnsel vm15, $0x0, v15  }
0xcd: {  	v15 =	vmin.u32 v15, $0xFD  }
0xce: {  	v37 =	vadd.s32 $0x1, v15;
	_ =	sdelay $0x3  }
0xcf: {  	v38 =	vld.idx.msk [tilespmem:v15+s12+$0x0], $0xffff  }
0xd0: {  	v18 =	vld.idx.msk [tilespmem:v37+s12+$0x0], $0xffff;
	_ =	sdelay $0x4  }
0xd1: {  	v18 =	vsub.f32 v18, v38;
	_ =	sdelay $0x1  }
0xd2: {  	v18 =	vadd.f32 $9.999999930e-09, v18;
	_ =	sdelay $0x1  }
0xd3: {  	(erf) = vrcp.f32 v18;
	_ =	sdelay $0x5  }
0xd4: {  	v39 =	vand.u32 $0x7F, v15;
	v40 =	vshll.u32 v15, $0x3  }
0xd5: {  	v41 =	vand.u32 $0x400, v40;
	v42 =	vshll.u32 v37, $0x3;
	v43 =	vand.u32 $0x7F, v37  }
0xd6: {  	v17 =	vor.u32 v41, v39;
	v44 =	vand.u32 $0xC00, v42;
	v14 =	vsub.f32 v14, v38  }
0xd7: {  	v17 =	vor.u32 v4, v17;
	v18 =	vor.u32 v43, v44;
	v45 =	vpop (erf)  }
0xd8: {  	v18 =	vadd.s32 v4, v18;
	v14 =	vmul.f32 v45, v14;
	_ =	sdelay $0x1  }
0xd9: {  	v19 =	vsub.f32 $1.000000000e+00, v14;
	_ =	sdelay $0x1  }
0xda: {  	[tilespmem:v17+s18+$0x0] =	vst.idx.msk $0xffff, v19  }
0xdb: {  	[tilespmem:v18+s18+$0x0] =	vst.idx.msk $0xffff, v14  }
0xdc: {  	[tilespmem:$0x12220] =	vst v15  }
0xdd: {  	[tilespmem:$0x12230] =	vst v37  }
0xde: {  	v14 =	vld [tilespmem:s22+$0x20];
	_ =	sdelay $0x1  }
0xdf: {  	v15 =	vld.idx.msk [tilespmem:v1+s12+$0x0], $0xffff;
	_ =	sdelay $0x2  }
0xe0: {  	v14 =	vmax.f32 v14, v12  }
0xe1: {  	v14 =	vmin.f32 v14, v13  }
0xe2: {  	vm4 =	vlt.f32 v15, v14  }
0xe3: {  	v15 =	vsel vm4, $0x80, v2  }
0xe4: {  	v46 =	vor.u32 $0x3F, v15;
	_ =	sdelay $0x4  }
0xe5: {  	v16 =	vld.idx.msk [tilespmem:v46+s12+$0x0], $0xffff;
	_ =	sdelay $0x4  }
0xe6: {  	v47 =	vor.u32 $0x40, v15;
	vm5 =	vlt.f32 v16, v14  }
0xe7: {  	v16 =	vsel vm5, v47, v15  }
0xe8: {  	v17 =	vand.u32 $0x40, v16  }
0xe9: {  	v15 =	vor.u32 v17, v15  }
0xea: {  	v15 =	vor.u32 $0x1F, v15;
	_ =	sdelay $0x4  }
0xeb: {  	v15 =	vld.idx.msk [tilespmem:v15+s12+$0x0], $0xffff;
	_ =	sdelay $0x4  }
0xec: {  	v48 =	vor.u32 $0x20, v16;
	vm6 =	vlt.f32 v15, v14  }
0xed: {  	v15 =	vsel vm6, v48, v16  }
0xee: {  	v16 =	vor.u32 $0xF, v15;
	_ =	sdelay $0x4  }
0xef: {  	v16 =	vld.idx.msk [tilespmem:v16+s12+$0x0], $0xffff;
	_ =	sdelay $0x4  }
0xf0: {  	v17 =	vor.u32 $0x10, v15;
	vm7 =	vlt.f32 v16, v14  }
0xf1: {  	v15 =	vsel vm7, v17, v15  }
0xf2: {  	v49 =	vadd.s32 $0x8, v15  }
0xf3: {  	v50 =	vmin.u32 v49, $0xFF  }
0xf4: {  	v17 =	vadd.s32 $0xFFFFFFFF, v50;
	_ =	sdelay $0x4  }
0xf5: {  	v17 =	vld.idx.msk [tilespmem:v17+s12+$0x0], $0xffff;
	_ =	sdelay $0x4  }
0xf6: {  	vm0 =	vlt.u32 v15, $0xF8;
	vm8 =	vlt.f32 v17, v14  }
0xf7: {  	vm0 =	vmand vm8, vm0  }
0xf8: {  	v15 =	vsel vm0, v49, v15  }
0xf9: {  	v16 =	vadd.s32 $0x4, v15  }
0xfa: {  	v51 =	vmin.u32 v16, $0xFF  }
0xfb: {  	v17 =	vadd.s32 $0xFFFFFFFF, v51;
	_ =	sdelay $0x4  }
0xfc: {  	v17 =	vld.idx.msk [tilespmem:v17+s12+$0x0], $0xffff;
	_ =	sdelay $0x4  }
0xfd: {  	vm0 =	vlt.u32 v15, $0xFC;
	vm9 =	vlt.f32 v17, v14  }
0xfe: {  	vm0 =	vmand vm9, vm0  }
0xff: {  	v15 =	vsel vm0, v16, v15  }
0x100: {  	v16 =	vadd.s32 $0x2, v15  }
0x101: {  	v52 =	vmin.u32 v16, $0xFF  }
0x102: {  	v17 =	vadd.s32 $0xFFFFFFFF, v52;
	_ =	sdelay $0x4  }
0x103: {  	v17 =	vld.idx.msk [tilespmem:v17+s12+$0x0], $0xffff;
	_ =	sdelay $0x4  }
0x104: {  	vm0 =	vlt.u32 v15, $0xFE;
	vm10 =	vlt.f32 v17, v14  }
0x105: {  	vm0 =	vmand vm10, vm0  }
0x106: {  	v15 =	vsel vm0, v16, v15  }
0x107: {  	v16 =	vmin.u32 v15, $0xFE;
	_ =	sdelay $0x4  }
0x108: {  	v16 =	vld.idx.msk [tilespmem:v16+s12+$0x0], $0xffff;
	_ =	sdelay $0x4  }
0x109: {  	vm11 =	vlt.f32 v16, v14  }
0x10a: {  	vm12 =	vgt.u32 v15, $0xFE;
	vm0 =	vmneg vm11  }
0x10b: {  	vm0 =	vmor vm0, vm12  }
0x10c: {  	v53 =	vsel vm0, $0xFFFFFFFF, v2  }
0x10d: {  	v15 =	vadd.s32 v53, v15  }
0x10e: {  	vm13 =	vgt.s32 v15, $0x0  }
0x10f: {  	v15 =	vnsel vm13, $0x0, v15  }
0x110: {  	v15 =	vmin.u32 v15, $0xFD  }
0x111: {  	v54 =	vadd.s32 $0x1, v15;
	_ =	sdelay $0x3  }
0x112: {  	v55 =	vld.idx.msk [tilespmem:v15+s12+$0x0], $0xffff  }
0x113: {  	v18 =	vld.idx.msk [tilespmem:v54+s12+$0x0], $0xffff;
	_ =	sdelay $0x4  }
0x114: {  	v18 =	vsub.f32 v18, v55;
	_ =	sdelay $0x1  }
0x115: {  	v18 =	vadd.f32 $9.999999930e-09, v18;
	_ =	sdelay $0x1  }
0x116: {  	(erf) = vrcp.f32 v18;
	_ =	sdelay $0x5  }
0x117: {  	v56 =	vand.u32 $0x7F, v15;
	v57 =	vshll.u32 v15, $0x3  }
0x118: {  	v58 =	vand.u32 $0x400, v57;
	v59 =	vshll.u32 v54, $0x3;
	v60 =	vand.u32 $0x7F, v54  }
0x119: {  	v17 =	vor.u32 v58, v56;
	v61 =	vand.u32 $0xC00, v59;
	v14 =	vsub.f32 v14, v55  }
0x11a: {  	v17 =	vor.u32 v5, v17;
	v18 =	vor.u32 v60, v61;
	v62 =	vpop (erf)  }
0x11b: {  	v18 =	vadd.s32 v5, v18;
	v14 =	vmul.f32 v62, v14;
	_ =	sdelay $0x1  }
0x11c: {  	v19 =	vsub.f32 $1.000000000e+00, v14;
	_ =	sdelay $0x1  }
0x11d: {  	[tilespmem:v17+s18+$0x0] =	vst.idx.msk $0xffff, v19  }
0x11e: {  	[tilespmem:v18+s18+$0x0] =	vst.idx.msk $0xffff, v14  }
0x11f: {  	[tilespmem:$0x12240] =	vst v15  }
0x120: {  	[tilespmem:$0x12250] =	vst v54  }
0x121: {  	v14 =	vld [tilespmem:s22+$0x30];
	_ =	sdelay $0x1  }
0x122: {  	v15 =	vld.idx.msk [tilespmem:v1+s12+$0x0], $0xffff;
	_ =	sdelay $0x2  }
0x123: {  	v14 =	vmax.f32 v14, v12  }
0x124: {  	v14 =	vmin.f32 v14, v13  }
0x125: {  	vm14 =	vlt.f32 v15, v14  }
0x126: {  	v15 =	vsel vm14, $0x80, v2  }
0x127: {  	v63 =	vor.u32 $0x3F, v15;
	_ =	sdelay $0x4  }
0x128: {  	v16 =	vld.idx.msk [tilespmem:v63+s12+$0x0], $0xffff;
	_ =	sdelay $0x4  }
0x129: {  	v20 =	vor.u32 $0x40, v15;
	vm15 =	vlt.f32 v16, v14  }
0x12a: {  	v16 =	vsel vm15, v20, v15  }
0x12b: {  	v17 =	vand.u32 $0x40, v16  }
0x12c: {  	v15 =	vor.u32 v17, v15  }
0x12d: {  	v15 =	vor.u32 $0x1F, v15;
	_ =	sdelay $0x4  }
0x12e: {  	v15 =	vld.idx.msk [tilespmem:v15+s12+$0x0], $0xffff;
	_ =	sdelay $0x4  }
0x12f: {  	v21 =	vor.u32 $0x20, v16;
	vm4 =	vlt.f32 v15, v14  }
0x130: {  	v15 =	vsel vm4, v21, v16  }
0x131: {  	v16 =	vor.u32 $0xF, v15;
	_ =	sdelay $0x4  }
0x132: {  	v16 =	vld.idx.msk [tilespmem:v16+s12+$0x0], $0xffff;
	_ =	sdelay $0x4  }
0x133: {  	v17 =	vor.u32 $0x10, v15;
	vm5 =	vlt.f32 v16, v14  }
0x134: {  	v15 =	vsel vm5, v17, v15  }
0x135: {  	v22 =	vadd.s32 $0x8, v15  }
0x136: {  	v23 =	vmin.u32 v22, $0xFF  }
0x137: {  	v17 =	vadd.s32 $0xFFFFFFFF, v23;
	_ =	sdelay $0x4  }
0x138: {  	v17 =	vld.idx.msk [tilespmem:v17+s12+$0x0], $0xffff;
	_ =	sdelay $0x4  }
0x139: {  	vm0 =	vlt.u32 v15, $0xF8;
	vm6 =	vlt.f32 v17, v14  }
0x13a: {  	vm0 =	vmand vm6, vm0  }
0x13b: {  	v15 =	vsel vm0, v22, v15  }
0x13c: {  	v16 =	vadd.s32 $0x4, v15  }
0x13d: {  	v24 =	vmin.u32 v16, $0xFF  }
0x13e: {  	v17 =	vadd.s32 $0xFFFFFFFF, v24;
	_ =	sdelay $0x4  }
0x13f: {  	v17 =	vld.idx.msk [tilespmem:v17+s12+$0x0], $0xffff;
	_ =	sdelay $0x4  }
0x140: {  	vm0 =	vlt.u32 v15, $0xFC;
	vm7 =	vlt.f32 v17, v14  }
0x141: {  	vm0 =	vmand vm7, vm0  }
0x142: {  	v15 =	vsel vm0, v16, v15  }
0x143: {  	v16 =	vadd.s32 $0x2, v15  }
0x144: {  	v25 =	vmin.u32 v16, $0xFF  }
0x145: {  	v17 =	vadd.s32 $0xFFFFFFFF, v25;
	_ =	sdelay $0x4  }
0x146: {  	v17 =	vld.idx.msk [tilespmem:v17+s12+$0x0], $0xffff;
	_ =	sdelay $0x4  }
0x147: {  	vm0 =	vlt.u32 v15, $0xFE;
	vm8 =	vlt.f32 v17, v14  }
0x148: {  	vm0 =	vmand vm8, vm0  }
0x149: {  	v15 =	vsel vm0, v16, v15  }
0x14a: {  	v16 =	vmin.u32 v15, $0xFE;
	_ =	sdelay $0x4  }
0x14b: {  	v16 =	vld.idx.msk [tilespmem:v16+s12+$0x0], $0xffff;
	_ =	sdelay $0x4  }
0x14c: {  	vm9 =	vlt.f32 v16, v14  }
0x14d: {  	vm10 =	vgt.u32 v15, $0xFE;
	vm0 =	vmneg vm9  }
0x14e: {  	vm0 =	vmor vm0, vm10  }
0x14f: {  	v26 =	vsel vm0, $0xFFFFFFFF, v2  }
0x150: {  	v15 =	vadd.s32 v26, v15  }
0x151: {  	vm11 =	vgt.s32 v15, $0x0  }
0x152: {  	v15 =	vnsel vm11, $0x0, v15  }
0x153: {  	v15 =	vmin.u32 v15, $0xFD  }
0x154: {  	v27 =	vadd.s32 $0x1, v15;
	_ =	sdelay $0x3  }
0x155: {  	v28 =	vld.idx.msk [tilespmem:v15+s12+$0x0], $0xffff  }
0x156: {  	v18 =	vld.idx.msk [tilespmem:v27+s12+$0x0], $0xffff;
	_ =	sdelay $0x4  }
0x157: {  	v18 =	vsub.f32 v18, v28;
	_ =	sdelay $0x1  }
0x158: {  	v18 =	vadd.f32 $9.999999930e-09, v18;
	_ =	sdelay $0x1  }
0x159: {  	(erf) = vrcp.f32 v18;
	_ =	sdelay $0x5  }
0x15a: {  	v29 =	vand.u32 $0x7F, v15;
	v30 =	vshll.u32 v15, $0x3  }
0x15b: {  	v31 =	vand.u32 $0x400, v30;
	v32 =	vshll.u32 v27, $0x3;
	v33 =	vand.u32 $0x7F, v27  }
0x15c: {  	v17 =	vor.u32 v31, v29;
	v34 =	vand.u32 $0xC00, v32;
	v14 =	vsub.f32 v14, v28  }
0x15d: {  	v17 =	vor.u32 v6, v17;
	v18 =	vor.u32 v33, v34;
	v35 =	vpop (erf)  }
0x15e: {  	v18 =	vadd.s32 v6, v18;
	v14 =	vmul.f32 v35, v14;
	_ =	sdelay $0x1  }
0x15f: {  	v19 =	vsub.f32 $1.000000000e+00, v14;
	_ =	sdelay $0x1  }
0x160: {  	[tilespmem:v17+s18+$0x0] =	vst.idx.msk $0xffff, v19  }
0x161: {  	[tilespmem:v18+s18+$0x0] =	vst.idx.msk $0xffff, v14  }
0x162: {  	[tilespmem:$0x12260] =	vst v15  }
0x163: {  	[tilespmem:$0x12270] =	vst v27  }
0x164: {  	v14 =	vld [tilespmem:s22+$0x40];
	_ =	sdelay $0x1  }
0x165: {  	v15 =	vld.idx.msk [tilespmem:v1+s12+$0x0], $0xffff;
	_ =	sdelay $0x2  }
0x166: {  	v14 =	vmax.f32 v14, v12  }
0x167: {  	v14 =	vmin.f32 v14, v13  }
0x168: {  	vm12 =	vlt.f32 v15, v14  }
0x169: {  	v15 =	vsel vm12, $0x80, v2  }
0x16a: {  	v36 =	vor.u32 $0x3F, v15;
	_ =	sdelay $0x4  }
0x16b: {  	v16 =	vld.idx.msk [tilespmem:v36+s12+$0x0], $0xffff;
	_ =	sdelay $0x4  }
0x16c: {  	v37 =	vor.u32 $0x40, v15;
	vm13 =	vlt.f32 v16, v14  }
0x16d: {  	v16 =	vsel vm13, v37, v15  }
0x16e: {  	v17 =	vand.u32 $0x40, v16  }
0x16f: {  	v15 =	vor.u32 v17, v15  }
0x170: {  	v15 =	vor.u32 $0x1F, v15;
	_ =	sdelay $0x4  }
0x171: {  	v15 =	vld.idx.msk [tilespmem:v15+s12+$0x0], $0xffff;
	_ =	sdelay $0x4  }
0x172: {  	v38 =	vor.u32 $0x20, v16;
	vm14 =	vlt.f32 v15, v14  }
0x173: {  	v15 =	vsel vm14, v38, v16  }
0x174: {  	v16 =	vor.u32 $0xF, v15;
	_ =	sdelay $0x4  }
0x175: {  	v16 =	vld.idx.msk [tilespmem:v16+s12+$0x0], $0xffff;
	_ =	sdelay $0x4  }
0x176: {  	v17 =	vor.u32 $0x10, v15;
	vm15 =	vlt.f32 v16, v14  }
0x177: {  	v15 =	vsel vm15, v17, v15  }
0x178: {  	v39 =	vadd.s32 $0x8, v15  }
0x179: {  	v40 =	vmin.u32 v39, $0xFF  }
0x17a: {  	v17 =	vadd.s32 $0xFFFFFFFF, v40;
	_ =	sdelay $0x4  }
0x17b: {  	v17 =	vld.idx.msk [tilespmem:v17+s12+$0x0], $0xffff;
	_ =	sdelay $0x4  }
0x17c: {  	vm0 =	vlt.u32 v15, $0xF8;
	vm4 =	vlt.f32 v17, v14  }
0x17d: {  	vm0 =	vmand vm4, vm0  }
0x17e: {  	v15 =	vsel vm0, v39, v15  }
0x17f: {  	v16 =	vadd.s32 $0x4, v15  }
0x180: {  	v41 =	vmin.u32 v16, $0xFF  }
0x181: {  	v17 =	vadd.s32 $0xFFFFFFFF, v41;
	_ =	sdelay $0x4  }
0x182: {  	v17 =	vld.idx.msk [tilespmem:v17+s12+$0x0], $0xffff;
	_ =	sdelay $0x4  }
0x183: {  	vm0 =	vlt.u32 v15, $0xFC;
	vm5 =	vlt.f32 v17, v14  }
0x184: {  	vm0 =	vmand vm5, vm0  }
0x185: {  	v15 =	vsel vm0, v16, v15  }
0x186: {  	v16 =	vadd.s32 $0x2, v15  }
0x187: {  	v42 =	vmin.u32 v16, $0xFF  }
0x188: {  	v17 =	vadd.s32 $0xFFFFFFFF, v42;
	_ =	sdelay $0x4  }
0x189: {  	v17 =	vld.idx.msk [tilespmem:v17+s12+$0x0], $0xffff;
	_ =	sdelay $0x4  }
0x18a: {  	vm0 =	vlt.u32 v15, $0xFE;
	vm6 =	vlt.f32 v17, v14  }
0x18b: {  	vm0 =	vmand vm6, vm0  }
0x18c: {  	v15 =	vsel vm0, v16, v15  }
0x18d: {  	v16 =	vmin.u32 v15, $0xFE;
	_ =	sdelay $0x4  }
0x18e: {  	v16 =	vld.idx.msk [tilespmem:v16+s12+$0x0], $0xffff;
	_ =	sdelay $0x4  }
0x18f: {  	vm7 =	vlt.f32 v16, v14  }
0x190: {  	vm8 =	vgt.u32 v15, $0xFE;
	vm0 =	vmneg vm7  }
0x191: {  	vm0 =	vmor vm0, vm8  }
0x192: {  	v43 =	vsel vm0, $0xFFFFFFFF, v2  }
0x193: {  	v15 =	vadd.s32 v43, v15  }
0x194: {  	vm9 =	vgt.s32 v15, $0x0  }
0x195: {  	v15 =	vnsel vm9, $0x0, v15  }
0x196: {  	v15 =	vmin.u32 v15, $0xFD  }
0x197: {  	v44 =	vadd.s32 $0x1, v15;
	_ =	sdelay $0x3  }
0x198: {  	v45 =	vld.idx.msk [tilespmem:v15+s12+$0x0], $0xffff  }
0x199: {  	v18 =	vld.idx.msk [tilespmem:v44+s12+$0x0], $0xffff;
	_ =	sdelay $0x4  }
0x19a: {  	v18 =	vsub.f32 v18, v45;
	_ =	sdelay $0x1  }
0x19b: {  	v18 =	vadd.f32 $9.999999930e-09, v18;
	_ =	sdelay $0x1  }
0x19c: {  	(erf) = vrcp.f32 v18;
	_ =	sdelay $0x5  }
0x19d: {  	v46 =	vand.u32 $0x7F, v15;
	v47 =	vshll.u32 v15, $0x3  }
0x19e: {  	v48 =	vand.u32 $0x400, v47;
	v49 =	vshll.u32 v44, $0x3;
	v50 =	vand.u32 $0x7F, v44  }
0x19f: {  	v17 =	vor.u32 v48, v46;
	v51 =	vand.u32 $0xC00, v49;
	v14 =	vsub.f32 v14, v45  }
0x1a0: {  	v17 =	vor.u32 v7, v17;
	v18 =	vor.u32 v50, v51;
	v52 =	vpop (erf)  }
0x1a1: {  	v18 =	vadd.s32 v7, v18;
	v14 =	vmul.f32 v52, v14;
	_ =	sdelay $0x1  }
0x1a2: {  	v19 =	vsub.f32 $1.000000000e+00, v14;
	_ =	sdelay $0x1  }
0x1a3: {  	[tilespmem:v17+s18+$0x0] =	vst.idx.msk $0xffff, v19  }
0x1a4: {  	[tilespmem:v18+s18+$0x0] =	vst.idx.msk $0xffff, v14  }
0x1a5: {  	[tilespmem:$0x12280] =	vst v15  }
0x1a6: {  	[tilespmem:$0x12290] =	vst v44  }
0x1a7: {  	v14 =	vld [tilespmem:s22+$0x50];
	_ =	sdelay $0x1  }
0x1a8: {  	v15 =	vld.idx.msk [tilespmem:v1+s12+$0x0], $0xffff;
	_ =	sdelay $0x2  }
0x1a9: {  	v14 =	vmax.f32 v14, v12  }
0x1aa: {  	v14 =	vmin.f32 v14, v13  }
0x1ab: {  	vm10 =	vlt.f32 v15, v14  }
0x1ac: {  	v15 =	vsel vm10, $0x80, v2  }
0x1ad: {  	v53 =	vor.u32 $0x3F, v15;
	_ =	sdelay $0x4  }
0x1ae: {  	v16 =	vld.idx.msk [tilespmem:v53+s12+$0x0], $0xffff;
	_ =	sdelay $0x4  }
0x1af: {  	v54 =	vor.u32 $0x40, v15;
	vm11 =	vlt.f32 v16, v14  }
0x1b0: {  	v16 =	vsel vm11, v54, v15  }
0x1b1: {  	v17 =	vand.u32 $0x40, v16  }
0x1b2: {  	v15 =	vor.u32 v17, v15  }
0x1b3: {  	v15 =	vor.u32 $0x1F, v15;
	_ =	sdelay $0x4  }
0x1b4: {  	v15 =	vld.idx.msk [tilespmem:v15+s12+$0x0], $0xffff;
	_ =	sdelay $0x4  }
0x1b5: {  	v55 =	vor.u32 $0x20, v16;
	vm12 =	vlt.f32 v15, v14  }
0x1b6: {  	v15 =	vsel vm12, v55, v16  }
0x1b7: {  	v16 =	vor.u32 $0xF, v15;
	_ =	sdelay $0x4  }
0x1b8: {  	v16 =	vld.idx.msk [tilespmem:v16+s12+$0x0], $0xffff;
	_ =	sdelay $0x4  }
0x1b9: {  	v17 =	vor.u32 $0x10, v15;
	vm13 =	vlt.f32 v16, v14  }
0x1ba: {  	v15 =	vsel vm13, v17, v15  }
0x1bb: {  	v56 =	vadd.s32 $0x8, v15  }
0x1bc: {  	v57 =	vmin.u32 v56, $0xFF  }
0x1bd: {  	v17 =	vadd.s32 $0xFFFFFFFF, v57;
	_ =	sdelay $0x4  }
0x1be: {  	v17 =	vld.idx.msk [tilespmem:v17+s12+$0x0], $0xffff;
	_ =	sdelay $0x4  }
0x1bf: {  	vm0 =	vlt.u32 v15, $0xF8;
	vm14 =	vlt.f32 v17, v14  }
0x1c0: {  	vm0 =	vmand vm14, vm0  }
0x1c1: {  	v15 =	vsel vm0, v56, v15  }
0x1c2: {  	v16 =	vadd.s32 $0x4, v15  }
0x1c3: {  	v58 =	vmin.u32 v16, $0xFF  }
0x1c4: {  	v17 =	vadd.s32 $0xFFFFFFFF, v58;
	_ =	sdelay $0x4  }
0x1c5: {  	v17 =	vld.idx.msk [tilespmem:v17+s12+$0x0], $0xffff;
	_ =	sdelay $0x4  }
0x1c6: {  	vm0 =	vlt.u32 v15, $0xFC;
	vm15 =	vlt.f32 v17, v14  }
0x1c7: {  	vm0 =	vmand vm15, vm0  }
0x1c8: {  	v15 =	vsel vm0, v16, v15  }
0x1c9: {  	v16 =	vadd.s32 $0x2, v15  }
0x1ca: {  	v59 =	vmin.u32 v16, $0xFF  }
0x1cb: {  	v17 =	vadd.s32 $0xFFFFFFFF, v59;
	_ =	sdelay $0x4  }
0x1cc: {  	v17 =	vld.idx.msk [tilespmem:v17+s12+$0x0], $0xffff;
	_ =	sdelay $0x4  }
0x1cd: {  	vm0 =	vlt.u32 v15, $0xFE;
	vm4 =	vlt.f32 v17, v14  }
0x1ce: {  	vm0 =	vmand vm4, vm0  }
0x1cf: {  	v15 =	vsel vm0, v16, v15  }
0x1d0: {  	v16 =	vmin.u32 v15, $0xFE;
	_ =	sdelay $0x4  }
0x1d1: {  	v16 =	vld.idx.msk [tilespmem:v16+s12+$0x0], $0xffff;
	_ =	sdelay $0x4  }
0x1d2: {  	vm5 =	vlt.f32 v16, v14  }
0x1d3: {  	vm6 =	vgt.u32 v15, $0xFE;
	vm0 =	vmneg vm5  }
0x1d4: {  	vm0 =	vmor vm0, vm6  }
0x1d5: {  	v60 =	vsel vm0, $0xFFFFFFFF, v2  }
0x1d6: {  	v15 =	vadd.s32 v60, v15  }
0x1d7: {  	vm7 =	vgt.s32 v15, $0x0  }
0x1d8: {  	v15 =	vnsel vm7, $0x0, v15  }
0x1d9: {  	v15 =	vmin.u32 v15, $0xFD  }
0x1da: {  	v61 =	vadd.s32 $0x1, v15;
	_ =	sdelay $0x3  }
0x1db: {  	v62 =	vld.idx.msk [tilespmem:v15+s12+$0x0], $0xffff  }
0x1dc: {  	v18 =	vld.idx.msk [tilespmem:v61+s12+$0x0], $0xffff;
	_ =	sdelay $0x4  }
0x1dd: {  	v18 =	vsub.f32 v18, v62;
	_ =	sdelay $0x1  }
0x1de: {  	v18 =	vadd.f32 $9.999999930e-09, v18;
	_ =	sdelay $0x1  }
0x1df: {  	(erf) = vrcp.f32 v18;
	_ =	sdelay $0x5  }
0x1e0: {  	v63 =	vand.u32 $0x7F, v15;
	v24 =	vshll.u32 v15, $0x3  }
0x1e1: {  	v25 =	vand.u32 $0x400, v24;
	v26 =	vshll.u32 v61, $0x3;
	v27 =	vand.u32 $0x7F, v61  }
0x1e2: {  	v17 =	vor.u32 v25, v63;
	v28 =	vand.u32 $0xC00, v26;
	v14 =	vsub.f32 v14, v62  }
0x1e3: {  	v17 =	vor.u32 v8, v17;
	v18 =	vor.u32 v27, v28;
	v29 =	vpop (erf)  }
0x1e4: {  	v18 =	vadd.s32 v8, v18;
	v14 =	vmul.f32 v29, v14;
	_ =	sdelay $0x1  }
0x1e5: {  	v19 =	vsub.f32 $1.000000000e+00, v14;
	_ =	sdelay $0x1  }
0x1e6: {  	[tilespmem:v17+s18+$0x0] =	vst.idx.msk $0xffff, v19  }
0x1e7: {  	[tilespmem:v18+s18+$0x0] =	vst.idx.msk $0xffff, v14  }
0x1e8: {  	[tilespmem:$0x122A0] =	vst v15  }
0x1e9: {  	[tilespmem:$0x122B0] =	vst v61  }
0x1ea: {  	v14 =	vld [tilespmem:s22+$0x60];
	_ =	sdelay $0x1  }
0x1eb: {  	v15 =	vld.idx.msk [tilespmem:v1+s12+$0x0], $0xffff;
	_ =	sdelay $0x2  }
0x1ec: {  	v14 =	vmax.f32 v14, v12  }
0x1ed: {  	v14 =	vmin.f32 v14, v13  }
0x1ee: {  	vm8 =	vlt.f32 v15, v14  }
0x1ef: {  	v15 =	vsel vm8, $0x80, v2  }
0x1f0: {  	v30 =	vor.u32 $0x3F, v15;
	_ =	sdelay $0x4  }
0x1f1: {  	v16 =	vld.idx.msk [tilespmem:v30+s12+$0x0], $0xffff;
	_ =	sdelay $0x4  }
0x1f2: {  	v31 =	vor.u32 $0x40, v15;
	vm9 =	vlt.f32 v16, v14  }
0x1f3: {  	v16 =	vsel vm9, v31, v15  }
0x1f4: {  	v17 =	vand.u32 $0x40, v16  }
0x1f5: {  	v15 =	vor.u32 v17, v15  }
0x1f6: {  	v15 =	vor.u32 $0x1F, v15;
	_ =	sdelay $0x4  }
0x1f7: {  	v15 =	vld.idx.msk [tilespmem:v15+s12+$0x0], $0xffff;
	_ =	sdelay $0x4  }
0x1f8: {  	v32 =	vor.u32 $0x20, v16;
	vm10 =	vlt.f32 v15, v14  }
0x1f9: {  	v15 =	vsel vm10, v32, v16  }
0x1fa: {  	v16 =	vor.u32 $0xF, v15;
	_ =	sdelay $0x4  }
0x1fb: {  	v16 =	vld.idx.msk [tilespmem:v16+s12+$0x0], $0xffff;
	_ =	sdelay $0x4  }
0x1fc: {  	v17 =	vor.u32 $0x10, v15;
	vm11 =	vlt.f32 v16, v14  }
0x1fd: {  	v15 =	vsel vm11, v17, v15  }
0x1fe: {  	v33 =	vadd.s32 $0x8, v15  }
0x1ff: {  	v34 =	vmin.u32 v33, $0xFF  }
0x200: {  	v17 =	vadd.s32 $0xFFFFFFFF, v34;
	_ =	sdelay $0x4  }
0x201: {  	v17 =	vld.idx.msk [tilespmem:v17+s12+$0x0], $0xffff;
	_ =	sdelay $0x4  }
0x202: {  	vm0 =	vlt.u32 v15, $0xF8;
	vm12 =	vlt.f32 v17, v14  }
0x203: {  	vm0 =	vmand vm12, vm0  }
0x204: {  	v15 =	vsel vm0, v33, v15  }
0x205: {  	v16 =	vadd.s32 $0x4, v15  }
0x206: {  	v35 =	vmin.u32 v16, $0xFF  }
0x207: {  	v17 =	vadd.s32 $0xFFFFFFFF, v35;
	_ =	sdelay $0x4  }
0x208: {  	v17 =	vld.idx.msk [tilespmem:v17+s12+$0x0], $0xffff;
	_ =	sdelay $0x4  }
0x209: {  	vm0 =	vlt.u32 v15, $0xFC;
	vm13 =	vlt.f32 v17, v14  }
0x20a: {  	vm0 =	vmand vm13, vm0  }
0x20b: {  	v15 =	vsel vm0, v16, v15  }
0x20c: {  	v16 =	vadd.s32 $0x2, v15  }
0x20d: {  	v36 =	vmin.u32 v16, $0xFF  }
0x20e: {  	v17 =	vadd.s32 $0xFFFFFFFF, v36;
	_ =	sdelay $0x4  }
0x20f: {  	v17 =	vld.idx.msk [tilespmem:v17+s12+$0x0], $0xffff;
	_ =	sdelay $0x4  }
0x210: {  	vm0 =	vlt.u32 v15, $0xFE;
	vm14 =	vlt.f32 v17, v14  }
0x211: {  	vm0 =	vmand vm14, vm0  }
0x212: {  	v15 =	vsel vm0, v16, v15  }
0x213: {  	v16 =	vmin.u32 v15, $0xFE;
	_ =	sdelay $0x4  }
0x214: {  	v16 =	vld.idx.msk [tilespmem:v16+s12+$0x0], $0xffff;
	_ =	sdelay $0x4  }
0x215: {  	vm15 =	vlt.f32 v16, v14  }
0x216: {  	vm4 =	vgt.u32 v15, $0xFE;
	vm0 =	vmneg vm15  }
0x217: {  	vm0 =	vmor vm0, vm4  }
0x218: {  	v37 =	vsel vm0, $0xFFFFFFFF, v2  }
0x219: {  	v15 =	vadd.s32 v37, v15  }
0x21a: {  	vm5 =	vgt.s32 v15, $0x0  }
0x21b: {  	v15 =	vnsel vm5, $0x0, v15  }
0x21c: {  	v15 =	vmin.u32 v15, $0xFD  }
0x21d: {  	v38 =	vadd.s32 $0x1, v15;
	_ =	sdelay $0x3  }
0x21e: {  	v39 =	vld.idx.msk [tilespmem:v15+s12+$0x0], $0xffff  }
0x21f: {  	v18 =	vld.idx.msk [tilespmem:v38+s12+$0x0], $0xffff;
	_ =	sdelay $0x4  }
0x220: {  	v18 =	vsub.f32 v18, v39;
	_ =	sdelay $0x1  }
0x221: {  	v18 =	vadd.f32 $9.999999930e-09, v18;
	_ =	sdelay $0x1  }
0x222: {  	(erf) = vrcp.f32 v18;
	_ =	sdelay $0x5  }
0x223: {  	v40 =	vand.u32 $0x7F, v15;
	v41 =	vshll.u32 v15, $0x3  }
0x224: {  	v42 =	vand.u32 $0x400, v41;
	v43 =	vshll.u32 v38, $0x3;
	v44 =	vand.u32 $0x7F, v38  }
0x225: {  	v17 =	vor.u32 v42, v40;
	v45 =	vand.u32 $0xC00, v43;
	v14 =	vsub.f32 v14, v39  }
0x226: {  	v17 =	vor.u32 v9, v17;
	v18 =	vor.u32 v44, v45;
	v46 =	vpop (erf)  }
0x227: {  	v18 =	vadd.s32 v9, v18;
	v14 =	vmul.f32 v46, v14;
	_ =	sdelay $0x1  }
0x228: {  	v19 =	vsub.f32 $1.000000000e+00, v14;
	_ =	sdelay $0x1  }
0x229: {  	[tilespmem:v17+s18+$0x0] =	vst.idx.msk $0xffff, v19  }
0x22a: {  	[tilespmem:v18+s18+$0x0] =	vst.idx.msk $0xffff, v14  }
0x22b: {  	[tilespmem:$0x122C0] =	vst v15  }
0x22c: {  	[tilespmem:$0x122D0] =	vst v38  }
0x22d: {  	v14 =	vld [tilespmem:s22+$0x70];
	_ =	sdelay $0x1  }
0x22e: {  	v15 =	vld.idx.msk [tilespmem:v1+s12+$0x0], $0xffff;
	_ =	sdelay $0x2  }
0x22f: {  	v14 =	vmax.f32 v14, v12  }
0x230: {  	v14 =	vmin.f32 v14, v13  }
0x231: {  	vm6 =	vlt.f32 v15, v14  }
0x232: {  	v15 =	vsel vm6, $0x80, v2  }
0x233: {  	v47 =	vor.u32 $0x3F, v15;
	_ =	sdelay $0x4  }
0x234: {  	v16 =	vld.idx.msk [tilespmem:v47+s12+$0x0], $0xffff;
	_ =	sdelay $0x4  }
0x235: {  	v48 =	vor.u32 $0x40, v15;
	vm7 =	vlt.f32 v16, v14  }
0x236: {  	v16 =	vsel vm7, v48, v15  }
0x237: {  	v17 =	vand.u32 $0x40, v16  }
0x238: {  	v15 =	vor.u32 v17, v15  }
0x239: {  	v15 =	vor.u32 $0x1F, v15;
	_ =	sdelay $0x4  }
0x23a: {  	v15 =	vld.idx.msk [tilespmem:v15+s12+$0x0], $0xffff;
	_ =	sdelay $0x4  }
0x23b: {  	v49 =	vor.u32 $0x20, v16;
	vm8 =	vlt.f32 v15, v14  }
0x23c: {  	v15 =	vsel vm8, v49, v16  }
0x23d: {  	v16 =	vor.u32 $0xF, v15;
	_ =	sdelay $0x4  }
0x23e: {  	v16 =	vld.idx.msk [tilespmem:v16+s12+$0x0], $0xffff;
	_ =	sdelay $0x4  }
0x23f: {  	v17 =	vor.u32 $0x10, v15;
	vm9 =	vlt.f32 v16, v14  }
0x240: {  	v15 =	vsel vm9, v17, v15  }
0x241: {  	v50 =	vadd.s32 $0x8, v15  }
0x242: {  	v51 =	vmin.u32 v50, $0xFF  }
0x243: {  	v17 =	vadd.s32 $0xFFFFFFFF, v51;
	_ =	sdelay $0x4  }
0x244: {  	v17 =	vld.idx.msk [tilespmem:v17+s12+$0x0], $0xffff;
	_ =	sdelay $0x4  }
0x245: {  	vm0 =	vlt.u32 v15, $0xF8;
	vm10 =	vlt.f32 v17, v14  }
0x246: {  	vm0 =	vmand vm10, vm0  }
0x247: {  	v15 =	vsel vm0, v50, v15  }
0x248: {  	v16 =	vadd.s32 $0x4, v15  }
0x249: {  	v52 =	vmin.u32 v16, $0xFF  }
0x24a: {  	v17 =	vadd.s32 $0xFFFFFFFF, v52;
	_ =	sdelay $0x4  }
0x24b: {  	v17 =	vld.idx.msk [tilespmem:v17+s12+$0x0], $0xffff;
	_ =	sdelay $0x4  }
0x24c: {  	vm0 =	vlt.u32 v15, $0xFC;
	vm11 =	vlt.f32 v17, v14  }
0x24d: {  	vm0 =	vmand vm11, vm0  }
0x24e: {  	v15 =	vsel vm0, v16, v15  }
0x24f: {  	v16 =	vadd.s32 $0x2, v15  }
0x250: {  	v53 =	vmin.u32 v16, $0xFF  }
0x251: {  	v17 =	vadd.s32 $0xFFFFFFFF, v53;
	_ =	sdelay $0x4  }
0x252: {  	v17 =	vld.idx.msk [tilespmem:v17+s12+$0x0], $0xffff;
	_ =	sdelay $0x4  }
0x253: {  	vm0 =	vlt.u32 v15, $0xFE;
	vm12 =	vlt.f32 v17, v14  }
0x254: {  	vm0 =	vmand vm12, vm0  }
0x255: {  	v15 =	vsel vm0, v16, v15  }
0x256: {  	v16 =	vmin.u32 v15, $0xFE;
	_ =	sdelay $0x4  }
0x257: {  	v16 =	vld.idx.msk [tilespmem:v16+s12+$0x0], $0xffff;
	_ =	sdelay $0x4  }
0x258: {  	vm13 =	vlt.f32 v16, v14  }
0x259: {  	vm14 =	vgt.u32 v15, $0xFE;
	vm0 =	vmneg vm13  }
0x25a: {  	vm0 =	vmor vm0, vm14  }
0x25b: {  	v54 =	vsel vm0, $0xFFFFFFFF, v2  }
0x25c: {  	v15 =	vadd.s32 v54, v15  }
0x25d: {  	vm15 =	vgt.s32 v15, $0x0  }
0x25e: {  	v15 =	vnsel vm15, $0x0, v15  }
0x25f: {  	v15 =	vmin.u32 v15, $0xFD  }
0x260: {  	v55 =	vadd.s32 $0x1, v15;
	_ =	sdelay $0x3  }
0x261: {  	v56 =	vld.idx.msk [tilespmem:v15+s12+$0x0], $0xffff  }
0x262: {  	v18 =	vld.idx.msk [tilespmem:v55+s12+$0x0], $0xffff;
	_ =	sdelay $0x4  }
0x263: {  	v18 =	vsub.f32 v18, v56;
	_ =	sdelay $0x1  }
0x264: {  	v18 =	vadd.f32 $9.999999930e-09, v18;
	_ =	sdelay $0x1  }
0x265: {  	(erf) = vrcp.f32 v18;
	_ =	sdelay $0x5  }
0x266: {  	v57 =	vand.u32 $0x7F, v15;
	v58 =	vshll.u32 v15, $0x3  }
0x267: {  	v59 =	vand.u32 $0x400, v58;
	v60 =	vshll.u32 v55, $0x3;
	v61 =	vand.u32 $0x7F, v55  }
0x268: {  	v17 =	vor.u32 v59, v57;
	v62 =	vand.u32 $0xC00, v60;
	v14 =	vsub.f32 v14, v56  }
0x269: {  	v17 =	vor.u32 v10, v17;
	v18 =	vor.u32 v61, v62;
	v63 =	vpop (erf)  }
0x26a: {  	v18 =	vadd.s32 v10, v18;
	v14 =	vmul.f32 v63, v14;
	_ =	sdelay $0x1  }
0x26b: {  	s24 =	sadd.s32 $0x1, s24;
	v19 =	vsub.f32 $1.000000000e+00, v14  }
0x26c: {  	p0 =	sne.s32 s24, $0x20  }
.Ltmp3:
0x26d: {  	[tilespmem:v17+s18+$0x0] =	vst.idx.msk $0xffff, v19;
	(pc) =	sbr.rel @!p0 .LBB2_7-.Ltmp3, $4  }
0x26e: {  	[tilespmem:v18+s18+$0x0] =	vst.idx.msk $0xffff, v14  }
0x26f: {  	s26 =	sand.u32 $0xF000, s23;
	s25 =	sadd.s32 s5, s25;
	[tilespmem:$0x122E0] =	vst v15  }
0x270: {  	s23 =	sadd.s32 $0x2000, s23;
	s25 =	sadd.s32 s26, s25;
	s22 =	sadd.s32 $0x100, s22;
	[tilespmem:$0x122F0] =	vst v55  }
0x271: {  	[hbm4b:s25+s2] =	stream.linear.scatter [tilespmem:s18], [sflag:$0x2], $0x8000, $0x38;
	[tilespmem:$0x12300] =	vst v63  }
.LBB2_2:
0x272: {  	p0 =	seq.s32 s24, $0x0  }
.Ltmp4:
0x273: {  	_ = 	snop;
	(pc) =	sbr.rel @p0 .LBB2_4-.Ltmp4, $1  }
0x274: {  	_ =	sdelay $0x3  }
0x275: {  	_ =	swait.ge [sflag:s19], $0x8000  }
0x276: {  	[sflag:s19] =	ssyncset.done $0x0  }
0x277: {  	[sflag:s19] =	ssyncadd.s32 $0xFFFF8000  }
0x278: {  	v14 =	vld [tilespmem:$0x12100]  }
0x279: {  	v15 =	vld [tilespmem:$0x12110];
	_ =	sdelay $0x3  }
0x27a: {  	v16 =	vshll.u32 v14, $0x3  }
0x27b: {  	v14 =	vand.u32 $0x7F, v14;
	v17 =	vshll.u32 v15, $0x3;
	v16 =	vand.u32 $0xFFFFFC00, v16  }
0x27c: {  	v15 =	vand.u32 $0x7F, v15;
	v42 =	vand.u32 $0xFFFFFC00, v17;
	v14 =	vor.u32 v14, v16  }
0x27d: {  	v15 =	vor.u32 v15, v42;
	v14 =	vadd.s32 v3, v14  }
0x27e: {  	v15 =	vadd.s32 v3, v15;
	_ =	sdelay $0x3  }
0x27f: {  	[tilespmem:v14+s17+$0x0] =	vst.idx.msk $0xffff, v11  }
0x280: {  	[tilespmem:v15+s17+$0x0] =	vst.idx.msk $0xffff, v11  }
0x281: {  	v14 =	vld [tilespmem:$0x12120]  }
0x282: {  	v15 =	vld [tilespmem:$0x12130];
	_ =	sdelay $0x3  }
0x283: {  	v43 =	vshll.u32 v14, $0x3  }
0x284: {  	v14 =	vand.u32 $0x7F, v14;
	v44 =	vshll.u32 v15, $0x3;
	v16 =	vand.u32 $0xFFFFFC00, v43  }
0x285: {  	v15 =	vand.u32 $0x7F, v15;
	v45 =	vand.u32 $0xFFFFFC00, v44;
	v14 =	vor.u32 v14, v16  }
0x286: {  	v15 =	vor.u32 v15, v45;
	v14 =	vadd.s32 v4, v14  }
0x287: {  	v15 =	vadd.s32 v4, v15;
	_ =	sdelay $0x3  }
0x288: {  	[tilespmem:v14+s17+$0x0] =	vst.idx.msk $0xffff, v11  }
0x289: {  	[tilespmem:v15+s17+$0x0] =	vst.idx.msk $0xffff, v11  }
0x28a: {  	v14 =	vld [tilespmem:$0x12140]  }
0x28b: {  	v15 =	vld [tilespmem:$0x12150];
	_ =	sdelay $0x3  }
0x28c: {  	v46 =	vshll.u32 v14, $0x3  }
0x28d: {  	v14 =	vand.u32 $0x7F, v14;
	v47 =	vshll.u32 v15, $0x3;
	v16 =	vand.u32 $0xFFFFFC00, v46  }
0x28e: {  	v15 =	vand.u32 $0x7F, v15;
	v48 =	vand.u32 $0xFFFFFC00, v47;
	v14 =	vor.u32 v14, v16  }
0x28f: {  	v15 =	vor.u32 v15, v48;
	v14 =	vadd.s32 v5, v14  }
0x290: {  	v15 =	vadd.s32 v5, v15;
	_ =	sdelay $0x3  }
0x291: {  	[tilespmem:v14+s17+$0x0] =	vst.idx.msk $0xffff, v11  }
0x292: {  	[tilespmem:v15+s17+$0x0] =	vst.idx.msk $0xffff, v11  }
0x293: {  	v14 =	vld [tilespmem:$0x12160]  }
0x294: {  	v15 =	vld [tilespmem:$0x12170];
	_ =	sdelay $0x3  }
0x295: {  	v49 =	vshll.u32 v14, $0x3  }
0x296: {  	v14 =	vand.u32 $0x7F, v14;
	v50 =	vshll.u32 v15, $0x3;
	v16 =	vand.u32 $0xFFFFFC00, v49  }
0x297: {  	v15 =	vand.u32 $0x7F, v15;
	v51 =	vand.u32 $0xFFFFFC00, v50;
	v14 =	vor.u32 v14, v16  }
0x298: {  	v15 =	vor.u32 v15, v51;
	v14 =	vadd.s32 v6, v14  }
0x299: {  	v15 =	vadd.s32 v6, v15;
	_ =	sdelay $0x3  }
0x29a: {  	[tilespmem:v14+s17+$0x0] =	vst.idx.msk $0xffff, v11  }
0x29b: {  	[tilespmem:v15+s17+$0x0] =	vst.idx.msk $0xffff, v11  }
0x29c: {  	v14 =	vld [tilespmem:$0x12180]  }
0x29d: {  	v15 =	vld [tilespmem:$0x12190];
	_ =	sdelay $0x3  }
0x29e: {  	v52 =	vshll.u32 v14, $0x3  }
0x29f: {  	v14 =	vand.u32 $0x7F, v14;
	v53 =	vshll.u32 v15, $0x3;
	v16 =	vand.u32 $0xFFFFFC00, v52  }
0x2a0: {  	v15 =	vand.u32 $0x7F, v15;
	v54 =	vand.u32 $0xFFFFFC00, v53;
	v14 =	vor.u32 v14, v16  }
0x2a1: {  	v15 =	vor.u32 v15, v54;
	v14 =	vadd.s32 v7, v14  }
0x2a2: {  	v15 =	vadd.s32 v7, v15;
	_ =	sdelay $0x3  }
0x2a3: {  	[tilespmem:v14+s17+$0x0] =	vst.idx.msk $0xffff, v11  }
0x2a4: {  	[tilespmem:v15+s17+$0x0] =	vst.idx.msk $0xffff, v11  }
0x2a5: {  	v14 =	vld [tilespmem:$0x121A0]  }
0x2a6: {  	v15 =	vld [tilespmem:$0x121B0];
	_ =	sdelay $0x3  }
0x2a7: {  	v55 =	vshll.u32 v14, $0x3  }
0x2a8: {  	v14 =	vand.u32 $0x7F, v14;
	v56 =	vshll.u32 v15, $0x3;
	v16 =	vand.u32 $0xFFFFFC00, v55  }
0x2a9: {  	v15 =	vand.u32 $0x7F, v15;
	v57 =	vand.u32 $0xFFFFFC00, v56;
	v14 =	vor.u32 v14, v16  }
0x2aa: {  	v15 =	vor.u32 v15, v57;
	v14 =	vadd.s32 v8, v14  }
0x2ab: {  	v15 =	vadd.s32 v8, v15;
	_ =	sdelay $0x3  }
0x2ac: {  	[tilespmem:v14+s17+$0x0] =	vst.idx.msk $0xffff, v11  }
0x2ad: {  	[tilespmem:v15+s17+$0x0] =	vst.idx.msk $0xffff, v11  }
0x2ae: {  	v14 =	vld [tilespmem:$0x121C0]  }
0x2af: {  	v15 =	vld [tilespmem:$0x121D0];
	_ =	sdelay $0x3  }
0x2b0: {  	v58 =	vshll.u32 v14, $0x3  }
0x2b1: {  	v14 =	vand.u32 $0x7F, v14;
	v59 =	vshll.u32 v15, $0x3;
	v16 =	vand.u32 $0xFFFFFC00, v58  }
0x2b2: {  	v15 =	vand.u32 $0x7F, v15;
	v60 =	vand.u32 $0xFFFFFC00, v59;
	v14 =	vor.u32 v14, v16  }
0x2b3: {  	v15 =	vor.u32 v15, v60;
	v14 =	vadd.s32 v9, v14  }
0x2b4: {  	v15 =	vadd.s32 v9, v15;
	_ =	sdelay $0x3  }
0x2b5: {  	[tilespmem:v14+s17+$0x0] =	vst.idx.msk $0xffff, v11  }
0x2b6: {  	[tilespmem:v15+s17+$0x0] =	vst.idx.msk $0xffff, v11  }
0x2b7: {  	v14 =	vld [tilespmem:$0x121E0]  }
0x2b8: {  	v15 =	vld [tilespmem:$0x121F0];
	_ =	sdelay $0x3  }
0x2b9: {  	v61 =	vshll.u32 v14, $0x3  }
0x2ba: {  	v14 =	vand.u32 $0x7F, v14;
	v62 =	vshll.u32 v15, $0x3;
	v16 =	vand.u32 $0xFFFFFC00, v61  }
0x2bb: {  	v15 =	vand.u32 $0x7F, v15;
	v63 =	vand.u32 $0xFFFFFC00, v62;
	v14 =	vor.u32 v14, v16  }
0x2bc: {  	v15 =	vor.u32 v15, v63;
	v14 =	vadd.s32 v10, v14  }
0x2bd: {  	v15 =	vadd.s32 v10, v15;
	_ =	sdelay $0x3  }
0x2be: {  	[tilespmem:v14+s17+$0x0] =	vst.idx.msk $0xffff, v11  }
0x2bf: {  	[tilespmem:v15+s17+$0x0] =	vst.idx.msk $0xffff, v11  }
.LBB2_4:
0x2c0: {  	_ =	sdelay $0x1  }
0x2c1: {  	v14 =	vld [tilespmem:s22+$0xFFFFFF80];
	_ =	sdelay $0x1  }
0x2c2: {  	v15 =	vld.idx.msk [tilespmem:v1+s12+$0x0], $0xffff;
	_ =	sdelay $0x2  }
0x2c3: {  	v14 =	vmax.f32 v14, v12  }
0x2c4: {  	v14 =	vmin.f32 v14, v13  }
0x2c5: {  	vm0 =	vlt.f32 v15, v14  }
0x2c6: {  	v15 =	vsel vm0, $0x80, v2  }
0x2c7: {  	v16 =	vor.u32 $0x3F, v15;
	_ =	sdelay $0x4  }
0x2c8: {  	v16 =	vld.idx.msk [tilespmem:v16+s12+$0x0], $0xffff;
	_ =	sdelay $0x4  }
0x2c9: {  	v17 =	vor.u32 $0x40, v15;
	vm10 =	vlt.f32 v16, v14  }
0x2ca: {  	v16 =	vsel vm10, v17, v15  }
0x2cb: {  	v17 =	vand.u32 $0x40, v16  }
0x2cc: {  	v15 =	vor.u32 v17, v15  }
0x2cd: {  	v15 =	vor.u32 $0x1F, v15;
	_ =	sdelay $0x4  }
0x2ce: {  	v15 =	vld.idx.msk [tilespmem:v15+s12+$0x0], $0xffff;
	_ =	sdelay $0x4  }
0x2cf: {  	v57 =	vor.u32 $0x20, v16;
	vm11 =	vlt.f32 v15, v14  }
0x2d0: {  	v15 =	vsel vm11, v57, v16  }
0x2d1: {  	v16 =	vor.u32 $0xF, v15;
	_ =	sdelay $0x4  }
0x2d2: {  	v16 =	vld.idx.msk [tilespmem:v16+s12+$0x0], $0xffff;
	_ =	sdelay $0x4  }
0x2d3: {  	v17 =	vor.u32 $0x10, v15;
	vm12 =	vlt.f32 v16, v14  }
0x2d4: {  	v15 =	vsel vm12, v17, v15  }
0x2d5: {  	v58 =	vadd.s32 $0x8, v15  }
0x2d6: {  	v59 =	vmin.u32 v58, $0xFF  }
0x2d7: {  	v17 =	vadd.s32 $0xFFFFFFFF, v59;
	_ =	sdelay $0x4  }
0x2d8: {  	v17 =	vld.idx.msk [tilespmem:v17+s12+$0x0], $0xffff;
	_ =	sdelay $0x4  }
0x2d9: {  	vm0 =	vlt.u32 v15, $0xF8;
	vm1 =	vlt.f32 v17, v14  }
0x2da: {  	vm0 =	vmand vm1, vm0  }
0x2db: {  	v15 =	vsel vm0, v58, v15  }
0x2dc: {  	v16 =	vadd.s32 $0x4, v15  }
0x2dd: {  	v60 =	vmin.u32 v16, $0xFF  }
0x2de: {  	v17 =	vadd.s32 $0xFFFFFFFF, v60;
	_ =	sdelay $0x4  }
0x2df: {  	v17 =	vld.idx.msk [tilespmem:v17+s12+$0x0], $0xffff;
	_ =	sdelay $0x4  }
0x2e0: {  	vm0 =	vlt.u32 v15, $0xFC;
	vm13 =	vlt.f32 v17, v14  }
0x2e1: {  	vm0 =	vmand vm13, vm0  }
0x2e2: {  	v15 =	vsel vm0, v16, v15  }
0x2e3: {  	v16 =	vadd.s32 $0x2, v15  }
0x2e4: {  	v61 =	vmin.u32 v16, $0xFF  }
0x2e5: {  	v17 =	vadd.s32 $0xFFFFFFFF, v61;
	_ =	sdelay $0x4  }
0x2e6: {  	v17 =	vld.idx.msk [tilespmem:v17+s12+$0x0], $0xffff;
	_ =	sdelay $0x4  }
0x2e7: {  	vm0 =	vlt.u32 v15, $0xFE;
	vm14 =	vlt.f32 v17, v14  }
0x2e8: {  	vm0 =	vmand vm14, vm0  }
0x2e9: {  	v15 =	vsel vm0, v16, v15  }
0x2ea: {  	v16 =	vmin.u32 v15, $0xFE;
	_ =	sdelay $0x4  }
0x2eb: {  	v16 =	vld.idx.msk [tilespmem:v16+s12+$0x0], $0xffff;
	_ =	sdelay $0x4  }
0x2ec: {  	vm15 =	vlt.f32 v16, v14  }
0x2ed: {  	vm4 =	vgt.u32 v15, $0xFE;
	vm0 =	vmneg vm15  }
0x2ee: {  	vm0 =	vmor vm0, vm4  }
0x2ef: {  	v62 =	vsel vm0, $0xFFFFFFFF, v2  }
0x2f0: {  	v15 =	vadd.s32 v62, v15  }
0x2f1: {  	vm5 =	vgt.s32 v15, $0x0  }
0x2f2: {  	v15 =	vnsel vm5, $0x0, v15  }
0x2f3: {  	v15 =	vmin.u32 v15, $0xFD  }
0x2f4: {  	v63 =	vadd.s32 $0x1, v15;
	_ =	sdelay $0x3  }
0x2f5: {  	v23 =	vld.idx.msk [tilespmem:v15+s12+$0x0], $0xffff  }
0x2f6: {  	v18 =	vld.idx.msk [tilespmem:v63+s12+$0x0], $0xffff;
	_ =	sdelay $0x4  }
0x2f7: {  	v18 =	vsub.f32 v18, v23;
	_ =	sdelay $0x1  }
0x2f8: {  	v18 =	vadd.f32 $9.999999930e-09, v18;
	_ =	sdelay $0x1  }
0x2f9: {  	(erf) = vrcp.f32 v18;
	_ =	sdelay $0x5  }
0x2fa: {  	v24 =	vand.u32 $0x7F, v15;
	v19 =	vshll.u32 v15, $0x3  }
0x2fb: {  	v25 =	vand.u32 $0x400, v19;
	v26 =	vshll.u32 v63, $0x3;
	v20 =	vand.u32 $0x7F, v63  }
0x2fc: {  	v17 =	vor.u32 v25, v24;
	v27 =	vand.u32 $0xC00, v26;
	v14 =	vsub.f32 v14, v23  }
0x2fd: {  	v17 =	vor.u32 v3, v17;
	v18 =	vor.u32 v20, v27;
	v28 =	vpop (erf)  }
0x2fe: {  	v18 =	vadd.s32 v3, v18;
	v14 =	vmul.f32 v28, v14;
	_ =	sdelay $0x1  }
0x2ff: {  	v19 =	vsub.f32 $1.000000000e+00, v14;
	_ =	sdelay $0x1  }
0x300: {  	[tilespmem:v17+s17+$0x0] =	vst.idx.msk $0xffff, v19  }
0x301: {  	[tilespmem:v18+s17+$0x0] =	vst.idx.msk $0xffff, v14  }
0x302: {  	[tilespmem:$0x12100] =	vst v15  }
0x303: {  	[tilespmem:$0x12110] =	vst v63  }
0x304: {  	v14 =	vld [tilespmem:s22+$0xFFFFFF90];
	_ =	sdelay $0x1  }
0x305: {  	v15 =	vld.idx.msk [tilespmem:v1+s12+$0x0], $0xffff;
	_ =	sdelay $0x2  }
0x306: {  	v14 =	vmax.f32 v14, v12  }
0x307: {  	v14 =	vmin.f32 v14, v13  }
0x308: {  	vm6 =	vlt.f32 v15, v14  }
0x309: {  	v15 =	vsel vm6, $0x80, v2  }
0x30a: {  	v29 =	vor.u32 $0x3F, v15;
	_ =	sdelay $0x4  }
0x30b: {  	v16 =	vld.idx.msk [tilespmem:v29+s12+$0x0], $0xffff;
	_ =	sdelay $0x4  }
0x30c: {  	v30 =	vor.u32 $0x40, v15;
	vm7 =	vlt.f32 v16, v14  }
0x30d: {  	v16 =	vsel vm7, v30, v15  }
0x30e: {  	v17 =	vand.u32 $0x40, v16  }
0x30f: {  	v15 =	vor.u32 v17, v15  }
0x310: {  	v15 =	vor.u32 $0x1F, v15;
	_ =	sdelay $0x4  }
0x311: {  	v15 =	vld.idx.msk [tilespmem:v15+s12+$0x0], $0xffff;
	_ =	sdelay $0x4  }
0x312: {  	v31 =	vor.u32 $0x20, v16;
	vm8 =	vlt.f32 v15, v14  }
0x313: {  	v15 =	vsel vm8, v31, v16  }
0x314: {  	v16 =	vor.u32 $0xF, v15;
	_ =	sdelay $0x4  }
0x315: {  	v16 =	vld.idx.msk [tilespmem:v16+s12+$0x0], $0xffff;
	_ =	sdelay $0x4  }
0x316: {  	v17 =	vor.u32 $0x10, v15;
	vm9 =	vlt.f32 v16, v14  }
0x317: {  	v15 =	vsel vm9, v17, v15  }
0x318: {  	v32 =	vadd.s32 $0x8, v15  }
0x319: {  	v33 =	vmin.u32 v32, $0xFF  }
0x31a: {  	v17 =	vadd.s32 $0xFFFFFFFF, v33;
	_ =	sdelay $0x4  }
0x31b: {  	v17 =	vld.idx.msk [tilespmem:v17+s12+$0x0], $0xffff;
	_ =	sdelay $0x4  }
0x31c: {  	vm0 =	vlt.u32 v15, $0xF8;
	vm10 =	vlt.f32 v17, v14  }
0x31d: {  	vm0 =	vmand vm10, vm0  }
0x31e: {  	v15 =	vsel vm0, v32, v15  }
0x31f: {  	v16 =	vadd.s32 $0x4, v15  }
0x320: {  	v34 =	vmin.u32 v16, $0xFF  }
0x321: {  	v17 =	vadd.s32 $0xFFFFFFFF, v34;
	_ =	sdelay $0x4  }
0x322: {  	v17 =	vld.idx.msk [tilespmem:v17+s12+$0x0], $0xffff;
	_ =	sdelay $0x4  }
0x323: {  	vm0 =	vlt.u32 v15, $0xFC;
	vm11 =	vlt.f32 v17, v14  }
0x324: {  	vm0 =	vmand vm11, vm0  }
0x325: {  	v15 =	vsel vm0, v16, v15  }
0x326: {  	v16 =	vadd.s32 $0x2, v15  }
0x327: {  	v35 =	vmin.u32 v16, $0xFF  }
0x328: {  	v17 =	vadd.s32 $0xFFFFFFFF, v35;
	_ =	sdelay $0x4  }
0x329: {  	v17 =	vld.idx.msk [tilespmem:v17+s12+$0x0], $0xffff;
	_ =	sdelay $0x4  }
0x32a: {  	vm0 =	vlt.u32 v15, $0xFE;
	vm12 =	vlt.f32 v17, v14  }
0x32b: {  	vm0 =	vmand vm12, vm0  }
0x32c: {  	v15 =	vsel vm0, v16, v15  }
0x32d: {  	v16 =	vmin.u32 v15, $0xFE;
	_ =	sdelay $0x4  }
0x32e: {  	v16 =	vld.idx.msk [tilespmem:v16+s12+$0x0], $0xffff;
	_ =	sdelay $0x4  }
0x32f: {  	vm13 =	vlt.f32 v16, v14  }
0x330: {  	vm14 =	vgt.u32 v15, $0xFE;
	vm0 =	vmneg vm13  }
0x331: {  	vm0 =	vmor vm0, vm14  }
0x332: {  	v36 =	vsel vm0, $0xFFFFFFFF, v2  }
0x333: {  	v15 =	vadd.s32 v36, v15  }
0x334: {  	vm15 =	vgt.s32 v15, $0x0  }
0x335: {  	v15 =	vnsel vm15, $0x0, v15  }
0x336: {  	v15 =	vmin.u32 v15, $0xFD  }
0x337: {  	v37 =	vadd.s32 $0x1, v15;
	_ =	sdelay $0x3  }
0x338: {  	v38 =	vld.idx.msk [tilespmem:v15+s12+$0x0], $0xffff  }
0x339: {  	v18 =	vld.idx.msk [tilespmem:v37+s12+$0x0], $0xffff;
	_ =	sdelay $0x4  }
0x33a: {  	v18 =	vsub.f32 v18, v38;
	_ =	sdelay $0x1  }
0x33b: {  	v18 =	vadd.f32 $9.999999930e-09, v18;
	_ =	sdelay $0x1  }
0x33c: {  	(erf) = vrcp.f32 v18;
	_ =	sdelay $0x5  }
0x33d: {  	v39 =	vand.u32 $0x7F, v15;
	v40 =	vshll.u32 v15, $0x3  }
0x33e: {  	v41 =	vand.u32 $0x400, v40;
	v42 =	vshll.u32 v37, $0x3;
	v43 =	vand.u32 $0x7F, v37  }
0x33f: {  	v17 =	vor.u32 v41, v39;
	v44 =	vand.u32 $0xC00, v42;
	v14 =	vsub.f32 v14, v38  }
0x340: {  	v17 =	vor.u32 v4, v17;
	v18 =	vor.u32 v43, v44;
	v45 =	vpop (erf)  }
0x341: {  	v18 =	vadd.s32 v4, v18;
	v14 =	vmul.f32 v45, v14;
	_ =	sdelay $0x1  }
0x342: {  	v19 =	vsub.f32 $1.000000000e+00, v14;
	_ =	sdelay $0x1  }
0x343: {  	[tilespmem:v17+s17+$0x0] =	vst.idx.msk $0xffff, v19  }
0x344: {  	[tilespmem:v18+s17+$0x0] =	vst.idx.msk $0xffff, v14  }
0x345: {  	[tilespmem:$0x12120] =	vst v15  }
0x346: {  	[tilespmem:$0x12130] =	vst v37  }
0x347: {  	v14 =	vld [tilespmem:s22+$0xFFFFFFA0];
	_ =	sdelay $0x1  }
0x348: {  	v15 =	vld.idx.msk [tilespmem:v1+s12+$0x0], $0xffff;
	_ =	sdelay $0x2  }
0x349: {  	v14 =	vmax.f32 v14, v12  }
0x34a: {  	v14 =	vmin.f32 v14, v13  }
0x34b: {  	vm4 =	vlt.f32 v15, v14  }
0x34c: {  	v15 =	vsel vm4, $0x80, v2  }
0x34d: {  	v46 =	vor.u32 $0x3F, v15;
	_ =	sdelay $0x4  }
0x34e: {  	v16 =	vld.idx.msk [tilespmem:v46+s12+$0x0], $0xffff;
	_ =	sdelay $0x4  }
0x34f: {  	v47 =	vor.u32 $0x40, v15;
	vm5 =	vlt.f32 v16, v14  }
0x350: {  	v16 =	vsel vm5, v47, v15  }
0x351: {  	v17 =	vand.u32 $0x40, v16  }
0x352: {  	v15 =	vor.u32 v17, v15  }
0x353: {  	v15 =	vor.u32 $0x1F, v15;
	_ =	sdelay $0x4  }
0x354: {  	v15 =	vld.idx.msk [tilespmem:v15+s12+$0x0], $0xffff;
	_ =	sdelay $0x4  }
0x355: {  	v48 =	vor.u32 $0x20, v16;
	vm6 =	vlt.f32 v15, v14  }
0x356: {  	v15 =	vsel vm6, v48, v16  }
0x357: {  	v16 =	vor.u32 $0xF, v15;
	_ =	sdelay $0x4  }
0x358: {  	v16 =	vld.idx.msk [tilespmem:v16+s12+$0x0], $0xffff;
	_ =	sdelay $0x4  }
0x359: {  	v17 =	vor.u32 $0x10, v15;
	vm7 =	vlt.f32 v16, v14  }
0x35a: {  	v15 =	vsel vm7, v17, v15  }
0x35b: {  	v49 =	vadd.s32 $0x8, v15  }
0x35c: {  	v50 =	vmin.u32 v49, $0xFF  }
0x35d: {  	v17 =	vadd.s32 $0xFFFFFFFF, v50;
	_ =	sdelay $0x4  }
0x35e: {  	v17 =	vld.idx.msk [tilespmem:v17+s12+$0x0], $0xffff;
	_ =	sdelay $0x4  }
0x35f: {  	vm0 =	vlt.u32 v15, $0xF8;
	vm8 =	vlt.f32 v17, v14  }
0x360: {  	vm0 =	vmand vm8, vm0  }
0x361: {  	v15 =	vsel vm0, v49, v15  }
0x362: {  	v16 =	vadd.s32 $0x4, v15  }
0x363: {  	v51 =	vmin.u32 v16, $0xFF  }
0x364: {  	v17 =	vadd.s32 $0xFFFFFFFF, v51;
	_ =	sdelay $0x4  }
0x365: {  	v17 =	vld.idx.msk [tilespmem:v17+s12+$0x0], $0xffff;
	_ =	sdelay $0x4  }
0x366: {  	vm0 =	vlt.u32 v15, $0xFC;
	vm9 =	vlt.f32 v17, v14  }
0x367: {  	vm0 =	vmand vm9, vm0  }
0x368: {  	v15 =	vsel vm0, v16, v15  }
0x369: {  	v16 =	vadd.s32 $0x2, v15  }
0x36a: {  	v52 =	vmin.u32 v16, $0xFF  }
0x36b: {  	v17 =	vadd.s32 $0xFFFFFFFF, v52;
	_ =	sdelay $0x4  }
0x36c: {  	v17 =	vld.idx.msk [tilespmem:v17+s12+$0x0], $0xffff;
	_ =	sdelay $0x4  }
0x36d: {  	vm0 =	vlt.u32 v15, $0xFE;
	vm10 =	vlt.f32 v17, v14  }
0x36e: {  	vm0 =	vmand vm10, vm0  }
0x36f: {  	v15 =	vsel vm0, v16, v15  }
0x370: {  	v16 =	vmin.u32 v15, $0xFE;
	_ =	sdelay $0x4  }
0x371: {  	v16 =	vld.idx.msk [tilespmem:v16+s12+$0x0], $0xffff;
	_ =	sdelay $0x4  }
0x372: {  	vm11 =	vlt.f32 v16, v14  }
0x373: {  	vm12 =	vgt.u32 v15, $0xFE;
	vm0 =	vmneg vm11  }
0x374: {  	vm0 =	vmor vm0, vm12  }
0x375: {  	v53 =	vsel vm0, $0xFFFFFFFF, v2  }
0x376: {  	v15 =	vadd.s32 v53, v15  }
0x377: {  	vm13 =	vgt.s32 v15, $0x0  }
0x378: {  	v15 =	vnsel vm13, $0x0, v15  }
0x379: {  	v15 =	vmin.u32 v15, $0xFD  }
0x37a: {  	v54 =	vadd.s32 $0x1, v15;
	_ =	sdelay $0x3  }
0x37b: {  	v55 =	vld.idx.msk [tilespmem:v15+s12+$0x0], $0xffff  }
0x37c: {  	v18 =	vld.idx.msk [tilespmem:v54+s12+$0x0], $0xffff;
	_ =	sdelay $0x4  }
0x37d: {  	v18 =	vsub.f32 v18, v55;
	_ =	sdelay $0x1  }
0x37e: {  	v18 =	vadd.f32 $9.999999930e-09, v18;
	_ =	sdelay $0x1  }
0x37f: {  	(erf) = vrcp.f32 v18;
	_ =	sdelay $0x5  }
0x380: {  	v56 =	vand.u32 $0x7F, v15;
	v57 =	vshll.u32 v15, $0x3  }
0x381: {  	v58 =	vand.u32 $0x400, v57;
	v59 =	vshll.u32 v54, $0x3;
	v60 =	vand.u32 $0x7F, v54  }
0x382: {  	v17 =	vor.u32 v58, v56;
	v61 =	vand.u32 $0xC00, v59;
	v14 =	vsub.f32 v14, v55  }
0x383: {  	v17 =	vor.u32 v5, v17;
	v18 =	vor.u32 v60, v61;
	v62 =	vpop (erf)  }
0x384: {  	v18 =	vadd.s32 v5, v18;
	v14 =	vmul.f32 v62, v14;
	_ =	sdelay $0x1  }
0x385: {  	v19 =	vsub.f32 $1.000000000e+00, v14;
	_ =	sdelay $0x1  }
0x386: {  	[tilespmem:v17+s17+$0x0] =	vst.idx.msk $0xffff, v19  }
0x387: {  	[tilespmem:v18+s17+$0x0] =	vst.idx.msk $0xffff, v14  }
0x388: {  	[tilespmem:$0x12140] =	vst v15  }
0x389: {  	[tilespmem:$0x12150] =	vst v54  }
0x38a: {  	v14 =	vld [tilespmem:s22+$0xFFFFFFB0];
	_ =	sdelay $0x1  }
0x38b: {  	v15 =	vld.idx.msk [tilespmem:v1+s12+$0x0], $0xffff;
	_ =	sdelay $0x2  }
0x38c: {  	v14 =	vmax.f32 v14, v12  }
0x38d: {  	v14 =	vmin.f32 v14, v13  }
0x38e: {  	vm14 =	vlt.f32 v15, v14  }
0x38f: {  	v15 =	vsel vm14, $0x80, v2  }
0x390: {  	v63 =	vor.u32 $0x3F, v15;
	_ =	sdelay $0x4  }
0x391: {  	v16 =	vld.idx.msk [tilespmem:v63+s12+$0x0], $0xffff;
	_ =	sdelay $0x4  }
0x392: {  	v20 =	vor.u32 $0x40, v15;
	vm15 =	vlt.f32 v16, v14  }
0x393: {  	v16 =	vsel vm15, v20, v15  }
0x394: {  	v17 =	vand.u32 $0x40, v16  }
0x395: {  	v15 =	vor.u32 v17, v15  }
0x396: {  	v15 =	vor.u32 $0x1F, v15;
	_ =	sdelay $0x4  }
0x397: {  	v15 =	vld.idx.msk [tilespmem:v15+s12+$0x0], $0xffff;
	_ =	sdelay $0x4  }
0x398: {  	v21 =	vor.u32 $0x20, v16;
	vm4 =	vlt.f32 v15, v14  }
0x399: {  	v15 =	vsel vm4, v21, v16  }
0x39a: {  	v16 =	vor.u32 $0xF, v15;
	_ =	sdelay $0x4  }
0x39b: {  	v16 =	vld.idx.msk [tilespmem:v16+s12+$0x0], $0xffff;
	_ =	sdelay $0x4  }
0x39c: {  	v17 =	vor.u32 $0x10, v15;
	vm5 =	vlt.f32 v16, v14  }
0x39d: {  	v15 =	vsel vm5, v17, v15  }
0x39e: {  	v22 =	vadd.s32 $0x8, v15  }
0x39f: {  	v23 =	vmin.u32 v22, $0xFF  }
0x3a0: {  	v17 =	vadd.s32 $0xFFFFFFFF, v23;
	_ =	sdelay $0x4  }
0x3a1: {  	v17 =	vld.idx.msk [tilespmem:v17+s12+$0x0], $0xffff;
	_ =	sdelay $0x4  }
0x3a2: {  	vm0 =	vlt.u32 v15, $0xF8;
	vm6 =	vlt.f32 v17, v14  }
0x3a3: {  	vm0 =	vmand vm6, vm0  }
0x3a4: {  	v15 =	vsel vm0, v22, v15  }
0x3a5: {  	v16 =	vadd.s32 $0x4, v15  }
0x3a6: {  	v24 =	vmin.u32 v16, $0xFF  }
0x3a7: {  	v17 =	vadd.s32 $0xFFFFFFFF, v24;
	_ =	sdelay $0x4  }
0x3a8: {  	v17 =	vld.idx.msk [tilespmem:v17+s12+$0x0], $0xffff;
	_ =	sdelay $0x4  }
0x3a9: {  	vm0 =	vlt.u32 v15, $0xFC;
	vm7 =	vlt.f32 v17, v14  }
0x3aa: {  	vm0 =	vmand vm7, vm0  }
0x3ab: {  	v15 =	vsel vm0, v16, v15  }
0x3ac: {  	v16 =	vadd.s32 $0x2, v15  }
0x3ad: {  	v25 =	vmin.u32 v16, $0xFF  }
0x3ae: {  	v17 =	vadd.s32 $0xFFFFFFFF, v25;
	_ =	sdelay $0x4  }
0x3af: {  	v17 =	vld.idx.msk [tilespmem:v17+s12+$0x0], $0xffff;
	_ =	sdelay $0x4  }
0x3b0: {  	vm0 =	vlt.u32 v15, $0xFE;
	vm8 =	vlt.f32 v17, v14  }
0x3b1: {  	vm0 =	vmand vm8, vm0  }
0x3b2: {  	v15 =	vsel vm0, v16, v15  }
0x3b3: {  	v16 =	vmin.u32 v15, $0xFE;
	_ =	sdelay $0x4  }
0x3b4: {  	v16 =	vld.idx.msk [tilespmem:v16+s12+$0x0], $0xffff;
	_ =	sdelay $0x4  }
0x3b5: {  	vm9 =	vlt.f32 v16, v14  }
0x3b6: {  	vm10 =	vgt.u32 v15, $0xFE;
	vm0 =	vmneg vm9  }
0x3b7: {  	vm0 =	vmor vm0, vm10  }
0x3b8: {  	v26 =	vsel vm0, $0xFFFFFFFF, v2  }
0x3b9: {  	v15 =	vadd.s32 v26, v15  }
0x3ba: {  	vm11 =	vgt.s32 v15, $0x0  }
0x3bb: {  	v15 =	vnsel vm11, $0x0, v15  }
0x3bc: {  	v15 =	vmin.u32 v15, $0xFD  }
0x3bd: {  	v27 =	vadd.s32 $0x1, v15;
	_ =	sdelay $0x3  }
0x3be: {  	v28 =	vld.idx.msk [tilespmem:v15+s12+$0x0], $0xffff  }
0x3bf: {  	v18 =	vld.idx.msk [tilespmem:v27+s12+$0x0], $0xffff;
	_ =	sdelay $0x4  }
0x3c0: {  	v18 =	vsub.f32 v18, v28;
	_ =	sdelay $0x1  }
0x3c1: {  	v18 =	vadd.f32 $9.999999930e-09, v18;
	_ =	sdelay $0x1  }
0x3c2: {  	(erf) = vrcp.f32 v18;
	_ =	sdelay $0x5  }
0x3c3: {  	v29 =	vand.u32 $0x7F, v15;
	v30 =	vshll.u32 v15, $0x3  }
0x3c4: {  	v31 =	vand.u32 $0x400, v30;
	v32 =	vshll.u32 v27, $0x3;
	v33 =	vand.u32 $0x7F, v27  }
0x3c5: {  	v17 =	vor.u32 v31, v29;
	v34 =	vand.u32 $0xC00, v32;
	v14 =	vsub.f32 v14, v28  }
0x3c6: {  	v17 =	vor.u32 v6, v17;
	v18 =	vor.u32 v33, v34;
	v35 =	vpop (erf)  }
0x3c7: {  	v18 =	vadd.s32 v6, v18;
	v14 =	vmul.f32 v35, v14;
	_ =	sdelay $0x1  }
0x3c8: {  	v19 =	vsub.f32 $1.000000000e+00, v14;
	_ =	sdelay $0x1  }
0x3c9: {  	[tilespmem:v17+s17+$0x0] =	vst.idx.msk $0xffff, v19  }
0x3ca: {  	[tilespmem:v18+s17+$0x0] =	vst.idx.msk $0xffff, v14  }
0x3cb: {  	[tilespmem:$0x12160] =	vst v15  }
0x3cc: {  	[tilespmem:$0x12170] =	vst v27  }
0x3cd: {  	v14 =	vld [tilespmem:s22+$0xFFFFFFC0];
	_ =	sdelay $0x1  }
0x3ce: {  	v15 =	vld.idx.msk [tilespmem:v1+s12+$0x0], $0xffff;
	_ =	sdelay $0x2  }
0x3cf: {  	v14 =	vmax.f32 v14, v12  }
0x3d0: {  	v14 =	vmin.f32 v14, v13  }
0x3d1: {  	vm12 =	vlt.f32 v15, v14  }
0x3d2: {  	v15 =	vsel vm12, $0x80, v2  }
0x3d3: {  	v36 =	vor.u32 $0x3F, v15;
	_ =	sdelay $0x4  }
0x3d4: {  	v16 =	vld.idx.msk [tilespmem:v36+s12+$0x0], $0xffff;
	_ =	sdelay $0x4  }
0x3d5: {  	v37 =	vor.u32 $0x40, v15;
	vm13 =	vlt.f32 v16, v14  }
0x3d6: {  	v16 =	vsel vm13, v37, v15  }
0x3d7: {  	v17 =	vand.u32 $0x40, v16  }
0x3d8: {  	v15 =	vor.u32 v17, v15  }
0x3d9: {  	v15 =	vor.u32 $0x1F, v15;
	_ =	sdelay $0x4  }
0x3da: {  	v15 =	vld.idx.msk [tilespmem:v15+s12+$0x0], $0xffff;
	_ =	sdelay $0x4  }
0x3db: {  	v38 =	vor.u32 $0x20, v16;
	vm14 =	vlt.f32 v15, v14  }
0x3dc: {  	v15 =	vsel vm14, v38, v16  }
0x3dd: {  	v16 =	vor.u32 $0xF, v15;
	_ =	sdelay $0x4  }
0x3de: {  	v16 =	vld.idx.msk [tilespmem:v16+s12+$0x0], $0xffff;
	_ =	sdelay $0x4  }
0x3df: {  	v17 =	vor.u32 $0x10, v15;
	vm15 =	vlt.f32 v16, v14  }
0x3e0: {  	v15 =	vsel vm15, v17, v15  }
0x3e1: {  	v39 =	vadd.s32 $0x8, v15  }
0x3e2: {  	v40 =	vmin.u32 v39, $0xFF  }
0x3e3: {  	v17 =	vadd.s32 $0xFFFFFFFF, v40;
	_ =	sdelay $0x4  }
0x3e4: {  	v17 =	vld.idx.msk [tilespmem:v17+s12+$0x0], $0xffff;
	_ =	sdelay $0x4  }
0x3e5: {  	vm0 =	vlt.u32 v15, $0xF8;
	vm4 =	vlt.f32 v17, v14  }
0x3e6: {  	vm0 =	vmand vm4, vm0  }
0x3e7: {  	v15 =	vsel vm0, v39, v15  }
0x3e8: {  	v16 =	vadd.s32 $0x4, v15  }
0x3e9: {  	v41 =	vmin.u32 v16, $0xFF  }
0x3ea: {  	v17 =	vadd.s32 $0xFFFFFFFF, v41;
	_ =	sdelay $0x4  }
0x3eb: {  	v17 =	vld.idx.msk [tilespmem:v17+s12+$0x0], $0xffff;
	_ =	sdelay $0x4  }
0x3ec: {  	vm0 =	vlt.u32 v15, $0xFC;
	vm5 =	vlt.f32 v17, v14  }
0x3ed: {  	vm0 =	vmand vm5, vm0  }
0x3ee: {  	v15 =	vsel vm0, v16, v15  }
0x3ef: {  	v16 =	vadd.s32 $0x2, v15  }
0x3f0: {  	v42 =	vmin.u32 v16, $0xFF  }
0x3f1: {  	v17 =	vadd.s32 $0xFFFFFFFF, v42;
	_ =	sdelay $0x4  }
0x3f2: {  	v17 =	vld.idx.msk [tilespmem:v17+s12+$0x0], $0xffff;
	_ =	sdelay $0x4  }
0x3f3: {  	vm0 =	vlt.u32 v15, $0xFE;
	vm6 =	vlt.f32 v17, v14  }
0x3f4: {  	vm0 =	vmand vm6, vm0  }
0x3f5: {  	v15 =	vsel vm0, v16, v15  }
0x3f6: {  	v16 =	vmin.u32 v15, $0xFE;
	_ =	sdelay $0x4  }
0x3f7: {  	v16 =	vld.idx.msk [tilespmem:v16+s12+$0x0], $0xffff;
	_ =	sdelay $0x4  }
0x3f8: {  	vm7 =	vlt.f32 v16, v14  }
0x3f9: {  	vm8 =	vgt.u32 v15, $0xFE;
	vm0 =	vmneg vm7  }
0x3fa: {  	vm0 =	vmor vm0, vm8  }
0x3fb: {  	v43 =	vsel vm0, $0xFFFFFFFF, v2  }
0x3fc: {  	v15 =	vadd.s32 v43, v15  }
0x3fd: {  	vm9 =	vgt.s32 v15, $0x0  }
0x3fe: {  	v15 =	vnsel vm9, $0x0, v15  }
0x3ff: {  	v15 =	vmin.u32 v15, $0xFD  }
0x400: {  	v44 =	vadd.s32 $0x1, v15;
	_ =	sdelay $0x3  }
0x401: {  	v45 =	vld.idx.msk [tilespmem:v15+s12+$0x0], $0xffff  }
0x402: {  	v18 =	vld.idx.msk [tilespmem:v44+s12+$0x0], $0xffff;
	_ =	sdelay $0x4  }
0x403: {  	v18 =	vsub.f32 v18, v45;
	_ =	sdelay $0x1  }
0x404: {  	v18 =	vadd.f32 $9.999999930e-09, v18;
	_ =	sdelay $0x1  }
0x405: {  	(erf) = vrcp.f32 v18;
	_ =	sdelay $0x5  }
0x406: {  	v46 =	vand.u32 $0x7F, v15;
	v47 =	vshll.u32 v15, $0x3  }
0x407: {  	v48 =	vand.u32 $0x400, v47;
	v49 =	vshll.u32 v44, $0x3;
	v50 =	vand.u32 $0x7F, v44  }
0x408: {  	v17 =	vor.u32 v48, v46;
	v51 =	vand.u32 $0xC00, v49;
	v14 =	vsub.f32 v14, v45  }
0x409: {  	v17 =	vor.u32 v7, v17;
	v18 =	vor.u32 v50, v51;
	v52 =	vpop (erf)  }
0x40a: {  	v18 =	vadd.s32 v7, v18;
	v14 =	vmul.f32 v52, v14;
	_ =	sdelay $0x1  }
0x40b: {  	v19 =	vsub.f32 $1.000000000e+00, v14;
	_ =	sdelay $0x1  }
0x40c: {  	[tilespmem:v17+s17+$0x0] =	vst.idx.msk $0xffff, v19  }
0x40d: {  	[tilespmem:v18+s17+$0x0] =	vst.idx.msk $0xffff, v14  }
0x40e: {  	[tilespmem:$0x12180] =	vst v15  }
0x40f: {  	[tilespmem:$0x12190] =	vst v44  }
0x410: {  	v14 =	vld [tilespmem:s22+$0xFFFFFFD0];
	_ =	sdelay $0x1  }
0x411: {  	v15 =	vld.idx.msk [tilespmem:v1+s12+$0x0], $0xffff;
	_ =	sdelay $0x2  }
0x412: {  	v14 =	vmax.f32 v14, v12  }
0x413: {  	v14 =	vmin.f32 v14, v13  }
0x414: {  	vm10 =	vlt.f32 v15, v14  }
0x415: {  	v15 =	vsel vm10, $0x80, v2  }
0x416: {  	v53 =	vor.u32 $0x3F, v15;
	_ =	sdelay $0x4  }
0x417: {  	v16 =	vld.idx.msk [tilespmem:v53+s12+$0x0], $0xffff;
	_ =	sdelay $0x4  }
0x418: {  	v54 =	vor.u32 $0x40, v15;
	vm11 =	vlt.f32 v16, v14  }
0x419: {  	v16 =	vsel vm11, v54, v15  }
0x41a: {  	v17 =	vand.u32 $0x40, v16  }
0x41b: {  	v15 =	vor.u32 v17, v15  }
0x41c: {  	v15 =	vor.u32 $0x1F, v15;
	_ =	sdelay $0x4  }
0x41d: {  	v15 =	vld.idx.msk [tilespmem:v15+s12+$0x0], $0xffff;
	_ =	sdelay $0x4  }
0x41e: {  	v55 =	vor.u32 $0x20, v16;
	vm12 =	vlt.f32 v15, v14  }
0x41f: {  	v15 =	vsel vm12, v55, v16  }
0x420: {  	v16 =	vor.u32 $0xF, v15;
	_ =	sdelay $0x4  }
0x421: {  	v16 =	vld.idx.msk [tilespmem:v16+s12+$0x0], $0xffff;
	_ =	sdelay $0x4  }
0x422: {  	v17 =	vor.u32 $0x10, v15;
	vm13 =	vlt.f32 v16, v14  }
0x423: {  	v15 =	vsel vm13, v17, v15  }
0x424: {  	v56 =	vadd.s32 $0x8, v15  }
0x425: {  	v57 =	vmin.u32 v56, $0xFF  }
0x426: {  	v17 =	vadd.s32 $0xFFFFFFFF, v57;
	_ =	sdelay $0x4  }
0x427: {  	v17 =	vld.idx.msk [tilespmem:v17+s12+$0x0], $0xffff;
	_ =	sdelay $0x4  }
0x428: {  	vm0 =	vlt.u32 v15, $0xF8;
	vm14 =	vlt.f32 v17, v14  }
0x429: {  	vm0 =	vmand vm14, vm0  }
0x42a: {  	v15 =	vsel vm0, v56, v15  }
0x42b: {  	v16 =	vadd.s32 $0x4, v15  }
0x42c: {  	v58 =	vmin.u32 v16, $0xFF  }
0x42d: {  	v17 =	vadd.s32 $0xFFFFFFFF, v58;
	_ =	sdelay $0x4  }
0x42e: {  	v17 =	vld.idx.msk [tilespmem:v17+s12+$0x0], $0xffff;
	_ =	sdelay $0x4  }
0x42f: {  	vm0 =	vlt.u32 v15, $0xFC;
	vm15 =	vlt.f32 v17, v14  }
0x430: {  	vm0 =	vmand vm15, vm0  }
0x431: {  	v15 =	vsel vm0, v16, v15  }
0x432: {  	v16 =	vadd.s32 $0x2, v15  }
0x433: {  	v59 =	vmin.u32 v16, $0xFF  }
0x434: {  	v17 =	vadd.s32 $0xFFFFFFFF, v59;
	_ =	sdelay $0x4  }
0x435: {  	v17 =	vld.idx.msk [tilespmem:v17+s12+$0x0], $0xffff;
	_ =	sdelay $0x4  }
0x436: {  	vm0 =	vlt.u32 v15, $0xFE;
	vm4 =	vlt.f32 v17, v14  }
0x437: {  	vm0 =	vmand vm4, vm0  }
0x438: {  	v15 =	vsel vm0, v16, v15  }
0x439: {  	v16 =	vmin.u32 v15, $0xFE;
	_ =	sdelay $0x4  }
0x43a: {  	v16 =	vld.idx.msk [tilespmem:v16+s12+$0x0], $0xffff;
	_ =	sdelay $0x4  }
0x43b: {  	vm5 =	vlt.f32 v16, v14  }
0x43c: {  	vm6 =	vgt.u32 v15, $0xFE;
	vm0 =	vmneg vm5  }
0x43d: {  	vm0 =	vmor vm0, vm6  }
0x43e: {  	v60 =	vsel vm0, $0xFFFFFFFF, v2  }
0x43f: {  	v15 =	vadd.s32 v60, v15  }
0x440: {  	vm7 =	vgt.s32 v15, $0x0  }
0x441: {  	v15 =	vnsel vm7, $0x0, v15  }
0x442: {  	v15 =	vmin.u32 v15, $0xFD  }
0x443: {  	v61 =	vadd.s32 $0x1, v15;
	_ =	sdelay $0x3  }
0x444: {  	v62 =	vld.idx.msk [tilespmem:v15+s12+$0x0], $0xffff  }
0x445: {  	v18 =	vld.idx.msk [tilespmem:v61+s12+$0x0], $0xffff;
	_ =	sdelay $0x4  }
0x446: {  	v18 =	vsub.f32 v18, v62;
	_ =	sdelay $0x1  }
0x447: {  	v18 =	vadd.f32 $9.999999930e-09, v18;
	_ =	sdelay $0x1  }
0x448: {  	(erf) = vrcp.f32 v18;
	_ =	sdelay $0x5  }
0x449: {  	v63 =	vand.u32 $0x7F, v15;
	v24 =	vshll.u32 v15, $0x3  }
0x44a: {  	v25 =	vand.u32 $0x400, v24;
	v26 =	vshll.u32 v61, $0x3;
	v27 =	vand.u32 $0x7F, v61  }
0x44b: {  	v17 =	vor.u32 v25, v63;
	v28 =	vand.u32 $0xC00, v26;
	v14 =	vsub.f32 v14, v62  }
0x44c: {  	v17 =	vor.u32 v8, v17;
	v18 =	vor.u32 v27, v28;
	v29 =	vpop (erf)  }
0x44d: {  	v18 =	vadd.s32 v8, v18;
	v14 =	vmul.f32 v29, v14;
	_ =	sdelay $0x1  }
0x44e: {  	v19 =	vsub.f32 $1.000000000e+00, v14;
	_ =	sdelay $0x1  }
0x44f: {  	[tilespmem:v17+s17+$0x0] =	vst.idx.msk $0xffff, v19  }
0x450: {  	[tilespmem:v18+s17+$0x0] =	vst.idx.msk $0xffff, v14  }
0x451: {  	[tilespmem:$0x121A0] =	vst v15  }
0x452: {  	[tilespmem:$0x121B0] =	vst v61  }
0x453: {  	v14 =	vld [tilespmem:s22+$0xFFFFFFE0];
	_ =	sdelay $0x1  }
0x454: {  	v15 =	vld.idx.msk [tilespmem:v1+s12+$0x0], $0xffff;
	_ =	sdelay $0x2  }
0x455: {  	v14 =	vmax.f32 v14, v12  }
0x456: {  	v14 =	vmin.f32 v14, v13  }
0x457: {  	vm8 =	vlt.f32 v15, v14  }
0x458: {  	v15 =	vsel vm8, $0x80, v2  }
0x459: {  	v30 =	vor.u32 $0x3F, v15;
	_ =	sdelay $0x4  }
0x45a: {  	v16 =	vld.idx.msk [tilespmem:v30+s12+$0x0], $0xffff;
	_ =	sdelay $0x4  }
0x45b: {  	v31 =	vor.u32 $0x40, v15;
	vm9 =	vlt.f32 v16, v14  }
0x45c: {  	v16 =	vsel vm9, v31, v15  }
0x45d: {  	v17 =	vand.u32 $0x40, v16  }
0x45e: {  	v15 =	vor.u32 v17, v15  }
0x45f: {  	v15 =	vor.u32 $0x1F, v15;
	_ =	sdelay $0x4  }
0x460: {  	v15 =	vld.idx.msk [tilespmem:v15+s12+$0x0], $0xffff;
	_ =	sdelay $0x4  }
0x461: {  	v32 =	vor.u32 $0x20, v16;
	vm10 =	vlt.f32 v15, v14  }
0x462: {  	v15 =	vsel vm10, v32, v16  }
0x463: {  	v16 =	vor.u32 $0xF, v15;
	_ =	sdelay $0x4  }
0x464: {  	v16 =	vld.idx.msk [tilespmem:v16+s12+$0x0], $0xffff;
	_ =	sdelay $0x4  }
0x465: {  	v17 =	vor.u32 $0x10, v15;
	vm11 =	vlt.f32 v16, v14  }
0x466: {  	v15 =	vsel vm11, v17, v15  }
0x467: {  	v33 =	vadd.s32 $0x8, v15  }
0x468: {  	v34 =	vmin.u32 v33, $0xFF  }
0x469: {  	v17 =	vadd.s32 $0xFFFFFFFF, v34;
	_ =	sdelay $0x4  }
0x46a: {  	v17 =	vld.idx.msk [tilespmem:v17+s12+$0x0], $0xffff;
	_ =	sdelay $0x4  }
0x46b: {  	vm0 =	vlt.u32 v15, $0xF8;
	vm12 =	vlt.f32 v17, v14  }
0x46c: {  	vm0 =	vmand vm12, vm0  }
0x46d: {  	v15 =	vsel vm0, v33, v15  }
0x46e: {  	v16 =	vadd.s32 $0x4, v15  }
0x46f: {  	v35 =	vmin.u32 v16, $0xFF  }
0x470: {  	v17 =	vadd.s32 $0xFFFFFFFF, v35;
	_ =	sdelay $0x4  }
0x471: {  	v17 =	vld.idx.msk [tilespmem:v17+s12+$0x0], $0xffff;
	_ =	sdelay $0x4  }
0x472: {  	vm0 =	vlt.u32 v15, $0xFC;
	vm13 =	vlt.f32 v17, v14  }
0x473: {  	vm0 =	vmand vm13, vm0  }
0x474: {  	v15 =	vsel vm0, v16, v15  }
0x475: {  	v16 =	vadd.s32 $0x2, v15  }
0x476: {  	v36 =	vmin.u32 v16, $0xFF  }
0x477: {  	v17 =	vadd.s32 $0xFFFFFFFF, v36;
	_ =	sdelay $0x4  }
0x478: {  	v17 =	vld.idx.msk [tilespmem:v17+s12+$0x0], $0xffff;
	_ =	sdelay $0x4  }
0x479: {  	vm0 =	vlt.u32 v15, $0xFE;
	vm14 =	vlt.f32 v17, v14  }
0x47a: {  	vm0 =	vmand vm14, vm0  }
0x47b: {  	v15 =	vsel vm0, v16, v15  }
0x47c: {  	v16 =	vmin.u32 v15, $0xFE;
	_ =	sdelay $0x4  }
0x47d: {  	v16 =	vld.idx.msk [tilespmem:v16+s12+$0x0], $0xffff;
	_ =	sdelay $0x4  }
0x47e: {  	vm15 =	vlt.f32 v16, v14  }
0x47f: {  	vm4 =	vgt.u32 v15, $0xFE;
	vm0 =	vmneg vm15  }
0x480: {  	vm0 =	vmor vm0, vm4  }
0x481: {  	v37 =	vsel vm0, $0xFFFFFFFF, v2  }
0x482: {  	v15 =	vadd.s32 v37, v15  }
0x483: {  	vm5 =	vgt.s32 v15, $0x0  }
0x484: {  	v15 =	vnsel vm5, $0x0, v15  }
0x485: {  	v15 =	vmin.u32 v15, $0xFD  }
0x486: {  	v38 =	vadd.s32 $0x1, v15;
	_ =	sdelay $0x3  }
0x487: {  	v39 =	vld.idx.msk [tilespmem:v15+s12+$0x0], $0xffff  }
0x488: {  	v18 =	vld.idx.msk [tilespmem:v38+s12+$0x0], $0xffff;
	_ =	sdelay $0x4  }
0x489: {  	v18 =	vsub.f32 v18, v39;
	_ =	sdelay $0x1  }
0x48a: {  	v18 =	vadd.f32 $9.999999930e-09, v18;
	_ =	sdelay $0x1  }
0x48b: {  	(erf) = vrcp.f32 v18;
	_ =	sdelay $0x5  }
0x48c: {  	v40 =	vand.u32 $0x7F, v15;
	v41 =	vshll.u32 v15, $0x3  }
0x48d: {  	v42 =	vand.u32 $0x400, v41;
	v43 =	vshll.u32 v38, $0x3;
	v44 =	vand.u32 $0x7F, v38  }
0x48e: {  	v17 =	vor.u32 v42, v40;
	v45 =	vand.u32 $0xC00, v43;
	v14 =	vsub.f32 v14, v39  }
0x48f: {  	v17 =	vor.u32 v9, v17;
	v18 =	vor.u32 v44, v45;
	v46 =	vpop (erf)  }
0x490: {  	v18 =	vadd.s32 v9, v18;
	v14 =	vmul.f32 v46, v14;
	_ =	sdelay $0x1  }
0x491: {  	v19 =	vsub.f32 $1.000000000e+00, v14;
	_ =	sdelay $0x1  }
0x492: {  	[tilespmem:v17+s17+$0x0] =	vst.idx.msk $0xffff, v19  }
0x493: {  	[tilespmem:v18+s17+$0x0] =	vst.idx.msk $0xffff, v14  }
0x494: {  	[tilespmem:$0x121C0] =	vst v15  }
0x495: {  	[tilespmem:$0x121D0] =	vst v38  }
0x496: {  	v14 =	vld [tilespmem:s22+$0xFFFFFFF0];
	_ =	sdelay $0x1  }
0x497: {  	v15 =	vld.idx.msk [tilespmem:v1+s12+$0x0], $0xffff;
	_ =	sdelay $0x2  }
0x498: {  	v14 =	vmax.f32 v14, v12  }
0x499: {  	v14 =	vmin.f32 v14, v13  }
0x49a: {  	vm6 =	vlt.f32 v15, v14  }
0x49b: {  	v15 =	vsel vm6, $0x80, v2  }
0x49c: {  	v47 =	vor.u32 $0x3F, v15;
	_ =	sdelay $0x4  }
0x49d: {  	v16 =	vld.idx.msk [tilespmem:v47+s12+$0x0], $0xffff;
	_ =	sdelay $0x4  }
0x49e: {  	v48 =	vor.u32 $0x40, v15;
	vm7 =	vlt.f32 v16, v14  }
0x49f: {  	v16 =	vsel vm7, v48, v15  }
0x4a0: {  	v17 =	vand.u32 $0x40, v16  }
0x4a1: {  	v15 =	vor.u32 v17, v15  }
0x4a2: {  	v15 =	vor.u32 $0x1F, v15;
	_ =	sdelay $0x4  }
0x4a3: {  	v15 =	vld.idx.msk [tilespmem:v15+s12+$0x0], $0xffff;
	_ =	sdelay $0x4  }
0x4a4: {  	v49 =	vor.u32 $0x20, v16;
	vm8 =	vlt.f32 v15, v14  }
0x4a5: {  	v15 =	vsel vm8, v49, v16  }
0x4a6: {  	v16 =	vor.u32 $0xF, v15;
	_ =	sdelay $0x4  }
0x4a7: {  	v16 =	vld.idx.msk [tilespmem:v16+s12+$0x0], $0xffff;
	_ =	sdelay $0x4  }
0x4a8: {  	v17 =	vor.u32 $0x10, v15;
	vm9 =	vlt.f32 v16, v14  }
0x4a9: {  	v15 =	vsel vm9, v17, v15  }
0x4aa: {  	v50 =	vadd.s32 $0x8, v15  }
0x4ab: {  	v51 =	vmin.u32 v50, $0xFF  }
0x4ac: {  	v17 =	vadd.s32 $0xFFFFFFFF, v51;
	_ =	sdelay $0x4  }
0x4ad: {  	v17 =	vld.idx.msk [tilespmem:v17+s12+$0x0], $0xffff;
	_ =	sdelay $0x4  }
0x4ae: {  	vm0 =	vlt.u32 v15, $0xF8;
	vm10 =	vlt.f32 v17, v14  }
0x4af: {  	vm0 =	vmand vm10, vm0  }
0x4b0: {  	v15 =	vsel vm0, v50, v15  }
0x4b1: {  	v16 =	vadd.s32 $0x4, v15  }
0x4b2: {  	v52 =	vmin.u32 v16, $0xFF  }
0x4b3: {  	v17 =	vadd.s32 $0xFFFFFFFF, v52;
	_ =	sdelay $0x4  }
0x4b4: {  	v17 =	vld.idx.msk [tilespmem:v17+s12+$0x0], $0xffff;
	_ =	sdelay $0x4  }
0x4b5: {  	vm0 =	vlt.u32 v15, $0xFC;
	vm11 =	vlt.f32 v17, v14  }
0x4b6: {  	vm0 =	vmand vm11, vm0  }
0x4b7: {  	v15 =	vsel vm0, v16, v15  }
0x4b8: {  	v16 =	vadd.s32 $0x2, v15  }
0x4b9: {  	v53 =	vmin.u32 v16, $0xFF  }
0x4ba: {  	v17 =	vadd.s32 $0xFFFFFFFF, v53;
	_ =	sdelay $0x4  }
0x4bb: {  	v17 =	vld.idx.msk [tilespmem:v17+s12+$0x0], $0xffff;
	_ =	sdelay $0x4  }
0x4bc: {  	vm0 =	vlt.u32 v15, $0xFE;
	vm12 =	vlt.f32 v17, v14  }
0x4bd: {  	vm0 =	vmand vm12, vm0  }
0x4be: {  	v15 =	vsel vm0, v16, v15  }
0x4bf: {  	v16 =	vmin.u32 v15, $0xFE;
	_ =	sdelay $0x4  }
0x4c0: {  	v16 =	vld.idx.msk [tilespmem:v16+s12+$0x0], $0xffff;
	_ =	sdelay $0x4  }
0x4c1: {  	vm13 =	vlt.f32 v16, v14  }
0x4c2: {  	vm14 =	vgt.u32 v15, $0xFE;
	vm0 =	vmneg vm13  }
0x4c3: {  	vm0 =	vmor vm0, vm14  }
0x4c4: {  	v54 =	vsel vm0, $0xFFFFFFFF, v2  }
0x4c5: {  	v15 =	vadd.s32 v54, v15  }
0x4c6: {  	vm15 =	vgt.s32 v15, $0x0  }
0x4c7: {  	v15 =	vnsel vm15, $0x0, v15  }
0x4c8: {  	v15 =	vmin.u32 v15, $0xFD  }
0x4c9: {  	v55 =	vadd.s32 $0x1, v15;
	_ =	sdelay $0x3  }
0x4ca: {  	v56 =	vld.idx.msk [tilespmem:v15+s12+$0x0], $0xffff  }
0x4cb: {  	v18 =	vld.idx.msk [tilespmem:v55+s12+$0x0], $0xffff;
	_ =	sdelay $0x4  }
0x4cc: {  	v18 =	vsub.f32 v18, v56;
	_ =	sdelay $0x1  }
0x4cd: {  	v18 =	vadd.f32 $9.999999930e-09, v18;
	_ =	sdelay $0x1  }
0x4ce: {  	(erf) = vrcp.f32 v18;
	_ =	sdelay $0x5  }
0x4cf: {  	v57 =	vand.u32 $0x7F, v15;
	v58 =	vshll.u32 v15, $0x3  }
0x4d0: {  	v59 =	vand.u32 $0x400, v58;
	v60 =	vshll.u32 v55, $0x3;
	v61 =	vand.u32 $0x7F, v55  }
0x4d1: {  	v17 =	vor.u32 v59, v57;
	v62 =	vand.u32 $0xC00, v60;
	v14 =	vsub.f32 v14, v56  }
0x4d2: {  	v17 =	vor.u32 v10, v17;
	v18 =	vor.u32 v61, v62;
	v63 =	vpop (erf)  }
0x4d3: {  	v18 =	vadd.s32 v10, v18;
	v14 =	vmul.f32 v63, v14;
	_ =	sdelay $0x1  }
0x4d4: {  	v19 =	vsub.f32 $1.000000000e+00, v14;
	_ =	sdelay $0x1  }
.Ltmp5:
0x4d5: {  	s25 =	sshrl.u32 s24, $0x3;
	s26 =	sadd.s32 $0xFFFFF000, s23;
	[tilespmem:v17+s17+$0x0] =	vst.idx.msk $0xffff, v19;
	(pc) =	sbr.rel @p0 .LBB2_6-.Ltmp5, $4  }
0x4d6: {  	s25 =	sadd.s32 s7, s25;
	s26 =	sand.u32 $0xE000, s26;
	[tilespmem:v18+s17+$0x0] =	vst.idx.msk $0xffff, v14  }
0x4d7: {  	s25 =	sshll.u32 s25, $0x10;
	s26 =	sadd.s32 s5, s26;
	[tilespmem:$0x121E0] =	vst v15  }
0x4d8: {  	s26 =	sadd.s32 s25, s26;
	[tilespmem:$0x121F0] =	vst v55  }
0x4d9: {  	[hbm4b:s26+s2] =	stream.linear.scatter [tilespmem:s17], [sflag:$0x1], $0x8000, $0x38;
	[tilespmem:$0x12300] =	vst v63  }
0x4da: {  	_ =	swait.ge [sflag:s20], $0x8000  }
0x4db: {  	[sflag:s20] =	ssyncset.done $0x0  }
0x4dc: {  	[sflag:s20] =	ssyncadd.s32 $0xFFFF8000  }
0x4dd: {  	v14 =	vld [tilespmem:$0x12200]  }
0x4de: {  	v15 =	vld [tilespmem:$0x12210];
	_ =	sdelay $0x3  }
0x4df: {  	v16 =	vshll.u32 v14, $0x3  }
0x4e0: {  	v14 =	vand.u32 $0x7F, v14;
	v17 =	vshll.u32 v15, $0x3;
	v16 =	vand.u32 $0xFFFFFC00, v16  }
0x4e1: {  	v15 =	vand.u32 $0x7F, v15;
	v42 =	vand.u32 $0xFFFFFC00, v17;
	v14 =	vor.u32 v14, v16  }
0x4e2: {  	v15 =	vor.u32 v15, v42;
	v14 =	vadd.s32 v3, v14  }
0x4e3: {  	v15 =	vadd.s32 v3, v15;
	_ =	sdelay $0x3  }
0x4e4: {  	[tilespmem:v14+s18+$0x0] =	vst.idx.msk $0xffff, v11  }
0x4e5: {  	[tilespmem:v15+s18+$0x0] =	vst.idx.msk $0xffff, v11  }
0x4e6: {  	v14 =	vld [tilespmem:$0x12220]  }
0x4e7: {  	v15 =	vld [tilespmem:$0x12230];
	_ =	sdelay $0x3  }
0x4e8: {  	v43 =	vshll.u32 v14, $0x3  }
0x4e9: {  	v14 =	vand.u32 $0x7F, v14;
	v44 =	vshll.u32 v15, $0x3;
	v16 =	vand.u32 $0xFFFFFC00, v43  }
0x4ea: {  	v15 =	vand.u32 $0x7F, v15;
	v45 =	vand.u32 $0xFFFFFC00, v44;
	v14 =	vor.u32 v14, v16  }
0x4eb: {  	v15 =	vor.u32 v15, v45;
	v14 =	vadd.s32 v4, v14  }
0x4ec: {  	v15 =	vadd.s32 v4, v15;
	_ =	sdelay $0x3  }
0x4ed: {  	[tilespmem:v14+s18+$0x0] =	vst.idx.msk $0xffff, v11  }
0x4ee: {  	[tilespmem:v15+s18+$0x0] =	vst.idx.msk $0xffff, v11  }
0x4ef: {  	v14 =	vld [tilespmem:$0x12240]  }
0x4f0: {  	v15 =	vld [tilespmem:$0x12250];
	_ =	sdelay $0x3  }
0x4f1: {  	v46 =	vshll.u32 v14, $0x3  }
0x4f2: {  	v14 =	vand.u32 $0x7F, v14;
	v47 =	vshll.u32 v15, $0x3;
	v16 =	vand.u32 $0xFFFFFC00, v46  }
0x4f3: {  	v15 =	vand.u32 $0x7F, v15;
	v48 =	vand.u32 $0xFFFFFC00, v47;
	v14 =	vor.u32 v14, v16  }
0x4f4: {  	v15 =	vor.u32 v15, v48;
	v14 =	vadd.s32 v5, v14  }
0x4f5: {  	v15 =	vadd.s32 v5, v15;
	_ =	sdelay $0x3  }
0x4f6: {  	[tilespmem:v14+s18+$0x0] =	vst.idx.msk $0xffff, v11  }
0x4f7: {  	[tilespmem:v15+s18+$0x0] =	vst.idx.msk $0xffff, v11  }
0x4f8: {  	v14 =	vld [tilespmem:$0x12260]  }
0x4f9: {  	v15 =	vld [tilespmem:$0x12270];
	_ =	sdelay $0x3  }
0x4fa: {  	v49 =	vshll.u32 v14, $0x3  }
0x4fb: {  	v14 =	vand.u32 $0x7F, v14;
	v50 =	vshll.u32 v15, $0x3;
	v16 =	vand.u32 $0xFFFFFC00, v49  }
0x4fc: {  	v15 =	vand.u32 $0x7F, v15;
	v51 =	vand.u32 $0xFFFFFC00, v50;
	v14 =	vor.u32 v14, v16  }
0x4fd: {  	v15 =	vor.u32 v15, v51;
	v14 =	vadd.s32 v6, v14  }
0x4fe: {  	v15 =	vadd.s32 v6, v15;
	_ =	sdelay $0x3  }
0x4ff: {  	[tilespmem:v14+s18+$0x0] =	vst.idx.msk $0xffff, v11  }
0x500: {  	[tilespmem:v15+s18+$0x0] =	vst.idx.msk $0xffff, v11  }
0x501: {  	v14 =	vld [tilespmem:$0x12280]  }
0x502: {  	v15 =	vld [tilespmem:$0x12290];
	_ =	sdelay $0x3  }
0x503: {  	v52 =	vshll.u32 v14, $0x3  }
0x504: {  	v14 =	vand.u32 $0x7F, v14;
	v53 =	vshll.u32 v15, $0x3;
	v16 =	vand.u32 $0xFFFFFC00, v52  }
0x505: {  	v15 =	vand.u32 $0x7F, v15;
	v54 =	vand.u32 $0xFFFFFC00, v53;
	v14 =	vor.u32 v14, v16  }
0x506: {  	v15 =	vor.u32 v15, v54;
	v14 =	vadd.s32 v7, v14  }
0x507: {  	v15 =	vadd.s32 v7, v15;
	_ =	sdelay $0x3  }
0x508: {  	[tilespmem:v14+s18+$0x0] =	vst.idx.msk $0xffff, v11  }
0x509: {  	[tilespmem:v15+s18+$0x0] =	vst.idx.msk $0xffff, v11  }
0x50a: {  	v14 =	vld [tilespmem:$0x122A0]  }
0x50b: {  	v15 =	vld [tilespmem:$0x122B0];
	_ =	sdelay $0x3  }
0x50c: {  	v55 =	vshll.u32 v14, $0x3  }
0x50d: {  	v14 =	vand.u32 $0x7F, v14;
	v56 =	vshll.u32 v15, $0x3;
	v16 =	vand.u32 $0xFFFFFC00, v55  }
0x50e: {  	v15 =	vand.u32 $0x7F, v15;
	v57 =	vand.u32 $0xFFFFFC00, v56;
	v14 =	vor.u32 v14, v16  }
0x50f: {  	v15 =	vor.u32 v15, v57;
	v14 =	vadd.s32 v8, v14  }
0x510: {  	v15 =	vadd.s32 v8, v15;
	_ =	sdelay $0x3  }
0x511: {  	[tilespmem:v14+s18+$0x0] =	vst.idx.msk $0xffff, v11  }
0x512: {  	[tilespmem:v15+s18+$0x0] =	vst.idx.msk $0xffff, v11  }
0x513: {  	v14 =	vld [tilespmem:$0x122C0]  }
0x514: {  	v15 =	vld [tilespmem:$0x122D0];
	_ =	sdelay $0x3  }
0x515: {  	v58 =	vshll.u32 v14, $0x3  }
0x516: {  	v14 =	vand.u32 $0x7F, v14;
	v59 =	vshll.u32 v15, $0x3;
	v16 =	vand.u32 $0xFFFFFC00, v58  }
0x517: {  	v15 =	vand.u32 $0x7F, v15;
	v60 =	vand.u32 $0xFFFFFC00, v59;
	v14 =	vor.u32 v14, v16  }
0x518: {  	v15 =	vor.u32 v15, v60;
	v14 =	vadd.s32 v9, v14  }
0x519: {  	v15 =	vadd.s32 v9, v15;
	_ =	sdelay $0x3  }
0x51a: {  	[tilespmem:v14+s18+$0x0] =	vst.idx.msk $0xffff, v11  }
0x51b: {  	[tilespmem:v15+s18+$0x0] =	vst.idx.msk $0xffff, v11  }
0x51c: {  	v14 =	vld [tilespmem:$0x122E0]  }
0x51d: {  	v15 =	vld [tilespmem:$0x122F0];
	_ =	sdelay $0x3  }
0x51e: {  	v61 =	vshll.u32 v14, $0x3  }
0x51f: {  	v14 =	vand.u32 $0x7F, v14;
	v62 =	vshll.u32 v15, $0x3;
	v16 =	vand.u32 $0xFFFFFC00, v61  }
0x520: {  	v15 =	vand.u32 $0x7F, v15;
	v63 =	vand.u32 $0xFFFFFC00, v62;
	v14 =	vor.u32 v14, v16  }
0x521: {  	v15 =	vor.u32 v15, v63;
	v14 =	vadd.s32 v10, v14  }
0x522: {  	v15 =	vadd.s32 v10, v15  }
.Ltmp6:
0x523: {  	_ = 	snop;
	(pc) =	sbr.rel .LBB2_6-.Ltmp6, $3  }
0x524: {  	_ =	sdelay $0x1  }
0x525: {  	[tilespmem:v14+s18+$0x0] =	vst.idx.msk $0xffff, v11  }
0x526: {  	[tilespmem:v15+s18+$0x0] =	vst.idx.msk $0xffff, v11  }
.LBB2_8:
0x527: {  	_ =	sfence.sel $0x180000  }
0x528: {  	[bflag:$0x0] =	sbarrier.arrive $0xFFFF  }
0x529: {  	p0 =	sne.s32 s3, $0x0;
	_ =	strace $0x90000047  }
0x52a: {  	s0 =	sadd.s32 @!p0 $0x100000, s0;
	[bflag:$0x2] =	sbarrier.arrive $0xFFFF  }
0x52b: {  	[sflag:s0] =	ssyncadd.tile.s32 @!p0 $0x1;
	_ =	shalt  }
.Lfunc_end2:
_tile_overlayer_lowered:
.L_overlay_start_2:
0x52c: {  	(tag) =	ssettag $0x2  }
0x52d: {  	s0 =	rddreg [dreg:$0x0];
	s2 =	stileid.u32  }
0x52e: {  	s1 =	rddreg [dreg:$0x1];
	p0 =	sne.s32 s2, $0x0  }
0x52f: {  	s3 =	rddreg [dreg:$0x2];
	[bflag:$0x3] =	sbarrier.arrive $0xFFFF;
	s2 =	simm.s32 @!p0 $0x1C03  }
0x530: {  	[timem:s3], [sflag:s2] =	dma.local @!p0 [hbm:s0], s1  }
0x531: {  	s0 =	simm.s32 @!p0 $0x3  }
0x532: {  	_ =	swait.ge @!p0 [sflag:s0], s1  }
0x533: {  	s1 =	ssub.s32 @!p0 $0x0, s1;
	[sflag:s0] =	ssyncset.done @!p0 $0x0  }
0x534: {  	[sflag:s0] =	ssyncadd.s32 @!p0 s1  }
0x535: {  	[bflag:$0x3] =	sbarrier.arrive $0xFFFF  }
0x536: {  	_ =	shalt  }

</sc_bundles>
